<compile_context>
chip_gen: v7x
topology: tpu7x:2x2x1
jax: 0.10.2.dev20260603
libtpu: 0.0.44.dev20260713+nightly
codegen_flags: <defaults>
</compile_context>

<pallas_src>
import jax
import jax.numpy as jnp
from jax import lax
from jax.experimental import pallas as pl
from jax.experimental.pallas import tpu as pltpu
from jax.experimental.pallas import tpu_sc as plsc

N = 10000
E = 320000
B = 8
NC = 2
NS = 16
L = 16

NPAD = 10240
ROWS_PT = NPAD // NS
BH = B // NC
C = 4000
M = E // NS
NCHUNK = M // C
EU = 5


def _body(in_h, srcp, dstp, wp, adjp, i0p, swp, bp, out, **scr):
    accs = [scr[f"acc{j}"] for j in range(BH)]
    ins = [scr[f"in{j}"] for j in range(BH)]
    gss = [[scr[f"g{k}_{j}"] for j in range(BH)] for k in range(2)]
    avs = [scr[f"a{j}"] for j in range(BH)]
    srcs = [scr[f"src{k}"] for k in range(2)]
    ws = [scr[f"w{k}"] for k in range(2)]
    adjs = [scr[f"adj{k}"] for k in range(2)]
    dsts = [scr[f"dst{k}"] for k in range(3)]
    lsem = [scr[f"lsem{k}"] for k in range(2)]
    ssem = [scr[f"ssem{k}"] for k in range(3)]
    i0_v, sw_v, b_v = scr["i0_v"], scr["sw_v"], scr["b_v"]

    c = lax.axis_index("c")
    s = lax.axis_index("s")
    zeros = jnp.zeros((L,), jnp.float32)

    def load_descs(ch):
        off = s * M + ch * C
        k = ch % 2
        return [
            pltpu.make_async_copy(srcp.at[pl.ds(off, C)], srcs[k], lsem[k]),
            pltpu.make_async_copy(dstp.at[pl.ds(off, C)], dsts[ch % 3], lsem[k]),
            pltpu.make_async_copy(wp.at[pl.ds(off, C)], ws[k], lsem[k]),
            pltpu.make_async_copy(adjp.at[pl.ds(off, C)], adjs[k], lsem[k]),
        ]

    def scatter_descs(ch):
        k = ch % 2
        return [
            pltpu.make_async_copy(gss[k][j], accs[j].at[dsts[ch % 3]],
                                  ssem[ch % 3])
            for j in range(BH)
        ]

    for d in load_descs(0):
        d.start()
    for j in range(BH):
        pltpu.sync_copy(in_h.at[pl.ds((c * BH + j) * N, N)],
                        ins[j].at[pl.ds(0, N)])

    def zero_body(v, _):
        i0_v[pl.ds(v * L, L)] = zeros
        return _
    lax.fori_loop(0, ROWS_PT // L, zero_body, None)
    for j in range(BH):
        pltpu.sync_copy(i0_v, accs[j].at[pl.ds(s * ROWS_PT, ROWS_PT)])
    plsc.subcore_barrier()

    for ch in range(NCHUNK):
        k = ch % 2
        for d in load_descs(ch):
            d.wait()
        if ch + 1 < NCHUNK:
            for d in load_descs(ch + 1):
                d.start()
        if ch >= 2:
            for d in scatter_descs(ch - 2):
                d.wait()

        def edge_body(g, _):
            for u in range(EU):
                sl = pl.ds(g * (EU * L) + u * L, L)
                s16 = srcs[k][sl]
                w16 = ws[k][sl] * adjs[k][sl]
                for j in range(BH):
                    gss[k][j][sl] = plsc.load_gather(ins[j], [s16]) * w16
            return _
        lax.fori_loop(0, C // (EU * L), edge_body, None)

        for d in scatter_descs(ch):
            d.start(add=True)

    for d in scatter_descs(NCHUNK - 2):
        d.wait()
    for d in scatter_descs(NCHUNK - 1):
        d.wait()
    plsc.subcore_barrier()

    n0 = s * ROWS_PT
    TAIL = N - (NS - 1) * ROWS_PT
    for j in range(BH):
        pltpu.sync_copy(accs[j].at[pl.ds(n0, ROWS_PT)], avs[j])

    last = s == NS - 1

    @pl.when(jnp.logical_not(last))
    def _():
        pltpu.sync_copy(i0p.at[pl.ds(n0, ROWS_PT)], i0_v)
        pltpu.sync_copy(swp.at[pl.ds(n0, ROWS_PT)], sw_v)
        pltpu.sync_copy(bp.at[pl.ds(n0, ROWS_PT)], b_v)

    @pl.when(last)
    def _():
        pltpu.sync_copy(i0p.at[pl.ds(n0, TAIL)], i0_v.at[pl.ds(0, TAIL)])
        pltpu.sync_copy(swp.at[pl.ds(n0, TAIL)], sw_v.at[pl.ds(0, TAIL)])
        pltpu.sync_copy(bp.at[pl.ds(n0, TAIL)], b_v.at[pl.ds(0, TAIL)])

    def fin(v, _):
        sl = pl.ds(v * L, L)
        sw16 = sw_v[sl] * i0_v[sl]
        b16 = b_v[sl]
        for j in range(BH):
            avs[j][sl] = jnp.maximum(avs[j][sl] * sw16 + b16, 0.0)
        return _
    lax.fori_loop(0, ROWS_PT // L, fin, None)

    @pl.when(jnp.logical_not(last))
    def _():
        for j in range(BH):
            pltpu.sync_copy(avs[j], out.at[pl.ds((c * BH + j) * N + n0, ROWS_PT)])

    @pl.when(last)
    def _():
        for j in range(BH):
            pltpu.sync_copy(avs[j].at[pl.ds(0, TAIL)],
                            out.at[pl.ds((c * BH + j) * N + n0, TAIL)])


@jax.jit
def kernel(inputs, adj_values, w, self_w, b, edge_index):
    srcp = edge_index[:, 0]
    dstp = edge_index[:, 1]
    wp = w
    adjp = adj_values

    in_h = inputs.reshape(B * N)
    i0p = inputs[0]
    swp = self_w
    bp = b

    scratch = {}
    for j in range(BH):
        scratch[f"acc{j}"] = pltpu.VMEM_SHARED((NPAD,), jnp.float32)
        scratch[f"in{j}"] = pltpu.VMEM((NPAD,), jnp.float32)
        scratch[f"a{j}"] = pltpu.VMEM((ROWS_PT,), jnp.float32)
        for k in range(2):
            scratch[f"g{k}_{j}"] = pltpu.VMEM((C,), jnp.float32)
    for k in range(2):
        scratch[f"src{k}"] = pltpu.VMEM((C,), jnp.int32)
        scratch[f"w{k}"] = pltpu.VMEM((C,), jnp.float32)
        scratch[f"adj{k}"] = pltpu.VMEM((C,), jnp.float32)
        scratch[f"lsem{k}"] = pltpu.SemaphoreType.DMA
    for k in range(3):
        scratch[f"dst{k}"] = pltpu.VMEM((C,), jnp.int32)
        scratch[f"ssem{k}"] = pltpu.SemaphoreType.DMA
    scratch["i0_v"] = pltpu.VMEM((ROWS_PT,), jnp.float32)
    scratch["sw_v"] = pltpu.VMEM((ROWS_PT,), jnp.float32)
    scratch["b_v"] = pltpu.VMEM((ROWS_PT,), jnp.float32)

    mesh = plsc.VectorSubcoreMesh(
        core_axis_name="c", subcore_axis_name="s",
        num_cores=NC, num_subcores=NS)
    res = pl.kernel(
        _body,
        out_type=jax.ShapeDtypeStruct((B * N,), jnp.float32),
        mesh=mesh,
        scratch_types=scratch,
        compiler_params=pltpu.CompilerParams(needs_layout_passes=False),
        name="gnn_layer_sc",
    )(in_h, srcp, dstp, wp, adjp, i0p, swp, bp)

    return res.reshape(B, N)

# --- scband reference (transcript-rebuilt; emitter-appended) ---
"""Pipeline reference for scband-gnnlayer-64269890617631 (READ-ONLY COPY).

The authoritative reference and input builder live on the scoring server;
editing this copy changes nothing except your own understanding.
"""

import jax, jax.numpy as jnp
import numpy as np

N = 10000   # num nodes
E = 320000  # num edges (nnz of adj)
B = 8       # batch size


def setup_inputs(seed: int = 0) -> dict:
    key = jax.random.key(seed)
    k1, k2, k3, k4, k5 = jax.random.split(key, 5)
    inputs = jax.random.normal(k1, (B, N), dtype=jnp.float32)
    # sparse adjacency: E edges, indices [src, dst], binary values (tf.sparse.from_dense of a 0/1 adj)
    edge_index = jax.random.randint(k2, (E, 2), 0, N, dtype=jnp.int32)
    adj_values = jnp.ones((E,), dtype=jnp.float32)
    # learned parameters (per __init__): per-edge weight w, per-node self weight, per-node bias
    w = jax.random.normal(k3, (E,), dtype=jnp.float32)
    self_w = jax.random.normal(k4, (N,), dtype=jnp.float32) * 0.05
    b = jax.random.normal(k5, (N,), dtype=jnp.float32) * 0.05
    return {"inputs": inputs, "adj_values": adj_values, "w": w,
            "self_w": self_w, "b": b, "edge_index": edge_index}


def reference(inputs, adj_values, w, self_w, b, edge_index):
    # inputs: [B, N] scalar node features per batch row
    src = edge_index[:, 0]
    dst = edge_index[:, 1]
    # gather source-node values for every edge: [B, E]
    edges_values = jnp.take(inputs, src, axis=1)
    # weight by adjacency value and learned per-edge weight
    weighted_edges = adj_values[None, :] * edges_values * w[None, :]  # [B, E]
    # sparse reduce_sum over axis=1 (source axis) == scatter-add into destination nodes
    weighted_ngh_sum = jnp.zeros((inputs.shape[0], inputs.shape[1]), dtype=inputs.dtype)
    weighted_ngh_sum = weighted_ngh_sum.at[:, dst].add(weighted_edges)  # [B, N]
    # self loop uses only the first batch row (faithful to original code)
    self_loop = inputs[0] * self_w  # [N]
    x = weighted_ngh_sum * self_loop[None, :] + b[None, :]
    x = jax.nn.relu(x)  # activation_fn == 'relu'
    return x

if __name__ == "__main__":
    import jax
    _d = setup_inputs()
    print(jax.jit(kernel)(*tuple(_d.values())))

</pallas_src>

<mosaic_0001>
#map = affine_map<(d0, d1) -> (0)>
module attributes {stable_mosaic.version = 14 : i64} {
  func.func @gnn_layer_sc(%arg0: i32, %arg1: i32, %arg2: memref<80000xf32, #tpu.memory_space<hbm>>, %arg3: memref<320000xi32, #tpu.memory_space<hbm>>, %arg4: memref<320000xi32, #tpu.memory_space<hbm>>, %arg5: memref<320000xf32, #tpu.memory_space<hbm>>, %arg6: memref<320000xf32, #tpu.memory_space<hbm>>, %arg7: memref<10000xf32, #tpu.memory_space<hbm>>, %arg8: memref<10000xf32, #tpu.memory_space<hbm>>, %arg9: memref<10000xf32, #tpu.memory_space<hbm>>, %arg10: memref<80000xf32, #tpu.memory_space<hbm>>, %arg11: memref<640xf32, #tpu.memory_space<vmem>>, %arg12: memref<640xf32, #tpu.memory_space<vmem>>, %arg13: memref<640xf32, #tpu.memory_space<vmem>>, %arg14: memref<640xf32, #tpu.memory_space<vmem>>, %arg15: memref<10240xf32, #tpu.memory_space<vmem_shared>>, %arg16: memref<10240xf32, #tpu.memory_space<vmem_shared>>, %arg17: memref<10240xf32, #tpu.memory_space<vmem_shared>>, %arg18: memref<10240xf32, #tpu.memory_space<vmem_shared>>, %arg19: memref<4000xf32, #tpu.memory_space<vmem>>, %arg20: memref<4000xf32, #tpu.memory_space<vmem>>, %arg21: memref<640xf32, #tpu.memory_space<vmem>>, %arg22: memref<4000xi32, #tpu.memory_space<vmem>>, %arg23: memref<4000xi32, #tpu.memory_space<vmem>>, %arg24: memref<4000xi32, #tpu.memory_space<vmem>>, %arg25: memref<4000xf32, #tpu.memory_space<vmem>>, %arg26: memref<4000xf32, #tpu.memory_space<vmem>>, %arg27: memref<4000xf32, #tpu.memory_space<vmem>>, %arg28: memref<4000xf32, #tpu.memory_space<vmem>>, %arg29: memref<4000xf32, #tpu.memory_space<vmem>>, %arg30: memref<4000xf32, #tpu.memory_space<vmem>>, %arg31: memref<4000xf32, #tpu.memory_space<vmem>>, %arg32: memref<4000xf32, #tpu.memory_space<vmem>>, %arg33: memref<640xf32, #tpu.memory_space<vmem>>, %arg34: memref<10240xf32, #tpu.memory_space<vmem>>, %arg35: memref<10240xf32, #tpu.memory_space<vmem>>, %arg36: memref<10240xf32, #tpu.memory_space<vmem>>, %arg37: memref<10240xf32, #tpu.memory_space<vmem>>, %arg38: memref<!tpu.dma_semaphore, #tpu.memory_space<semaphore_mem>>, %arg39: memref<!tpu.dma_semaphore, #tpu.memory_space<semaphore_mem>>, %arg40: memref<4000xi32, #tpu.memory_space<vmem>>, %arg41: memref<4000xi32, #tpu.memory_space<vmem>>, %arg42: memref<!tpu.dma_semaphore, #tpu.memory_space<semaphore_mem>>, %arg43: memref<!tpu.dma_semaphore, #tpu.memory_space<semaphore_mem>>, %arg44: memref<!tpu.dma_semaphore, #tpu.memory_space<semaphore_mem>>, %arg45: memref<640xf32, #tpu.memory_space<vmem>>, %arg46: memref<4000xf32, #tpu.memory_space<vmem>>, %arg47: memref<4000xf32, #tpu.memory_space<vmem>>) attributes {dimension_semantics = [#tpu.dimension_semantics<core_parallel>, #tpu.dimension_semantics<subcore_parallel>], iteration_bounds = array<i64: 2, 16>, scalar_prefetch = 0 : i64, scratch_operands = 37 : i64, tpu.core_type = #tpu.core_type<sc_vector_subcore>, window_params = [{transform_indices = #map}, {transform_indices = #map}, {transform_indices = #map}, {transform_indices = #map}, {transform_indices = #map}, {transform_indices = #map}, {transform_indices = #map}, {transform_indices = #map}, {transform_indices = #map}]} {
    %broadcast_in_dim3A = arith.constant 0.000000e+00 : f32
    %broadcast_in_dim3A_0 = vector.broadcast %broadcast_in_dim3A : f32 to vector<16xf32>
    %mul3A = arith.constant 20000 : i32
    %mul3A_1 = arith.muli %arg1, %mul3A : i32
    %add3A = arith.constant 0 : i32
    %add3A_2 = arith.addi %mul3A_1, %add3A : i32
    %dma_start3A = tpu.memref_slice %arg3[%add3A_2] : memref<320000xi32, #tpu.memory_space<hbm>> -> memref<4000xi32, #tpu.memory_space<hbm>>
    %dma_start3A_3 = tpu.memref_slice %arg3[%add3A_2] : memref<320000xi32, #tpu.memory_space<hbm>> -> memref<4000xi32, #tpu.memory_space<hbm>>
    tpu.enqueue_dma source(%dma_start3A_3 : memref<4000xi32, #tpu.memory_space<hbm>>) target(%arg40 : memref<4000xi32, #tpu.memory_space<vmem>>) target_semaphore(%arg38 : memref<!tpu.dma_semaphore, #tpu.memory_space<semaphore_mem>>)
    %dma_start3A_4 = tpu.memref_slice %arg4[%add3A_2] : memref<320000xi32, #tpu.memory_space<hbm>> -> memref<4000xi32, #tpu.memory_space<hbm>>
    %dma_start3A_5 = tpu.memref_slice %arg4[%add3A_2] : memref<320000xi32, #tpu.memory_space<hbm>> -> memref<4000xi32, #tpu.memory_space<hbm>>
    tpu.enqueue_dma source(%dma_start3A_5 : memref<4000xi32, #tpu.memory_space<hbm>>) target(%arg22 : memref<4000xi32, #tpu.memory_space<vmem>>) target_semaphore(%arg38 : memref<!tpu.dma_semaphore, #tpu.memory_space<semaphore_mem>>)
    %dma_start3A_6 = tpu.memref_slice %arg5[%add3A_2] : memref<320000xf32, #tpu.memory_space<hbm>> -> memref<4000xf32, #tpu.memory_space<hbm>>
    %dma_start3A_7 = tpu.memref_slice %arg5[%add3A_2] : memref<320000xf32, #tpu.memory_space<hbm>> -> memref<4000xf32, #tpu.memory_space<hbm>>
    tpu.enqueue_dma source(%dma_start3A_7 : memref<4000xf32, #tpu.memory_space<hbm>>) target(%arg46 : memref<4000xf32, #tpu.memory_space<vmem>>) target_semaphore(%arg38 : memref<!tpu.dma_semaphore, #tpu.memory_space<semaphore_mem>>)
    %dma_start3A_8 = tpu.memref_slice %arg6[%add3A_2] : memref<320000xf32, #tpu.memory_space<hbm>> -> memref<4000xf32, #tpu.memory_space<hbm>>
    %dma_start3A_9 = tpu.memref_slice %arg6[%add3A_2] : memref<320000xf32, #tpu.memory_space<hbm>> -> memref<4000xf32, #tpu.memory_space<hbm>>
    tpu.enqueue_dma source(%dma_start3A_9 : memref<4000xf32, #tpu.memory_space<hbm>>) target(%arg19 : memref<4000xf32, #tpu.memory_space<vmem>>) target_semaphore(%arg38 : memref<!tpu.dma_semaphore, #tpu.memory_space<semaphore_mem>>)
    %mul3A_10 = arith.constant 4 : i32
    %mul3A_11 = arith.muli %arg0, %mul3A_10 : i32
    %add3A_12 = arith.constant 0 : i32
    %add3A_13 = arith.addi %mul3A_11, %add3A_12 : i32
    %mul3A_14 = arith.constant 10000 : i32
    %mul3A_15 = arith.muli %add3A_13, %mul3A_14 : i32
    "tpu.region"() ({
      %run_scoped3A = tpu.sem_alloc : memref<!tpu.dma_semaphore, #tpu.memory_space<semaphore_mem>>
      %dma_start3A_280 = arith.constant 0 : i32
      %dma_start3A_281 = tpu.memref_slice %arg34[%dma_start3A_280] : memref<10240xf32, #tpu.memory_space<vmem>> -> memref<10000xf32, #tpu.memory_space<vmem>>
      %dma_start3A_282 = tpu.memref_slice %arg2[%mul3A_15] : memref<80000xf32, #tpu.memory_space<hbm>> -> memref<10000xf32, #tpu.memory_space<hbm>>
      %dma_start3A_283 = arith.constant 0 : i32
      %dma_start3A_284 = tpu.memref_slice %arg34[%dma_start3A_283] : memref<10240xf32, #tpu.memory_space<vmem>> -> memref<10000xf32, #tpu.memory_space<vmem>>
      %dma_start3A_285 = tpu.memref_slice %arg2[%mul3A_15] : memref<80000xf32, #tpu.memory_space<hbm>> -> memref<10000xf32, #tpu.memory_space<hbm>>
      tpu.enqueue_dma source(%dma_start3A_285 : memref<10000xf32, #tpu.memory_space<hbm>>) target(%dma_start3A_284 : memref<10000xf32, #tpu.memory_space<vmem>>) target_semaphore(%run_scoped3A : memref<!tpu.dma_semaphore, #tpu.memory_space<semaphore_mem>>)
      %dma_wait3A_286 = arith.constant 0 : i32
      %dma_wait3A_287 = tpu.memref_slice %arg34[%dma_wait3A_286] : memref<10240xf32, #tpu.memory_space<vmem>> -> memref<10000xf32, #tpu.memory_space<vmem>>
      %dma_wait3A_288 = tpu.memref_slice %arg2[%mul3A_15] : memref<80000xf32, #tpu.memory_space<hbm>> -> memref<10000xf32, #tpu.memory_space<hbm>>
      %dma_wait3A_289 = arith.constant 0 : i32
      %dma_wait3A_290 = tpu.memref_slice %arg34[%dma_wait3A_289] : memref<10240xf32, #tpu.memory_space<vmem>> -> memref<10000xf32, #tpu.memory_space<vmem>>
      %dma_wait3A_291 = tpu.memref_slice %arg2[%mul3A_15] : memref<80000xf32, #tpu.memory_space<hbm>> -> memref<10000xf32, #tpu.memory_space<hbm>>
      tpu.wait_dma2 semaphore(%run_scoped3A : memref<!tpu.dma_semaphore, #tpu.memory_space<semaphore_mem>>) src(%dma_wait3A_291 : memref<10000xf32, #tpu.memory_space<hbm>>) dst(%dma_wait3A_290 : memref<10000xf32, #tpu.memory_space<vmem>>)
      tpu.yield
    }) : () -> ()
    %mul3A_16 = arith.constant 4 : i32
    %mul3A_17 = arith.muli %arg0, %mul3A_16 : i32
    %add3A_18 = arith.constant 1 : i32
    %add3A_19 = arith.addi %mul3A_17, %add3A_18 : i32
    %mul3A_20 = arith.constant 10000 : i32
    %mul3A_21 = arith.muli %add3A_19, %mul3A_20 : i32
    "tpu.region"() ({
      %run_scoped3A = tpu.sem_alloc : memref<!tpu.dma_semaphore, #tpu.memory_space<semaphore_mem>>
      %dma_start3A_280 = arith.constant 0 : i32
      %dma_start3A_281 = tpu.memref_slice %arg35[%dma_start3A_280] : memref<10240xf32, #tpu.memory_space<vmem>> -> memref<10000xf32, #tpu.memory_space<vmem>>
      %dma_start3A_282 = tpu.memref_slice %arg2[%mul3A_21] : memref<80000xf32, #tpu.memory_space<hbm>> -> memref<10000xf32, #tpu.memory_space<hbm>>
      %dma_start3A_283 = arith.constant 0 : i32
      %dma_start3A_284 = tpu.memref_slice %arg35[%dma_start3A_283] : memref<10240xf32, #tpu.memory_space<vmem>> -> memref<10000xf32, #tpu.memory_space<vmem>>
      %dma_start3A_285 = tpu.memref_slice %arg2[%mul3A_21] : memref<80000xf32, #tpu.memory_space<hbm>> -> memref<10000xf32, #tpu.memory_space<hbm>>
      tpu.enqueue_dma source(%dma_start3A_285 : memref<10000xf32, #tpu.memory_space<hbm>>) target(%dma_start3A_284 : memref<10000xf32, #tpu.memory_space<vmem>>) target_semaphore(%run_scoped3A : memref<!tpu.dma_semaphore, #tpu.memory_space<semaphore_mem>>)
      %dma_wait3A_286 = arith.constant 0 : i32
      %dma_wait3A_287 = tpu.memref_slice %arg35[%dma_wait3A_286] : memref<10240xf32, #tpu.memory_space<vmem>> -> memref<10000xf32, #tpu.memory_space<vmem>>
      %dma_wait3A_288 = tpu.memref_slice %arg2[%mul3A_21] : memref<80000xf32, #tpu.memory_space<hbm>> -> memref<10000xf32, #tpu.memory_space<hbm>>
      %dma_wait3A_289 = arith.constant 0 : i32
      %dma_wait3A_290 = tpu.memref_slice %arg35[%dma_wait3A_289] : memref<10240xf32, #tpu.memory_space<vmem>> -> memref<10000xf32, #tpu.memory_space<vmem>>
      %dma_wait3A_291 = tpu.memref_slice %arg2[%mul3A_21] : memref<80000xf32, #tpu.memory_space<hbm>> -> memref<10000xf32, #tpu.memory_space<hbm>>
      tpu.wait_dma2 semaphore(%run_scoped3A : memref<!tpu.dma_semaphore, #tpu.memory_space<semaphore_mem>>) src(%dma_wait3A_291 : memref<10000xf32, #tpu.memory_space<hbm>>) dst(%dma_wait3A_290 : memref<10000xf32, #tpu.memory_space<vmem>>)
      tpu.yield
    }) : () -> ()
    %mul3A_22 = arith.constant 4 : i32
    %mul3A_23 = arith.muli %arg0, %mul3A_22 : i32
    %add3A_24 = arith.constant 2 : i32
    %add3A_25 = arith.addi %mul3A_23, %add3A_24 : i32
    %mul3A_26 = arith.constant 10000 : i32
    %mul3A_27 = arith.muli %add3A_25, %mul3A_26 : i32
    "tpu.region"() ({
      %run_scoped3A = tpu.sem_alloc : memref<!tpu.dma_semaphore, #tpu.memory_space<semaphore_mem>>
      %dma_start3A_280 = arith.constant 0 : i32
      %dma_start3A_281 = tpu.memref_slice %arg36[%dma_start3A_280] : memref<10240xf32, #tpu.memory_space<vmem>> -> memref<10000xf32, #tpu.memory_space<vmem>>
      %dma_start3A_282 = tpu.memref_slice %arg2[%mul3A_27] : memref<80000xf32, #tpu.memory_space<hbm>> -> memref<10000xf32, #tpu.memory_space<hbm>>
      %dma_start3A_283 = arith.constant 0 : i32
      %dma_start3A_284 = tpu.memref_slice %arg36[%dma_start3A_283] : memref<10240xf32, #tpu.memory_space<vmem>> -> memref<10000xf32, #tpu.memory_space<vmem>>
      %dma_start3A_285 = tpu.memref_slice %arg2[%mul3A_27] : memref<80000xf32, #tpu.memory_space<hbm>> -> memref<10000xf32, #tpu.memory_space<hbm>>
      tpu.enqueue_dma source(%dma_start3A_285 : memref<10000xf32, #tpu.memory_space<hbm>>) target(%dma_start3A_284 : memref<10000xf32, #tpu.memory_space<vmem>>) target_semaphore(%run_scoped3A : memref<!tpu.dma_semaphore, #tpu.memory_space<semaphore_mem>>)
      %dma_wait3A_286 = arith.constant 0 : i32
      %dma_wait3A_287 = tpu.memref_slice %arg36[%dma_wait3A_286] : memref<10240xf32, #tpu.memory_space<vmem>> -> memref<10000xf32, #tpu.memory_space<vmem>>
      %dma_wait3A_288 = tpu.memref_slice %arg2[%mul3A_27] : memref<80000xf32, #tpu.memory_space<hbm>> -> memref<10000xf32, #tpu.memory_space<hbm>>
      %dma_wait3A_289 = arith.constant 0 : i32
      %dma_wait3A_290 = tpu.memref_slice %arg36[%dma_wait3A_289] : memref<10240xf32, #tpu.memory_space<vmem>> -> memref<10000xf32, #tpu.memory_space<vmem>>
      %dma_wait3A_291 = tpu.memref_slice %arg2[%mul3A_27] : memref<80000xf32, #tpu.memory_space<hbm>> -> memref<10000xf32, #tpu.memory_space<hbm>>
      tpu.wait_dma2 semaphore(%run_scoped3A : memref<!tpu.dma_semaphore, #tpu.memory_space<semaphore_mem>>) src(%dma_wait3A_291 : memref<10000xf32, #tpu.memory_space<hbm>>) dst(%dma_wait3A_290 : memref<10000xf32, #tpu.memory_space<vmem>>)
      tpu.yield
    }) : () -> ()
    %mul3A_28 = arith.constant 4 : i32
    %mul3A_29 = arith.muli %arg0, %mul3A_28 : i32
    %add3A_30 = arith.constant 3 : i32
    %add3A_31 = arith.addi %mul3A_29, %add3A_30 : i32
    %mul3A_32 = arith.constant 10000 : i32
    %mul3A_33 = arith.muli %add3A_31, %mul3A_32 : i32
    "tpu.region"() ({
      %run_scoped3A = tpu.sem_alloc : memref<!tpu.dma_semaphore, #tpu.memory_space<semaphore_mem>>
      %dma_start3A_280 = arith.constant 0 : i32
      %dma_start3A_281 = tpu.memref_slice %arg37[%dma_start3A_280] : memref<10240xf32, #tpu.memory_space<vmem>> -> memref<10000xf32, #tpu.memory_space<vmem>>
      %dma_start3A_282 = tpu.memref_slice %arg2[%mul3A_33] : memref<80000xf32, #tpu.memory_space<hbm>> -> memref<10000xf32, #tpu.memory_space<hbm>>
      %dma_start3A_283 = arith.constant 0 : i32
      %dma_start3A_284 = tpu.memref_slice %arg37[%dma_start3A_283] : memref<10240xf32, #tpu.memory_space<vmem>> -> memref<10000xf32, #tpu.memory_space<vmem>>
      %dma_start3A_285 = tpu.memref_slice %arg2[%mul3A_33] : memref<80000xf32, #tpu.memory_space<hbm>> -> memref<10000xf32, #tpu.memory_space<hbm>>
      tpu.enqueue_dma source(%dma_start3A_285 : memref<10000xf32, #tpu.memory_space<hbm>>) target(%dma_start3A_284 : memref<10000xf32, #tpu.memory_space<vmem>>) target_semaphore(%run_scoped3A : memref<!tpu.dma_semaphore, #tpu.memory_space<semaphore_mem>>)
      %dma_wait3A_286 = arith.constant 0 : i32
      %dma_wait3A_287 = tpu.memref_slice %arg37[%dma_wait3A_286] : memref<10240xf32, #tpu.memory_space<vmem>> -> memref<10000xf32, #tpu.memory_space<vmem>>
      %dma_wait3A_288 = tpu.memref_slice %arg2[%mul3A_33] : memref<80000xf32, #tpu.memory_space<hbm>> -> memref<10000xf32, #tpu.memory_space<hbm>>
      %dma_wait3A_289 = arith.constant 0 : i32
      %dma_wait3A_290 = tpu.memref_slice %arg37[%dma_wait3A_289] : memref<10240xf32, #tpu.memory_space<vmem>> -> memref<10000xf32, #tpu.memory_space<vmem>>
      %dma_wait3A_291 = tpu.memref_slice %arg2[%mul3A_33] : memref<80000xf32, #tpu.memory_space<hbm>> -> memref<10000xf32, #tpu.memory_space<hbm>>
      tpu.wait_dma2 semaphore(%run_scoped3A : memref<!tpu.dma_semaphore, #tpu.memory_space<semaphore_mem>>) src(%dma_wait3A_291 : memref<10000xf32, #tpu.memory_space<hbm>>) dst(%dma_wait3A_290 : memref<10000xf32, #tpu.memory_space<vmem>>)
      tpu.yield
    }) : () -> ()
    %scan3A = arith.constant 0 : i32
    %scan3A_34 = arith.constant 40 : i32
    %scan3A_35 = arith.addi %scan3A, %scan3A_34 : i32
    %scan3A_36 = arith.constant 1 : i32
    scf.for %scan3A_280 = %scan3A to %scan3A_35 step %scan3A_36  : i32 {
      %mul3A_281 = arith.constant 16 : i32
      %mul3A_282 = arith.muli %scan3A_280, %mul3A_281 : i32
      %swap3A = arith.index_cast %mul3A_282 : i32 to index
      %swap3A_283 = tpu.vector_load %arg33[%swap3A] {strides = array<i32>} : memref<640xf32, #tpu.memory_space<vmem>>, vector<16xf32>,
      tpu.vector_store %arg33[%swap3A], %broadcast_in_dim3A_0 {strides = array<i32>} : memref<640xf32, #tpu.memory_space<vmem>>, vector<16xf32>,
    }
    %scan3A_37 = arith.constant 40 : i32
    %mul3A_38 = arith.constant 640 : i32
    %mul3A_39 = arith.muli %arg1, %mul3A_38 : i32
    "tpu.region"() ({
      %run_scoped3A = tpu.sem_alloc : memref<!tpu.dma_semaphore, #tpu.memory_space<semaphore_mem>>
      %dma_start3A_280 = tpu.memref_slice %arg15[%mul3A_39] : memref<10240xf32, #tpu.memory_space<vmem_shared>> -> memref<640xf32, #tpu.memory_space<vmem_shared>>
      %dma_start3A_281 = tpu.memref_slice %arg15[%mul3A_39] : memref<10240xf32, #tpu.memory_space<vmem_shared>> -> memref<640xf32, #tpu.memory_space<vmem_shared>>
      tpu.enqueue_dma source(%arg33 : memref<640xf32, #tpu.memory_space<vmem>>) target(%dma_start3A_281 : memref<640xf32, #tpu.memory_space<vmem_shared>>) target_semaphore(%run_scoped3A : memref<!tpu.dma_semaphore, #tpu.memory_space<semaphore_mem>>)
      %dma_wait3A_282 = tpu.memref_slice %arg15[%mul3A_39] : memref<10240xf32, #tpu.memory_space<vmem_shared>> -> memref<640xf32, #tpu.memory_space<vmem_shared>>
      %dma_wait3A_283 = tpu.memref_slice %arg15[%mul3A_39] : memref<10240xf32, #tpu.memory_space<vmem_shared>> -> memref<640xf32, #tpu.memory_space<vmem_shared>>
      tpu.wait_dma2 semaphore(%run_scoped3A : memref<!tpu.dma_semaphore, #tpu.memory_space<semaphore_mem>>) src(%arg33 : memref<640xf32, #tpu.memory_space<vmem>>) dst(%dma_wait3A_283 : memref<640xf32, #tpu.memory_space<vmem_shared>>)
      tpu.yield
    }) : () -> ()
    %mul3A_40 = arith.constant 640 : i32
    %mul3A_41 = arith.muli %arg1, %mul3A_40 : i32
    "tpu.region"() ({
      %run_scoped3A = tpu.sem_alloc : memref<!tpu.dma_semaphore, #tpu.memory_space<semaphore_mem>>
      %dma_start3A_280 = tpu.memref_slice %arg16[%mul3A_41] : memref<10240xf32, #tpu.memory_space<vmem_shared>> -> memref<640xf32, #tpu.memory_space<vmem_shared>>
      %dma_start3A_281 = tpu.memref_slice %arg16[%mul3A_41] : memref<10240xf32, #tpu.memory_space<vmem_shared>> -> memref<640xf32, #tpu.memory_space<vmem_shared>>
      tpu.enqueue_dma source(%arg33 : memref<640xf32, #tpu.memory_space<vmem>>) target(%dma_start3A_281 : memref<640xf32, #tpu.memory_space<vmem_shared>>) target_semaphore(%run_scoped3A : memref<!tpu.dma_semaphore, #tpu.memory_space<semaphore_mem>>)
      %dma_wait3A_282 = tpu.memref_slice %arg16[%mul3A_41] : memref<10240xf32, #tpu.memory_space<vmem_shared>> -> memref<640xf32, #tpu.memory_space<vmem_shared>>
      %dma_wait3A_283 = tpu.memref_slice %arg16[%mul3A_41] : memref<10240xf32, #tpu.memory_space<vmem_shared>> -> memref<640xf32, #tpu.memory_space<vmem_shared>>
      tpu.wait_dma2 semaphore(%run_scoped3A : memref<!tpu.dma_semaphore, #tpu.memory_space<semaphore_mem>>) src(%arg33 : memref<640xf32, #tpu.memory_space<vmem>>) dst(%dma_wait3A_283 : memref<640xf32, #tpu.memory_space<vmem_shared>>)
      tpu.yield
    }) : () -> ()
    %mul3A_42 = arith.constant 640 : i32
    %mul3A_43 = arith.muli %arg1, %mul3A_42 : i32
    "tpu.region"() ({
      %run_scoped3A = tpu.sem_alloc : memref<!tpu.dma_semaphore, #tpu.memory_space<semaphore_mem>>
      %dma_start3A_280 = tpu.memref_slice %arg17[%mul3A_43] : memref<10240xf32, #tpu.memory_space<vmem_shared>> -> memref<640xf32, #tpu.memory_space<vmem_shared>>
      %dma_start3A_281 = tpu.memref_slice %arg17[%mul3A_43] : memref<10240xf32, #tpu.memory_space<vmem_shared>> -> memref<640xf32, #tpu.memory_space<vmem_shared>>
      tpu.enqueue_dma source(%arg33 : memref<640xf32, #tpu.memory_space<vmem>>) target(%dma_start3A_281 : memref<640xf32, #tpu.memory_space<vmem_shared>>) target_semaphore(%run_scoped3A : memref<!tpu.dma_semaphore, #tpu.memory_space<semaphore_mem>>)
      %dma_wait3A_282 = tpu.memref_slice %arg17[%mul3A_43] : memref<10240xf32, #tpu.memory_space<vmem_shared>> -> memref<640xf32, #tpu.memory_space<vmem_shared>>
      %dma_wait3A_283 = tpu.memref_slice %arg17[%mul3A_43] : memref<10240xf32, #tpu.memory_space<vmem_shared>> -> memref<640xf32, #tpu.memory_space<vmem_shared>>
      tpu.wait_dma2 semaphore(%run_scoped3A : memref<!tpu.dma_semaphore, #tpu.memory_space<semaphore_mem>>) src(%arg33 : memref<640xf32, #tpu.memory_space<vmem>>) dst(%dma_wait3A_283 : memref<640xf32, #tpu.memory_space<vmem_shared>>)
      tpu.yield
    }) : () -> ()
    %mul3A_44 = arith.constant 640 : i32
    %mul3A_45 = arith.muli %arg1, %mul3A_44 : i32
    "tpu.region"() ({
      %run_scoped3A = tpu.sem_alloc : memref<!tpu.dma_semaphore, #tpu.memory_space<semaphore_mem>>
      %dma_start3A_280 = tpu.memref_slice %arg18[%mul3A_45] : memref<10240xf32, #tpu.memory_space<vmem_shared>> -> memref<640xf32, #tpu.memory_space<vmem_shared>>
      %dma_start3A_281 = tpu.memref_slice %arg18[%mul3A_45] : memref<10240xf32, #tpu.memory_space<vmem_shared>> -> memref<640xf32, #tpu.memory_space<vmem_shared>>
      tpu.enqueue_dma source(%arg33 : memref<640xf32, #tpu.memory_space<vmem>>) target(%dma_start3A_281 : memref<640xf32, #tpu.memory_space<vmem_shared>>) target_semaphore(%run_scoped3A : memref<!tpu.dma_semaphore, #tpu.memory_space<semaphore_mem>>)
      %dma_wait3A_282 = tpu.memref_slice %arg18[%mul3A_45] : memref<10240xf32, #tpu.memory_space<vmem_shared>> -> memref<640xf32, #tpu.memory_space<vmem_shared>>
      %dma_wait3A_283 = tpu.memref_slice %arg18[%mul3A_45] : memref<10240xf32, #tpu.memory_space<vmem_shared>> -> memref<640xf32, #tpu.memory_space<vmem_shared>>
      tpu.wait_dma2 semaphore(%run_scoped3A : memref<!tpu.dma_semaphore, #tpu.memory_space<semaphore_mem>>) src(%arg33 : memref<640xf32, #tpu.memory_space<vmem>>) dst(%dma_wait3A_283 : memref<640xf32, #tpu.memory_space<vmem_shared>>)
      tpu.yield
    }) : () -> ()
    %barrier3A = arith.constant 0 : index
    tpu.barrier barrier_id(%barrier3A)
    %mul3A_46 = arith.constant 20000 : i32
    %mul3A_47 = arith.muli %arg1, %mul3A_46 : i32
    %add3A_48 = arith.constant 0 : i32
    %add3A_49 = arith.addi %mul3A_47, %add3A_48 : i32
    %dma_wait3A = tpu.memref_slice %arg3[%add3A_49] : memref<320000xi32, #tpu.memory_space<hbm>> -> memref<4000xi32, #tpu.memory_space<hbm>>
    %dma_wait3A_50 = tpu.memref_slice %arg3[%add3A_49] : memref<320000xi32, #tpu.memory_space<hbm>> -> memref<4000xi32, #tpu.memory_space<hbm>>
    tpu.wait_dma2 semaphore(%arg38 : memref<!tpu.dma_semaphore, #tpu.memory_space<semaphore_mem>>) src(%dma_wait3A_50 : memref<4000xi32, #tpu.memory_space<hbm>>) dst(%arg40 : memref<4000xi32, #tpu.memory_space<vmem>>)
    %dma_wait3A_51 = tpu.memref_slice %arg4[%add3A_49] : memref<320000xi32, #tpu.memory_space<hbm>> -> memref<4000xi32, #tpu.memory_space<hbm>>
    %dma_wait3A_52 = tpu.memref_slice %arg4[%add3A_49] : memref<320000xi32, #tpu.memory_space<hbm>> -> memref<4000xi32, #tpu.memory_space<hbm>>
    tpu.wait_dma2 semaphore(%arg38 : memref<!tpu.dma_semaphore, #tpu.memory_space<semaphore_mem>>) src(%dma_wait3A_52 : memref<4000xi32, #tpu.memory_space<hbm>>) dst(%arg22 : memref<4000xi32, #tpu.memory_space<vmem>>)
    %dma_wait3A_53 = tpu.memref_slice %arg5[%add3A_49] : memref<320000xf32, #tpu.memory_space<hbm>> -> memref<4000xf32, #tpu.memory_space<hbm>>
    %dma_wait3A_54 = tpu.memref_slice %arg5[%add3A_49] : memref<320000xf32, #tpu.memory_space<hbm>> -> memref<4000xf32, #tpu.memory_space<hbm>>
    tpu.wait_dma2 semaphore(%arg38 : memref<!tpu.dma_semaphore, #tpu.memory_space<semaphore_mem>>) src(%dma_wait3A_54 : memref<4000xf32, #tpu.memory_space<hbm>>) dst(%arg46 : memref<4000xf32, #tpu.memory_space<vmem>>)
    %dma_wait3A_55 = tpu.memref_slice %arg6[%add3A_49] : memref<320000xf32, #tpu.memory_space<hbm>> -> memref<4000xf32, #tpu.memory_space<hbm>>
    %dma_wait3A_56 = tpu.memref_slice %arg6[%add3A_49] : memref<320000xf32, #tpu.memory_space<hbm>> -> memref<4000xf32, #tpu.memory_space<hbm>>
    tpu.wait_dma2 semaphore(%arg38 : memref<!tpu.dma_semaphore, #tpu.memory_space<semaphore_mem>>) src(%dma_wait3A_56 : memref<4000xf32, #tpu.memory_space<hbm>>) dst(%arg19 : memref<4000xf32, #tpu.memory_space<vmem>>)
    %mul3A_57 = arith.constant 20000 : i32
    %mul3A_58 = arith.muli %arg1, %mul3A_57 : i32
    %add3A_59 = arith.constant 4000 : i32
    %add3A_60 = arith.addi %mul3A_58, %add3A_59 : i32
    %dma_start3A_61 = tpu.memref_slice %arg3[%add3A_60] : memref<320000xi32, #tpu.memory_space<hbm>> -> memref<4000xi32, #tpu.memory_space<hbm>>
    %dma_start3A_62 = tpu.memref_slice %arg3[%add3A_60] : memref<320000xi32, #tpu.memory_space<hbm>> -> memref<4000xi32, #tpu.memory_space<hbm>>
    tpu.enqueue_dma source(%dma_start3A_62 : memref<4000xi32, #tpu.memory_space<hbm>>) target(%arg41 : memref<4000xi32, #tpu.memory_space<vmem>>) target_semaphore(%arg39 : memref<!tpu.dma_semaphore, #tpu.memory_space<semaphore_mem>>)
    %dma_start3A_63 = tpu.memref_slice %arg4[%add3A_60] : memref<320000xi32, #tpu.memory_space<hbm>> -> memref<4000xi32, #tpu.memory_space<hbm>>
    %dma_start3A_64 = tpu.memref_slice %arg4[%add3A_60] : memref<320000xi32, #tpu.memory_space<hbm>> -> memref<4000xi32, #tpu.memory_space<hbm>>
    tpu.enqueue_dma source(%dma_start3A_64 : memref<4000xi32, #tpu.memory_space<hbm>>) target(%arg23 : memref<4000xi32, #tpu.memory_space<vmem>>) target_semaphore(%arg39 : memref<!tpu.dma_semaphore, #tpu.memory_space<semaphore_mem>>)
    %dma_start3A_65 = tpu.memref_slice %arg5[%add3A_60] : memref<320000xf32, #tpu.memory_space<hbm>> -> memref<4000xf32, #tpu.memory_space<hbm>>
    %dma_start3A_66 = tpu.memref_slice %arg5[%add3A_60] : memref<320000xf32, #tpu.memory_space<hbm>> -> memref<4000xf32, #tpu.memory_space<hbm>>
    tpu.enqueue_dma source(%dma_start3A_66 : memref<4000xf32, #tpu.memory_space<hbm>>) target(%arg47 : memref<4000xf32, #tpu.memory_space<vmem>>) target_semaphore(%arg39 : memref<!tpu.dma_semaphore, #tpu.memory_space<semaphore_mem>>)
    %dma_start3A_67 = tpu.memref_slice %arg6[%add3A_60] : memref<320000xf32, #tpu.memory_space<hbm>> -> memref<4000xf32, #tpu.memory_space<hbm>>
    %dma_start3A_68 = tpu.memref_slice %arg6[%add3A_60] : memref<320000xf32, #tpu.memory_space<hbm>> -> memref<4000xf32, #tpu.memory_space<hbm>>
    tpu.enqueue_dma source(%dma_start3A_68 : memref<4000xf32, #tpu.memory_space<hbm>>) target(%arg20 : memref<4000xf32, #tpu.memory_space<vmem>>) target_semaphore(%arg39 : memref<!tpu.dma_semaphore, #tpu.memory_space<semaphore_mem>>)
    %scan3A_69 = arith.constant 0 : i32
    %scan3A_70 = arith.constant 50 : i32
    %scan3A_71 = arith.addi %scan3A_69, %scan3A_70 : i32
    %scan3A_72 = arith.constant 1 : i32
    scf.for %scan3A_280 = %scan3A_69 to %scan3A_71 step %scan3A_72  : i32 {
      %mul3A_281 = arith.constant 80 : i32
      %mul3A_282 = arith.muli %scan3A_280, %mul3A_281 : i32
      %add3A_283 = arith.constant 0 : i32
      %add3A_284 = arith.addi %mul3A_282, %add3A_283 : i32
      %get3A = arith.index_cast %add3A_284 : i32 to index
      %get3A_285 = tpu.vector_load %arg40[%get3A] {strides = array<i32>} : memref<4000xi32, #tpu.memory_space<vmem>>, vector<16xi32>,
      %get3A_286 = arith.index_cast %add3A_284 : i32 to index
      %get3A_287 = tpu.vector_load %arg46[%get3A_286] {strides = array<i32>} : memref<4000xf32, #tpu.memory_space<vmem>>, vector<16xf32>,
      %get3A_288 = arith.index_cast %add3A_284 : i32 to index
      %get3A_289 = tpu.vector_load %arg19[%get3A_288] {strides = array<i32>} : memref<4000xf32, #tpu.memory_space<vmem>>, vector<16xf32>,
      %mul3A_290 = arith.mulf %get3A_287, %get3A_289 : vector<16xf32>
      %gather3A = tpu.vector_load_idx %arg34[%get3A_285] : memref<10240xf32, #tpu.memory_space<vmem>>[vector<16xi32>], vector<16xf32>,
      %mul3A_291 = arith.mulf %gather3A, %mul3A_290 : vector<16xf32>
      %swap3A = arith.index_cast %add3A_284 : i32 to index
      %swap3A_292 = tpu.vector_load %arg25[%swap3A] {strides = array<i32>} : memref<4000xf32, #tpu.memory_space<vmem>>, vector<16xf32>,
      tpu.vector_store %arg25[%swap3A], %mul3A_291 {strides = array<i32>} : memref<4000xf32, #tpu.memory_space<vmem>>, vector<16xf32>,
      %gather3A_293 = tpu.vector_load_idx %arg35[%get3A_285] : memref<10240xf32, #tpu.memory_space<vmem>>[vector<16xi32>], vector<16xf32>,
      %mul3A_294 = arith.mulf %gather3A_293, %mul3A_290 : vector<16xf32>
      %swap3A_295 = arith.index_cast %add3A_284 : i32 to index
      %swap3A_296 = tpu.vector_load %arg26[%swap3A_295] {strides = array<i32>} : memref<4000xf32, #tpu.memory_space<vmem>>, vector<16xf32>,
      tpu.vector_store %arg26[%swap3A_295], %mul3A_294 {strides = array<i32>} : memref<4000xf32, #tpu.memory_space<vmem>>, vector<16xf32>,
      %gather3A_297 = tpu.vector_load_idx %arg36[%get3A_285] : memref<10240xf32, #tpu.memory_space<vmem>>[vector<16xi32>], vector<16xf32>,
      %mul3A_298 = arith.mulf %gather3A_297, %mul3A_290 : vector<16xf32>
      %swap3A_299 = arith.index_cast %add3A_284 : i32 to index
      %swap3A_300 = tpu.vector_load %arg27[%swap3A_299] {strides = array<i32>} : memref<4000xf32, #tpu.memory_space<vmem>>, vector<16xf32>,
      tpu.vector_store %arg27[%swap3A_299], %mul3A_298 {strides = array<i32>} : memref<4000xf32, #tpu.memory_space<vmem>>, vector<16xf32>,
      %gather3A_301 = tpu.vector_load_idx %arg37[%get3A_285] : memref<10240xf32, #tpu.memory_space<vmem>>[vector<16xi32>], vector<16xf32>,
      %mul3A_302 = arith.mulf %gather3A_301, %mul3A_290 : vector<16xf32>
      %swap3A_303 = arith.index_cast %add3A_284 : i32 to index
      %swap3A_304 = tpu.vector_load %arg28[%swap3A_303] {strides = array<i32>} : memref<4000xf32, #tpu.memory_space<vmem>>, vector<16xf32>,
      tpu.vector_store %arg28[%swap3A_303], %mul3A_302 {strides = array<i32>} : memref<4000xf32, #tpu.memory_space<vmem>>, vector<16xf32>,
      %mul3A_305 = arith.constant 80 : i32
      %mul3A_306 = arith.muli %scan3A_280, %mul3A_305 : i32
      %add3A_307 = arith.constant 16 : i32
      %add3A_308 = arith.addi %mul3A_306, %add3A_307 : i32
      %get3A_309 = arith.index_cast %add3A_308 : i32 to index
      %get3A_310 = tpu.vector_load %arg40[%get3A_309] {strides = array<i32>} : memref<4000xi32, #tpu.memory_space<vmem>>, vector<16xi32>,
      %get3A_311 = arith.index_cast %add3A_308 : i32 to index
      %get3A_312 = tpu.vector_load %arg46[%get3A_311] {strides = array<i32>} : memref<4000xf32, #tpu.memory_space<vmem>>, vector<16xf32>,
      %get3A_313 = arith.index_cast %add3A_308 : i32 to index
      %get3A_314 = tpu.vector_load %arg19[%get3A_313] {strides = array<i32>} : memref<4000xf32, #tpu.memory_space<vmem>>, vector<16xf32>,
      %mul3A_315 = arith.mulf %get3A_312, %get3A_314 : vector<16xf32>
      %gather3A_316 = tpu.vector_load_idx %arg34[%get3A_310] : memref<10240xf32, #tpu.memory_space<vmem>>[vector<16xi32>], vector<16xf32>,
      %mul3A_317 = arith.mulf %gather3A_316, %mul3A_315 : vector<16xf32>
      %swap3A_318 = arith.index_cast %add3A_308 : i32 to index
      %swap3A_319 = tpu.vector_load %arg25[%swap3A_318] {strides = array<i32>} : memref<4000xf32, #tpu.memory_space<vmem>>, vector<16xf32>,
      tpu.vector_store %arg25[%swap3A_318], %mul3A_317 {strides = array<i32>} : memref<4000xf32, #tpu.memory_space<vmem>>, vector<16xf32>,
      %gather3A_320 = tpu.vector_load_idx %arg35[%get3A_310] : memref<10240xf32, #tpu.memory_space<vmem>>[vector<16xi32>], vector<16xf32>,
      %mul3A_321 = arith.mulf %gather3A_320, %mul3A_315 : vector<16xf32>
      %swap3A_322 = arith.index_cast %add3A_308 : i32 to index
      %swap3A_323 = tpu.vector_load %arg26[%swap3A_322] {strides = array<i32>} : memref<4000xf32, #tpu.memory_space<vmem>>, vector<16xf32>,
      tpu.vector_store %arg26[%swap3A_322], %mul3A_321 {strides = array<i32>} : memref<4000xf32, #tpu.memory_space<vmem>>, vector<16xf32>,
      %gather3A_324 = tpu.vector_load_idx %arg36[%get3A_310] : memref<10240xf32, #tpu.memory_space<vmem>>[vector<16xi32>], vector<16xf32>,
      %mul3A_325 = arith.mulf %gather3A_324, %mul3A_315 : vector<16xf32>
      %swap3A_326 = arith.index_cast %add3A_308 : i32 to index
      %swap3A_327 = tpu.vector_load %arg27[%swap3A_326] {strides = array<i32>} : memref<4000xf32, #tpu.memory_space<vmem>>, vector<16xf32>,
      tpu.vector_store %arg27[%swap3A_326], %mul3A_325 {strides = array<i32>} : memref<4000xf32, #tpu.memory_space<vmem>>, vector<16xf32>,
      %gather3A_328 = tpu.vector_load_idx %arg37[%get3A_310] : memref<10240xf32, #tpu.memory_space<vmem>>[vector<16xi32>], vector<16xf32>,
      %mul3A_329 = arith.mulf %gather3A_328, %mul3A_315 : vector<16xf32>
      %swap3A_330 = arith.index_cast %add3A_308 : i32 to index
      %swap3A_331 = tpu.vector_load %arg28[%swap3A_330] {strides = array<i32>} : memref<4000xf32, #tpu.memory_space<vmem>>, vector<16xf32>,
      tpu.vector_store %arg28[%swap3A_330], %mul3A_329 {strides = array<i32>} : memref<4000xf32, #tpu.memory_space<vmem>>, vector<16xf32>,
      %mul3A_332 = arith.constant 80 : i32
      %mul3A_333 = arith.muli %scan3A_280, %mul3A_332 : i32
      %add3A_334 = arith.constant 32 : i32
      %add3A_335 = arith.addi %mul3A_333, %add3A_334 : i32
      %get3A_336 = arith.index_cast %add3A_335 : i32 to index
      %get3A_337 = tpu.vector_load %arg40[%get3A_336] {strides = array<i32>} : memref<4000xi32, #tpu.memory_space<vmem>>, vector<16xi32>,
      %get3A_338 = arith.index_cast %add3A_335 : i32 to index
      %get3A_339 = tpu.vector_load %arg46[%get3A_338] {strides = array<i32>} : memref<4000xf32, #tpu.memory_space<vmem>>, vector<16xf32>,
      %get3A_340 = arith.index_cast %add3A_335 : i32 to index
      %get3A_341 = tpu.vector_load %arg19[%get3A_340] {strides = array<i32>} : memref<4000xf32, #tpu.memory_space<vmem>>, vector<16xf32>,
      %mul3A_342 = arith.mulf %get3A_339, %get3A_341 : vector<16xf32>
      %gather3A_343 = tpu.vector_load_idx %arg34[%get3A_337] : memref<10240xf32, #tpu.memory_space<vmem>>[vector<16xi32>], vector<16xf32>,
      %mul3A_344 = arith.mulf %gather3A_343, %mul3A_342 : vector<16xf32>
      %swap3A_345 = arith.index_cast %add3A_335 : i32 to index
      %swap3A_346 = tpu.vector_load %arg25[%swap3A_345] {strides = array<i32>} : memref<4000xf32, #tpu.memory_space<vmem>>, vector<16xf32>,
      tpu.vector_store %arg25[%swap3A_345], %mul3A_344 {strides = array<i32>} : memref<4000xf32, #tpu.memory_space<vmem>>, vector<16xf32>,
      %gather3A_347 = tpu.vector_load_idx %arg35[%get3A_337] : memref<10240xf32, #tpu.memory_space<vmem>>[vector<16xi32>], vector<16xf32>,
      %mul3A_348 = arith.mulf %gather3A_347, %mul3A_342 : vector<16xf32>
      %swap3A_349 = arith.index_cast %add3A_335 : i32 to index
      %swap3A_350 = tpu.vector_load %arg26[%swap3A_349] {strides = array<i32>} : memref<4000xf32, #tpu.memory_space<vmem>>, vector<16xf32>,
      tpu.vector_store %arg26[%swap3A_349], %mul3A_348 {strides = array<i32>} : memref<4000xf32, #tpu.memory_space<vmem>>, vector<16xf32>,
      %gather3A_351 = tpu.vector_load_idx %arg36[%get3A_337] : memref<10240xf32, #tpu.memory_space<vmem>>[vector<16xi32>], vector<16xf32>,
      %mul3A_352 = arith.mulf %gather3A_351, %mul3A_342 : vector<16xf32>
      %swap3A_353 = arith.index_cast %add3A_335 : i32 to index
      %swap3A_354 = tpu.vector_load %arg27[%swap3A_353] {strides = array<i32>} : memref<4000xf32, #tpu.memory_space<vmem>>, vector<16xf32>,
      tpu.vector_store %arg27[%swap3A_353], %mul3A_352 {strides = array<i32>} : memref<4000xf32, #tpu.memory_space<vmem>>, vector<16xf32>,
      %gather3A_355 = tpu.vector_load_idx %arg37[%get3A_337] : memref<10240xf32, #tpu.memory_space<vmem>>[vector<16xi32>], vector<16xf32>,
      %mul3A_356 = arith.mulf %gather3A_355, %mul3A_342 : vector<16xf32>
      %swap3A_357 = arith.index_cast %add3A_335 : i32 to index
      %swap3A_358 = tpu.vector_load %arg28[%swap3A_357] {strides = array<i32>} : memref<4000xf32, #tpu.memory_space<vmem>>, vector<16xf32>,
      tpu.vector_store %arg28[%swap3A_357], %mul3A_356 {strides = array<i32>} : memref<4000xf32, #tpu.memory_space<vmem>>, vector<16xf32>,
      %mul3A_359 = arith.constant 80 : i32
      %mul3A_360 = arith.muli %scan3A_280, %mul3A_359 : i32
      %add3A_361 = arith.constant 48 : i32
      %add3A_362 = arith.addi %mul3A_360, %add3A_361 : i32
      %get3A_363 = arith.index_cast %add3A_362 : i32 to index
      %get3A_364 = tpu.vector_load %arg40[%get3A_363] {strides = array<i32>} : memref<4000xi32, #tpu.memory_space<vmem>>, vector<16xi32>,
      %get3A_365 = arith.index_cast %add3A_362 : i32 to index
      %get3A_366 = tpu.vector_load %arg46[%get3A_365] {strides = array<i32>} : memref<4000xf32, #tpu.memory_space<vmem>>, vector<16xf32>,
      %get3A_367 = arith.index_cast %add3A_362 : i32 to index
      %get3A_368 = tpu.vector_load %arg19[%get3A_367] {strides = array<i32>} : memref<4000xf32, #tpu.memory_space<vmem>>, vector<16xf32>,
      %mul3A_369 = arith.mulf %get3A_366, %get3A_368 : vector<16xf32>
      %gather3A_370 = tpu.vector_load_idx %arg34[%get3A_364] : memref<10240xf32, #tpu.memory_space<vmem>>[vector<16xi32>], vector<16xf32>,
      %mul3A_371 = arith.mulf %gather3A_370, %mul3A_369 : vector<16xf32>
      %swap3A_372 = arith.index_cast %add3A_362 : i32 to index
      %swap3A_373 = tpu.vector_load %arg25[%swap3A_372] {strides = array<i32>} : memref<4000xf32, #tpu.memory_space<vmem>>, vector<16xf32>,
      tpu.vector_store %arg25[%swap3A_372], %mul3A_371 {strides = array<i32>} : memref<4000xf32, #tpu.memory_space<vmem>>, vector<16xf32>,
      %gather3A_374 = tpu.vector_load_idx %arg35[%get3A_364] : memref<10240xf32, #tpu.memory_space<vmem>>[vector<16xi32>], vector<16xf32>,
      %mul3A_375 = arith.mulf %gather3A_374, %mul3A_369 : vector<16xf32>
      %swap3A_376 = arith.index_cast %add3A_362 : i32 to index
      %swap3A_377 = tpu.vector_load %arg26[%swap3A_376] {strides = array<i32>} : memref<4000xf32, #tpu.memory_space<vmem>>, vector<16xf32>,
      tpu.vector_store %arg26[%swap3A_376], %mul3A_375 {strides = array<i32>} : memref<4000xf32, #tpu.memory_space<vmem>>, vector<16xf32>,
      %gather3A_378 = tpu.vector_load_idx %arg36[%get3A_364] : memref<10240xf32, #tpu.memory_space<vmem>>[vector<16xi32>], vector<16xf32>,
      %mul3A_379 = arith.mulf %gather3A_378, %mul3A_369 : vector<16xf32>
      %swap3A_380 = arith.index_cast %add3A_362 : i32 to index
      %swap3A_381 = tpu.vector_load %arg27[%swap3A_380] {strides = array<i32>} : memref<4000xf32, #tpu.memory_space<vmem>>, vector<16xf32>,
      tpu.vector_store %arg27[%swap3A_380], %mul3A_379 {strides = array<i32>} : memref<4000xf32, #tpu.memory_space<vmem>>, vector<16xf32>,
      %gather3A_382 = tpu.vector_load_idx %arg37[%get3A_364] : memref<10240xf32, #tpu.memory_space<vmem>>[vector<16xi32>], vector<16xf32>,
      %mul3A_383 = arith.mulf %gather3A_382, %mul3A_369 : vector<16xf32>
      %swap3A_384 = arith.index_cast %add3A_362 : i32 to index
      %swap3A_385 = tpu.vector_load %arg28[%swap3A_384] {strides = array<i32>} : memref<4000xf32, #tpu.memory_space<vmem>>, vector<16xf32>,
      tpu.vector_store %arg28[%swap3A_384], %mul3A_383 {strides = array<i32>} : memref<4000xf32, #tpu.memory_space<vmem>>, vector<16xf32>,
      %mul3A_386 = arith.constant 80 : i32
      %mul3A_387 = arith.muli %scan3A_280, %mul3A_386 : i32
      %add3A_388 = arith.constant 64 : i32
      %add3A_389 = arith.addi %mul3A_387, %add3A_388 : i32
      %get3A_390 = arith.index_cast %add3A_389 : i32 to index
      %get3A_391 = tpu.vector_load %arg40[%get3A_390] {strides = array<i32>} : memref<4000xi32, #tpu.memory_space<vmem>>, vector<16xi32>,
      %get3A_392 = arith.index_cast %add3A_389 : i32 to index
      %get3A_393 = tpu.vector_load %arg46[%get3A_392] {strides = array<i32>} : memref<4000xf32, #tpu.memory_space<vmem>>, vector<16xf32>,
      %get3A_394 = arith.index_cast %add3A_389 : i32 to index
      %get3A_395 = tpu.vector_load %arg19[%get3A_394] {strides = array<i32>} : memref<4000xf32, #tpu.memory_space<vmem>>, vector<16xf32>,
      %mul3A_396 = arith.mulf %get3A_393, %get3A_395 : vector<16xf32>
      %gather3A_397 = tpu.vector_load_idx %arg34[%get3A_391] : memref<10240xf32, #tpu.memory_space<vmem>>[vector<16xi32>], vector<16xf32>,
      %mul3A_398 = arith.mulf %gather3A_397, %mul3A_396 : vector<16xf32>
      %swap3A_399 = arith.index_cast %add3A_389 : i32 to index
      %swap3A_400 = tpu.vector_load %arg25[%swap3A_399] {strides = array<i32>} : memref<4000xf32, #tpu.memory_space<vmem>>, vector<16xf32>,
      tpu.vector_store %arg25[%swap3A_399], %mul3A_398 {strides = array<i32>} : memref<4000xf32, #tpu.memory_space<vmem>>, vector<16xf32>,
      %gather3A_401 = tpu.vector_load_idx %arg35[%get3A_391] : memref<10240xf32, #tpu.memory_space<vmem>>[vector<16xi32>], vector<16xf32>,
      %mul3A_402 = arith.mulf %gather3A_401, %mul3A_396 : vector<16xf32>
      %swap3A_403 = arith.index_cast %add3A_389 : i32 to index
      %swap3A_404 = tpu.vector_load %arg26[%swap3A_403] {strides = array<i32>} : memref<4000xf32, #tpu.memory_space<vmem>>, vector<16xf32>,
      tpu.vector_store %arg26[%swap3A_403], %mul3A_402 {strides = array<i32>} : memref<4000xf32, #tpu.memory_space<vmem>>, vector<16xf32>,
      %gather3A_405 = tpu.vector_load_idx %arg36[%get3A_391] : memref<10240xf32, #tpu.memory_space<vmem>>[vector<16xi32>], vector<16xf32>,
      %mul3A_406 = arith.mulf %gather3A_405, %mul3A_396 : vector<16xf32>
      %swap3A_407 = arith.index_cast %add3A_389 : i32 to index
      %swap3A_408 = tpu.vector_load %arg27[%swap3A_407] {strides = array<i32>} : memref<4000xf32, #tpu.memory_space<vmem>>, vector<16xf32>,
      tpu.vector_store %arg27[%swap3A_407], %mul3A_406 {strides = array<i32>} : memref<4000xf32, #tpu.memory_space<vmem>>, vector<16xf32>,
      %gather3A_409 = tpu.vector_load_idx %arg37[%get3A_391] : memref<10240xf32, #tpu.memory_space<vmem>>[vector<16xi32>], vector<16xf32>,
      %mul3A_410 = arith.mulf %gather3A_409, %mul3A_396 : vector<16xf32>
      %swap3A_411 = arith.index_cast %add3A_389 : i32 to index
      %swap3A_412 = tpu.vector_load %arg28[%swap3A_411] {strides = array<i32>} : memref<4000xf32, #tpu.memory_space<vmem>>, vector<16xf32>,
      tpu.vector_store %arg28[%swap3A_411], %mul3A_410 {strides = array<i32>} : memref<4000xf32, #tpu.memory_space<vmem>>, vector<16xf32>,
    }
    %scan3A_73 = arith.constant 50 : i32
    %dma_start3A_74 = arith.constant 0 : i32
    %dma_start3A_75 = tpu.memref_slice %arg15[%dma_start3A_74] : memref<10240xf32, #tpu.memory_space<vmem_shared>> -> memref<10240xf32, #tpu.memory_space<vmem_shared>>
    tpu.enqueue_indirect_dma source(%arg25 : memref<4000xf32, #tpu.memory_space<vmem>>) target(%dma_start3A_75 : memref<10240xf32, #tpu.memory_space<vmem_shared>>) offsets(%arg22 : memref<4000xi32, #tpu.memory_space<vmem>>) semaphore(%arg42 : memref<!tpu.dma_semaphore, #tpu.memory_space<semaphore_mem>>) {add = true}
    %dma_start3A_76 = arith.constant 0 : i32
    %dma_start3A_77 = tpu.memref_slice %arg16[%dma_start3A_76] : memref<10240xf32, #tpu.memory_space<vmem_shared>> -> memref<10240xf32, #tpu.memory_space<vmem_shared>>
    tpu.enqueue_indirect_dma source(%arg26 : memref<4000xf32, #tpu.memory_space<vmem>>) target(%dma_start3A_77 : memref<10240xf32, #tpu.memory_space<vmem_shared>>) offsets(%arg22 : memref<4000xi32, #tpu.memory_space<vmem>>) semaphore(%arg42 : memref<!tpu.dma_semaphore, #tpu.memory_space<semaphore_mem>>) {add = true}
    %dma_start3A_78 = arith.constant 0 : i32
    %dma_start3A_79 = tpu.memref_slice %arg17[%dma_start3A_78] : memref<10240xf32, #tpu.memory_space<vmem_shared>> -> memref<10240xf32, #tpu.memory_space<vmem_shared>>
    tpu.enqueue_indirect_dma source(%arg27 : memref<4000xf32, #tpu.memory_space<vmem>>) target(%dma_start3A_79 : memref<10240xf32, #tpu.memory_space<vmem_shared>>) offsets(%arg22 : memref<4000xi32, #tpu.memory_space<vmem>>) semaphore(%arg42 : memref<!tpu.dma_semaphore, #tpu.memory_space<semaphore_mem>>) {add = true}
    %dma_start3A_80 = arith.constant 0 : i32
    %dma_start3A_81 = tpu.memref_slice %arg18[%dma_start3A_80] : memref<10240xf32, #tpu.memory_space<vmem_shared>> -> memref<10240xf32, #tpu.memory_space<vmem_shared>>
    tpu.enqueue_indirect_dma source(%arg28 : memref<4000xf32, #tpu.memory_space<vmem>>) target(%dma_start3A_81 : memref<10240xf32, #tpu.memory_space<vmem_shared>>) offsets(%arg22 : memref<4000xi32, #tpu.memory_space<vmem>>) semaphore(%arg42 : memref<!tpu.dma_semaphore, #tpu.memory_space<semaphore_mem>>) {add = true}
    %mul3A_82 = arith.constant 20000 : i32
    %mul3A_83 = arith.muli %arg1, %mul3A_82 : i32
    %add3A_84 = arith.constant 4000 : i32
    %add3A_85 = arith.addi %mul3A_83, %add3A_84 : i32
    %dma_wait3A_86 = tpu.memref_slice %arg3[%add3A_85] : memref<320000xi32, #tpu.memory_space<hbm>> -> memref<4000xi32, #tpu.memory_space<hbm>>
    %dma_wait3A_87 = tpu.memref_slice %arg3[%add3A_85] : memref<320000xi32, #tpu.memory_space<hbm>> -> memref<4000xi32, #tpu.memory_space<hbm>>
    tpu.wait_dma2 semaphore(%arg39 : memref<!tpu.dma_semaphore, #tpu.memory_space<semaphore_mem>>) src(%dma_wait3A_87 : memref<4000xi32, #tpu.memory_space<hbm>>) dst(%arg41 : memref<4000xi32, #tpu.memory_space<vmem>>)
    %dma_wait3A_88 = tpu.memref_slice %arg4[%add3A_85] : memref<320000xi32, #tpu.memory_space<hbm>> -> memref<4000xi32, #tpu.memory_space<hbm>>
    %dma_wait3A_89 = tpu.memref_slice %arg4[%add3A_85] : memref<320000xi32, #tpu.memory_space<hbm>> -> memref<4000xi32, #tpu.memory_space<hbm>>
    tpu.wait_dma2 semaphore(%arg39 : memref<!tpu.dma_semaphore, #tpu.memory_space<semaphore_mem>>) src(%dma_wait3A_89 : memref<4000xi32, #tpu.memory_space<hbm>>) dst(%arg23 : memref<4000xi32, #tpu.memory_space<vmem>>)
    %dma_wait3A_90 = tpu.memref_slice %arg5[%add3A_85] : memref<320000xf32, #tpu.memory_space<hbm>> -> memref<4000xf32, #tpu.memory_space<hbm>>
    %dma_wait3A_91 = tpu.memref_slice %arg5[%add3A_85] : memref<320000xf32, #tpu.memory_space<hbm>> -> memref<4000xf32, #tpu.memory_space<hbm>>
    tpu.wait_dma2 semaphore(%arg39 : memref<!tpu.dma_semaphore, #tpu.memory_space<semaphore_mem>>) src(%dma_wait3A_91 : memref<4000xf32, #tpu.memory_space<hbm>>) dst(%arg47 : memref<4000xf32, #tpu.memory_space<vmem>>)
    %dma_wait3A_92 = tpu.memref_slice %arg6[%add3A_85] : memref<320000xf32, #tpu.memory_space<hbm>> -> memref<4000xf32, #tpu.memory_space<hbm>>
    %dma_wait3A_93 = tpu.memref_slice %arg6[%add3A_85] : memref<320000xf32, #tpu.memory_space<hbm>> -> memref<4000xf32, #tpu.memory_space<hbm>>
    tpu.wait_dma2 semaphore(%arg39 : memref<!tpu.dma_semaphore, #tpu.memory_space<semaphore_mem>>) src(%dma_wait3A_93 : memref<4000xf32, #tpu.memory_space<hbm>>) dst(%arg20 : memref<4000xf32, #tpu.memory_space<vmem>>)
    %mul3A_94 = arith.constant 20000 : i32
    %mul3A_95 = arith.muli %arg1, %mul3A_94 : i32
    %add3A_96 = arith.constant 8000 : i32
    %add3A_97 = arith.addi %mul3A_95, %add3A_96 : i32
    %dma_start3A_98 = tpu.memref_slice %arg3[%add3A_97] : memref<320000xi32, #tpu.memory_space<hbm>> -> memref<4000xi32, #tpu.memory_space<hbm>>
    %dma_start3A_99 = tpu.memref_slice %arg3[%add3A_97] : memref<320000xi32, #tpu.memory_space<hbm>> -> memref<4000xi32, #tpu.memory_space<hbm>>
    tpu.enqueue_dma source(%dma_start3A_99 : memref<4000xi32, #tpu.memory_space<hbm>>) target(%arg40 : memref<4000xi32, #tpu.memory_space<vmem>>) target_semaphore(%arg38 : memref<!tpu.dma_semaphore, #tpu.memory_space<semaphore_mem>>)
    %dma_start3A_100 = tpu.memref_slice %arg4[%add3A_97] : memref<320000xi32, #tpu.memory_space<hbm>> -> memref<4000xi32, #tpu.memory_space<hbm>>
    %dma_start3A_101 = tpu.memref_slice %arg4[%add3A_97] : memref<320000xi32, #tpu.memory_space<hbm>> -> memref<4000xi32, #tpu.memory_space<hbm>>
    tpu.enqueue_dma source(%dma_start3A_101 : memref<4000xi32, #tpu.memory_space<hbm>>) target(%arg24 : memref<4000xi32, #tpu.memory_space<vmem>>) target_semaphore(%arg38 : memref<!tpu.dma_semaphore, #tpu.memory_space<semaphore_mem>>)
    %dma_start3A_102 = tpu.memref_slice %arg5[%add3A_97] : memref<320000xf32, #tpu.memory_space<hbm>> -> memref<4000xf32, #tpu.memory_space<hbm>>
    %dma_start3A_103 = tpu.memref_slice %arg5[%add3A_97] : memref<320000xf32, #tpu.memory_space<hbm>> -> memref<4000xf32, #tpu.memory_space<hbm>>
    tpu.enqueue_dma source(%dma_start3A_103 : memref<4000xf32, #tpu.memory_space<hbm>>) target(%arg46 : memref<4000xf32, #tpu.memory_space<vmem>>) target_semaphore(%arg38 : memref<!tpu.dma_semaphore, #tpu.memory_space<semaphore_mem>>)
    %dma_start3A_104 = tpu.memref_slice %arg6[%add3A_97] : memref<320000xf32, #tpu.memory_space<hbm>> -> memref<4000xf32, #tpu.memory_space<hbm>>
    %dma_start3A_105 = tpu.memref_slice %arg6[%add3A_97] : memref<320000xf32, #tpu.memory_space<hbm>> -> memref<4000xf32, #tpu.memory_space<hbm>>
    tpu.enqueue_dma source(%dma_start3A_105 : memref<4000xf32, #tpu.memory_space<hbm>>) target(%arg19 : memref<4000xf32, #tpu.memory_space<vmem>>) target_semaphore(%arg38 : memref<!tpu.dma_semaphore, #tpu.memory_space<semaphore_mem>>)
    %scan3A_106 = arith.constant 0 : i32
    %scan3A_107 = arith.constant 50 : i32
    %scan3A_108 = arith.addi %scan3A_106, %scan3A_107 : i32
    %scan3A_109 = arith.constant 1 : i32
    scf.for %scan3A_280 = %scan3A_106 to %scan3A_108 step %scan3A_109  : i32 {
      %mul3A_281 = arith.constant 80 : i32
      %mul3A_282 = arith.muli %scan3A_280, %mul3A_281 : i32
      %add3A_283 = arith.constant 0 : i32
      %add3A_284 = arith.addi %mul3A_282, %add3A_283 : i32
      %get3A = arith.index_cast %add3A_284 : i32 to index
      %get3A_285 = tpu.vector_load %arg41[%get3A] {strides = array<i32>} : memref<4000xi32, #tpu.memory_space<vmem>>, vector<16xi32>,
      %get3A_286 = arith.index_cast %add3A_284 : i32 to index
      %get3A_287 = tpu.vector_load %arg47[%get3A_286] {strides = array<i32>} : memref<4000xf32, #tpu.memory_space<vmem>>, vector<16xf32>,
      %get3A_288 = arith.index_cast %add3A_284 : i32 to index
      %get3A_289 = tpu.vector_load %arg20[%get3A_288] {strides = array<i32>} : memref<4000xf32, #tpu.memory_space<vmem>>, vector<16xf32>,
      %mul3A_290 = arith.mulf %get3A_287, %get3A_289 : vector<16xf32>
      %gather3A = tpu.vector_load_idx %arg34[%get3A_285] : memref<10240xf32, #tpu.memory_space<vmem>>[vector<16xi32>], vector<16xf32>,
      %mul3A_291 = arith.mulf %gather3A, %mul3A_290 : vector<16xf32>
      %swap3A = arith.index_cast %add3A_284 : i32 to index
      %swap3A_292 = tpu.vector_load %arg29[%swap3A] {strides = array<i32>} : memref<4000xf32, #tpu.memory_space<vmem>>, vector<16xf32>,
      tpu.vector_store %arg29[%swap3A], %mul3A_291 {strides = array<i32>} : memref<4000xf32, #tpu.memory_space<vmem>>, vector<16xf32>,
      %gather3A_293 = tpu.vector_load_idx %arg35[%get3A_285] : memref<10240xf32, #tpu.memory_space<vmem>>[vector<16xi32>], vector<16xf32>,
      %mul3A_294 = arith.mulf %gather3A_293, %mul3A_290 : vector<16xf32>
      %swap3A_295 = arith.index_cast %add3A_284 : i32 to index
      %swap3A_296 = tpu.vector_load %arg30[%swap3A_295] {strides = array<i32>} : memref<4000xf32, #tpu.memory_space<vmem>>, vector<16xf32>,
      tpu.vector_store %arg30[%swap3A_295], %mul3A_294 {strides = array<i32>} : memref<4000xf32, #tpu.memory_space<vmem>>, vector<16xf32>,
      %gather3A_297 = tpu.vector_load_idx %arg36[%get3A_285] : memref<10240xf32, #tpu.memory_space<vmem>>[vector<16xi32>], vector<16xf32>,
      %mul3A_298 = arith.mulf %gather3A_297, %mul3A_290 : vector<16xf32>
      %swap3A_299 = arith.index_cast %add3A_284 : i32 to index
      %swap3A_300 = tpu.vector_load %arg31[%swap3A_299] {strides = array<i32>} : memref<4000xf32, #tpu.memory_space<vmem>>, vector<16xf32>,
      tpu.vector_store %arg31[%swap3A_299], %mul3A_298 {strides = array<i32>} : memref<4000xf32, #tpu.memory_space<vmem>>, vector<16xf32>,
      %gather3A_301 = tpu.vector_load_idx %arg37[%get3A_285] : memref<10240xf32, #tpu.memory_space<vmem>>[vector<16xi32>], vector<16xf32>,
      %mul3A_302 = arith.mulf %gather3A_301, %mul3A_290 : vector<16xf32>
      %swap3A_303 = arith.index_cast %add3A_284 : i32 to index
      %swap3A_304 = tpu.vector_load %arg32[%swap3A_303] {strides = array<i32>} : memref<4000xf32, #tpu.memory_space<vmem>>, vector<16xf32>,
      tpu.vector_store %arg32[%swap3A_303], %mul3A_302 {strides = array<i32>} : memref<4000xf32, #tpu.memory_space<vmem>>, vector<16xf32>,
      %mul3A_305 = arith.constant 80 : i32
      %mul3A_306 = arith.muli %scan3A_280, %mul3A_305 : i32
      %add3A_307 = arith.constant 16 : i32
      %add3A_308 = arith.addi %mul3A_306, %add3A_307 : i32
      %get3A_309 = arith.index_cast %add3A_308 : i32 to index
      %get3A_310 = tpu.vector_load %arg41[%get3A_309] {strides = array<i32>} : memref<4000xi32, #tpu.memory_space<vmem>>, vector<16xi32>,
      %get3A_311 = arith.index_cast %add3A_308 : i32 to index
      %get3A_312 = tpu.vector_load %arg47[%get3A_311] {strides = array<i32>} : memref<4000xf32, #tpu.memory_space<vmem>>, vector<16xf32>,
      %get3A_313 = arith.index_cast %add3A_308 : i32 to index
      %get3A_314 = tpu.vector_load %arg20[%get3A_313] {strides = array<i32>} : memref<4000xf32, #tpu.memory_space<vmem>>, vector<16xf32>,
      %mul3A_315 = arith.mulf %get3A_312, %get3A_314 : vector<16xf32>
      %gather3A_316 = tpu.vector_load_idx %arg34[%get3A_310] : memref<10240xf32, #tpu.memory_space<vmem>>[vector<16xi32>], vector<16xf32>,
      %mul3A_317 = arith.mulf %gather3A_316, %mul3A_315 : vector<16xf32>
      %swap3A_318 = arith.index_cast %add3A_308 : i32 to index
      %swap3A_319 = tpu.vector_load %arg29[%swap3A_318] {strides = array<i32>} : memref<4000xf32, #tpu.memory_space<vmem>>, vector<16xf32>,
      tpu.vector_store %arg29[%swap3A_318], %mul3A_317 {strides = array<i32>} : memref<4000xf32, #tpu.memory_space<vmem>>, vector<16xf32>,
      %gather3A_320 = tpu.vector_load_idx %arg35[%get3A_310] : memref<10240xf32, #tpu.memory_space<vmem>>[vector<16xi32>], vector<16xf32>,
      %mul3A_321 = arith.mulf %gather3A_320, %mul3A_315 : vector<16xf32>
      %swap3A_322 = arith.index_cast %add3A_308 : i32 to index
      %swap3A_323 = tpu.vector_load %arg30[%swap3A_322] {strides = array<i32>} : memref<4000xf32, #tpu.memory_space<vmem>>, vector<16xf32>,
      tpu.vector_store %arg30[%swap3A_322], %mul3A_321 {strides = array<i32>} : memref<4000xf32, #tpu.memory_space<vmem>>, vector<16xf32>,
      %gather3A_324 = tpu.vector_load_idx %arg36[%get3A_310] : memref<10240xf32, #tpu.memory_space<vmem>>[vector<16xi32>], vector<16xf32>,
      %mul3A_325 = arith.mulf %gather3A_324, %mul3A_315 : vector<16xf32>
      %swap3A_326 = arith.index_cast %add3A_308 : i32 to index
      %swap3A_327 = tpu.vector_load %arg31[%swap3A_326] {strides = array<i32>} : memref<4000xf32, #tpu.memory_space<vmem>>, vector<16xf32>,
      tpu.vector_store %arg31[%swap3A_326], %mul3A_325 {strides = array<i32>} : memref<4000xf32, #tpu.memory_space<vmem>>, vector<16xf32>,
      %gather3A_328 = tpu.vector_load_idx %arg37[%get3A_310] : memref<10240xf32, #tpu.memory_space<vmem>>[vector<16xi32>], vector<16xf32>,
      %mul3A_329 = arith.mulf %gather3A_328, %mul3A_315 : vector<16xf32>
      %swap3A_330 = arith.index_cast %add3A_308 : i32 to index
      %swap3A_331 = tpu.vector_load %arg32[%swap3A_330] {strides = array<i32>} : memref<4000xf32, #tpu.memory_space<vmem>>, vector<16xf32>,
      tpu.vector_store %arg32[%swap3A_330], %mul3A_329 {strides = array<i32>} : memref<4000xf32, #tpu.memory_space<vmem>>, vector<16xf32>,
      %mul3A_332 = arith.constant 80 : i32
      %mul3A_333 = arith.muli %scan3A_280, %mul3A_332 : i32
      %add3A_334 = arith.constant 32 : i32
      %add3A_335 = arith.addi %mul3A_333, %add3A_334 : i32
      %get3A_336 = arith.index_cast %add3A_335 : i32 to index
      %get3A_337 = tpu.vector_load %arg41[%get3A_336] {strides = array<i32>} : memref<4000xi32, #tpu.memory_space<vmem>>, vector<16xi32>,
      %get3A_338 = arith.index_cast %add3A_335 : i32 to index
      %get3A_339 = tpu.vector_load %arg47[%get3A_338] {strides = array<i32>} : memref<4000xf32, #tpu.memory_space<vmem>>, vector<16xf32>,
      %get3A_340 = arith.index_cast %add3A_335 : i32 to index
      %get3A_341 = tpu.vector_load %arg20[%get3A_340] {strides = array<i32>} : memref<4000xf32, #tpu.memory_space<vmem>>, vector<16xf32>,
      %mul3A_342 = arith.mulf %get3A_339, %get3A_341 : vector<16xf32>
      %gather3A_343 = tpu.vector_load_idx %arg34[%get3A_337] : memref<10240xf32, #tpu.memory_space<vmem>>[vector<16xi32>], vector<16xf32>,
      %mul3A_344 = arith.mulf %gather3A_343, %mul3A_342 : vector<16xf32>
      %swap3A_345 = arith.index_cast %add3A_335 : i32 to index
      %swap3A_346 = tpu.vector_load %arg29[%swap3A_345] {strides = array<i32>} : memref<4000xf32, #tpu.memory_space<vmem>>, vector<16xf32>,
      tpu.vector_store %arg29[%swap3A_345], %mul3A_344 {strides = array<i32>} : memref<4000xf32, #tpu.memory_space<vmem>>, vector<16xf32>,
      %gather3A_347 = tpu.vector_load_idx %arg35[%get3A_337] : memref<10240xf32, #tpu.memory_space<vmem>>[vector<16xi32>], vector<16xf32>,
      %mul3A_348 = arith.mulf %gather3A_347, %mul3A_342 : vector<16xf32>
      %swap3A_349 = arith.index_cast %add3A_335 : i32 to index
      %swap3A_350 = tpu.vector_load %arg30[%swap3A_349] {strides = array<i32>} : memref<4000xf32, #tpu.memory_space<vmem>>, vector<16xf32>,
      tpu.vector_store %arg30[%swap3A_349], %mul3A_348 {strides = array<i32>} : memref<4000xf32, #tpu.memory_space<vmem>>, vector<16xf32>,
      %gather3A_351 = tpu.vector_load_idx %arg36[%get3A_337] : memref<10240xf32, #tpu.memory_space<vmem>>[vector<16xi32>], vector<16xf32>,
      %mul3A_352 = arith.mulf %gather3A_351, %mul3A_342 : vector<16xf32>
      %swap3A_353 = arith.index_cast %add3A_335 : i32 to index
      %swap3A_354 = tpu.vector_load %arg31[%swap3A_353] {strides = array<i32>} : memref<4000xf32, #tpu.memory_space<vmem>>, vector<16xf32>,
      tpu.vector_store %arg31[%swap3A_353], %mul3A_352 {strides = array<i32>} : memref<4000xf32, #tpu.memory_space<vmem>>, vector<16xf32>,
      %gather3A_355 = tpu.vector_load_idx %arg37[%get3A_337] : memref<10240xf32, #tpu.memory_space<vmem>>[vector<16xi32>], vector<16xf32>,
      %mul3A_356 = arith.mulf %gather3A_355, %mul3A_342 : vector<16xf32>
      %swap3A_357 = arith.index_cast %add3A_335 : i32 to index
      %swap3A_358 = tpu.vector_load %arg32[%swap3A_357] {strides = array<i32>} : memref<4000xf32, #tpu.memory_space<vmem>>, vector<16xf32>,
      tpu.vector_store %arg32[%swap3A_357], %mul3A_356 {strides = array<i32>} : memref<4000xf32, #tpu.memory_space<vmem>>, vector<16xf32>,
      %mul3A_359 = arith.constant 80 : i32
      %mul3A_360 = arith.muli %scan3A_280, %mul3A_359 : i32
      %add3A_361 = arith.constant 48 : i32
      %add3A_362 = arith.addi %mul3A_360, %add3A_361 : i32
      %get3A_363 = arith.index_cast %add3A_362 : i32 to index
      %get3A_364 = tpu.vector_load %arg41[%get3A_363] {strides = array<i32>} : memref<4000xi32, #tpu.memory_space<vmem>>, vector<16xi32>,
      %get3A_365 = arith.index_cast %add3A_362 : i32 to index
      %get3A_366 = tpu.vector_load %arg47[%get3A_365] {strides = array<i32>} : memref<4000xf32, #tpu.memory_space<vmem>>, vector<16xf32>,
      %get3A_367 = arith.index_cast %add3A_362 : i32 to index
      %get3A_368 = tpu.vector_load %arg20[%get3A_367] {strides = array<i32>} : memref<4000xf32, #tpu.memory_space<vmem>>, vector<16xf32>,
      %mul3A_369 = arith.mulf %get3A_366, %get3A_368 : vector<16xf32>
      %gather3A_370 = tpu.vector_load_idx %arg34[%get3A_364] : memref<10240xf32, #tpu.memory_space<vmem>>[vector<16xi32>], vector<16xf32>,
      %mul3A_371 = arith.mulf %gather3A_370, %mul3A_369 : vector<16xf32>
      %swap3A_372 = arith.index_cast %add3A_362 : i32 to index
      %swap3A_373 = tpu.vector_load %arg29[%swap3A_372] {strides = array<i32>} : memref<4000xf32, #tpu.memory_space<vmem>>, vector<16xf32>,
      tpu.vector_store %arg29[%swap3A_372], %mul3A_371 {strides = array<i32>} : memref<4000xf32, #tpu.memory_space<vmem>>, vector<16xf32>,
      %gather3A_374 = tpu.vector_load_idx %arg35[%get3A_364] : memref<10240xf32, #tpu.memory_space<vmem>>[vector<16xi32>], vector<16xf32>,
      %mul3A_375 = arith.mulf %gather3A_374, %mul3A_369 : vector<16xf32>
      %swap3A_376 = arith.index_cast %add3A_362 : i32 to index
      %swap3A_377 = tpu.vector_load %arg30[%swap3A_376] {strides = array<i32>} : memref<4000xf32, #tpu.memory_space<vmem>>, vector<16xf32>,
      tpu.vector_store %arg30[%swap3A_376], %mul3A_375 {strides = array<i32>} : memref<4000xf32, #tpu.memory_space<vmem>>, vector<16xf32>,
      %gather3A_378 = tpu.vector_load_idx %arg36[%get3A_364] : memref<10240xf32, #tpu.memory_space<vmem>>[vector<16xi32>], vector<16xf32>,
      %mul3A_379 = arith.mulf %gather3A_378, %mul3A_369 : vector<16xf32>
      %swap3A_380 = arith.index_cast %add3A_362 : i32 to index
      %swap3A_381 = tpu.vector_load %arg31[%swap3A_380] {strides = array<i32>} : memref<4000xf32, #tpu.memory_space<vmem>>, vector<16xf32>,
      tpu.vector_store %arg31[%swap3A_380], %mul3A_379 {strides = array<i32>} : memref<4000xf32, #tpu.memory_space<vmem>>, vector<16xf32>,
      %gather3A_382 = tpu.vector_load_idx %arg37[%get3A_364] : memref<10240xf32, #tpu.memory_space<vmem>>[vector<16xi32>], vector<16xf32>,
      %mul3A_383 = arith.mulf %gather3A_382, %mul3A_369 : vector<16xf32>
      %swap3A_384 = arith.index_cast %add3A_362 : i32 to index
      %swap3A_385 = tpu.vector_load %arg32[%swap3A_384] {strides = array<i32>} : memref<4000xf32, #tpu.memory_space<vmem>>, vector<16xf32>,
      tpu.vector_store %arg32[%swap3A_384], %mul3A_383 {strides = array<i32>} : memref<4000xf32, #tpu.memory_space<vmem>>, vector<16xf32>,
      %mul3A_386 = arith.constant 80 : i32
      %mul3A_387 = arith.muli %scan3A_280, %mul3A_386 : i32
      %add3A_388 = arith.constant 64 : i32
      %add3A_389 = arith.addi %mul3A_387, %add3A_388 : i32
      %get3A_390 = arith.index_cast %add3A_389 : i32 to index
      %get3A_391 = tpu.vector_load %arg41[%get3A_390] {strides = array<i32>} : memref<4000xi32, #tpu.memory_space<vmem>>, vector<16xi32>,
      %get3A_392 = arith.index_cast %add3A_389 : i32 to index
      %get3A_393 = tpu.vector_load %arg47[%get3A_392] {strides = array<i32>} : memref<4000xf32, #tpu.memory_space<vmem>>, vector<16xf32>,
      %get3A_394 = arith.index_cast %add3A_389 : i32 to index
      %get3A_395 = tpu.vector_load %arg20[%get3A_394] {strides = array<i32>} : memref<4000xf32, #tpu.memory_space<vmem>>, vector<16xf32>,
      %mul3A_396 = arith.mulf %get3A_393, %get3A_395 : vector<16xf32>
      %gather3A_397 = tpu.vector_load_idx %arg34[%get3A_391] : memref<10240xf32, #tpu.memory_space<vmem>>[vector<16xi32>], vector<16xf32>,
      %mul3A_398 = arith.mulf %gather3A_397, %mul3A_396 : vector<16xf32>
      %swap3A_399 = arith.index_cast %add3A_389 : i32 to index
      %swap3A_400 = tpu.vector_load %arg29[%swap3A_399] {strides = array<i32>} : memref<4000xf32, #tpu.memory_space<vmem>>, vector<16xf32>,
      tpu.vector_store %arg29[%swap3A_399], %mul3A_398 {strides = array<i32>} : memref<4000xf32, #tpu.memory_space<vmem>>, vector<16xf32>,
      %gather3A_401 = tpu.vector_load_idx %arg35[%get3A_391] : memref<10240xf32, #tpu.memory_space<vmem>>[vector<16xi32>], vector<16xf32>,
      %mul3A_402 = arith.mulf %gather3A_401, %mul3A_396 : vector<16xf32>
      %swap3A_403 = arith.index_cast %add3A_389 : i32 to index
      %swap3A_404 = tpu.vector_load %arg30[%swap3A_403] {strides = array<i32>} : memref<4000xf32, #tpu.memory_space<vmem>>, vector<16xf32>,
      tpu.vector_store %arg30[%swap3A_403], %mul3A_402 {strides = array<i32>} : memref<4000xf32, #tpu.memory_space<vmem>>, vector<16xf32>,
      %gather3A_405 = tpu.vector_load_idx %arg36[%get3A_391] : memref<10240xf32, #tpu.memory_space<vmem>>[vector<16xi32>], vector<16xf32>,
      %mul3A_406 = arith.mulf %gather3A_405, %mul3A_396 : vector<16xf32>
      %swap3A_407 = arith.index_cast %add3A_389 : i32 to index
      %swap3A_408 = tpu.vector_load %arg31[%swap3A_407] {strides = array<i32>} : memref<4000xf32, #tpu.memory_space<vmem>>, vector<16xf32>,
      tpu.vector_store %arg31[%swap3A_407], %mul3A_406 {strides = array<i32>} : memref<4000xf32, #tpu.memory_space<vmem>>, vector<16xf32>,
      %gather3A_409 = tpu.vector_load_idx %arg37[%get3A_391] : memref<10240xf32, #tpu.memory_space<vmem>>[vector<16xi32>], vector<16xf32>,
      %mul3A_410 = arith.mulf %gather3A_409, %mul3A_396 : vector<16xf32>
      %swap3A_411 = arith.index_cast %add3A_389 : i32 to index
      %swap3A_412 = tpu.vector_load %arg32[%swap3A_411] {strides = array<i32>} : memref<4000xf32, #tpu.memory_space<vmem>>, vector<16xf32>,
      tpu.vector_store %arg32[%swap3A_411], %mul3A_410 {strides = array<i32>} : memref<4000xf32, #tpu.memory_space<vmem>>, vector<16xf32>,
    }
    %scan3A_110 = arith.constant 50 : i32
    %dma_start3A_111 = arith.constant 0 : i32
    %dma_start3A_112 = tpu.memref_slice %arg15[%dma_start3A_111] : memref<10240xf32, #tpu.memory_space<vmem_shared>> -> memref<10240xf32, #tpu.memory_space<vmem_shared>>
    tpu.enqueue_indirect_dma source(%arg29 : memref<4000xf32, #tpu.memory_space<vmem>>) target(%dma_start3A_112 : memref<10240xf32, #tpu.memory_space<vmem_shared>>) offsets(%arg23 : memref<4000xi32, #tpu.memory_space<vmem>>) semaphore(%arg43 : memref<!tpu.dma_semaphore, #tpu.memory_space<semaphore_mem>>) {add = true}
    %dma_start3A_113 = arith.constant 0 : i32
    %dma_start3A_114 = tpu.memref_slice %arg16[%dma_start3A_113] : memref<10240xf32, #tpu.memory_space<vmem_shared>> -> memref<10240xf32, #tpu.memory_space<vmem_shared>>
    tpu.enqueue_indirect_dma source(%arg30 : memref<4000xf32, #tpu.memory_space<vmem>>) target(%dma_start3A_114 : memref<10240xf32, #tpu.memory_space<vmem_shared>>) offsets(%arg23 : memref<4000xi32, #tpu.memory_space<vmem>>) semaphore(%arg43 : memref<!tpu.dma_semaphore, #tpu.memory_space<semaphore_mem>>) {add = true}
    %dma_start3A_115 = arith.constant 0 : i32
    %dma_start3A_116 = tpu.memref_slice %arg17[%dma_start3A_115] : memref<10240xf32, #tpu.memory_space<vmem_shared>> -> memref<10240xf32, #tpu.memory_space<vmem_shared>>
    tpu.enqueue_indirect_dma source(%arg31 : memref<4000xf32, #tpu.memory_space<vmem>>) target(%dma_start3A_116 : memref<10240xf32, #tpu.memory_space<vmem_shared>>) offsets(%arg23 : memref<4000xi32, #tpu.memory_space<vmem>>) semaphore(%arg43 : memref<!tpu.dma_semaphore, #tpu.memory_space<semaphore_mem>>) {add = true}
    %dma_start3A_117 = arith.constant 0 : i32
    %dma_start3A_118 = tpu.memref_slice %arg18[%dma_start3A_117] : memref<10240xf32, #tpu.memory_space<vmem_shared>> -> memref<10240xf32, #tpu.memory_space<vmem_shared>>
    tpu.enqueue_indirect_dma source(%arg32 : memref<4000xf32, #tpu.memory_space<vmem>>) target(%dma_start3A_118 : memref<10240xf32, #tpu.memory_space<vmem_shared>>) offsets(%arg23 : memref<4000xi32, #tpu.memory_space<vmem>>) semaphore(%arg43 : memref<!tpu.dma_semaphore, #tpu.memory_space<semaphore_mem>>) {add = true}
    %mul3A_119 = arith.constant 20000 : i32
    %mul3A_120 = arith.muli %arg1, %mul3A_119 : i32
    %add3A_121 = arith.constant 8000 : i32
    %add3A_122 = arith.addi %mul3A_120, %add3A_121 : i32
    %dma_wait3A_123 = tpu.memref_slice %arg3[%add3A_122] : memref<320000xi32, #tpu.memory_space<hbm>> -> memref<4000xi32, #tpu.memory_space<hbm>>
    %dma_wait3A_124 = tpu.memref_slice %arg3[%add3A_122] : memref<320000xi32, #tpu.memory_space<hbm>> -> memref<4000xi32, #tpu.memory_space<hbm>>
    tpu.wait_dma2 semaphore(%arg38 : memref<!tpu.dma_semaphore, #tpu.memory_space<semaphore_mem>>) src(%dma_wait3A_124 : memref<4000xi32, #tpu.memory_space<hbm>>) dst(%arg40 : memref<4000xi32, #tpu.memory_space<vmem>>)
    %dma_wait3A_125 = tpu.memref_slice %arg4[%add3A_122] : memref<320000xi32, #tpu.memory_space<hbm>> -> memref<4000xi32, #tpu.memory_space<hbm>>
    %dma_wait3A_126 = tpu.memref_slice %arg4[%add3A_122] : memref<320000xi32, #tpu.memory_space<hbm>> -> memref<4000xi32, #tpu.memory_space<hbm>>
    tpu.wait_dma2 semaphore(%arg38 : memref<!tpu.dma_semaphore, #tpu.memory_space<semaphore_mem>>) src(%dma_wait3A_126 : memref<4000xi32, #tpu.memory_space<hbm>>) dst(%arg24 : memref<4000xi32, #tpu.memory_space<vmem>>)
    %dma_wait3A_127 = tpu.memref_slice %arg5[%add3A_122] : memref<320000xf32, #tpu.memory_space<hbm>> -> memref<4000xf32, #tpu.memory_space<hbm>>
    %dma_wait3A_128 = tpu.memref_slice %arg5[%add3A_122] : memref<320000xf32, #tpu.memory_space<hbm>> -> memref<4000xf32, #tpu.memory_space<hbm>>
    tpu.wait_dma2 semaphore(%arg38 : memref<!tpu.dma_semaphore, #tpu.memory_space<semaphore_mem>>) src(%dma_wait3A_128 : memref<4000xf32, #tpu.memory_space<hbm>>) dst(%arg46 : memref<4000xf32, #tpu.memory_space<vmem>>)
    %dma_wait3A_129 = tpu.memref_slice %arg6[%add3A_122] : memref<320000xf32, #tpu.memory_space<hbm>> -> memref<4000xf32, #tpu.memory_space<hbm>>
    %dma_wait3A_130 = tpu.memref_slice %arg6[%add3A_122] : memref<320000xf32, #tpu.memory_space<hbm>> -> memref<4000xf32, #tpu.memory_space<hbm>>
    tpu.wait_dma2 semaphore(%arg38 : memref<!tpu.dma_semaphore, #tpu.memory_space<semaphore_mem>>) src(%dma_wait3A_130 : memref<4000xf32, #tpu.memory_space<hbm>>) dst(%arg19 : memref<4000xf32, #tpu.memory_space<vmem>>)
    %mul3A_131 = arith.constant 20000 : i32
    %mul3A_132 = arith.muli %arg1, %mul3A_131 : i32
    %add3A_133 = arith.constant 12000 : i32
    %add3A_134 = arith.addi %mul3A_132, %add3A_133 : i32
    %dma_start3A_135 = tpu.memref_slice %arg3[%add3A_134] : memref<320000xi32, #tpu.memory_space<hbm>> -> memref<4000xi32, #tpu.memory_space<hbm>>
    %dma_start3A_136 = tpu.memref_slice %arg3[%add3A_134] : memref<320000xi32, #tpu.memory_space<hbm>> -> memref<4000xi32, #tpu.memory_space<hbm>>
    tpu.enqueue_dma source(%dma_start3A_136 : memref<4000xi32, #tpu.memory_space<hbm>>) target(%arg41 : memref<4000xi32, #tpu.memory_space<vmem>>) target_semaphore(%arg39 : memref<!tpu.dma_semaphore, #tpu.memory_space<semaphore_mem>>)
    %dma_start3A_137 = tpu.memref_slice %arg4[%add3A_134] : memref<320000xi32, #tpu.memory_space<hbm>> -> memref<4000xi32, #tpu.memory_space<hbm>>
    %dma_start3A_138 = tpu.memref_slice %arg4[%add3A_134] : memref<320000xi32, #tpu.memory_space<hbm>> -> memref<4000xi32, #tpu.memory_space<hbm>>
    tpu.enqueue_dma source(%dma_start3A_138 : memref<4000xi32, #tpu.memory_space<hbm>>) target(%arg22 : memref<4000xi32, #tpu.memory_space<vmem>>) target_semaphore(%arg39 : memref<!tpu.dma_semaphore, #tpu.memory_space<semaphore_mem>>)
    %dma_start3A_139 = tpu.memref_slice %arg5[%add3A_134] : memref<320000xf32, #tpu.memory_space<hbm>> -> memref<4000xf32, #tpu.memory_space<hbm>>
    %dma_start3A_140 = tpu.memref_slice %arg5[%add3A_134] : memref<320000xf32, #tpu.memory_space<hbm>> -> memref<4000xf32, #tpu.memory_space<hbm>>
    tpu.enqueue_dma source(%dma_start3A_140 : memref<4000xf32, #tpu.memory_space<hbm>>) target(%arg47 : memref<4000xf32, #tpu.memory_space<vmem>>) target_semaphore(%arg39 : memref<!tpu.dma_semaphore, #tpu.memory_space<semaphore_mem>>)
    %dma_start3A_141 = tpu.memref_slice %arg6[%add3A_134] : memref<320000xf32, #tpu.memory_space<hbm>> -> memref<4000xf32, #tpu.memory_space<hbm>>
    %dma_start3A_142 = tpu.memref_slice %arg6[%add3A_134] : memref<320000xf32, #tpu.memory_space<hbm>> -> memref<4000xf32, #tpu.memory_space<hbm>>
    tpu.enqueue_dma source(%dma_start3A_142 : memref<4000xf32, #tpu.memory_space<hbm>>) target(%arg20 : memref<4000xf32, #tpu.memory_space<vmem>>) target_semaphore(%arg39 : memref<!tpu.dma_semaphore, #tpu.memory_space<semaphore_mem>>)
    %dma_wait3A_143 = arith.constant 0 : i32
    %dma_wait3A_144 = tpu.memref_slice %arg15[%dma_wait3A_143] : memref<10240xf32, #tpu.memory_space<vmem_shared>> -> memref<10240xf32, #tpu.memory_space<vmem_shared>>
    tpu.wait_indirect_dma semaphore(%arg42 : memref<!tpu.dma_semaphore, #tpu.memory_space<semaphore_mem>>) src(%arg25 : memref<4000xf32, #tpu.memory_space<vmem>>) dst(%dma_wait3A_144 : memref<10240xf32, #tpu.memory_space<vmem_shared>>)
    %dma_wait3A_145 = arith.constant 0 : i32
    %dma_wait3A_146 = tpu.memref_slice %arg16[%dma_wait3A_145] : memref<10240xf32, #tpu.memory_space<vmem_shared>> -> memref<10240xf32, #tpu.memory_space<vmem_shared>>
    tpu.wait_indirect_dma semaphore(%arg42 : memref<!tpu.dma_semaphore, #tpu.memory_space<semaphore_mem>>) src(%arg26 : memref<4000xf32, #tpu.memory_space<vmem>>) dst(%dma_wait3A_146 : memref<10240xf32, #tpu.memory_space<vmem_shared>>)
    %dma_wait3A_147 = arith.constant 0 : i32
    %dma_wait3A_148 = tpu.memref_slice %arg17[%dma_wait3A_147] : memref<10240xf32, #tpu.memory_space<vmem_shared>> -> memref<10240xf32, #tpu.memory_space<vmem_shared>>
    tpu.wait_indirect_dma semaphore(%arg42 : memref<!tpu.dma_semaphore, #tpu.memory_space<semaphore_mem>>) src(%arg27 : memref<4000xf32, #tpu.memory_space<vmem>>) dst(%dma_wait3A_148 : memref<10240xf32, #tpu.memory_space<vmem_shared>>)
    %dma_wait3A_149 = arith.constant 0 : i32
    %dma_wait3A_150 = tpu.memref_slice %arg18[%dma_wait3A_149] : memref<10240xf32, #tpu.memory_space<vmem_shared>> -> memref<10240xf32, #tpu.memory_space<vmem_shared>>
    tpu.wait_indirect_dma semaphore(%arg42 : memref<!tpu.dma_semaphore, #tpu.memory_space<semaphore_mem>>) src(%arg28 : memref<4000xf32, #tpu.memory_space<vmem>>) dst(%dma_wait3A_150 : memref<10240xf32, #tpu.memory_space<vmem_shared>>)
    %scan3A_151 = arith.constant 0 : i32
    %scan3A_152 = arith.constant 50 : i32
    %scan3A_153 = arith.addi %scan3A_151, %scan3A_152 : i32
    %scan3A_154 = arith.constant 1 : i32
    scf.for %scan3A_280 = %scan3A_151 to %scan3A_153 step %scan3A_154  : i32 {
      %mul3A_281 = arith.constant 80 : i32
      %mul3A_282 = arith.muli %scan3A_280, %mul3A_281 : i32
      %add3A_283 = arith.constant 0 : i32
      %add3A_284 = arith.addi %mul3A_282, %add3A_283 : i32
      %get3A = arith.index_cast %add3A_284 : i32 to index
      %get3A_285 = tpu.vector_load %arg40[%get3A] {strides = array<i32>} : memref<4000xi32, #tpu.memory_space<vmem>>, vector<16xi32>,
      %get3A_286 = arith.index_cast %add3A_284 : i32 to index
      %get3A_287 = tpu.vector_load %arg46[%get3A_286] {strides = array<i32>} : memref<4000xf32, #tpu.memory_space<vmem>>, vector<16xf32>,
      %get3A_288 = arith.index_cast %add3A_284 : i32 to index
      %get3A_289 = tpu.vector_load %arg19[%get3A_288] {strides = array<i32>} : memref<4000xf32, #tpu.memory_space<vmem>>, vector<16xf32>,
      %mul3A_290 = arith.mulf %get3A_287, %get3A_289 : vector<16xf32>
      %gather3A = tpu.vector_load_idx %arg34[%get3A_285] : memref<10240xf32, #tpu.memory_space<vmem>>[vector<16xi32>], vector<16xf32>,
      %mul3A_291 = arith.mulf %gather3A, %mul3A_290 : vector<16xf32>
      %swap3A = arith.index_cast %add3A_284 : i32 to index
      %swap3A_292 = tpu.vector_load %arg25[%swap3A] {strides = array<i32>} : memref<4000xf32, #tpu.memory_space<vmem>>, vector<16xf32>,
      tpu.vector_store %arg25[%swap3A], %mul3A_291 {strides = array<i32>} : memref<4000xf32, #tpu.memory_space<vmem>>, vector<16xf32>,
      %gather3A_293 = tpu.vector_load_idx %arg35[%get3A_285] : memref<10240xf32, #tpu.memory_space<vmem>>[vector<16xi32>], vector<16xf32>,
      %mul3A_294 = arith.mulf %gather3A_293, %mul3A_290 : vector<16xf32>
      %swap3A_295 = arith.index_cast %add3A_284 : i32 to index
      %swap3A_296 = tpu.vector_load %arg26[%swap3A_295] {strides = array<i32>} : memref<4000xf32, #tpu.memory_space<vmem>>, vector<16xf32>,
      tpu.vector_store %arg26[%swap3A_295], %mul3A_294 {strides = array<i32>} : memref<4000xf32, #tpu.memory_space<vmem>>, vector<16xf32>,
      %gather3A_297 = tpu.vector_load_idx %arg36[%get3A_285] : memref<10240xf32, #tpu.memory_space<vmem>>[vector<16xi32>], vector<16xf32>,
      %mul3A_298 = arith.mulf %gather3A_297, %mul3A_290 : vector<16xf32>
      %swap3A_299 = arith.index_cast %add3A_284 : i32 to index
      %swap3A_300 = tpu.vector_load %arg27[%swap3A_299] {strides = array<i32>} : memref<4000xf32, #tpu.memory_space<vmem>>, vector<16xf32>,
      tpu.vector_store %arg27[%swap3A_299], %mul3A_298 {strides = array<i32>} : memref<4000xf32, #tpu.memory_space<vmem>>, vector<16xf32>,
      %gather3A_301 = tpu.vector_load_idx %arg37[%get3A_285] : memref<10240xf32, #tpu.memory_space<vmem>>[vector<16xi32>], vector<16xf32>,
      %mul3A_302 = arith.mulf %gather3A_301, %mul3A_290 : vector<16xf32>
      %swap3A_303 = arith.index_cast %add3A_284 : i32 to index
      %swap3A_304 = tpu.vector_load %arg28[%swap3A_303] {strides = array<i32>} : memref<4000xf32, #tpu.memory_space<vmem>>, vector<16xf32>,
      tpu.vector_store %arg28[%swap3A_303], %mul3A_302 {strides = array<i32>} : memref<4000xf32, #tpu.memory_space<vmem>>, vector<16xf32>,
      %mul3A_305 = arith.constant 80 : i32
      %mul3A_306 = arith.muli %scan3A_280, %mul3A_305 : i32
      %add3A_307 = arith.constant 16 : i32
      %add3A_308 = arith.addi %mul3A_306, %add3A_307 : i32
      %get3A_309 = arith.index_cast %add3A_308 : i32 to index
      %get3A_310 = tpu.vector_load %arg40[%get3A_309] {strides = array<i32>} : memref<4000xi32, #tpu.memory_space<vmem>>, vector<16xi32>,
      %get3A_311 = arith.index_cast %add3A_308 : i32 to index
      %get3A_312 = tpu.vector_load %arg46[%get3A_311] {strides = array<i32>} : memref<4000xf32, #tpu.memory_space<vmem>>, vector<16xf32>,
      %get3A_313 = arith.index_cast %add3A_308 : i32 to index
      %get3A_314 = tpu.vector_load %arg19[%get3A_313] {strides = array<i32>} : memref<4000xf32, #tpu.memory_space<vmem>>, vector<16xf32>,
      %mul3A_315 = arith.mulf %get3A_312, %get3A_314 : vector<16xf32>
      %gather3A_316 = tpu.vector_load_idx %arg34[%get3A_310] : memref<10240xf32, #tpu.memory_space<vmem>>[vector<16xi32>], vector<16xf32>,
      %mul3A_317 = arith.mulf %gather3A_316, %mul3A_315 : vector<16xf32>
      %swap3A_318 = arith.index_cast %add3A_308 : i32 to index
      %swap3A_319 = tpu.vector_load %arg25[%swap3A_318] {strides = array<i32>} : memref<4000xf32, #tpu.memory_space<vmem>>, vector<16xf32>,
      tpu.vector_store %arg25[%swap3A_318], %mul3A_317 {strides = array<i32>} : memref<4000xf32, #tpu.memory_space<vmem>>, vector<16xf32>,
      %gather3A_320 = tpu.vector_load_idx %arg35[%get3A_310] : memref<10240xf32, #tpu.memory_space<vmem>>[vector<16xi32>], vector<16xf32>,
      %mul3A_321 = arith.mulf %gather3A_320, %mul3A_315 : vector<16xf32>
      %swap3A_322 = arith.index_cast %add3A_308 : i32 to index
      %swap3A_323 = tpu.vector_load %arg26[%swap3A_322] {strides = array<i32>} : memref<4000xf32, #tpu.memory_space<vmem>>, vector<16xf32>,
      tpu.vector_store %arg26[%swap3A_322], %mul3A_321 {strides = array<i32>} : memref<4000xf32, #tpu.memory_space<vmem>>, vector<16xf32>,
      %gather3A_324 = tpu.vector_load_idx %arg36[%get3A_310] : memref<10240xf32, #tpu.memory_space<vmem>>[vector<16xi32>], vector<16xf32>,
      %mul3A_325 = arith.mulf %gather3A_324, %mul3A_315 : vector<16xf32>
      %swap3A_326 = arith.index_cast %add3A_308 : i32 to index
      %swap3A_327 = tpu.vector_load %arg27[%swap3A_326] {strides = array<i32>} : memref<4000xf32, #tpu.memory_space<vmem>>, vector<16xf32>,
      tpu.vector_store %arg27[%swap3A_326], %mul3A_325 {strides = array<i32>} : memref<4000xf32, #tpu.memory_space<vmem>>, vector<16xf32>,
      %gather3A_328 = tpu.vector_load_idx %arg37[%get3A_310] : memref<10240xf32, #tpu.memory_space<vmem>>[vector<16xi32>], vector<16xf32>,
      %mul3A_329 = arith.mulf %gather3A_328, %mul3A_315 : vector<16xf32>
      %swap3A_330 = arith.index_cast %add3A_308 : i32 to index
      %swap3A_331 = tpu.vector_load %arg28[%swap3A_330] {strides = array<i32>} : memref<4000xf32, #tpu.memory_space<vmem>>, vector<16xf32>,
      tpu.vector_store %arg28[%swap3A_330], %mul3A_329 {strides = array<i32>} : memref<4000xf32, #tpu.memory_space<vmem>>, vector<16xf32>,
      %mul3A_332 = arith.constant 80 : i32
      %mul3A_333 = arith.muli %scan3A_280, %mul3A_332 : i32
      %add3A_334 = arith.constant 32 : i32
      %add3A_335 = arith.addi %mul3A_333, %add3A_334 : i32
      %get3A_336 = arith.index_cast %add3A_335 : i32 to index
      %get3A_337 = tpu.vector_load %arg40[%get3A_336] {strides = array<i32>} : memref<4000xi32, #tpu.memory_space<vmem>>, vector<16xi32>,
      %get3A_338 = arith.index_cast %add3A_335 : i32 to index
      %get3A_339 = tpu.vector_load %arg46[%get3A_338] {strides = array<i32>} : memref<4000xf32, #tpu.memory_space<vmem>>, vector<16xf32>,
      %get3A_340 = arith.index_cast %add3A_335 : i32 to index
      %get3A_341 = tpu.vector_load %arg19[%get3A_340] {strides = array<i32>} : memref<4000xf32, #tpu.memory_space<vmem>>, vector<16xf32>,
      %mul3A_342 = arith.mulf %get3A_339, %get3A_341 : vector<16xf32>
      %gather3A_343 = tpu.vector_load_idx %arg34[%get3A_337] : memref<10240xf32, #tpu.memory_space<vmem>>[vector<16xi32>], vector<16xf32>,
      %mul3A_344 = arith.mulf %gather3A_343, %mul3A_342 : vector<16xf32>
      %swap3A_345 = arith.index_cast %add3A_335 : i32 to index
      %swap3A_346 = tpu.vector_load %arg25[%swap3A_345] {strides = array<i32>} : memref<4000xf32, #tpu.memory_space<vmem>>, vector<16xf32>,
      tpu.vector_store %arg25[%swap3A_345], %mul3A_344 {strides = array<i32>} : memref<4000xf32, #tpu.memory_space<vmem>>, vector<16xf32>,
      %gather3A_347 = tpu.vector_load_idx %arg35[%get3A_337] : memref<10240xf32, #tpu.memory_space<vmem>>[vector<16xi32>], vector<16xf32>,
      %mul3A_348 = arith.mulf %gather3A_347, %mul3A_342 : vector<16xf32>
      %swap3A_349 = arith.index_cast %add3A_335 : i32 to index
      %swap3A_350 = tpu.vector_load %arg26[%swap3A_349] {strides = array<i32>} : memref<4000xf32, #tpu.memory_space<vmem>>, vector<16xf32>,
      tpu.vector_store %arg26[%swap3A_349], %mul3A_348 {strides = array<i32>} : memref<4000xf32, #tpu.memory_space<vmem>>, vector<16xf32>,
      %gather3A_351 = tpu.vector_load_idx %arg36[%get3A_337] : memref<10240xf32, #tpu.memory_space<vmem>>[vector<16xi32>], vector<16xf32>,
      %mul3A_352 = arith.mulf %gather3A_351, %mul3A_342 : vector<16xf32>
      %swap3A_353 = arith.index_cast %add3A_335 : i32 to index
      %swap3A_354 = tpu.vector_load %arg27[%swap3A_353] {strides = array<i32>} : memref<4000xf32, #tpu.memory_space<vmem>>, vector<16xf32>,
      tpu.vector_store %arg27[%swap3A_353], %mul3A_352 {strides = array<i32>} : memref<4000xf32, #tpu.memory_space<vmem>>, vector<16xf32>,
      %gather3A_355 = tpu.vector_load_idx %arg37[%get3A_337] : memref<10240xf32, #tpu.memory_space<vmem>>[vector<16xi32>], vector<16xf32>,
      %mul3A_356 = arith.mulf %gather3A_355, %mul3A_342 : vector<16xf32>
      %swap3A_357 = arith.index_cast %add3A_335 : i32 to index
      %swap3A_358 = tpu.vector_load %arg28[%swap3A_357] {strides = array<i32>} : memref<4000xf32, #tpu.memory_space<vmem>>, vector<16xf32>,
      tpu.vector_store %arg28[%swap3A_357], %mul3A_356 {strides = array<i32>} : memref<4000xf32, #tpu.memory_space<vmem>>, vector<16xf32>,
      %mul3A_359 = arith.constant 80 : i32
      %mul3A_360 = arith.muli %scan3A_280, %mul3A_359 : i32
      %add3A_361 = arith.constant 48 : i32
      %add3A_362 = arith.addi %mul3A_360, %add3A_361 : i32
      %get3A_363 = arith.index_cast %add3A_362 : i32 to index
      %get3A_364 = tpu.vector_load %arg40[%get3A_363] {strides = array<i32>} : memref<4000xi32, #tpu.memory_space<vmem>>, vector<16xi32>,
      %get3A_365 = arith.index_cast %add3A_362 : i32 to index
      %get3A_366 = tpu.vector_load %arg46[%get3A_365] {strides = array<i32>} : memref<4000xf32, #tpu.memory_space<vmem>>, vector<16xf32>,
      %get3A_367 = arith.index_cast %add3A_362 : i32 to index
      %get3A_368 = tpu.vector_load %arg19[%get3A_367] {strides = array<i32>} : memref<4000xf32, #tpu.memory_space<vmem>>, vector<16xf32>,
      %mul3A_369 = arith.mulf %get3A_366, %get3A_368 : vector<16xf32>
      %gather3A_370 = tpu.vector_load_idx %arg34[%get3A_364] : memref<10240xf32, #tpu.memory_space<vmem>>[vector<16xi32>], vector<16xf32>,
      %mul3A_371 = arith.mulf %gather3A_370, %mul3A_369 : vector<16xf32>
      %swap3A_372 = arith.index_cast %add3A_362 : i32 to index
      %swap3A_373 = tpu.vector_load %arg25[%swap3A_372] {strides = array<i32>} : memref<4000xf32, #tpu.memory_space<vmem>>, vector<16xf32>,
      tpu.vector_store %arg25[%swap3A_372], %mul3A_371 {strides = array<i32>} : memref<4000xf32, #tpu.memory_space<vmem>>, vector<16xf32>,
      %gather3A_374 = tpu.vector_load_idx %arg35[%get3A_364] : memref<10240xf32, #tpu.memory_space<vmem>>[vector<16xi32>], vector<16xf32>,
      %mul3A_375 = arith.mulf %gather3A_374, %mul3A_369 : vector<16xf32>
      %swap3A_376 = arith.index_cast %add3A_362 : i32 to index
      %swap3A_377 = tpu.vector_load %arg26[%swap3A_376] {strides = array<i32>} : memref<4000xf32, #tpu.memory_space<vmem>>, vector<16xf32>,
      tpu.vector_store %arg26[%swap3A_376], %mul3A_375 {strides = array<i32>} : memref<4000xf32, #tpu.memory_space<vmem>>, vector<16xf32>,
      %gather3A_378 = tpu.vector_load_idx %arg36[%get3A_364] : memref<10240xf32, #tpu.memory_space<vmem>>[vector<16xi32>], vector<16xf32>,
      %mul3A_379 = arith.mulf %gather3A_378, %mul3A_369 : vector<16xf32>
      %swap3A_380 = arith.index_cast %add3A_362 : i32 to index
      %swap3A_381 = tpu.vector_load %arg27[%swap3A_380] {strides = array<i32>} : memref<4000xf32, #tpu.memory_space<vmem>>, vector<16xf32>,
      tpu.vector_store %arg27[%swap3A_380], %mul3A_379 {strides = array<i32>} : memref<4000xf32, #tpu.memory_space<vmem>>, vector<16xf32>,
      %gather3A_382 = tpu.vector_load_idx %arg37[%get3A_364] : memref<10240xf32, #tpu.memory_space<vmem>>[vector<16xi32>], vector<16xf32>,
      %mul3A_383 = arith.mulf %gather3A_382, %mul3A_369 : vector<16xf32>
      %swap3A_384 = arith.index_cast %add3A_362 : i32 to index
      %swap3A_385 = tpu.vector_load %arg28[%swap3A_384] {strides = array<i32>} : memref<4000xf32, #tpu.memory_space<vmem>>, vector<16xf32>,
      tpu.vector_store %arg28[%swap3A_384], %mul3A_383 {strides = array<i32>} : memref<4000xf32, #tpu.memory_space<vmem>>, vector<16xf32>,
      %mul3A_386 = arith.constant 80 : i32
      %mul3A_387 = arith.muli %scan3A_280, %mul3A_386 : i32
      %add3A_388 = arith.constant 64 : i32
      %add3A_389 = arith.addi %mul3A_387, %add3A_388 : i32
      %get3A_390 = arith.index_cast %add3A_389 : i32 to index
      %get3A_391 = tpu.vector_load %arg40[%get3A_390] {strides = array<i32>} : memref<4000xi32, #tpu.memory_space<vmem>>, vector<16xi32>,
      %get3A_392 = arith.index_cast %add3A_389 : i32 to index
      %get3A_393 = tpu.vector_load %arg46[%get3A_392] {strides = array<i32>} : memref<4000xf32, #tpu.memory_space<vmem>>, vector<16xf32>,
      %get3A_394 = arith.index_cast %add3A_389 : i32 to index
      %get3A_395 = tpu.vector_load %arg19[%get3A_394] {strides = array<i32>} : memref<4000xf32, #tpu.memory_space<vmem>>, vector<16xf32>,
      %mul3A_396 = arith.mulf %get3A_393, %get3A_395 : vector<16xf32>
      %gather3A_397 = tpu.vector_load_idx %arg34[%get3A_391] : memref<10240xf32, #tpu.memory_space<vmem>>[vector<16xi32>], vector<16xf32>,
      %mul3A_398 = arith.mulf %gather3A_397, %mul3A_396 : vector<16xf32>
      %swap3A_399 = arith.index_cast %add3A_389 : i32 to index
      %swap3A_400 = tpu.vector_load %arg25[%swap3A_399] {strides = array<i32>} : memref<4000xf32, #tpu.memory_space<vmem>>, vector<16xf32>,
      tpu.vector_store %arg25[%swap3A_399], %mul3A_398 {strides = array<i32>} : memref<4000xf32, #tpu.memory_space<vmem>>, vector<16xf32>,
      %gather3A_401 = tpu.vector_load_idx %arg35[%get3A_391] : memref<10240xf32, #tpu.memory_space<vmem>>[vector<16xi32>], vector<16xf32>,
      %mul3A_402 = arith.mulf %gather3A_401, %mul3A_396 : vector<16xf32>
      %swap3A_403 = arith.index_cast %add3A_389 : i32 to index
      %swap3A_404 = tpu.vector_load %arg26[%swap3A_403] {strides = array<i32>} : memref<4000xf32, #tpu.memory_space<vmem>>, vector<16xf32>,
      tpu.vector_store %arg26[%swap3A_403], %mul3A_402 {strides = array<i32>} : memref<4000xf32, #tpu.memory_space<vmem>>, vector<16xf32>,
      %gather3A_405 = tpu.vector_load_idx %arg36[%get3A_391] : memref<10240xf32, #tpu.memory_space<vmem>>[vector<16xi32>], vector<16xf32>,
      %mul3A_406 = arith.mulf %gather3A_405, %mul3A_396 : vector<16xf32>
      %swap3A_407 = arith.index_cast %add3A_389 : i32 to index
      %swap3A_408 = tpu.vector_load %arg27[%swap3A_407] {strides = array<i32>} : memref<4000xf32, #tpu.memory_space<vmem>>, vector<16xf32>,
      tpu.vector_store %arg27[%swap3A_407], %mul3A_406 {strides = array<i32>} : memref<4000xf32, #tpu.memory_space<vmem>>, vector<16xf32>,
      %gather3A_409 = tpu.vector_load_idx %arg37[%get3A_391] : memref<10240xf32, #tpu.memory_space<vmem>>[vector<16xi32>], vector<16xf32>,
      %mul3A_410 = arith.mulf %gather3A_409, %mul3A_396 : vector<16xf32>
      %swap3A_411 = arith.index_cast %add3A_389 : i32 to index
      %swap3A_412 = tpu.vector_load %arg28[%swap3A_411] {strides = array<i32>} : memref<4000xf32, #tpu.memory_space<vmem>>, vector<16xf32>,
      tpu.vector_store %arg28[%swap3A_411], %mul3A_410 {strides = array<i32>} : memref<4000xf32, #tpu.memory_space<vmem>>, vector<16xf32>,
    }
    %scan3A_155 = arith.constant 50 : i32
    %dma_start3A_156 = arith.constant 0 : i32
    %dma_start3A_157 = tpu.memref_slice %arg15[%dma_start3A_156] : memref<10240xf32, #tpu.memory_space<vmem_shared>> -> memref<10240xf32, #tpu.memory_space<vmem_shared>>
    tpu.enqueue_indirect_dma source(%arg25 : memref<4000xf32, #tpu.memory_space<vmem>>) target(%dma_start3A_157 : memref<10240xf32, #tpu.memory_space<vmem_shared>>) offsets(%arg24 : memref<4000xi32, #tpu.memory_space<vmem>>) semaphore(%arg44 : memref<!tpu.dma_semaphore, #tpu.memory_space<semaphore_mem>>) {add = true}
    %dma_start3A_158 = arith.constant 0 : i32
    %dma_start3A_159 = tpu.memref_slice %arg16[%dma_start3A_158] : memref<10240xf32, #tpu.memory_space<vmem_shared>> -> memref<10240xf32, #tpu.memory_space<vmem_shared>>
    tpu.enqueue_indirect_dma source(%arg26 : memref<4000xf32, #tpu.memory_space<vmem>>) target(%dma_start3A_159 : memref<10240xf32, #tpu.memory_space<vmem_shared>>) offsets(%arg24 : memref<4000xi32, #tpu.memory_space<vmem>>) semaphore(%arg44 : memref<!tpu.dma_semaphore, #tpu.memory_space<semaphore_mem>>) {add = true}
    %dma_start3A_160 = arith.constant 0 : i32
    %dma_start3A_161 = tpu.memref_slice %arg17[%dma_start3A_160] : memref<10240xf32, #tpu.memory_space<vmem_shared>> -> memref<10240xf32, #tpu.memory_space<vmem_shared>>
    tpu.enqueue_indirect_dma source(%arg27 : memref<4000xf32, #tpu.memory_space<vmem>>) target(%dma_start3A_161 : memref<10240xf32, #tpu.memory_space<vmem_shared>>) offsets(%arg24 : memref<4000xi32, #tpu.memory_space<vmem>>) semaphore(%arg44 : memref<!tpu.dma_semaphore, #tpu.memory_space<semaphore_mem>>) {add = true}
    %dma_start3A_162 = arith.constant 0 : i32
    %dma_start3A_163 = tpu.memref_slice %arg18[%dma_start3A_162] : memref<10240xf32, #tpu.memory_space<vmem_shared>> -> memref<10240xf32, #tpu.memory_space<vmem_shared>>
    tpu.enqueue_indirect_dma source(%arg28 : memref<4000xf32, #tpu.memory_space<vmem>>) target(%dma_start3A_163 : memref<10240xf32, #tpu.memory_space<vmem_shared>>) offsets(%arg24 : memref<4000xi32, #tpu.memory_space<vmem>>) semaphore(%arg44 : memref<!tpu.dma_semaphore, #tpu.memory_space<semaphore_mem>>) {add = true}
    %mul3A_164 = arith.constant 20000 : i32
    %mul3A_165 = arith.muli %arg1, %mul3A_164 : i32
    %add3A_166 = arith.constant 12000 : i32
    %add3A_167 = arith.addi %mul3A_165, %add3A_166 : i32
    %dma_wait3A_168 = tpu.memref_slice %arg3[%add3A_167] : memref<320000xi32, #tpu.memory_space<hbm>> -> memref<4000xi32, #tpu.memory_space<hbm>>
    %dma_wait3A_169 = tpu.memref_slice %arg3[%add3A_167] : memref<320000xi32, #tpu.memory_space<hbm>> -> memref<4000xi32, #tpu.memory_space<hbm>>
    tpu.wait_dma2 semaphore(%arg39 : memref<!tpu.dma_semaphore, #tpu.memory_space<semaphore_mem>>) src(%dma_wait3A_169 : memref<4000xi32, #tpu.memory_space<hbm>>) dst(%arg41 : memref<4000xi32, #tpu.memory_space<vmem>>)
    %dma_wait3A_170 = tpu.memref_slice %arg4[%add3A_167] : memref<320000xi32, #tpu.memory_space<hbm>> -> memref<4000xi32, #tpu.memory_space<hbm>>
    %dma_wait3A_171 = tpu.memref_slice %arg4[%add3A_167] : memref<320000xi32, #tpu.memory_space<hbm>> -> memref<4000xi32, #tpu.memory_space<hbm>>
    tpu.wait_dma2 semaphore(%arg39 : memref<!tpu.dma_semaphore, #tpu.memory_space<semaphore_mem>>) src(%dma_wait3A_171 : memref<4000xi32, #tpu.memory_space<hbm>>) dst(%arg22 : memref<4000xi32, #tpu.memory_space<vmem>>)
    %dma_wait3A_172 = tpu.memref_slice %arg5[%add3A_167] : memref<320000xf32, #tpu.memory_space<hbm>> -> memref<4000xf32, #tpu.memory_space<hbm>>
    %dma_wait3A_173 = tpu.memref_slice %arg5[%add3A_167] : memref<320000xf32, #tpu.memory_space<hbm>> -> memref<4000xf32, #tpu.memory_space<hbm>>
    tpu.wait_dma2 semaphore(%arg39 : memref<!tpu.dma_semaphore, #tpu.memory_space<semaphore_mem>>) src(%dma_wait3A_173 : memref<4000xf32, #tpu.memory_space<hbm>>) dst(%arg47 : memref<4000xf32, #tpu.memory_space<vmem>>)
    %dma_wait3A_174 = tpu.memref_slice %arg6[%add3A_167] : memref<320000xf32, #tpu.memory_space<hbm>> -> memref<4000xf32, #tpu.memory_space<hbm>>
    %dma_wait3A_175 = tpu.memref_slice %arg6[%add3A_167] : memref<320000xf32, #tpu.memory_space<hbm>> -> memref<4000xf32, #tpu.memory_space<hbm>>
    tpu.wait_dma2 semaphore(%arg39 : memref<!tpu.dma_semaphore, #tpu.memory_space<semaphore_mem>>) src(%dma_wait3A_175 : memref<4000xf32, #tpu.memory_space<hbm>>) dst(%arg20 : memref<4000xf32, #tpu.memory_space<vmem>>)
    %mul3A_176 = arith.constant 20000 : i32
    %mul3A_177 = arith.muli %arg1, %mul3A_176 : i32
    %add3A_178 = arith.constant 16000 : i32
    %add3A_179 = arith.addi %mul3A_177, %add3A_178 : i32
    %dma_start3A_180 = tpu.memref_slice %arg3[%add3A_179] : memref<320000xi32, #tpu.memory_space<hbm>> -> memref<4000xi32, #tpu.memory_space<hbm>>
    %dma_start3A_181 = tpu.memref_slice %arg3[%add3A_179] : memref<320000xi32, #tpu.memory_space<hbm>> -> memref<4000xi32, #tpu.memory_space<hbm>>
    tpu.enqueue_dma source(%dma_start3A_181 : memref<4000xi32, #tpu.memory_space<hbm>>) target(%arg40 : memref<4000xi32, #tpu.memory_space<vmem>>) target_semaphore(%arg38 : memref<!tpu.dma_semaphore, #tpu.memory_space<semaphore_mem>>)
    %dma_start3A_182 = tpu.memref_slice %arg4[%add3A_179] : memref<320000xi32, #tpu.memory_space<hbm>> -> memref<4000xi32, #tpu.memory_space<hbm>>
    %dma_start3A_183 = tpu.memref_slice %arg4[%add3A_179] : memref<320000xi32, #tpu.memory_space<hbm>> -> memref<4000xi32, #tpu.memory_space<hbm>>
    tpu.enqueue_dma source(%dma_start3A_183 : memref<4000xi32, #tpu.memory_space<hbm>>) target(%arg23 : memref<4000xi32, #tpu.memory_space<vmem>>) target_semaphore(%arg38 : memref<!tpu.dma_semaphore, #tpu.memory_space<semaphore_mem>>)
    %dma_start3A_184 = tpu.memref_slice %arg5[%add3A_179] : memref<320000xf32, #tpu.memory_space<hbm>> -> memref<4000xf32, #tpu.memory_space<hbm>>
    %dma_start3A_185 = tpu.memref_slice %arg5[%add3A_179] : memref<320000xf32, #tpu.memory_space<hbm>> -> memref<4000xf32, #tpu.memory_space<hbm>>
    tpu.enqueue_dma source(%dma_start3A_185 : memref<4000xf32, #tpu.memory_space<hbm>>) target(%arg46 : memref<4000xf32, #tpu.memory_space<vmem>>) target_semaphore(%arg38 : memref<!tpu.dma_semaphore, #tpu.memory_space<semaphore_mem>>)
    %dma_start3A_186 = tpu.memref_slice %arg6[%add3A_179] : memref<320000xf32, #tpu.memory_space<hbm>> -> memref<4000xf32, #tpu.memory_space<hbm>>
    %dma_start3A_187 = tpu.memref_slice %arg6[%add3A_179] : memref<320000xf32, #tpu.memory_space<hbm>> -> memref<4000xf32, #tpu.memory_space<hbm>>
    tpu.enqueue_dma source(%dma_start3A_187 : memref<4000xf32, #tpu.memory_space<hbm>>) target(%arg19 : memref<4000xf32, #tpu.memory_space<vmem>>) target_semaphore(%arg38 : memref<!tpu.dma_semaphore, #tpu.memory_space<semaphore_mem>>)
    %dma_wait3A_188 = arith.constant 0 : i32
    %dma_wait3A_189 = tpu.memref_slice %arg15[%dma_wait3A_188] : memref<10240xf32, #tpu.memory_space<vmem_shared>> -> memref<10240xf32, #tpu.memory_space<vmem_shared>>
    tpu.wait_indirect_dma semaphore(%arg43 : memref<!tpu.dma_semaphore, #tpu.memory_space<semaphore_mem>>) src(%arg29 : memref<4000xf32, #tpu.memory_space<vmem>>) dst(%dma_wait3A_189 : memref<10240xf32, #tpu.memory_space<vmem_shared>>)
    %dma_wait3A_190 = arith.constant 0 : i32
    %dma_wait3A_191 = tpu.memref_slice %arg16[%dma_wait3A_190] : memref<10240xf32, #tpu.memory_space<vmem_shared>> -> memref<10240xf32, #tpu.memory_space<vmem_shared>>
    tpu.wait_indirect_dma semaphore(%arg43 : memref<!tpu.dma_semaphore, #tpu.memory_space<semaphore_mem>>) src(%arg30 : memref<4000xf32, #tpu.memory_space<vmem>>) dst(%dma_wait3A_191 : memref<10240xf32, #tpu.memory_space<vmem_shared>>)
    %dma_wait3A_192 = arith.constant 0 : i32
    %dma_wait3A_193 = tpu.memref_slice %arg17[%dma_wait3A_192] : memref<10240xf32, #tpu.memory_space<vmem_shared>> -> memref<10240xf32, #tpu.memory_space<vmem_shared>>
    tpu.wait_indirect_dma semaphore(%arg43 : memref<!tpu.dma_semaphore, #tpu.memory_space<semaphore_mem>>) src(%arg31 : memref<4000xf32, #tpu.memory_space<vmem>>) dst(%dma_wait3A_193 : memref<10240xf32, #tpu.memory_space<vmem_shared>>)
    %dma_wait3A_194 = arith.constant 0 : i32
    %dma_wait3A_195 = tpu.memref_slice %arg18[%dma_wait3A_194] : memref<10240xf32, #tpu.memory_space<vmem_shared>> -> memref<10240xf32, #tpu.memory_space<vmem_shared>>
    tpu.wait_indirect_dma semaphore(%arg43 : memref<!tpu.dma_semaphore, #tpu.memory_space<semaphore_mem>>) src(%arg32 : memref<4000xf32, #tpu.memory_space<vmem>>) dst(%dma_wait3A_195 : memref<10240xf32, #tpu.memory_space<vmem_shared>>)
    %scan3A_196 = arith.constant 0 : i32
    %scan3A_197 = arith.constant 50 : i32
    %scan3A_198 = arith.addi %scan3A_196, %scan3A_197 : i32
    %scan3A_199 = arith.constant 1 : i32
    scf.for %scan3A_280 = %scan3A_196 to %scan3A_198 step %scan3A_199  : i32 {
      %mul3A_281 = arith.constant 80 : i32
      %mul3A_282 = arith.muli %scan3A_280, %mul3A_281 : i32
      %add3A_283 = arith.constant 0 : i32
      %add3A_284 = arith.addi %mul3A_282, %add3A_283 : i32
      %get3A = arith.index_cast %add3A_284 : i32 to index
      %get3A_285 = tpu.vector_load %arg41[%get3A] {strides = array<i32>} : memref<4000xi32, #tpu.memory_space<vmem>>, vector<16xi32>,
      %get3A_286 = arith.index_cast %add3A_284 : i32 to index
      %get3A_287 = tpu.vector_load %arg47[%get3A_286] {strides = array<i32>} : memref<4000xf32, #tpu.memory_space<vmem>>, vector<16xf32>,
      %get3A_288 = arith.index_cast %add3A_284 : i32 to index
      %get3A_289 = tpu.vector_load %arg20[%get3A_288] {strides = array<i32>} : memref<4000xf32, #tpu.memory_space<vmem>>, vector<16xf32>,
      %mul3A_290 = arith.mulf %get3A_287, %get3A_289 : vector<16xf32>
      %gather3A = tpu.vector_load_idx %arg34[%get3A_285] : memref<10240xf32, #tpu.memory_space<vmem>>[vector<16xi32>], vector<16xf32>,
      %mul3A_291 = arith.mulf %gather3A, %mul3A_290 : vector<16xf32>
      %swap3A = arith.index_cast %add3A_284 : i32 to index
      %swap3A_292 = tpu.vector_load %arg29[%swap3A] {strides = array<i32>} : memref<4000xf32, #tpu.memory_space<vmem>>, vector<16xf32>,
      tpu.vector_store %arg29[%swap3A], %mul3A_291 {strides = array<i32>} : memref<4000xf32, #tpu.memory_space<vmem>>, vector<16xf32>,
      %gather3A_293 = tpu.vector_load_idx %arg35[%get3A_285] : memref<10240xf32, #tpu.memory_space<vmem>>[vector<16xi32>], vector<16xf32>,
      %mul3A_294 = arith.mulf %gather3A_293, %mul3A_290 : vector<16xf32>
      %swap3A_295 = arith.index_cast %add3A_284 : i32 to index
      %swap3A_296 = tpu.vector_load %arg30[%swap3A_295] {strides = array<i32>} : memref<4000xf32, #tpu.memory_space<vmem>>, vector<16xf32>,
      tpu.vector_store %arg30[%swap3A_295], %mul3A_294 {strides = array<i32>} : memref<4000xf32, #tpu.memory_space<vmem>>, vector<16xf32>,
      %gather3A_297 = tpu.vector_load_idx %arg36[%get3A_285] : memref<10240xf32, #tpu.memory_space<vmem>>[vector<16xi32>], vector<16xf32>,
      %mul3A_298 = arith.mulf %gather3A_297, %mul3A_290 : vector<16xf32>
      %swap3A_299 = arith.index_cast %add3A_284 : i32 to index
      %swap3A_300 = tpu.vector_load %arg31[%swap3A_299] {strides = array<i32>} : memref<4000xf32, #tpu.memory_space<vmem>>, vector<16xf32>,
      tpu.vector_store %arg31[%swap3A_299], %mul3A_298 {strides = array<i32>} : memref<4000xf32, #tpu.memory_space<vmem>>, vector<16xf32>,
      %gather3A_301 = tpu.vector_load_idx %arg37[%get3A_285] : memref<10240xf32, #tpu.memory_space<vmem>>[vector<16xi32>], vector<16xf32>,
      %mul3A_302 = arith.mulf %gather3A_301, %mul3A_290 : vector<16xf32>
      %swap3A_303 = arith.index_cast %add3A_284 : i32 to index
      %swap3A_304 = tpu.vector_load %arg32[%swap3A_303] {strides = array<i32>} : memref<4000xf32, #tpu.memory_space<vmem>>, vector<16xf32>,
      tpu.vector_store %arg32[%swap3A_303], %mul3A_302 {strides = array<i32>} : memref<4000xf32, #tpu.memory_space<vmem>>, vector<16xf32>,
      %mul3A_305 = arith.constant 80 : i32
      %mul3A_306 = arith.muli %scan3A_280, %mul3A_305 : i32
      %add3A_307 = arith.constant 16 : i32
      %add3A_308 = arith.addi %mul3A_306, %add3A_307 : i32
      %get3A_309 = arith.index_cast %add3A_308 : i32 to index
      %get3A_310 = tpu.vector_load %arg41[%get3A_309] {strides = array<i32>} : memref<4000xi32, #tpu.memory_space<vmem>>, vector<16xi32>,
      %get3A_311 = arith.index_cast %add3A_308 : i32 to index
      %get3A_312 = tpu.vector_load %arg47[%get3A_311] {strides = array<i32>} : memref<4000xf32, #tpu.memory_space<vmem>>, vector<16xf32>,
      %get3A_313 = arith.index_cast %add3A_308 : i32 to index
      %get3A_314 = tpu.vector_load %arg20[%get3A_313] {strides = array<i32>} : memref<4000xf32, #tpu.memory_space<vmem>>, vector<16xf32>,
      %mul3A_315 = arith.mulf %get3A_312, %get3A_314 : vector<16xf32>
      %gather3A_316 = tpu.vector_load_idx %arg34[%get3A_310] : memref<10240xf32, #tpu.memory_space<vmem>>[vector<16xi32>], vector<16xf32>,
      %mul3A_317 = arith.mulf %gather3A_316, %mul3A_315 : vector<16xf32>
      %swap3A_318 = arith.index_cast %add3A_308 : i32 to index
      %swap3A_319 = tpu.vector_load %arg29[%swap3A_318] {strides = array<i32>} : memref<4000xf32, #tpu.memory_space<vmem>>, vector<16xf32>,
      tpu.vector_store %arg29[%swap3A_318], %mul3A_317 {strides = array<i32>} : memref<4000xf32, #tpu.memory_space<vmem>>, vector<16xf32>,
      %gather3A_320 = tpu.vector_load_idx %arg35[%get3A_310] : memref<10240xf32, #tpu.memory_space<vmem>>[vector<16xi32>], vector<16xf32>,
      %mul3A_321 = arith.mulf %gather3A_320, %mul3A_315 : vector<16xf32>
      %swap3A_322 = arith.index_cast %add3A_308 : i32 to index
      %swap3A_323 = tpu.vector_load %arg30[%swap3A_322] {strides = array<i32>} : memref<4000xf32, #tpu.memory_space<vmem>>, vector<16xf32>,
      tpu.vector_store %arg30[%swap3A_322], %mul3A_321 {strides = array<i32>} : memref<4000xf32, #tpu.memory_space<vmem>>, vector<16xf32>,
      %gather3A_324 = tpu.vector_load_idx %arg36[%get3A_310] : memref<10240xf32, #tpu.memory_space<vmem>>[vector<16xi32>], vector<16xf32>,
      %mul3A_325 = arith.mulf %gather3A_324, %mul3A_315 : vector<16xf32>
      %swap3A_326 = arith.index_cast %add3A_308 : i32 to index
      %swap3A_327 = tpu.vector_load %arg31[%swap3A_326] {strides = array<i32>} : memref<4000xf32, #tpu.memory_space<vmem>>, vector<16xf32>,
      tpu.vector_store %arg31[%swap3A_326], %mul3A_325 {strides = array<i32>} : memref<4000xf32, #tpu.memory_space<vmem>>, vector<16xf32>,
      %gather3A_328 = tpu.vector_load_idx %arg37[%get3A_310] : memref<10240xf32, #tpu.memory_space<vmem>>[vector<16xi32>], vector<16xf32>,
      %mul3A_329 = arith.mulf %gather3A_328, %mul3A_315 : vector<16xf32>
      %swap3A_330 = arith.index_cast %add3A_308 : i32 to index
      %swap3A_331 = tpu.vector_load %arg32[%swap3A_330] {strides = array<i32>} : memref<4000xf32, #tpu.memory_space<vmem>>, vector<16xf32>,
      tpu.vector_store %arg32[%swap3A_330], %mul3A_329 {strides = array<i32>} : memref<4000xf32, #tpu.memory_space<vmem>>, vector<16xf32>,
      %mul3A_332 = arith.constant 80 : i32
      %mul3A_333 = arith.muli %scan3A_280, %mul3A_332 : i32
      %add3A_334 = arith.constant 32 : i32
      %add3A_335 = arith.addi %mul3A_333, %add3A_334 : i32
      %get3A_336 = arith.index_cast %add3A_335 : i32 to index
      %get3A_337 = tpu.vector_load %arg41[%get3A_336] {strides = array<i32>} : memref<4000xi32, #tpu.memory_space<vmem>>, vector<16xi32>,
      %get3A_338 = arith.index_cast %add3A_335 : i32 to index
      %get3A_339 = tpu.vector_load %arg47[%get3A_338] {strides = array<i32>} : memref<4000xf32, #tpu.memory_space<vmem>>, vector<16xf32>,
      %get3A_340 = arith.index_cast %add3A_335 : i32 to index
      %get3A_341 = tpu.vector_load %arg20[%get3A_340] {strides = array<i32>} : memref<4000xf32, #tpu.memory_space<vmem>>, vector<16xf32>,
      %mul3A_342 = arith.mulf %get3A_339, %get3A_341 : vector<16xf32>
      %gather3A_343 = tpu.vector_load_idx %arg34[%get3A_337] : memref<10240xf32, #tpu.memory_space<vmem>>[vector<16xi32>], vector<16xf32>,
      %mul3A_344 = arith.mulf %gather3A_343, %mul3A_342 : vector<16xf32>
      %swap3A_345 = arith.index_cast %add3A_335 : i32 to index
      %swap3A_346 = tpu.vector_load %arg29[%swap3A_345] {strides = array<i32>} : memref<4000xf32, #tpu.memory_space<vmem>>, vector<16xf32>,
      tpu.vector_store %arg29[%swap3A_345], %mul3A_344 {strides = array<i32>} : memref<4000xf32, #tpu.memory_space<vmem>>, vector<16xf32>,
      %gather3A_347 = tpu.vector_load_idx %arg35[%get3A_337] : memref<10240xf32, #tpu.memory_space<vmem>>[vector<16xi32>], vector<16xf32>,
      %mul3A_348 = arith.mulf %gather3A_347, %mul3A_342 : vector<16xf32>
      %swap3A_349 = arith.index_cast %add3A_335 : i32 to index
      %swap3A_350 = tpu.vector_load %arg30[%swap3A_349] {strides = array<i32>} : memref<4000xf32, #tpu.memory_space<vmem>>, vector<16xf32>,
      tpu.vector_store %arg30[%swap3A_349], %mul3A_348 {strides = array<i32>} : memref<4000xf32, #tpu.memory_space<vmem>>, vector<16xf32>,
      %gather3A_351 = tpu.vector_load_idx %arg36[%get3A_337] : memref<10240xf32, #tpu.memory_space<vmem>>[vector<16xi32>], vector<16xf32>,
      %mul3A_352 = arith.mulf %gather3A_351, %mul3A_342 : vector<16xf32>
      %swap3A_353 = arith.index_cast %add3A_335 : i32 to index
      %swap3A_354 = tpu.vector_load %arg31[%swap3A_353] {strides = array<i32>} : memref<4000xf32, #tpu.memory_space<vmem>>, vector<16xf32>,
      tpu.vector_store %arg31[%swap3A_353], %mul3A_352 {strides = array<i32>} : memref<4000xf32, #tpu.memory_space<vmem>>, vector<16xf32>,
      %gather3A_355 = tpu.vector_load_idx %arg37[%get3A_337] : memref<10240xf32, #tpu.memory_space<vmem>>[vector<16xi32>], vector<16xf32>,
      %mul3A_356 = arith.mulf %gather3A_355, %mul3A_342 : vector<16xf32>
      %swap3A_357 = arith.index_cast %add3A_335 : i32 to index
      %swap3A_358 = tpu.vector_load %arg32[%swap3A_357] {strides = array<i32>} : memref<4000xf32, #tpu.memory_space<vmem>>, vector<16xf32>,
      tpu.vector_store %arg32[%swap3A_357], %mul3A_356 {strides = array<i32>} : memref<4000xf32, #tpu.memory_space<vmem>>, vector<16xf32>,
      %mul3A_359 = arith.constant 80 : i32
      %mul3A_360 = arith.muli %scan3A_280, %mul3A_359 : i32
      %add3A_361 = arith.constant 48 : i32
      %add3A_362 = arith.addi %mul3A_360, %add3A_361 : i32
      %get3A_363 = arith.index_cast %add3A_362 : i32 to index
      %get3A_364 = tpu.vector_load %arg41[%get3A_363] {strides = array<i32>} : memref<4000xi32, #tpu.memory_space<vmem>>, vector<16xi32>,
      %get3A_365 = arith.index_cast %add3A_362 : i32 to index
      %get3A_366 = tpu.vector_load %arg47[%get3A_365] {strides = array<i32>} : memref<4000xf32, #tpu.memory_space<vmem>>, vector<16xf32>,
      %get3A_367 = arith.index_cast %add3A_362 : i32 to index
      %get3A_368 = tpu.vector_load %arg20[%get3A_367] {strides = array<i32>} : memref<4000xf32, #tpu.memory_space<vmem>>, vector<16xf32>,
      %mul3A_369 = arith.mulf %get3A_366, %get3A_368 : vector<16xf32>
      %gather3A_370 = tpu.vector_load_idx %arg34[%get3A_364] : memref<10240xf32, #tpu.memory_space<vmem>>[vector<16xi32>], vector<16xf32>,
      %mul3A_371 = arith.mulf %gather3A_370, %mul3A_369 : vector<16xf32>
      %swap3A_372 = arith.index_cast %add3A_362 : i32 to index
      %swap3A_373 = tpu.vector_load %arg29[%swap3A_372] {strides = array<i32>} : memref<4000xf32, #tpu.memory_space<vmem>>, vector<16xf32>,
      tpu.vector_store %arg29[%swap3A_372], %mul3A_371 {strides = array<i32>} : memref<4000xf32, #tpu.memory_space<vmem>>, vector<16xf32>,
      %gather3A_374 = tpu.vector_load_idx %arg35[%get3A_364] : memref<10240xf32, #tpu.memory_space<vmem>>[vector<16xi32>], vector<16xf32>,
      %mul3A_375 = arith.mulf %gather3A_374, %mul3A_369 : vector<16xf32>
      %swap3A_376 = arith.index_cast %add3A_362 : i32 to index
      %swap3A_377 = tpu.vector_load %arg30[%swap3A_376] {strides = array<i32>} : memref<4000xf32, #tpu.memory_space<vmem>>, vector<16xf32>,
      tpu.vector_store %arg30[%swap3A_376], %mul3A_375 {strides = array<i32>} : memref<4000xf32, #tpu.memory_space<vmem>>, vector<16xf32>,
      %gather3A_378 = tpu.vector_load_idx %arg36[%get3A_364] : memref<10240xf32, #tpu.memory_space<vmem>>[vector<16xi32>], vector<16xf32>,
      %mul3A_379 = arith.mulf %gather3A_378, %mul3A_369 : vector<16xf32>
      %swap3A_380 = arith.index_cast %add3A_362 : i32 to index
      %swap3A_381 = tpu.vector_load %arg31[%swap3A_380] {strides = array<i32>} : memref<4000xf32, #tpu.memory_space<vmem>>, vector<16xf32>,
      tpu.vector_store %arg31[%swap3A_380], %mul3A_379 {strides = array<i32>} : memref<4000xf32, #tpu.memory_space<vmem>>, vector<16xf32>,
      %gather3A_382 = tpu.vector_load_idx %arg37[%get3A_364] : memref<10240xf32, #tpu.memory_space<vmem>>[vector<16xi32>], vector<16xf32>,
      %mul3A_383 = arith.mulf %gather3A_382, %mul3A_369 : vector<16xf32>
      %swap3A_384 = arith.index_cast %add3A_362 : i32 to index
      %swap3A_385 = tpu.vector_load %arg32[%swap3A_384] {strides = array<i32>} : memref<4000xf32, #tpu.memory_space<vmem>>, vector<16xf32>,
      tpu.vector_store %arg32[%swap3A_384], %mul3A_383 {strides = array<i32>} : memref<4000xf32, #tpu.memory_space<vmem>>, vector<16xf32>,
      %mul3A_386 = arith.constant 80 : i32
      %mul3A_387 = arith.muli %scan3A_280, %mul3A_386 : i32
      %add3A_388 = arith.constant 64 : i32
      %add3A_389 = arith.addi %mul3A_387, %add3A_388 : i32
      %get3A_390 = arith.index_cast %add3A_389 : i32 to index
      %get3A_391 = tpu.vector_load %arg41[%get3A_390] {strides = array<i32>} : memref<4000xi32, #tpu.memory_space<vmem>>, vector<16xi32>,
      %get3A_392 = arith.index_cast %add3A_389 : i32 to index
      %get3A_393 = tpu.vector_load %arg47[%get3A_392] {strides = array<i32>} : memref<4000xf32, #tpu.memory_space<vmem>>, vector<16xf32>,
      %get3A_394 = arith.index_cast %add3A_389 : i32 to index
      %get3A_395 = tpu.vector_load %arg20[%get3A_394] {strides = array<i32>} : memref<4000xf32, #tpu.memory_space<vmem>>, vector<16xf32>,
      %mul3A_396 = arith.mulf %get3A_393, %get3A_395 : vector<16xf32>
      %gather3A_397 = tpu.vector_load_idx %arg34[%get3A_391] : memref<10240xf32, #tpu.memory_space<vmem>>[vector<16xi32>], vector<16xf32>,
      %mul3A_398 = arith.mulf %gather3A_397, %mul3A_396 : vector<16xf32>
      %swap3A_399 = arith.index_cast %add3A_389 : i32 to index
      %swap3A_400 = tpu.vector_load %arg29[%swap3A_399] {strides = array<i32>} : memref<4000xf32, #tpu.memory_space<vmem>>, vector<16xf32>,
      tpu.vector_store %arg29[%swap3A_399], %mul3A_398 {strides = array<i32>} : memref<4000xf32, #tpu.memory_space<vmem>>, vector<16xf32>,
      %gather3A_401 = tpu.vector_load_idx %arg35[%get3A_391] : memref<10240xf32, #tpu.memory_space<vmem>>[vector<16xi32>], vector<16xf32>,
      %mul3A_402 = arith.mulf %gather3A_401, %mul3A_396 : vector<16xf32>
      %swap3A_403 = arith.index_cast %add3A_389 : i32 to index
      %swap3A_404 = tpu.vector_load %arg30[%swap3A_403] {strides = array<i32>} : memref<4000xf32, #tpu.memory_space<vmem>>, vector<16xf32>,
      tpu.vector_store %arg30[%swap3A_403], %mul3A_402 {strides = array<i32>} : memref<4000xf32, #tpu.memory_space<vmem>>, vector<16xf32>,
      %gather3A_405 = tpu.vector_load_idx %arg36[%get3A_391] : memref<10240xf32, #tpu.memory_space<vmem>>[vector<16xi32>], vector<16xf32>,
      %mul3A_406 = arith.mulf %gather3A_405, %mul3A_396 : vector<16xf32>
      %swap3A_407 = arith.index_cast %add3A_389 : i32 to index
      %swap3A_408 = tpu.vector_load %arg31[%swap3A_407] {strides = array<i32>} : memref<4000xf32, #tpu.memory_space<vmem>>, vector<16xf32>,
      tpu.vector_store %arg31[%swap3A_407], %mul3A_406 {strides = array<i32>} : memref<4000xf32, #tpu.memory_space<vmem>>, vector<16xf32>,
      %gather3A_409 = tpu.vector_load_idx %arg37[%get3A_391] : memref<10240xf32, #tpu.memory_space<vmem>>[vector<16xi32>], vector<16xf32>,
      %mul3A_410 = arith.mulf %gather3A_409, %mul3A_396 : vector<16xf32>
      %swap3A_411 = arith.index_cast %add3A_389 : i32 to index
      %swap3A_412 = tpu.vector_load %arg32[%swap3A_411] {strides = array<i32>} : memref<4000xf32, #tpu.memory_space<vmem>>, vector<16xf32>,
      tpu.vector_store %arg32[%swap3A_411], %mul3A_410 {strides = array<i32>} : memref<4000xf32, #tpu.memory_space<vmem>>, vector<16xf32>,
    }
    %scan3A_200 = arith.constant 50 : i32
    %dma_start3A_201 = arith.constant 0 : i32
    %dma_start3A_202 = tpu.memref_slice %arg15[%dma_start3A_201] : memref<10240xf32, #tpu.memory_space<vmem_shared>> -> memref<10240xf32, #tpu.memory_space<vmem_shared>>
    tpu.enqueue_indirect_dma source(%arg29 : memref<4000xf32, #tpu.memory_space<vmem>>) target(%dma_start3A_202 : memref<10240xf32, #tpu.memory_space<vmem_shared>>) offsets(%arg22 : memref<4000xi32, #tpu.memory_space<vmem>>) semaphore(%arg42 : memref<!tpu.dma_semaphore, #tpu.memory_space<semaphore_mem>>) {add = true}
    %dma_start3A_203 = arith.constant 0 : i32
    %dma_start3A_204 = tpu.memref_slice %arg16[%dma_start3A_203] : memref<10240xf32, #tpu.memory_space<vmem_shared>> -> memref<10240xf32, #tpu.memory_space<vmem_shared>>
    tpu.enqueue_indirect_dma source(%arg30 : memref<4000xf32, #tpu.memory_space<vmem>>) target(%dma_start3A_204 : memref<10240xf32, #tpu.memory_space<vmem_shared>>) offsets(%arg22 : memref<4000xi32, #tpu.memory_space<vmem>>) semaphore(%arg42 : memref<!tpu.dma_semaphore, #tpu.memory_space<semaphore_mem>>) {add = true}
    %dma_start3A_205 = arith.constant 0 : i32
    %dma_start3A_206 = tpu.memref_slice %arg17[%dma_start3A_205] : memref<10240xf32, #tpu.memory_space<vmem_shared>> -> memref<10240xf32, #tpu.memory_space<vmem_shared>>
    tpu.enqueue_indirect_dma source(%arg31 : memref<4000xf32, #tpu.memory_space<vmem>>) target(%dma_start3A_206 : memref<10240xf32, #tpu.memory_space<vmem_shared>>) offsets(%arg22 : memref<4000xi32, #tpu.memory_space<vmem>>) semaphore(%arg42 : memref<!tpu.dma_semaphore, #tpu.memory_space<semaphore_mem>>) {add = true}
    %dma_start3A_207 = arith.constant 0 : i32
    %dma_start3A_208 = tpu.memref_slice %arg18[%dma_start3A_207] : memref<10240xf32, #tpu.memory_space<vmem_shared>> -> memref<10240xf32, #tpu.memory_space<vmem_shared>>
    tpu.enqueue_indirect_dma source(%arg32 : memref<4000xf32, #tpu.memory_space<vmem>>) target(%dma_start3A_208 : memref<10240xf32, #tpu.memory_space<vmem_shared>>) offsets(%arg22 : memref<4000xi32, #tpu.memory_space<vmem>>) semaphore(%arg42 : memref<!tpu.dma_semaphore, #tpu.memory_space<semaphore_mem>>) {add = true}
    %mul3A_209 = arith.constant 20000 : i32
    %mul3A_210 = arith.muli %arg1, %mul3A_209 : i32
    %add3A_211 = arith.constant 16000 : i32
    %add3A_212 = arith.addi %mul3A_210, %add3A_211 : i32
    %dma_wait3A_213 = tpu.memref_slice %arg3[%add3A_212] : memref<320000xi32, #tpu.memory_space<hbm>> -> memref<4000xi32, #tpu.memory_space<hbm>>
    %dma_wait3A_214 = tpu.memref_slice %arg3[%add3A_212] : memref<320000xi32, #tpu.memory_space<hbm>> -> memref<4000xi32, #tpu.memory_space<hbm>>
    tpu.wait_dma2 semaphore(%arg38 : memref<!tpu.dma_semaphore, #tpu.memory_space<semaphore_mem>>) src(%dma_wait3A_214 : memref<4000xi32, #tpu.memory_space<hbm>>) dst(%arg40 : memref<4000xi32, #tpu.memory_space<vmem>>)
    %dma_wait3A_215 = tpu.memref_slice %arg4[%add3A_212] : memref<320000xi32, #tpu.memory_space<hbm>> -> memref<4000xi32, #tpu.memory_space<hbm>>
    %dma_wait3A_216 = tpu.memref_slice %arg4[%add3A_212] : memref<320000xi32, #tpu.memory_space<hbm>> -> memref<4000xi32, #tpu.memory_space<hbm>>
    tpu.wait_dma2 semaphore(%arg38 : memref<!tpu.dma_semaphore, #tpu.memory_space<semaphore_mem>>) src(%dma_wait3A_216 : memref<4000xi32, #tpu.memory_space<hbm>>) dst(%arg23 : memref<4000xi32, #tpu.memory_space<vmem>>)
    %dma_wait3A_217 = tpu.memref_slice %arg5[%add3A_212] : memref<320000xf32, #tpu.memory_space<hbm>> -> memref<4000xf32, #tpu.memory_space<hbm>>
    %dma_wait3A_218 = tpu.memref_slice %arg5[%add3A_212] : memref<320000xf32, #tpu.memory_space<hbm>> -> memref<4000xf32, #tpu.memory_space<hbm>>
    tpu.wait_dma2 semaphore(%arg38 : memref<!tpu.dma_semaphore, #tpu.memory_space<semaphore_mem>>) src(%dma_wait3A_218 : memref<4000xf32, #tpu.memory_space<hbm>>) dst(%arg46 : memref<4000xf32, #tpu.memory_space<vmem>>)
    %dma_wait3A_219 = tpu.memref_slice %arg6[%add3A_212] : memref<320000xf32, #tpu.memory_space<hbm>> -> memref<4000xf32, #tpu.memory_space<hbm>>
    %dma_wait3A_220 = tpu.memref_slice %arg6[%add3A_212] : memref<320000xf32, #tpu.memory_space<hbm>> -> memref<4000xf32, #tpu.memory_space<hbm>>
    tpu.wait_dma2 semaphore(%arg38 : memref<!tpu.dma_semaphore, #tpu.memory_space<semaphore_mem>>) src(%dma_wait3A_220 : memref<4000xf32, #tpu.memory_space<hbm>>) dst(%arg19 : memref<4000xf32, #tpu.memory_space<vmem>>)
    %dma_wait3A_221 = arith.constant 0 : i32
    %dma_wait3A_222 = tpu.memref_slice %arg15[%dma_wait3A_221] : memref<10240xf32, #tpu.memory_space<vmem_shared>> -> memref<10240xf32, #tpu.memory_space<vmem_shared>>
    tpu.wait_indirect_dma semaphore(%arg44 : memref<!tpu.dma_semaphore, #tpu.memory_space<semaphore_mem>>) src(%arg25 : memref<4000xf32, #tpu.memory_space<vmem>>) dst(%dma_wait3A_222 : memref<10240xf32, #tpu.memory_space<vmem_shared>>)
    %dma_wait3A_223 = arith.constant 0 : i32
    %dma_wait3A_224 = tpu.memref_slice %arg16[%dma_wait3A_223] : memref<10240xf32, #tpu.memory_space<vmem_shared>> -> memref<10240xf32, #tpu.memory_space<vmem_shared>>
    tpu.wait_indirect_dma semaphore(%arg44 : memref<!tpu.dma_semaphore, #tpu.memory_space<semaphore_mem>>) src(%arg26 : memref<4000xf32, #tpu.memory_space<vmem>>) dst(%dma_wait3A_224 : memref<10240xf32, #tpu.memory_space<vmem_shared>>)
    %dma_wait3A_225 = arith.constant 0 : i32
    %dma_wait3A_226 = tpu.memref_slice %arg17[%dma_wait3A_225] : memref<10240xf32, #tpu.memory_space<vmem_shared>> -> memref<10240xf32, #tpu.memory_space<vmem_shared>>
    tpu.wait_indirect_dma semaphore(%arg44 : memref<!tpu.dma_semaphore, #tpu.memory_space<semaphore_mem>>) src(%arg27 : memref<4000xf32, #tpu.memory_space<vmem>>) dst(%dma_wait3A_226 : memref<10240xf32, #tpu.memory_space<vmem_shared>>)
    %dma_wait3A_227 = arith.constant 0 : i32
    %dma_wait3A_228 = tpu.memref_slice %arg18[%dma_wait3A_227] : memref<10240xf32, #tpu.memory_space<vmem_shared>> -> memref<10240xf32, #tpu.memory_space<vmem_shared>>
    tpu.wait_indirect_dma semaphore(%arg44 : memref<!tpu.dma_semaphore, #tpu.memory_space<semaphore_mem>>) src(%arg28 : memref<4000xf32, #tpu.memory_space<vmem>>) dst(%dma_wait3A_228 : memref<10240xf32, #tpu.memory_space<vmem_shared>>)
    %scan3A_229 = arith.constant 0 : i32
    %scan3A_230 = arith.constant 50 : i32
    %scan3A_231 = arith.addi %scan3A_229, %scan3A_230 : i32
    %scan3A_232 = arith.constant 1 : i32
    scf.for %scan3A_280 = %scan3A_229 to %scan3A_231 step %scan3A_232  : i32 {
      %mul3A_281 = arith.constant 80 : i32
      %mul3A_282 = arith.muli %scan3A_280, %mul3A_281 : i32
      %add3A_283 = arith.constant 0 : i32
      %add3A_284 = arith.addi %mul3A_282, %add3A_283 : i32
      %get3A = arith.index_cast %add3A_284 : i32 to index
      %get3A_285 = tpu.vector_load %arg40[%get3A] {strides = array<i32>} : memref<4000xi32, #tpu.memory_space<vmem>>, vector<16xi32>,
      %get3A_286 = arith.index_cast %add3A_284 : i32 to index
      %get3A_287 = tpu.vector_load %arg46[%get3A_286] {strides = array<i32>} : memref<4000xf32, #tpu.memory_space<vmem>>, vector<16xf32>,
      %get3A_288 = arith.index_cast %add3A_284 : i32 to index
      %get3A_289 = tpu.vector_load %arg19[%get3A_288] {strides = array<i32>} : memref<4000xf32, #tpu.memory_space<vmem>>, vector<16xf32>,
      %mul3A_290 = arith.mulf %get3A_287, %get3A_289 : vector<16xf32>
      %gather3A = tpu.vector_load_idx %arg34[%get3A_285] : memref<10240xf32, #tpu.memory_space<vmem>>[vector<16xi32>], vector<16xf32>,
      %mul3A_291 = arith.mulf %gather3A, %mul3A_290 : vector<16xf32>
      %swap3A = arith.index_cast %add3A_284 : i32 to index
      %swap3A_292 = tpu.vector_load %arg25[%swap3A] {strides = array<i32>} : memref<4000xf32, #tpu.memory_space<vmem>>, vector<16xf32>,
      tpu.vector_store %arg25[%swap3A], %mul3A_291 {strides = array<i32>} : memref<4000xf32, #tpu.memory_space<vmem>>, vector<16xf32>,
      %gather3A_293 = tpu.vector_load_idx %arg35[%get3A_285] : memref<10240xf32, #tpu.memory_space<vmem>>[vector<16xi32>], vector<16xf32>,
      %mul3A_294 = arith.mulf %gather3A_293, %mul3A_290 : vector<16xf32>
      %swap3A_295 = arith.index_cast %add3A_284 : i32 to index
      %swap3A_296 = tpu.vector_load %arg26[%swap3A_295] {strides = array<i32>} : memref<4000xf32, #tpu.memory_space<vmem>>, vector<16xf32>,
      tpu.vector_store %arg26[%swap3A_295], %mul3A_294 {strides = array<i32>} : memref<4000xf32, #tpu.memory_space<vmem>>, vector<16xf32>,
      %gather3A_297 = tpu.vector_load_idx %arg36[%get3A_285] : memref<10240xf32, #tpu.memory_space<vmem>>[vector<16xi32>], vector<16xf32>,
      %mul3A_298 = arith.mulf %gather3A_297, %mul3A_290 : vector<16xf32>
      %swap3A_299 = arith.index_cast %add3A_284 : i32 to index
      %swap3A_300 = tpu.vector_load %arg27[%swap3A_299] {strides = array<i32>} : memref<4000xf32, #tpu.memory_space<vmem>>, vector<16xf32>,
      tpu.vector_store %arg27[%swap3A_299], %mul3A_298 {strides = array<i32>} : memref<4000xf32, #tpu.memory_space<vmem>>, vector<16xf32>,
      %gather3A_301 = tpu.vector_load_idx %arg37[%get3A_285] : memref<10240xf32, #tpu.memory_space<vmem>>[vector<16xi32>], vector<16xf32>,
      %mul3A_302 = arith.mulf %gather3A_301, %mul3A_290 : vector<16xf32>
      %swap3A_303 = arith.index_cast %add3A_284 : i32 to index
      %swap3A_304 = tpu.vector_load %arg28[%swap3A_303] {strides = array<i32>} : memref<4000xf32, #tpu.memory_space<vmem>>, vector<16xf32>,
      tpu.vector_store %arg28[%swap3A_303], %mul3A_302 {strides = array<i32>} : memref<4000xf32, #tpu.memory_space<vmem>>, vector<16xf32>,
      %mul3A_305 = arith.constant 80 : i32
      %mul3A_306 = arith.muli %scan3A_280, %mul3A_305 : i32
      %add3A_307 = arith.constant 16 : i32
      %add3A_308 = arith.addi %mul3A_306, %add3A_307 : i32
      %get3A_309 = arith.index_cast %add3A_308 : i32 to index
      %get3A_310 = tpu.vector_load %arg40[%get3A_309] {strides = array<i32>} : memref<4000xi32, #tpu.memory_space<vmem>>, vector<16xi32>,
      %get3A_311 = arith.index_cast %add3A_308 : i32 to index
      %get3A_312 = tpu.vector_load %arg46[%get3A_311] {strides = array<i32>} : memref<4000xf32, #tpu.memory_space<vmem>>, vector<16xf32>,
      %get3A_313 = arith.index_cast %add3A_308 : i32 to index
      %get3A_314 = tpu.vector_load %arg19[%get3A_313] {strides = array<i32>} : memref<4000xf32, #tpu.memory_space<vmem>>, vector<16xf32>,
      %mul3A_315 = arith.mulf %get3A_312, %get3A_314 : vector<16xf32>
      %gather3A_316 = tpu.vector_load_idx %arg34[%get3A_310] : memref<10240xf32, #tpu.memory_space<vmem>>[vector<16xi32>], vector<16xf32>,
      %mul3A_317 = arith.mulf %gather3A_316, %mul3A_315 : vector<16xf32>
      %swap3A_318 = arith.index_cast %add3A_308 : i32 to index
      %swap3A_319 = tpu.vector_load %arg25[%swap3A_318] {strides = array<i32>} : memref<4000xf32, #tpu.memory_space<vmem>>, vector<16xf32>,
      tpu.vector_store %arg25[%swap3A_318], %mul3A_317 {strides = array<i32>} : memref<4000xf32, #tpu.memory_space<vmem>>, vector<16xf32>,
      %gather3A_320 = tpu.vector_load_idx %arg35[%get3A_310] : memref<10240xf32, #tpu.memory_space<vmem>>[vector<16xi32>], vector<16xf32>,
      %mul3A_321 = arith.mulf %gather3A_320, %mul3A_315 : vector<16xf32>
      %swap3A_322 = arith.index_cast %add3A_308 : i32 to index
      %swap3A_323 = tpu.vector_load %arg26[%swap3A_322] {strides = array<i32>} : memref<4000xf32, #tpu.memory_space<vmem>>, vector<16xf32>,
      tpu.vector_store %arg26[%swap3A_322], %mul3A_321 {strides = array<i32>} : memref<4000xf32, #tpu.memory_space<vmem>>, vector<16xf32>,
      %gather3A_324 = tpu.vector_load_idx %arg36[%get3A_310] : memref<10240xf32, #tpu.memory_space<vmem>>[vector<16xi32>], vector<16xf32>,
      %mul3A_325 = arith.mulf %gather3A_324, %mul3A_315 : vector<16xf32>
      %swap3A_326 = arith.index_cast %add3A_308 : i32 to index
      %swap3A_327 = tpu.vector_load %arg27[%swap3A_326] {strides = array<i32>} : memref<4000xf32, #tpu.memory_space<vmem>>, vector<16xf32>,
      tpu.vector_store %arg27[%swap3A_326], %mul3A_325 {strides = array<i32>} : memref<4000xf32, #tpu.memory_space<vmem>>, vector<16xf32>,
      %gather3A_328 = tpu.vector_load_idx %arg37[%get3A_310] : memref<10240xf32, #tpu.memory_space<vmem>>[vector<16xi32>], vector<16xf32>,
      %mul3A_329 = arith.mulf %gather3A_328, %mul3A_315 : vector<16xf32>
      %swap3A_330 = arith.index_cast %add3A_308 : i32 to index
      %swap3A_331 = tpu.vector_load %arg28[%swap3A_330] {strides = array<i32>} : memref<4000xf32, #tpu.memory_space<vmem>>, vector<16xf32>,
      tpu.vector_store %arg28[%swap3A_330], %mul3A_329 {strides = array<i32>} : memref<4000xf32, #tpu.memory_space<vmem>>, vector<16xf32>,
      %mul3A_332 = arith.constant 80 : i32
      %mul3A_333 = arith.muli %scan3A_280, %mul3A_332 : i32
      %add3A_334 = arith.constant 32 : i32
      %add3A_335 = arith.addi %mul3A_333, %add3A_334 : i32
      %get3A_336 = arith.index_cast %add3A_335 : i32 to index
      %get3A_337 = tpu.vector_load %arg40[%get3A_336] {strides = array<i32>} : memref<4000xi32, #tpu.memory_space<vmem>>, vector<16xi32>,
      %get3A_338 = arith.index_cast %add3A_335 : i32 to index
      %get3A_339 = tpu.vector_load %arg46[%get3A_338] {strides = array<i32>} : memref<4000xf32, #tpu.memory_space<vmem>>, vector<16xf32>,
      %get3A_340 = arith.index_cast %add3A_335 : i32 to index
      %get3A_341 = tpu.vector_load %arg19[%get3A_340] {strides = array<i32>} : memref<4000xf32, #tpu.memory_space<vmem>>, vector<16xf32>,
      %mul3A_342 = arith.mulf %get3A_339, %get3A_341 : vector<16xf32>
      %gather3A_343 = tpu.vector_load_idx %arg34[%get3A_337] : memref<10240xf32, #tpu.memory_space<vmem>>[vector<16xi32>], vector<16xf32>,
      %mul3A_344 = arith.mulf %gather3A_343, %mul3A_342 : vector<16xf32>
      %swap3A_345 = arith.index_cast %add3A_335 : i32 to index
      %swap3A_346 = tpu.vector_load %arg25[%swap3A_345] {strides = array<i32>} : memref<4000xf32, #tpu.memory_space<vmem>>, vector<16xf32>,
      tpu.vector_store %arg25[%swap3A_345], %mul3A_344 {strides = array<i32>} : memref<4000xf32, #tpu.memory_space<vmem>>, vector<16xf32>,
      %gather3A_347 = tpu.vector_load_idx %arg35[%get3A_337] : memref<10240xf32, #tpu.memory_space<vmem>>[vector<16xi32>], vector<16xf32>,
      %mul3A_348 = arith.mulf %gather3A_347, %mul3A_342 : vector<16xf32>
      %swap3A_349 = arith.index_cast %add3A_335 : i32 to index
      %swap3A_350 = tpu.vector_load %arg26[%swap3A_349] {strides = array<i32>} : memref<4000xf32, #tpu.memory_space<vmem>>, vector<16xf32>,
      tpu.vector_store %arg26[%swap3A_349], %mul3A_348 {strides = array<i32>} : memref<4000xf32, #tpu.memory_space<vmem>>, vector<16xf32>,
      %gather3A_351 = tpu.vector_load_idx %arg36[%get3A_337] : memref<10240xf32, #tpu.memory_space<vmem>>[vector<16xi32>], vector<16xf32>,
      %mul3A_352 = arith.mulf %gather3A_351, %mul3A_342 : vector<16xf32>
      %swap3A_353 = arith.index_cast %add3A_335 : i32 to index
      %swap3A_354 = tpu.vector_load %arg27[%swap3A_353] {strides = array<i32>} : memref<4000xf32, #tpu.memory_space<vmem>>, vector<16xf32>,
      tpu.vector_store %arg27[%swap3A_353], %mul3A_352 {strides = array<i32>} : memref<4000xf32, #tpu.memory_space<vmem>>, vector<16xf32>,
      %gather3A_355 = tpu.vector_load_idx %arg37[%get3A_337] : memref<10240xf32, #tpu.memory_space<vmem>>[vector<16xi32>], vector<16xf32>,
      %mul3A_356 = arith.mulf %gather3A_355, %mul3A_342 : vector<16xf32>
      %swap3A_357 = arith.index_cast %add3A_335 : i32 to index
      %swap3A_358 = tpu.vector_load %arg28[%swap3A_357] {strides = array<i32>} : memref<4000xf32, #tpu.memory_space<vmem>>, vector<16xf32>,
      tpu.vector_store %arg28[%swap3A_357], %mul3A_356 {strides = array<i32>} : memref<4000xf32, #tpu.memory_space<vmem>>, vector<16xf32>,
      %mul3A_359 = arith.constant 80 : i32
      %mul3A_360 = arith.muli %scan3A_280, %mul3A_359 : i32
      %add3A_361 = arith.constant 48 : i32
      %add3A_362 = arith.addi %mul3A_360, %add3A_361 : i32
      %get3A_363 = arith.index_cast %add3A_362 : i32 to index
      %get3A_364 = tpu.vector_load %arg40[%get3A_363] {strides = array<i32>} : memref<4000xi32, #tpu.memory_space<vmem>>, vector<16xi32>,
      %get3A_365 = arith.index_cast %add3A_362 : i32 to index
      %get3A_366 = tpu.vector_load %arg46[%get3A_365] {strides = array<i32>} : memref<4000xf32, #tpu.memory_space<vmem>>, vector<16xf32>,
      %get3A_367 = arith.index_cast %add3A_362 : i32 to index
      %get3A_368 = tpu.vector_load %arg19[%get3A_367] {strides = array<i32>} : memref<4000xf32, #tpu.memory_space<vmem>>, vector<16xf32>,
      %mul3A_369 = arith.mulf %get3A_366, %get3A_368 : vector<16xf32>
      %gather3A_370 = tpu.vector_load_idx %arg34[%get3A_364] : memref<10240xf32, #tpu.memory_space<vmem>>[vector<16xi32>], vector<16xf32>,
      %mul3A_371 = arith.mulf %gather3A_370, %mul3A_369 : vector<16xf32>
      %swap3A_372 = arith.index_cast %add3A_362 : i32 to index
      %swap3A_373 = tpu.vector_load %arg25[%swap3A_372] {strides = array<i32>} : memref<4000xf32, #tpu.memory_space<vmem>>, vector<16xf32>,
      tpu.vector_store %arg25[%swap3A_372], %mul3A_371 {strides = array<i32>} : memref<4000xf32, #tpu.memory_space<vmem>>, vector<16xf32>,
      %gather3A_374 = tpu.vector_load_idx %arg35[%get3A_364] : memref<10240xf32, #tpu.memory_space<vmem>>[vector<16xi32>], vector<16xf32>,
      %mul3A_375 = arith.mulf %gather3A_374, %mul3A_369 : vector<16xf32>
      %swap3A_376 = arith.index_cast %add3A_362 : i32 to index
      %swap3A_377 = tpu.vector_load %arg26[%swap3A_376] {strides = array<i32>} : memref<4000xf32, #tpu.memory_space<vmem>>, vector<16xf32>,
      tpu.vector_store %arg26[%swap3A_376], %mul3A_375 {strides = array<i32>} : memref<4000xf32, #tpu.memory_space<vmem>>, vector<16xf32>,
      %gather3A_378 = tpu.vector_load_idx %arg36[%get3A_364] : memref<10240xf32, #tpu.memory_space<vmem>>[vector<16xi32>], vector<16xf32>,
      %mul3A_379 = arith.mulf %gather3A_378, %mul3A_369 : vector<16xf32>
      %swap3A_380 = arith.index_cast %add3A_362 : i32 to index
      %swap3A_381 = tpu.vector_load %arg27[%swap3A_380] {strides = array<i32>} : memref<4000xf32, #tpu.memory_space<vmem>>, vector<16xf32>,
      tpu.vector_store %arg27[%swap3A_380], %mul3A_379 {strides = array<i32>} : memref<4000xf32, #tpu.memory_space<vmem>>, vector<16xf32>,
      %gather3A_382 = tpu.vector_load_idx %arg37[%get3A_364] : memref<10240xf32, #tpu.memory_space<vmem>>[vector<16xi32>], vector<16xf32>,
      %mul3A_383 = arith.mulf %gather3A_382, %mul3A_369 : vector<16xf32>
      %swap3A_384 = arith.index_cast %add3A_362 : i32 to index
      %swap3A_385 = tpu.vector_load %arg28[%swap3A_384] {strides = array<i32>} : memref<4000xf32, #tpu.memory_space<vmem>>, vector<16xf32>,
      tpu.vector_store %arg28[%swap3A_384], %mul3A_383 {strides = array<i32>} : memref<4000xf32, #tpu.memory_space<vmem>>, vector<16xf32>,
      %mul3A_386 = arith.constant 80 : i32
      %mul3A_387 = arith.muli %scan3A_280, %mul3A_386 : i32
      %add3A_388 = arith.constant 64 : i32
      %add3A_389 = arith.addi %mul3A_387, %add3A_388 : i32
      %get3A_390 = arith.index_cast %add3A_389 : i32 to index
      %get3A_391 = tpu.vector_load %arg40[%get3A_390] {strides = array<i32>} : memref<4000xi32, #tpu.memory_space<vmem>>, vector<16xi32>,
      %get3A_392 = arith.index_cast %add3A_389 : i32 to index
      %get3A_393 = tpu.vector_load %arg46[%get3A_392] {strides = array<i32>} : memref<4000xf32, #tpu.memory_space<vmem>>, vector<16xf32>,
      %get3A_394 = arith.index_cast %add3A_389 : i32 to index
      %get3A_395 = tpu.vector_load %arg19[%get3A_394] {strides = array<i32>} : memref<4000xf32, #tpu.memory_space<vmem>>, vector<16xf32>,
      %mul3A_396 = arith.mulf %get3A_393, %get3A_395 : vector<16xf32>
      %gather3A_397 = tpu.vector_load_idx %arg34[%get3A_391] : memref<10240xf32, #tpu.memory_space<vmem>>[vector<16xi32>], vector<16xf32>,
      %mul3A_398 = arith.mulf %gather3A_397, %mul3A_396 : vector<16xf32>
      %swap3A_399 = arith.index_cast %add3A_389 : i32 to index
      %swap3A_400 = tpu.vector_load %arg25[%swap3A_399] {strides = array<i32>} : memref<4000xf32, #tpu.memory_space<vmem>>, vector<16xf32>,
      tpu.vector_store %arg25[%swap3A_399], %mul3A_398 {strides = array<i32>} : memref<4000xf32, #tpu.memory_space<vmem>>, vector<16xf32>,
      %gather3A_401 = tpu.vector_load_idx %arg35[%get3A_391] : memref<10240xf32, #tpu.memory_space<vmem>>[vector<16xi32>], vector<16xf32>,
      %mul3A_402 = arith.mulf %gather3A_401, %mul3A_396 : vector<16xf32>
      %swap3A_403 = arith.index_cast %add3A_389 : i32 to index
      %swap3A_404 = tpu.vector_load %arg26[%swap3A_403] {strides = array<i32>} : memref<4000xf32, #tpu.memory_space<vmem>>, vector<16xf32>,
      tpu.vector_store %arg26[%swap3A_403], %mul3A_402 {strides = array<i32>} : memref<4000xf32, #tpu.memory_space<vmem>>, vector<16xf32>,
      %gather3A_405 = tpu.vector_load_idx %arg36[%get3A_391] : memref<10240xf32, #tpu.memory_space<vmem>>[vector<16xi32>], vector<16xf32>,
      %mul3A_406 = arith.mulf %gather3A_405, %mul3A_396 : vector<16xf32>
      %swap3A_407 = arith.index_cast %add3A_389 : i32 to index
      %swap3A_408 = tpu.vector_load %arg27[%swap3A_407] {strides = array<i32>} : memref<4000xf32, #tpu.memory_space<vmem>>, vector<16xf32>,
      tpu.vector_store %arg27[%swap3A_407], %mul3A_406 {strides = array<i32>} : memref<4000xf32, #tpu.memory_space<vmem>>, vector<16xf32>,
      %gather3A_409 = tpu.vector_load_idx %arg37[%get3A_391] : memref<10240xf32, #tpu.memory_space<vmem>>[vector<16xi32>], vector<16xf32>,
      %mul3A_410 = arith.mulf %gather3A_409, %mul3A_396 : vector<16xf32>
      %swap3A_411 = arith.index_cast %add3A_389 : i32 to index
      %swap3A_412 = tpu.vector_load %arg28[%swap3A_411] {strides = array<i32>} : memref<4000xf32, #tpu.memory_space<vmem>>, vector<16xf32>,
      tpu.vector_store %arg28[%swap3A_411], %mul3A_410 {strides = array<i32>} : memref<4000xf32, #tpu.memory_space<vmem>>, vector<16xf32>,
    }
    %scan3A_233 = arith.constant 50 : i32
    %dma_start3A_234 = arith.constant 0 : i32
    %dma_start3A_235 = tpu.memref_slice %arg15[%dma_start3A_234] : memref<10240xf32, #tpu.memory_space<vmem_shared>> -> memref<10240xf32, #tpu.memory_space<vmem_shared>>
    tpu.enqueue_indirect_dma source(%arg25 : memref<4000xf32, #tpu.memory_space<vmem>>) target(%dma_start3A_235 : memref<10240xf32, #tpu.memory_space<vmem_shared>>) offsets(%arg23 : memref<4000xi32, #tpu.memory_space<vmem>>) semaphore(%arg43 : memref<!tpu.dma_semaphore, #tpu.memory_space<semaphore_mem>>) {add = true}
    %dma_start3A_236 = arith.constant 0 : i32
    %dma_start3A_237 = tpu.memref_slice %arg16[%dma_start3A_236] : memref<10240xf32, #tpu.memory_space<vmem_shared>> -> memref<10240xf32, #tpu.memory_space<vmem_shared>>
    tpu.enqueue_indirect_dma source(%arg26 : memref<4000xf32, #tpu.memory_space<vmem>>) target(%dma_start3A_237 : memref<10240xf32, #tpu.memory_space<vmem_shared>>) offsets(%arg23 : memref<4000xi32, #tpu.memory_space<vmem>>) semaphore(%arg43 : memref<!tpu.dma_semaphore, #tpu.memory_space<semaphore_mem>>) {add = true}
    %dma_start3A_238 = arith.constant 0 : i32
    %dma_start3A_239 = tpu.memref_slice %arg17[%dma_start3A_238] : memref<10240xf32, #tpu.memory_space<vmem_shared>> -> memref<10240xf32, #tpu.memory_space<vmem_shared>>
    tpu.enqueue_indirect_dma source(%arg27 : memref<4000xf32, #tpu.memory_space<vmem>>) target(%dma_start3A_239 : memref<10240xf32, #tpu.memory_space<vmem_shared>>) offsets(%arg23 : memref<4000xi32, #tpu.memory_space<vmem>>) semaphore(%arg43 : memref<!tpu.dma_semaphore, #tpu.memory_space<semaphore_mem>>) {add = true}
    %dma_start3A_240 = arith.constant 0 : i32
    %dma_start3A_241 = tpu.memref_slice %arg18[%dma_start3A_240] : memref<10240xf32, #tpu.memory_space<vmem_shared>> -> memref<10240xf32, #tpu.memory_space<vmem_shared>>
    tpu.enqueue_indirect_dma source(%arg28 : memref<4000xf32, #tpu.memory_space<vmem>>) target(%dma_start3A_241 : memref<10240xf32, #tpu.memory_space<vmem_shared>>) offsets(%arg23 : memref<4000xi32, #tpu.memory_space<vmem>>) semaphore(%arg43 : memref<!tpu.dma_semaphore, #tpu.memory_space<semaphore_mem>>) {add = true}
    %dma_wait3A_242 = arith.constant 0 : i32
    %dma_wait3A_243 = tpu.memref_slice %arg15[%dma_wait3A_242] : memref<10240xf32, #tpu.memory_space<vmem_shared>> -> memref<10240xf32, #tpu.memory_space<vmem_shared>>
    tpu.wait_indirect_dma semaphore(%arg42 : memref<!tpu.dma_semaphore, #tpu.memory_space<semaphore_mem>>) src(%arg29 : memref<4000xf32, #tpu.memory_space<vmem>>) dst(%dma_wait3A_243 : memref<10240xf32, #tpu.memory_space<vmem_shared>>)
    %dma_wait3A_244 = arith.constant 0 : i32
    %dma_wait3A_245 = tpu.memref_slice %arg16[%dma_wait3A_244] : memref<10240xf32, #tpu.memory_space<vmem_shared>> -> memref<10240xf32, #tpu.memory_space<vmem_shared>>
    tpu.wait_indirect_dma semaphore(%arg42 : memref<!tpu.dma_semaphore, #tpu.memory_space<semaphore_mem>>) src(%arg30 : memref<4000xf32, #tpu.memory_space<vmem>>) dst(%dma_wait3A_245 : memref<10240xf32, #tpu.memory_space<vmem_shared>>)
    %dma_wait3A_246 = arith.constant 0 : i32
    %dma_wait3A_247 = tpu.memref_slice %arg17[%dma_wait3A_246] : memref<10240xf32, #tpu.memory_space<vmem_shared>> -> memref<10240xf32, #tpu.memory_space<vmem_shared>>
    tpu.wait_indirect_dma semaphore(%arg42 : memref<!tpu.dma_semaphore, #tpu.memory_space<semaphore_mem>>) src(%arg31 : memref<4000xf32, #tpu.memory_space<vmem>>) dst(%dma_wait3A_247 : memref<10240xf32, #tpu.memory_space<vmem_shared>>)
    %dma_wait3A_248 = arith.constant 0 : i32
    %dma_wait3A_249 = tpu.memref_slice %arg18[%dma_wait3A_248] : memref<10240xf32, #tpu.memory_space<vmem_shared>> -> memref<10240xf32, #tpu.memory_space<vmem_shared>>
    tpu.wait_indirect_dma semaphore(%arg42 : memref<!tpu.dma_semaphore, #tpu.memory_space<semaphore_mem>>) src(%arg32 : memref<4000xf32, #tpu.memory_space<vmem>>) dst(%dma_wait3A_249 : memref<10240xf32, #tpu.memory_space<vmem_shared>>)
    %dma_wait3A_250 = arith.constant 0 : i32
    %dma_wait3A_251 = tpu.memref_slice %arg15[%dma_wait3A_250] : memref<10240xf32, #tpu.memory_space<vmem_shared>> -> memref<10240xf32, #tpu.memory_space<vmem_shared>>
    tpu.wait_indirect_dma semaphore(%arg43 : memref<!tpu.dma_semaphore, #tpu.memory_space<semaphore_mem>>) src(%arg25 : memref<4000xf32, #tpu.memory_space<vmem>>) dst(%dma_wait3A_251 : memref<10240xf32, #tpu.memory_space<vmem_shared>>)
    %dma_wait3A_252 = arith.constant 0 : i32
    %dma_wait3A_253 = tpu.memref_slice %arg16[%dma_wait3A_252] : memref<10240xf32, #tpu.memory_space<vmem_shared>> -> memref<10240xf32, #tpu.memory_space<vmem_shared>>
    tpu.wait_indirect_dma semaphore(%arg43 : memref<!tpu.dma_semaphore, #tpu.memory_space<semaphore_mem>>) src(%arg26 : memref<4000xf32, #tpu.memory_space<vmem>>) dst(%dma_wait3A_253 : memref<10240xf32, #tpu.memory_space<vmem_shared>>)
    %dma_wait3A_254 = arith.constant 0 : i32
    %dma_wait3A_255 = tpu.memref_slice %arg17[%dma_wait3A_254] : memref<10240xf32, #tpu.memory_space<vmem_shared>> -> memref<10240xf32, #tpu.memory_space<vmem_shared>>
    tpu.wait_indirect_dma semaphore(%arg43 : memref<!tpu.dma_semaphore, #tpu.memory_space<semaphore_mem>>) src(%arg27 : memref<4000xf32, #tpu.memory_space<vmem>>) dst(%dma_wait3A_255 : memref<10240xf32, #tpu.memory_space<vmem_shared>>)
    %dma_wait3A_256 = arith.constant 0 : i32
    %dma_wait3A_257 = tpu.memref_slice %arg18[%dma_wait3A_256] : memref<10240xf32, #tpu.memory_space<vmem_shared>> -> memref<10240xf32, #tpu.memory_space<vmem_shared>>
    tpu.wait_indirect_dma semaphore(%arg43 : memref<!tpu.dma_semaphore, #tpu.memory_space<semaphore_mem>>) src(%arg28 : memref<4000xf32, #tpu.memory_space<vmem>>) dst(%dma_wait3A_257 : memref<10240xf32, #tpu.memory_space<vmem_shared>>)
    %barrier3A_258 = arith.constant 0 : index
    tpu.barrier barrier_id(%barrier3A_258)
    %mul3A_259 = arith.constant 640 : i32
    %mul3A_260 = arith.muli %arg1, %mul3A_259 : i32
    "tpu.region"() ({
      %run_scoped3A = tpu.sem_alloc : memref<!tpu.dma_semaphore, #tpu.memory_space<semaphore_mem>>
      %dma_start3A_280 = tpu.memref_slice %arg15[%mul3A_260] : memref<10240xf32, #tpu.memory_space<vmem_shared>> -> memref<640xf32, #tpu.memory_space<vmem_shared>>
      %dma_start3A_281 = tpu.memref_slice %arg15[%mul3A_260] : memref<10240xf32, #tpu.memory_space<vmem_shared>> -> memref<640xf32, #tpu.memory_space<vmem_shared>>
      tpu.enqueue_dma source(%dma_start3A_281 : memref<640xf32, #tpu.memory_space<vmem_shared>>) target(%arg11 : memref<640xf32, #tpu.memory_space<vmem>>) target_semaphore(%run_scoped3A : memref<!tpu.dma_semaphore, #tpu.memory_space<semaphore_mem>>)
      %dma_wait3A_282 = tpu.memref_slice %arg15[%mul3A_260] : memref<10240xf32, #tpu.memory_space<vmem_shared>> -> memref<640xf32, #tpu.memory_space<vmem_shared>>
      %dma_wait3A_283 = tpu.memref_slice %arg15[%mul3A_260] : memref<10240xf32, #tpu.memory_space<vmem_shared>> -> memref<640xf32, #tpu.memory_space<vmem_shared>>
      tpu.wait_dma2 semaphore(%run_scoped3A : memref<!tpu.dma_semaphore, #tpu.memory_space<semaphore_mem>>) src(%dma_wait3A_283 : memref<640xf32, #tpu.memory_space<vmem_shared>>) dst(%arg11 : memref<640xf32, #tpu.memory_space<vmem>>)
      tpu.yield
    }) : () -> ()
    "tpu.region"() ({
      %run_scoped3A = tpu.sem_alloc : memref<!tpu.dma_semaphore, #tpu.memory_space<semaphore_mem>>
      %dma_start3A_280 = tpu.memref_slice %arg16[%mul3A_260] : memref<10240xf32, #tpu.memory_space<vmem_shared>> -> memref<640xf32, #tpu.memory_space<vmem_shared>>
      %dma_start3A_281 = tpu.memref_slice %arg16[%mul3A_260] : memref<10240xf32, #tpu.memory_space<vmem_shared>> -> memref<640xf32, #tpu.memory_space<vmem_shared>>
      tpu.enqueue_dma source(%dma_start3A_281 : memref<640xf32, #tpu.memory_space<vmem_shared>>) target(%arg12 : memref<640xf32, #tpu.memory_space<vmem>>) target_semaphore(%run_scoped3A : memref<!tpu.dma_semaphore, #tpu.memory_space<semaphore_mem>>)
      %dma_wait3A_282 = tpu.memref_slice %arg16[%mul3A_260] : memref<10240xf32, #tpu.memory_space<vmem_shared>> -> memref<640xf32, #tpu.memory_space<vmem_shared>>
      %dma_wait3A_283 = tpu.memref_slice %arg16[%mul3A_260] : memref<10240xf32, #tpu.memory_space<vmem_shared>> -> memref<640xf32, #tpu.memory_space<vmem_shared>>
      tpu.wait_dma2 semaphore(%run_scoped3A : memref<!tpu.dma_semaphore, #tpu.memory_space<semaphore_mem>>) src(%dma_wait3A_283 : memref<640xf32, #tpu.memory_space<vmem_shared>>) dst(%arg12 : memref<640xf32, #tpu.memory_space<vmem>>)
      tpu.yield
    }) : () -> ()
    "tpu.region"() ({
      %run_scoped3A = tpu.sem_alloc : memref<!tpu.dma_semaphore, #tpu.memory_space<semaphore_mem>>
      %dma_start3A_280 = tpu.memref_slice %arg17[%mul3A_260] : memref<10240xf32, #tpu.memory_space<vmem_shared>> -> memref<640xf32, #tpu.memory_space<vmem_shared>>
      %dma_start3A_281 = tpu.memref_slice %arg17[%mul3A_260] : memref<10240xf32, #tpu.memory_space<vmem_shared>> -> memref<640xf32, #tpu.memory_space<vmem_shared>>
      tpu.enqueue_dma source(%dma_start3A_281 : memref<640xf32, #tpu.memory_space<vmem_shared>>) target(%arg13 : memref<640xf32, #tpu.memory_space<vmem>>) target_semaphore(%run_scoped3A : memref<!tpu.dma_semaphore, #tpu.memory_space<semaphore_mem>>)
      %dma_wait3A_282 = tpu.memref_slice %arg17[%mul3A_260] : memref<10240xf32, #tpu.memory_space<vmem_shared>> -> memref<640xf32, #tpu.memory_space<vmem_shared>>
      %dma_wait3A_283 = tpu.memref_slice %arg17[%mul3A_260] : memref<10240xf32, #tpu.memory_space<vmem_shared>> -> memref<640xf32, #tpu.memory_space<vmem_shared>>
      tpu.wait_dma2 semaphore(%run_scoped3A : memref<!tpu.dma_semaphore, #tpu.memory_space<semaphore_mem>>) src(%dma_wait3A_283 : memref<640xf32, #tpu.memory_space<vmem_shared>>) dst(%arg13 : memref<640xf32, #tpu.memory_space<vmem>>)
      tpu.yield
    }) : () -> ()
    "tpu.region"() ({
      %run_scoped3A = tpu.sem_alloc : memref<!tpu.dma_semaphore, #tpu.memory_space<semaphore_mem>>
      %dma_start3A_280 = tpu.memref_slice %arg18[%mul3A_260] : memref<10240xf32, #tpu.memory_space<vmem_shared>> -> memref<640xf32, #tpu.memory_space<vmem_shared>>
      %dma_start3A_281 = tpu.memref_slice %arg18[%mul3A_260] : memref<10240xf32, #tpu.memory_space<vmem_shared>> -> memref<640xf32, #tpu.memory_space<vmem_shared>>
      tpu.enqueue_dma source(%dma_start3A_281 : memref<640xf32, #tpu.memory_space<vmem_shared>>) target(%arg14 : memref<640xf32, #tpu.memory_space<vmem>>) target_semaphore(%run_scoped3A : memref<!tpu.dma_semaphore, #tpu.memory_space<semaphore_mem>>)
      %dma_wait3A_282 = tpu.memref_slice %arg18[%mul3A_260] : memref<10240xf32, #tpu.memory_space<vmem_shared>> -> memref<640xf32, #tpu.memory_space<vmem_shared>>
      %dma_wait3A_283 = tpu.memref_slice %arg18[%mul3A_260] : memref<10240xf32, #tpu.memory_space<vmem_shared>> -> memref<640xf32, #tpu.memory_space<vmem_shared>>
      tpu.wait_dma2 semaphore(%run_scoped3A : memref<!tpu.dma_semaphore, #tpu.memory_space<semaphore_mem>>) src(%dma_wait3A_283 : memref<640xf32, #tpu.memory_space<vmem_shared>>) dst(%arg14 : memref<640xf32, #tpu.memory_space<vmem>>)
      tpu.yield
    }) : () -> ()
    %eq3A = arith.constant 15 : i32
    %eq3A_261 = arith.cmpi eq, %arg1, %eq3A : i32
    %not3A = arith.constant true
    %not3A_262 = arith.xori %eq3A_261, %not3A : i1
    %convert_element_type3A = arith.extui %not3A_262 : i1 to i32
    %cond3A = arith.constant 0 : i32
    %cond3A_263 = arith.cmpi ne, %convert_element_type3A, %cond3A : i32
    scf.if %cond3A_263 {
      "tpu.region"() ({
        %run_scoped3A = tpu.sem_alloc : memref<!tpu.dma_semaphore, #tpu.memory_space<semaphore_mem>>
        %dma_start3A_280 = tpu.memref_slice %arg7[%mul3A_260] : memref<10000xf32, #tpu.memory_space<hbm>> -> memref<640xf32, #tpu.memory_space<hbm>>
        %dma_start3A_281 = tpu.memref_slice %arg7[%mul3A_260] : memref<10000xf32, #tpu.memory_space<hbm>> -> memref<640xf32, #tpu.memory_space<hbm>>
        tpu.enqueue_dma source(%dma_start3A_281 : memref<640xf32, #tpu.memory_space<hbm>>) target(%arg33 : memref<640xf32, #tpu.memory_space<vmem>>) target_semaphore(%run_scoped3A : memref<!tpu.dma_semaphore, #tpu.memory_space<semaphore_mem>>)
        %dma_wait3A_282 = tpu.memref_slice %arg7[%mul3A_260] : memref<10000xf32, #tpu.memory_space<hbm>> -> memref<640xf32, #tpu.memory_space<hbm>>
        %dma_wait3A_283 = tpu.memref_slice %arg7[%mul3A_260] : memref<10000xf32, #tpu.memory_space<hbm>> -> memref<640xf32, #tpu.memory_space<hbm>>
        tpu.wait_dma2 semaphore(%run_scoped3A : memref<!tpu.dma_semaphore, #tpu.memory_space<semaphore_mem>>) src(%dma_wait3A_283 : memref<640xf32, #tpu.memory_space<hbm>>) dst(%arg33 : memref<640xf32, #tpu.memory_space<vmem>>)
        tpu.yield
      }) : () -> ()
      "tpu.region"() ({
        %run_scoped3A = tpu.sem_alloc : memref<!tpu.dma_semaphore, #tpu.memory_space<semaphore_mem>>
        %dma_start3A_280 = tpu.memref_slice %arg8[%mul3A_260] : memref<10000xf32, #tpu.memory_space<hbm>> -> memref<640xf32, #tpu.memory_space<hbm>>
        %dma_start3A_281 = tpu.memref_slice %arg8[%mul3A_260] : memref<10000xf32, #tpu.memory_space<hbm>> -> memref<640xf32, #tpu.memory_space<hbm>>
        tpu.enqueue_dma source(%dma_start3A_281 : memref<640xf32, #tpu.memory_space<hbm>>) target(%arg45 : memref<640xf32, #tpu.memory_space<vmem>>) target_semaphore(%run_scoped3A : memref<!tpu.dma_semaphore, #tpu.memory_space<semaphore_mem>>)
        %dma_wait3A_282 = tpu.memref_slice %arg8[%mul3A_260] : memref<10000xf32, #tpu.memory_space<hbm>> -> memref<640xf32, #tpu.memory_space<hbm>>
        %dma_wait3A_283 = tpu.memref_slice %arg8[%mul3A_260] : memref<10000xf32, #tpu.memory_space<hbm>> -> memref<640xf32, #tpu.memory_space<hbm>>
        tpu.wait_dma2 semaphore(%run_scoped3A : memref<!tpu.dma_semaphore, #tpu.memory_space<semaphore_mem>>) src(%dma_wait3A_283 : memref<640xf32, #tpu.memory_space<hbm>>) dst(%arg45 : memref<640xf32, #tpu.memory_space<vmem>>)
        tpu.yield
      }) : () -> ()
      "tpu.region"() ({
        %run_scoped3A = tpu.sem_alloc : memref<!tpu.dma_semaphore, #tpu.memory_space<semaphore_mem>>
        %dma_start3A_280 = tpu.memref_slice %arg9[%mul3A_260] : memref<10000xf32, #tpu.memory_space<hbm>> -> memref<640xf32, #tpu.memory_space<hbm>>
        %dma_start3A_281 = tpu.memref_slice %arg9[%mul3A_260] : memref<10000xf32, #tpu.memory_space<hbm>> -> memref<640xf32, #tpu.memory_space<hbm>>
        tpu.enqueue_dma source(%dma_start3A_281 : memref<640xf32, #tpu.memory_space<hbm>>) target(%arg21 : memref<640xf32, #tpu.memory_space<vmem>>) target_semaphore(%run_scoped3A : memref<!tpu.dma_semaphore, #tpu.memory_space<semaphore_mem>>)
        %dma_wait3A_282 = tpu.memref_slice %arg9[%mul3A_260] : memref<10000xf32, #tpu.memory_space<hbm>> -> memref<640xf32, #tpu.memory_space<hbm>>
        %dma_wait3A_283 = tpu.memref_slice %arg9[%mul3A_260] : memref<10000xf32, #tpu.memory_space<hbm>> -> memref<640xf32, #tpu.memory_space<hbm>>
        tpu.wait_dma2 semaphore(%run_scoped3A : memref<!tpu.dma_semaphore, #tpu.memory_space<semaphore_mem>>) src(%dma_wait3A_283 : memref<640xf32, #tpu.memory_space<hbm>>) dst(%arg21 : memref<640xf32, #tpu.memory_space<vmem>>)
        tpu.yield
      }) : () -> ()
    } else {
    }
    %convert_element_type3A_264 = arith.extui %eq3A_261 : i1 to i32
    %cond3A_265 = arith.constant 0 : i32
    %cond3A_266 = arith.cmpi ne, %convert_element_type3A_264, %cond3A_265 : i32
    scf.if %cond3A_266 {
      "tpu.region"() ({
        %run_scoped3A = tpu.sem_alloc : memref<!tpu.dma_semaphore, #tpu.memory_space<semaphore_mem>>
        %dma_start3A_280 = arith.constant 0 : i32
        %dma_start3A_281 = tpu.memref_slice %arg33[%dma_start3A_280] : memref<640xf32, #tpu.memory_space<vmem>> -> memref<400xf32, #tpu.memory_space<vmem>>
        %dma_start3A_282 = tpu.memref_slice %arg7[%mul3A_260] : memref<10000xf32, #tpu.memory_space<hbm>> -> memref<400xf32, #tpu.memory_space<hbm>>
        %dma_start3A_283 = arith.constant 0 : i32
        %dma_start3A_284 = tpu.memref_slice %arg33[%dma_start3A_283] : memref<640xf32, #tpu.memory_space<vmem>> -> memref<400xf32, #tpu.memory_space<vmem>>
        %dma_start3A_285 = tpu.memref_slice %arg7[%mul3A_260] : memref<10000xf32, #tpu.memory_space<hbm>> -> memref<400xf32, #tpu.memory_space<hbm>>
        tpu.enqueue_dma source(%dma_start3A_285 : memref<400xf32, #tpu.memory_space<hbm>>) target(%dma_start3A_284 : memref<400xf32, #tpu.memory_space<vmem>>) target_semaphore(%run_scoped3A : memref<!tpu.dma_semaphore, #tpu.memory_space<semaphore_mem>>)
        %dma_wait3A_286 = arith.constant 0 : i32
        %dma_wait3A_287 = tpu.memref_slice %arg33[%dma_wait3A_286] : memref<640xf32, #tpu.memory_space<vmem>> -> memref<400xf32, #tpu.memory_space<vmem>>
        %dma_wait3A_288 = tpu.memref_slice %arg7[%mul3A_260] : memref<10000xf32, #tpu.memory_space<hbm>> -> memref<400xf32, #tpu.memory_space<hbm>>
        %dma_wait3A_289 = arith.constant 0 : i32
        %dma_wait3A_290 = tpu.memref_slice %arg33[%dma_wait3A_289] : memref<640xf32, #tpu.memory_space<vmem>> -> memref<400xf32, #tpu.memory_space<vmem>>
        %dma_wait3A_291 = tpu.memref_slice %arg7[%mul3A_260] : memref<10000xf32, #tpu.memory_space<hbm>> -> memref<400xf32, #tpu.memory_space<hbm>>
        tpu.wait_dma2 semaphore(%run_scoped3A : memref<!tpu.dma_semaphore, #tpu.memory_space<semaphore_mem>>) src(%dma_wait3A_291 : memref<400xf32, #tpu.memory_space<hbm>>) dst(%dma_wait3A_290 : memref<400xf32, #tpu.memory_space<vmem>>)
        tpu.yield
      }) : () -> ()
      "tpu.region"() ({
        %run_scoped3A = tpu.sem_alloc : memref<!tpu.dma_semaphore, #tpu.memory_space<semaphore_mem>>
        %dma_start3A_280 = arith.constant 0 : i32
        %dma_start3A_281 = tpu.memref_slice %arg45[%dma_start3A_280] : memref<640xf32, #tpu.memory_space<vmem>> -> memref<400xf32, #tpu.memory_space<vmem>>
        %dma_start3A_282 = tpu.memref_slice %arg8[%mul3A_260] : memref<10000xf32, #tpu.memory_space<hbm>> -> memref<400xf32, #tpu.memory_space<hbm>>
        %dma_start3A_283 = arith.constant 0 : i32
        %dma_start3A_284 = tpu.memref_slice %arg45[%dma_start3A_283] : memref<640xf32, #tpu.memory_space<vmem>> -> memref<400xf32, #tpu.memory_space<vmem>>
        %dma_start3A_285 = tpu.memref_slice %arg8[%mul3A_260] : memref<10000xf32, #tpu.memory_space<hbm>> -> memref<400xf32, #tpu.memory_space<hbm>>
        tpu.enqueue_dma source(%dma_start3A_285 : memref<400xf32, #tpu.memory_space<hbm>>) target(%dma_start3A_284 : memref<400xf32, #tpu.memory_space<vmem>>) target_semaphore(%run_scoped3A : memref<!tpu.dma_semaphore, #tpu.memory_space<semaphore_mem>>)
        %dma_wait3A_286 = arith.constant 0 : i32
        %dma_wait3A_287 = tpu.memref_slice %arg45[%dma_wait3A_286] : memref<640xf32, #tpu.memory_space<vmem>> -> memref<400xf32, #tpu.memory_space<vmem>>
        %dma_wait3A_288 = tpu.memref_slice %arg8[%mul3A_260] : memref<10000xf32, #tpu.memory_space<hbm>> -> memref<400xf32, #tpu.memory_space<hbm>>
        %dma_wait3A_289 = arith.constant 0 : i32
        %dma_wait3A_290 = tpu.memref_slice %arg45[%dma_wait3A_289] : memref<640xf32, #tpu.memory_space<vmem>> -> memref<400xf32, #tpu.memory_space<vmem>>
        %dma_wait3A_291 = tpu.memref_slice %arg8[%mul3A_260] : memref<10000xf32, #tpu.memory_space<hbm>> -> memref<400xf32, #tpu.memory_space<hbm>>
        tpu.wait_dma2 semaphore(%run_scoped3A : memref<!tpu.dma_semaphore, #tpu.memory_space<semaphore_mem>>) src(%dma_wait3A_291 : memref<400xf32, #tpu.memory_space<hbm>>) dst(%dma_wait3A_290 : memref<400xf32, #tpu.memory_space<vmem>>)
        tpu.yield
      }) : () -> ()
      "tpu.region"() ({
        %run_scoped3A = tpu.sem_alloc : memref<!tpu.dma_semaphore, #tpu.memory_space<semaphore_mem>>
        %dma_start3A_280 = arith.constant 0 : i32
        %dma_start3A_281 = tpu.memref_slice %arg21[%dma_start3A_280] : memref<640xf32, #tpu.memory_space<vmem>> -> memref<400xf32, #tpu.memory_space<vmem>>
        %dma_start3A_282 = tpu.memref_slice %arg9[%mul3A_260] : memref<10000xf32, #tpu.memory_space<hbm>> -> memref<400xf32, #tpu.memory_space<hbm>>
        %dma_start3A_283 = arith.constant 0 : i32
        %dma_start3A_284 = tpu.memref_slice %arg21[%dma_start3A_283] : memref<640xf32, #tpu.memory_space<vmem>> -> memref<400xf32, #tpu.memory_space<vmem>>
        %dma_start3A_285 = tpu.memref_slice %arg9[%mul3A_260] : memref<10000xf32, #tpu.memory_space<hbm>> -> memref<400xf32, #tpu.memory_space<hbm>>
        tpu.enqueue_dma source(%dma_start3A_285 : memref<400xf32, #tpu.memory_space<hbm>>) target(%dma_start3A_284 : memref<400xf32, #tpu.memory_space<vmem>>) target_semaphore(%run_scoped3A : memref<!tpu.dma_semaphore, #tpu.memory_space<semaphore_mem>>)
        %dma_wait3A_286 = arith.constant 0 : i32
        %dma_wait3A_287 = tpu.memref_slice %arg21[%dma_wait3A_286] : memref<640xf32, #tpu.memory_space<vmem>> -> memref<400xf32, #tpu.memory_space<vmem>>
        %dma_wait3A_288 = tpu.memref_slice %arg9[%mul3A_260] : memref<10000xf32, #tpu.memory_space<hbm>> -> memref<400xf32, #tpu.memory_space<hbm>>
        %dma_wait3A_289 = arith.constant 0 : i32
        %dma_wait3A_290 = tpu.memref_slice %arg21[%dma_wait3A_289] : memref<640xf32, #tpu.memory_space<vmem>> -> memref<400xf32, #tpu.memory_space<vmem>>
        %dma_wait3A_291 = tpu.memref_slice %arg9[%mul3A_260] : memref<10000xf32, #tpu.memory_space<hbm>> -> memref<400xf32, #tpu.memory_space<hbm>>
        tpu.wait_dma2 semaphore(%run_scoped3A : memref<!tpu.dma_semaphore, #tpu.memory_space<semaphore_mem>>) src(%dma_wait3A_291 : memref<400xf32, #tpu.memory_space<hbm>>) dst(%dma_wait3A_290 : memref<400xf32, #tpu.memory_space<vmem>>)
        tpu.yield
      }) : () -> ()
    } else {
    }
    %scan3A_267 = arith.constant 0 : i32
    %scan3A_268 = arith.constant 40 : i32
    %scan3A_269 = arith.addi %scan3A_267, %scan3A_268 : i32
    %scan3A_270 = arith.constant 1 : i32
    scf.for %scan3A_280 = %scan3A_267 to %scan3A_269 step %scan3A_270  : i32 {
      %mul3A_281 = arith.constant 16 : i32
      %mul3A_282 = arith.muli %scan3A_280, %mul3A_281 : i32
      %get3A = arith.index_cast %mul3A_282 : i32 to index
      %get3A_283 = tpu.vector_load %arg45[%get3A] {strides = array<i32>} : memref<640xf32, #tpu.memory_space<vmem>>, vector<16xf32>,
      %get3A_284 = arith.index_cast %mul3A_282 : i32 to index
      %get3A_285 = tpu.vector_load %arg33[%get3A_284] {strides = array<i32>} : memref<640xf32, #tpu.memory_space<vmem>>, vector<16xf32>,
      %mul3A_286 = arith.mulf %get3A_283, %get3A_285 : vector<16xf32>
      %get3A_287 = arith.index_cast %mul3A_282 : i32 to index
      %get3A_288 = tpu.vector_load %arg21[%get3A_287] {strides = array<i32>} : memref<640xf32, #tpu.memory_space<vmem>>, vector<16xf32>,
      %get3A_289 = arith.index_cast %mul3A_282 : i32 to index
      %get3A_290 = tpu.vector_load %arg11[%get3A_289] {strides = array<i32>} : memref<640xf32, #tpu.memory_space<vmem>>, vector<16xf32>,
      %mul3A_291 = arith.mulf %get3A_290, %mul3A_286 : vector<16xf32>
      %add3A_292 = arith.addf %mul3A_291, %get3A_288 : vector<16xf32>
      %max3A = arith.constant 0.000000e+00 : f32
      %max3A_293 = vector.broadcast %max3A : f32 to vector<16xf32>
      %max3A_294 = arith.maximumf %add3A_292, %max3A_293 : vector<16xf32>
      %swap3A = arith.index_cast %mul3A_282 : i32 to index
      %swap3A_295 = tpu.vector_load %arg11[%swap3A] {strides = array<i32>} : memref<640xf32, #tpu.memory_space<vmem>>, vector<16xf32>,
      tpu.vector_store %arg11[%swap3A], %max3A_294 {strides = array<i32>} : memref<640xf32, #tpu.memory_space<vmem>>, vector<16xf32>,
      %get3A_296 = arith.index_cast %mul3A_282 : i32 to index
      %get3A_297 = tpu.vector_load %arg12[%get3A_296] {strides = array<i32>} : memref<640xf32, #tpu.memory_space<vmem>>, vector<16xf32>,
      %mul3A_298 = arith.mulf %get3A_297, %mul3A_286 : vector<16xf32>
      %add3A_299 = arith.addf %mul3A_298, %get3A_288 : vector<16xf32>
      %max3A_300 = arith.constant 0.000000e+00 : f32
      %max3A_301 = vector.broadcast %max3A_300 : f32 to vector<16xf32>
      %max3A_302 = arith.maximumf %add3A_299, %max3A_301 : vector<16xf32>
      %swap3A_303 = arith.index_cast %mul3A_282 : i32 to index
      %swap3A_304 = tpu.vector_load %arg12[%swap3A_303] {strides = array<i32>} : memref<640xf32, #tpu.memory_space<vmem>>, vector<16xf32>,
      tpu.vector_store %arg12[%swap3A_303], %max3A_302 {strides = array<i32>} : memref<640xf32, #tpu.memory_space<vmem>>, vector<16xf32>,
      %get3A_305 = arith.index_cast %mul3A_282 : i32 to index
      %get3A_306 = tpu.vector_load %arg13[%get3A_305] {strides = array<i32>} : memref<640xf32, #tpu.memory_space<vmem>>, vector<16xf32>,
      %mul3A_307 = arith.mulf %get3A_306, %mul3A_286 : vector<16xf32>
      %add3A_308 = arith.addf %mul3A_307, %get3A_288 : vector<16xf32>
      %max3A_309 = arith.constant 0.000000e+00 : f32
      %max3A_310 = vector.broadcast %max3A_309 : f32 to vector<16xf32>
      %max3A_311 = arith.maximumf %add3A_308, %max3A_310 : vector<16xf32>
      %swap3A_312 = arith.index_cast %mul3A_282 : i32 to index
      %swap3A_313 = tpu.vector_load %arg13[%swap3A_312] {strides = array<i32>} : memref<640xf32, #tpu.memory_space<vmem>>, vector<16xf32>,
      tpu.vector_store %arg13[%swap3A_312], %max3A_311 {strides = array<i32>} : memref<640xf32, #tpu.memory_space<vmem>>, vector<16xf32>,
      %get3A_314 = arith.index_cast %mul3A_282 : i32 to index
      %get3A_315 = tpu.vector_load %arg14[%get3A_314] {strides = array<i32>} : memref<640xf32, #tpu.memory_space<vmem>>, vector<16xf32>,
      %mul3A_316 = arith.mulf %get3A_315, %mul3A_286 : vector<16xf32>
      %add3A_317 = arith.addf %mul3A_316, %get3A_288 : vector<16xf32>
      %max3A_318 = arith.constant 0.000000e+00 : f32
      %max3A_319 = vector.broadcast %max3A_318 : f32 to vector<16xf32>
      %max3A_320 = arith.maximumf %add3A_317, %max3A_319 : vector<16xf32>
      %swap3A_321 = arith.index_cast %mul3A_282 : i32 to index
      %swap3A_322 = tpu.vector_load %arg14[%swap3A_321] {strides = array<i32>} : memref<640xf32, #tpu.memory_space<vmem>>, vector<16xf32>,
      tpu.vector_store %arg14[%swap3A_321], %max3A_320 {strides = array<i32>} : memref<640xf32, #tpu.memory_space<vmem>>, vector<16xf32>,
    }
    %scan3A_271 = arith.constant 40 : i32
    %not3A_272 = arith.constant true
    %not3A_273 = arith.xori %eq3A_261, %not3A_272 : i1
    %convert_element_type3A_274 = arith.extui %not3A_273 : i1 to i32
    %cond3A_275 = arith.constant 0 : i32
    %cond3A_276 = arith.cmpi ne, %convert_element_type3A_274, %cond3A_275 : i32
    scf.if %cond3A_276 {
      %mul3A_280 = arith.constant 4 : i32
      %mul3A_281 = arith.muli %arg0, %mul3A_280 : i32
      %add3A_282 = arith.constant 0 : i32
      %add3A_283 = arith.addi %mul3A_281, %add3A_282 : i32
      %mul3A_284 = arith.constant 10000 : i32
      %mul3A_285 = arith.muli %add3A_283, %mul3A_284 : i32
      %add3A_286 = arith.addi %mul3A_285, %mul3A_260 : i32
      "tpu.region"() ({
        %run_scoped3A = tpu.sem_alloc : memref<!tpu.dma_semaphore, #tpu.memory_space<semaphore_mem>>
        %dma_start3A_308 = tpu.memref_slice %arg10[%add3A_286] : memref<80000xf32, #tpu.memory_space<hbm>> -> memref<640xf32, #tpu.memory_space<hbm>>
        %dma_start3A_309 = tpu.memref_slice %arg10[%add3A_286] : memref<80000xf32, #tpu.memory_space<hbm>> -> memref<640xf32, #tpu.memory_space<hbm>>
        tpu.enqueue_dma source(%arg11 : memref<640xf32, #tpu.memory_space<vmem>>) target(%dma_start3A_309 : memref<640xf32, #tpu.memory_space<hbm>>) target_semaphore(%run_scoped3A : memref<!tpu.dma_semaphore, #tpu.memory_space<semaphore_mem>>)
        %dma_wait3A_310 = tpu.memref_slice %arg10[%add3A_286] : memref<80000xf32, #tpu.memory_space<hbm>> -> memref<640xf32, #tpu.memory_space<hbm>>
        %dma_wait3A_311 = tpu.memref_slice %arg10[%add3A_286] : memref<80000xf32, #tpu.memory_space<hbm>> -> memref<640xf32, #tpu.memory_space<hbm>>
        tpu.wait_dma2 semaphore(%run_scoped3A : memref<!tpu.dma_semaphore, #tpu.memory_space<semaphore_mem>>) src(%arg11 : memref<640xf32, #tpu.memory_space<vmem>>) dst(%dma_wait3A_311 : memref<640xf32, #tpu.memory_space<hbm>>)
        tpu.yield
      }) : () -> ()
      %mul3A_287 = arith.constant 4 : i32
      %mul3A_288 = arith.muli %arg0, %mul3A_287 : i32
      %add3A_289 = arith.constant 1 : i32
      %add3A_290 = arith.addi %mul3A_288, %add3A_289 : i32
      %mul3A_291 = arith.constant 10000 : i32
      %mul3A_292 = arith.muli %add3A_290, %mul3A_291 : i32
      %add3A_293 = arith.addi %mul3A_292, %mul3A_260 : i32
      "tpu.region"() ({
        %run_scoped3A = tpu.sem_alloc : memref<!tpu.dma_semaphore, #tpu.memory_space<semaphore_mem>>
        %dma_start3A_308 = tpu.memref_slice %arg10[%add3A_293] : memref<80000xf32, #tpu.memory_space<hbm>> -> memref<640xf32, #tpu.memory_space<hbm>>
        %dma_start3A_309 = tpu.memref_slice %arg10[%add3A_293] : memref<80000xf32, #tpu.memory_space<hbm>> -> memref<640xf32, #tpu.memory_space<hbm>>
        tpu.enqueue_dma source(%arg12 : memref<640xf32, #tpu.memory_space<vmem>>) target(%dma_start3A_309 : memref<640xf32, #tpu.memory_space<hbm>>) target_semaphore(%run_scoped3A : memref<!tpu.dma_semaphore, #tpu.memory_space<semaphore_mem>>)
        %dma_wait3A_310 = tpu.memref_slice %arg10[%add3A_293] : memref<80000xf32, #tpu.memory_space<hbm>> -> memref<640xf32, #tpu.memory_space<hbm>>
        %dma_wait3A_311 = tpu.memref_slice %arg10[%add3A_293] : memref<80000xf32, #tpu.memory_space<hbm>> -> memref<640xf32, #tpu.memory_space<hbm>>
        tpu.wait_dma2 semaphore(%run_scoped3A : memref<!tpu.dma_semaphore, #tpu.memory_space<semaphore_mem>>) src(%arg12 : memref<640xf32, #tpu.memory_space<vmem>>) dst(%dma_wait3A_311 : memref<640xf32, #tpu.memory_space<hbm>>)
        tpu.yield
      }) : () -> ()
      %mul3A_294 = arith.constant 4 : i32
      %mul3A_295 = arith.muli %arg0, %mul3A_294 : i32
      %add3A_296 = arith.constant 2 : i32
      %add3A_297 = arith.addi %mul3A_295, %add3A_296 : i32
      %mul3A_298 = arith.constant 10000 : i32
      %mul3A_299 = arith.muli %add3A_297, %mul3A_298 : i32
      %add3A_300 = arith.addi %mul3A_299, %mul3A_260 : i32
      "tpu.region"() ({
        %run_scoped3A = tpu.sem_alloc : memref<!tpu.dma_semaphore, #tpu.memory_space<semaphore_mem>>
        %dma_start3A_308 = tpu.memref_slice %arg10[%add3A_300] : memref<80000xf32, #tpu.memory_space<hbm>> -> memref<640xf32, #tpu.memory_space<hbm>>
        %dma_start3A_309 = tpu.memref_slice %arg10[%add3A_300] : memref<80000xf32, #tpu.memory_space<hbm>> -> memref<640xf32, #tpu.memory_space<hbm>>
        tpu.enqueue_dma source(%arg13 : memref<640xf32, #tpu.memory_space<vmem>>) target(%dma_start3A_309 : memref<640xf32, #tpu.memory_space<hbm>>) target_semaphore(%run_scoped3A : memref<!tpu.dma_semaphore, #tpu.memory_space<semaphore_mem>>)
        %dma_wait3A_310 = tpu.memref_slice %arg10[%add3A_300] : memref<80000xf32, #tpu.memory_space<hbm>> -> memref<640xf32, #tpu.memory_space<hbm>>
        %dma_wait3A_311 = tpu.memref_slice %arg10[%add3A_300] : memref<80000xf32, #tpu.memory_space<hbm>> -> memref<640xf32, #tpu.memory_space<hbm>>
        tpu.wait_dma2 semaphore(%run_scoped3A : memref<!tpu.dma_semaphore, #tpu.memory_space<semaphore_mem>>) src(%arg13 : memref<640xf32, #tpu.memory_space<vmem>>) dst(%dma_wait3A_311 : memref<640xf32, #tpu.memory_space<hbm>>)
        tpu.yield
      }) : () -> ()
      %mul3A_301 = arith.constant 4 : i32
      %mul3A_302 = arith.muli %arg0, %mul3A_301 : i32
      %add3A_303 = arith.constant 3 : i32
      %add3A_304 = arith.addi %mul3A_302, %add3A_303 : i32
      %mul3A_305 = arith.constant 10000 : i32
      %mul3A_306 = arith.muli %add3A_304, %mul3A_305 : i32
      %add3A_307 = arith.addi %mul3A_306, %mul3A_260 : i32
      "tpu.region"() ({
        %run_scoped3A = tpu.sem_alloc : memref<!tpu.dma_semaphore, #tpu.memory_space<semaphore_mem>>
        %dma_start3A_308 = tpu.memref_slice %arg10[%add3A_307] : memref<80000xf32, #tpu.memory_space<hbm>> -> memref<640xf32, #tpu.memory_space<hbm>>
        %dma_start3A_309 = tpu.memref_slice %arg10[%add3A_307] : memref<80000xf32, #tpu.memory_space<hbm>> -> memref<640xf32, #tpu.memory_space<hbm>>
        tpu.enqueue_dma source(%arg14 : memref<640xf32, #tpu.memory_space<vmem>>) target(%dma_start3A_309 : memref<640xf32, #tpu.memory_space<hbm>>) target_semaphore(%run_scoped3A : memref<!tpu.dma_semaphore, #tpu.memory_space<semaphore_mem>>)
        %dma_wait3A_310 = tpu.memref_slice %arg10[%add3A_307] : memref<80000xf32, #tpu.memory_space<hbm>> -> memref<640xf32, #tpu.memory_space<hbm>>
        %dma_wait3A_311 = tpu.memref_slice %arg10[%add3A_307] : memref<80000xf32, #tpu.memory_space<hbm>> -> memref<640xf32, #tpu.memory_space<hbm>>
        tpu.wait_dma2 semaphore(%run_scoped3A : memref<!tpu.dma_semaphore, #tpu.memory_space<semaphore_mem>>) src(%arg14 : memref<640xf32, #tpu.memory_space<vmem>>) dst(%dma_wait3A_311 : memref<640xf32, #tpu.memory_space<hbm>>)
        tpu.yield
      }) : () -> ()
    } else {
    }
    %convert_element_type3A_277 = arith.extui %eq3A_261 : i1 to i32
    %cond3A_278 = arith.constant 0 : i32
    %cond3A_279 = arith.cmpi ne, %convert_element_type3A_277, %cond3A_278 : i32
    scf.if %cond3A_279 {
      %mul3A_280 = arith.constant 4 : i32
      %mul3A_281 = arith.muli %arg0, %mul3A_280 : i32
      %add3A_282 = arith.constant 0 : i32
      %add3A_283 = arith.addi %mul3A_281, %add3A_282 : i32
      %mul3A_284 = arith.constant 10000 : i32
      %mul3A_285 = arith.muli %add3A_283, %mul3A_284 : i32
      %add3A_286 = arith.addi %mul3A_285, %mul3A_260 : i32
      "tpu.region"() ({
        %run_scoped3A = tpu.sem_alloc : memref<!tpu.dma_semaphore, #tpu.memory_space<semaphore_mem>>
        %dma_start3A_308 = arith.constant 0 : i32
        %dma_start3A_309 = tpu.memref_slice %arg11[%dma_start3A_308] : memref<640xf32, #tpu.memory_space<vmem>> -> memref<400xf32, #tpu.memory_space<vmem>>
        %dma_start3A_310 = tpu.memref_slice %arg10[%add3A_286] : memref<80000xf32, #tpu.memory_space<hbm>> -> memref<400xf32, #tpu.memory_space<hbm>>
        %dma_start3A_311 = tpu.memref_slice %arg10[%add3A_286] : memref<80000xf32, #tpu.memory_space<hbm>> -> memref<400xf32, #tpu.memory_space<hbm>>
        %dma_start3A_312 = arith.constant 0 : i32
        %dma_start3A_313 = tpu.memref_slice %arg11[%dma_start3A_312] : memref<640xf32, #tpu.memory_space<vmem>> -> memref<400xf32, #tpu.memory_space<vmem>>
        tpu.enqueue_dma source(%dma_start3A_313 : memref<400xf32, #tpu.memory_space<vmem>>) target(%dma_start3A_311 : memref<400xf32, #tpu.memory_space<hbm>>) target_semaphore(%run_scoped3A : memref<!tpu.dma_semaphore, #tpu.memory_space<semaphore_mem>>)
        %dma_wait3A_314 = arith.constant 0 : i32
        %dma_wait3A_315 = tpu.memref_slice %arg11[%dma_wait3A_314] : memref<640xf32, #tpu.memory_space<vmem>> -> memref<400xf32, #tpu.memory_space<vmem>>
        %dma_wait3A_316 = tpu.memref_slice %arg10[%add3A_286] : memref<80000xf32, #tpu.memory_space<hbm>> -> memref<400xf32, #tpu.memory_space<hbm>>
        %dma_wait3A_317 = tpu.memref_slice %arg10[%add3A_286] : memref<80000xf32, #tpu.memory_space<hbm>> -> memref<400xf32, #tpu.memory_space<hbm>>
        %dma_wait3A_318 = arith.constant 0 : i32
        %dma_wait3A_319 = tpu.memref_slice %arg11[%dma_wait3A_318] : memref<640xf32, #tpu.memory_space<vmem>> -> memref<400xf32, #tpu.memory_space<vmem>>
        tpu.wait_dma2 semaphore(%run_scoped3A : memref<!tpu.dma_semaphore, #tpu.memory_space<semaphore_mem>>) src(%dma_wait3A_319 : memref<400xf32, #tpu.memory_space<vmem>>) dst(%dma_wait3A_317 : memref<400xf32, #tpu.memory_space<hbm>>)
        tpu.yield
      }) : () -> ()
      %mul3A_287 = arith.constant 4 : i32
      %mul3A_288 = arith.muli %arg0, %mul3A_287 : i32
      %add3A_289 = arith.constant 1 : i32
      %add3A_290 = arith.addi %mul3A_288, %add3A_289 : i32
      %mul3A_291 = arith.constant 10000 : i32
      %mul3A_292 = arith.muli %add3A_290, %mul3A_291 : i32
      %add3A_293 = arith.addi %mul3A_292, %mul3A_260 : i32
      "tpu.region"() ({
        %run_scoped3A = tpu.sem_alloc : memref<!tpu.dma_semaphore, #tpu.memory_space<semaphore_mem>>
        %dma_start3A_308 = arith.constant 0 : i32
        %dma_start3A_309 = tpu.memref_slice %arg12[%dma_start3A_308] : memref<640xf32, #tpu.memory_space<vmem>> -> memref<400xf32, #tpu.memory_space<vmem>>
        %dma_start3A_310 = tpu.memref_slice %arg10[%add3A_293] : memref<80000xf32, #tpu.memory_space<hbm>> -> memref<400xf32, #tpu.memory_space<hbm>>
        %dma_start3A_311 = tpu.memref_slice %arg10[%add3A_293] : memref<80000xf32, #tpu.memory_space<hbm>> -> memref<400xf32, #tpu.memory_space<hbm>>
        %dma_start3A_312 = arith.constant 0 : i32
        %dma_start3A_313 = tpu.memref_slice %arg12[%dma_start3A_312] : memref<640xf32, #tpu.memory_space<vmem>> -> memref<400xf32, #tpu.memory_space<vmem>>
        tpu.enqueue_dma source(%dma_start3A_313 : memref<400xf32, #tpu.memory_space<vmem>>) target(%dma_start3A_311 : memref<400xf32, #tpu.memory_space<hbm>>) target_semaphore(%run_scoped3A : memref<!tpu.dma_semaphore, #tpu.memory_space<semaphore_mem>>)
        %dma_wait3A_314 = arith.constant 0 : i32
        %dma_wait3A_315 = tpu.memref_slice %arg12[%dma_wait3A_314] : memref<640xf32, #tpu.memory_space<vmem>> -> memref<400xf32, #tpu.memory_space<vmem>>
        %dma_wait3A_316 = tpu.memref_slice %arg10[%add3A_293] : memref<80000xf32, #tpu.memory_space<hbm>> -> memref<400xf32, #tpu.memory_space<hbm>>
        %dma_wait3A_317 = tpu.memref_slice %arg10[%add3A_293] : memref<80000xf32, #tpu.memory_space<hbm>> -> memref<400xf32, #tpu.memory_space<hbm>>
        %dma_wait3A_318 = arith.constant 0 : i32
        %dma_wait3A_319 = tpu.memref_slice %arg12[%dma_wait3A_318] : memref<640xf32, #tpu.memory_space<vmem>> -> memref<400xf32, #tpu.memory_space<vmem>>
        tpu.wait_dma2 semaphore(%run_scoped3A : memref<!tpu.dma_semaphore, #tpu.memory_space<semaphore_mem>>) src(%dma_wait3A_319 : memref<400xf32, #tpu.memory_space<vmem>>) dst(%dma_wait3A_317 : memref<400xf32, #tpu.memory_space<hbm>>)
        tpu.yield
      }) : () -> ()
      %mul3A_294 = arith.constant 4 : i32
      %mul3A_295 = arith.muli %arg0, %mul3A_294 : i32
      %add3A_296 = arith.constant 2 : i32
      %add3A_297 = arith.addi %mul3A_295, %add3A_296 : i32
      %mul3A_298 = arith.constant 10000 : i32
      %mul3A_299 = arith.muli %add3A_297, %mul3A_298 : i32
      %add3A_300 = arith.addi %mul3A_299, %mul3A_260 : i32
      "tpu.region"() ({
        %run_scoped3A = tpu.sem_alloc : memref<!tpu.dma_semaphore, #tpu.memory_space<semaphore_mem>>
        %dma_start3A_308 = arith.constant 0 : i32
        %dma_start3A_309 = tpu.memref_slice %arg13[%dma_start3A_308] : memref<640xf32, #tpu.memory_space<vmem>> -> memref<400xf32, #tpu.memory_space<vmem>>
        %dma_start3A_310 = tpu.memref_slice %arg10[%add3A_300] : memref<80000xf32, #tpu.memory_space<hbm>> -> memref<400xf32, #tpu.memory_space<hbm>>
        %dma_start3A_311 = tpu.memref_slice %arg10[%add3A_300] : memref<80000xf32, #tpu.memory_space<hbm>> -> memref<400xf32, #tpu.memory_space<hbm>>
        %dma_start3A_312 = arith.constant 0 : i32
        %dma_start3A_313 = tpu.memref_slice %arg13[%dma_start3A_312] : memref<640xf32, #tpu.memory_space<vmem>> -> memref<400xf32, #tpu.memory_space<vmem>>
        tpu.enqueue_dma source(%dma_start3A_313 : memref<400xf32, #tpu.memory_space<vmem>>) target(%dma_start3A_311 : memref<400xf32, #tpu.memory_space<hbm>>) target_semaphore(%run_scoped3A : memref<!tpu.dma_semaphore, #tpu.memory_space<semaphore_mem>>)
        %dma_wait3A_314 = arith.constant 0 : i32
        %dma_wait3A_315 = tpu.memref_slice %arg13[%dma_wait3A_314] : memref<640xf32, #tpu.memory_space<vmem>> -> memref<400xf32, #tpu.memory_space<vmem>>
        %dma_wait3A_316 = tpu.memref_slice %arg10[%add3A_300] : memref<80000xf32, #tpu.memory_space<hbm>> -> memref<400xf32, #tpu.memory_space<hbm>>
        %dma_wait3A_317 = tpu.memref_slice %arg10[%add3A_300] : memref<80000xf32, #tpu.memory_space<hbm>> -> memref<400xf32, #tpu.memory_space<hbm>>
        %dma_wait3A_318 = arith.constant 0 : i32
        %dma_wait3A_319 = tpu.memref_slice %arg13[%dma_wait3A_318] : memref<640xf32, #tpu.memory_space<vmem>> -> memref<400xf32, #tpu.memory_space<vmem>>
        tpu.wait_dma2 semaphore(%run_scoped3A : memref<!tpu.dma_semaphore, #tpu.memory_space<semaphore_mem>>) src(%dma_wait3A_319 : memref<400xf32, #tpu.memory_space<vmem>>) dst(%dma_wait3A_317 : memref<400xf32, #tpu.memory_space<hbm>>)
        tpu.yield
      }) : () -> ()
      %mul3A_301 = arith.constant 4 : i32
      %mul3A_302 = arith.muli %arg0, %mul3A_301 : i32
      %add3A_303 = arith.constant 3 : i32
      %add3A_304 = arith.addi %mul3A_302, %add3A_303 : i32
      %mul3A_305 = arith.constant 10000 : i32
      %mul3A_306 = arith.muli %add3A_304, %mul3A_305 : i32
      %add3A_307 = arith.addi %mul3A_306, %mul3A_260 : i32
      "tpu.region"() ({
        %run_scoped3A = tpu.sem_alloc : memref<!tpu.dma_semaphore, #tpu.memory_space<semaphore_mem>>
        %dma_start3A_308 = arith.constant 0 : i32
        %dma_start3A_309 = tpu.memref_slice %arg14[%dma_start3A_308] : memref<640xf32, #tpu.memory_space<vmem>> -> memref<400xf32, #tpu.memory_space<vmem>>
        %dma_start3A_310 = tpu.memref_slice %arg10[%add3A_307] : memref<80000xf32, #tpu.memory_space<hbm>> -> memref<400xf32, #tpu.memory_space<hbm>>
        %dma_start3A_311 = tpu.memref_slice %arg10[%add3A_307] : memref<80000xf32, #tpu.memory_space<hbm>> -> memref<400xf32, #tpu.memory_space<hbm>>
        %dma_start3A_312 = arith.constant 0 : i32
        %dma_start3A_313 = tpu.memref_slice %arg14[%dma_start3A_312] : memref<640xf32, #tpu.memory_space<vmem>> -> memref<400xf32, #tpu.memory_space<vmem>>
        tpu.enqueue_dma source(%dma_start3A_313 : memref<400xf32, #tpu.memory_space<vmem>>) target(%dma_start3A_311 : memref<400xf32, #tpu.memory_space<hbm>>) target_semaphore(%run_scoped3A : memref<!tpu.dma_semaphore, #tpu.memory_space<semaphore_mem>>)
        %dma_wait3A_314 = arith.constant 0 : i32
        %dma_wait3A_315 = tpu.memref_slice %arg14[%dma_wait3A_314] : memref<640xf32, #tpu.memory_space<vmem>> -> memref<400xf32, #tpu.memory_space<vmem>>
        %dma_wait3A_316 = tpu.memref_slice %arg10[%add3A_307] : memref<80000xf32, #tpu.memory_space<hbm>> -> memref<400xf32, #tpu.memory_space<hbm>>
        %dma_wait3A_317 = tpu.memref_slice %arg10[%add3A_307] : memref<80000xf32, #tpu.memory_space<hbm>> -> memref<400xf32, #tpu.memory_space<hbm>>
        %dma_wait3A_318 = arith.constant 0 : i32
        %dma_wait3A_319 = tpu.memref_slice %arg14[%dma_wait3A_318] : memref<640xf32, #tpu.memory_space<vmem>> -> memref<400xf32, #tpu.memory_space<vmem>>
        tpu.wait_dma2 semaphore(%run_scoped3A : memref<!tpu.dma_semaphore, #tpu.memory_space<semaphore_mem>>) src(%dma_wait3A_319 : memref<400xf32, #tpu.memory_space<vmem>>) dst(%dma_wait3A_317 : memref<400xf32, #tpu.memory_space<hbm>>)
        tpu.yield
      }) : () -> ()
    } else {
    }
    return
  }
}

</mosaic_0001>

<sc_bundles>
// kernel: gnn_layer_sc.3.cloned.1.call-start
scs
__scs_entry_jumppad:
0x0: {  	(pc) =	sbr.rel $0x88, $3  }
0x1: {  	(tag) =	ssettag $0x0;
	lr =	simm.s32 $0x1  }
0x2: {  	[smem:$0x3F9B] =	sst lr;
	_ =	strace $0xD0000000  }
0x3: {  	_ = 	snop  }
0x4: {  	_ = 	snop  }
0x5: {  	_ = 	snop  }
0x6: {  	_ = 	snop  }
0x7: {  	_ = 	snop  }
__scs_overlays_trampoline_lowered:
0x8: {  	[smem:$0x3FAA] =	sst s0  }
0x9: {  	[smem:$0x3FAB] =	sst s1  }
0xa: {  	[smem:$0x3FAC] =	sst s2  }
0xb: {  	[smem:$0x3FAD] =	sst s3  }
0xc: {  	[smem:$0x3FAE] =	sst s4  }
0xd: {  	[smem:$0x3FAF] =	sst s5  }
0xe: {  	[smem:$0x3FB0] =	sst s6  }
0xf: {  	[smem:$0x3FB1] =	sst s7  }
0x10: {  	[smem:$0x3FB2] =	sst s8  }
0x11: {  	[smem:$0x3FB3] =	sst s9;
	s0 =	simm.s32 @!p0 $0x0  }
0x12: {  	s1 =	sld [smem:$0x3F99];
	s0 =	simm.s32 @p0 $0x1  }
0x13: {  	[smem:$0x3FB4] =	sst s0;
	s0 =	simm.s32 @!p1 $0x0  }
0x14: {  	s2 =	sld [smem:$0x3F98];
	s0 =	simm.s32 @p1 $0x1  }
0x15: {  	[smem:$0x3FB5] =	sst s0;
	s0 =	simm.s32 @!p2 $0x0  }
0x16: {  	s3 =	sld [smem:$0x3FDB];
	s0 =	simm.s32 @p2 $0x1  }
0x17: {  	s4 =	simm.s32 $0x1BF5;
	[smem:$0x3FB7] =	sst s0  }
0x18: {  	s0 =	sld [smem:$0x3F9A];
	_ =	swait.ge [sflag:s4], $0x0  }
0x19: {  	s7 =	sld [smem:$0x3F9B]  }
0x1a: {  	s8 =	sadd.s32 $0xFFFFE003, lr  }
0x1b: {  	s9 =	sadd.s32 $0xFFFFFEF7, lr;
	s5 =	simm.s32 $0xFFFFFFFF;
	p2 =	slt.u32 s8, $0xFFFFF086  }
0x1c: {  	p1 =	slt.u32 s9, $0xF7A;
	s5 =	simm.s32 @!p2 $0x0  }
0x1d: {  	s5 =	simm.s32 @p1 $0x1;
	p0 =	seq.s32 s7, s2  }
0x1e: {  	s7 =	smul.u32 @!p0 $0xF7A, s2;
	p2 =	seq.s32 @!p0 s5, $0x0  }
0x1f: {  	s9 =	smul.u32 $0xF7A, s1;
	s8 =	simm.s32 @!p0 $0x1BF5;
	p2 =	por !p2, p0  }
0x20: {  	[sflag:s8] =	ssyncset.s32 @!p0 $0xFFFFF086;
	s6 =	sadd.s32 @!p0 s3, s7;
	s7 =	simm.s32 @!p0 $0x108  }
0x21: {  	s3 =	sadd.s32 s3, s9;
	s6 =	sadd.s32 @!p0 $0x88, s6;
	s7 =	simm.s32 @p2 $0x1082  }
0x22: {  	[simem:s7], [sflag:s8] =	dma.local @!p0 [hbm:s6], $0xF7A  }
0x23: {  	s9 =	sor.u32 $0xD0000000, s2;
	s6 =	simm.s32 $0x108;
	_ =	swait.ge @!p0 [sflag:s8], $0x0  }
0x24: {  	s3 =	sadd.s32 $0x88, s3;
	s6 =	simm.s32 @!p1 $0x1082;
	[sflag:s4] =	ssyncset.s32 $0xFFFFF086  }
0x25: {  	[simem:s6], [sflag:s4] =	dma.local [hbm:s3], $0xF7A  }
0x26: {  	[smem:$0x3F9B] =	sst s1;
	(tag) =	ssettag s2;
	_ =	strace s9  }
0x27: {  	s1 =	sld [smem:$0x3FAB]  }
0x28: {  	s2 =	sld [smem:$0x3FAC]  }
0x29: {  	s4 =	sld [smem:$0x3FAE]  }
0x2a: {  	p0 =	seq.s32 s5, $0x0;
	s5 =	sld [smem:$0x3FAF]  }
0x2b: {  	s6 =	sld [smem:$0x3FB0]  }
0x2c: {  	s7 =	sld [smem:$0x3FB1]  }
0x2d: {  	s3 =	simm.s32 $0x108;
	s8 =	sld [smem:$0x3FB2]  }
0x2e: {  	s3 =	simm.s32 @!p0 $0x1082;
	s9 =	sld [smem:$0x3FB3]  }
0x2f: {  	lr =	sadd.s32 s0, s3;
	s0 =	sld [smem:$0x3FAA]  }
0x30: {  	s3 =	sld [smem:$0x3FAD]  }
0x31: {  	[smem:$0x3FB6] =	sst s10  }
0x32: {  	s10 =	sld [smem:$0x3FB4];
	_ =	sdelay $0x3  }
0x33: {  	p0 =	seq.s32 s10, $0x1;
	s10 =	sld [smem:$0x3FB6];
	_ =	sdelay $0x3  }
0x34: {  	[smem:$0x3FB6] =	sst s10  }
0x35: {  	s10 =	sld [smem:$0x3FB5];
	_ =	sdelay $0x3  }
0x36: {  	p1 =	seq.s32 s10, $0x1;
	s10 =	sld [smem:$0x3FB6];
	_ =	sdelay $0x3  }
0x37: {  	[smem:$0x3FB6] =	sst s10  }
0x38: {  	s10 =	sld [smem:$0x3FB7]  }
0x39: {  	_ = 	snop;
	(pc) =	sbr.ind lr, $3  }
0x3a: {  	_ = 	snop  }
0x3b: {  	_ = 	snop  }
0x3c: {  	p2 =	seq.s32 s10, $0x1;
	s10 =	sld [smem:$0x3FB6]  }
0x3d: {  	_ =	shalt  }
0x3e: {  	_ =	shalt  }
0x3f: {  	_ =	shalt  }
0x40: {  	_ =	shalt  }
0x41: {  	_ =	shalt  }
0x42: {  	_ =	shalt  }
0x43: {  	_ =	shalt  }
0x44: {  	_ =	shalt  }
0x45: {  	_ =	shalt  }
0x46: {  	_ =	shalt  }
0x47: {  	_ =	shalt  }
0x48: {  	_ =	shalt  }
0x49: {  	_ =	shalt  }
0x4a: {  	_ =	shalt  }
0x4b: {  	_ =	shalt  }
0x4c: {  	_ =	shalt  }
0x4d: {  	_ =	shalt  }
0x4e: {  	_ =	shalt  }
0x4f: {  	_ =	shalt  }
0x50: {  	_ =	shalt  }
0x51: {  	_ =	shalt  }
0x52: {  	_ =	shalt  }
0x53: {  	_ =	shalt  }
0x54: {  	_ =	shalt  }
0x55: {  	_ =	shalt  }
0x56: {  	_ =	shalt  }
0x57: {  	_ =	shalt  }
0x58: {  	_ =	shalt  }
0x59: {  	_ =	shalt  }
0x5a: {  	_ =	shalt  }
0x5b: {  	_ =	shalt  }
0x5c: {  	_ =	shalt  }
0x5d: {  	_ =	shalt  }
0x5e: {  	_ =	shalt  }
0x5f: {  	_ =	shalt  }
0x60: {  	_ =	shalt  }
0x61: {  	_ =	shalt  }
0x62: {  	_ =	shalt  }
0x63: {  	_ =	shalt  }
0x64: {  	_ =	shalt  }
0x65: {  	_ =	shalt  }
0x66: {  	_ =	shalt  }
0x67: {  	_ =	shalt  }
0x68: {  	_ =	shalt  }
0x69: {  	_ =	shalt  }
0x6a: {  	_ =	shalt  }
0x6b: {  	_ =	shalt  }
0x6c: {  	_ =	shalt  }
0x6d: {  	_ =	shalt  }
0x6e: {  	_ =	shalt  }
0x6f: {  	_ =	shalt  }
0x70: {  	_ =	shalt  }
0x71: {  	_ =	shalt  }
0x72: {  	_ =	shalt  }
0x73: {  	_ =	shalt  }
0x74: {  	_ =	shalt  }
0x75: {  	_ =	shalt  }
0x76: {  	_ =	shalt  }
0x77: {  	_ =	shalt  }
0x78: {  	_ =	shalt  }
0x79: {  	_ =	shalt  }
0x7a: {  	_ =	shalt  }
0x7b: {  	_ =	shalt  }
0x7c: {  	_ =	shalt  }
0x7d: {  	_ =	shalt  }
0x7e: {  	_ =	shalt  }
0x7f: {  	_ =	shalt  }
0x80: {  	_ =	shalt  }
0x81: {  	_ =	shalt  }
0x82: {  	_ =	shalt  }
0x83: {  	_ =	shalt  }
0x84: {  	_ =	shalt  }
0x85: {  	_ =	shalt  }
0x86: {  	_ =	shalt  }
0x87: {  	_ =	shalt  }
.Lfunc_end0:
.L_simem_size_0:
called_computation_lowered:
.L_overlay_start_0:
0x88: {  	s2 =	sld [smem:$0x3FD9]  }
0x89: {  	s3 =	sld [smem:$0x3FFE];
	_ =	sdelay $0x1  }
0x8a: {  	s1 =	srdreg.scid  }
0x8b: {  	s0 =	sand.u32 $0x1, s1  }
0x8c: {  	s17 =	sshll.u32 s0, $0xA;
	s2 =	sadd.s32 s3, s2  }
0x8d: {  	s2 =	sadd.s32 s2, s17  }
0x8e: {  	[smem:$0x3FC2] =	sst s2  }
0x8f: {  	_ = 	snop  }
0x90: {  	s2 =	sld [smem:$0x3FC8]  }
0x91: {  	s18 =	sld [smem:$0x3FC7]  }
0x92: {  	s4 =	sld [smem:$0x3FC6]  }
0x93: {  	s5 =	sld [smem:$0x3FC5]  }
0x94: {  	s6 =	sld [smem:$0x3FD0];
	(tm) =	ssettm $0x1  }
0x95: {  	s7 =	sld [smem:$0x3FFB];
	_ =	sdelay $0x3  }
0x96: {  	_ =	strace s7  }
0x97: {  	s7 =	sld [smem:$0x3FFC];
	_ =	sdelay $0x3  }
0x98: {  	_ =	strace s7  }
0x99: {  	s7 =	sld [smem:$0x3FFD];
	_ =	sdelay $0x3  }
0x9a: {  	_ =	strace s7  }
0x9b: {  	_ =	strace $0x8FFFFFFF  }
0x9c: {  	s19 =	sld [smem:$0x3FDB];
	_ =	sdelay $0x1  }
0x9d: {  	s8 =	simm.s32 $_scs_section_size  }
0x9e: {  	s9 =	simm.s32 $_size__tile_overlayer_lowered;
	s10 =	simm.s32 $_tile_overlayer_lowered  }
0x9f: {  	s22 =	simm.s32 $0x1BFF;
	s21 =	sshll.u32 s10, $0x1;
	s7 =	sadd.s32 s8, s19  }
0xa0: {  	s11 =	simm.s32 $0x0;
	s20 =	sshll.u32 s9, $0x1;
	s9 =	sadd.s32 s21, s7  }
0xa1: {  	[timem:s11], [sflag:s22] =	dma.local [hbm:s9], s20  }
0xa2: {  	_ =	swait.ge [sflag:s22], s20  }
0xa3: {  	s8 =	ssub.s32 $0x0, s20;
	[sflag:s22] =	ssyncset.done $0x0  }
0xa4: {  	[sflag:s22] =	ssyncadd.s32 s8;
	_ =	sdelay $0x1  }
0xa5: {  	s23 =	simm.s32 $0x1B8B  }
0xa6: {  	_ =	swait.ge [sflag:s23], $0x1  }
0xa7: {  	[sflag:s23] =	ssyncset.done $0x0  }
0xa8: {  	s25 =	simm.s32 $0x1B8E;
	s24 =	sld [smem:$0x3FFE];
	[sflag:s23] =	ssyncadd.s32 $0xFFFFFFFF  }
0xa9: {  	s26 =	simm.s32 $execute0_lowered;
	[smem:$0x3FD2] =	sst s25  }
0xaa: {  	s9 =	sshll.u32 s26, $0x1;
	_ =	strace $0x80000046;
	[dreg:$0x1] =	wrdreg $0xFFFFFFFF  }
0xab: {  	s28 =	simm.s32 $_size_execute0_lowered;
	s7 =	sadd.s32 s7, s9;
	[dreg:$0x0] =	wrdreg $0x0  }
0xac: {  	s9 =	sshll.u32 s28, $0x1;
	[dreg:$0x2] =	wrdreg s7  }
0xad: {  	[dreg:$0x3] =	wrdreg s9  }
0xae: {  	[dreg:$0x4] =	wrdreg $0xC0  }
0xaf: {  	_ =	task [dreg:s11], $0x5FFFF  }
0xb0: {  	[dreg:$0x1] =	wrdreg $0xFFFFFFFF  }
0xb1: {  	[dreg:$0x0] =	wrdreg $0x60  }
0xb2: {  	[dreg:$0x2] =	wrdreg s6  }
0xb3: {  	[dreg:$0x3] =	wrdreg s24  }
0xb4: {  	[dreg:$0x4] =	wrdreg s18  }
0xb5: {  	[dreg:$0x5] =	wrdreg s2  }
0xb6: {  	[dreg:$0x6] =	wrdreg s4  }
0xb7: {  	[dreg:$0x7] =	wrdreg s5  }
0xb8: {  	[dreg:$0x8] =	wrdreg $0xA000  }
0xb9: {  	[dreg:$0x9] =	wrdreg $0xC800  }
0xba: {  	[dreg:$0xa] =	wrdreg $0xF000  }
0xbb: {  	[dreg:$0xb] =	wrdreg $0x11800  }
0xbc: {  	[dreg:$0xc] =	wrdreg $0x9  }
0xbd: {  	_ =	task.clear_ibuf [dreg:s11], $0xDFFFF;
	_ =	strace $0x90000046  }
0xbe: {  	s29 =	simm.s32 $0x9;
	_ =	strace $0x80000048  }
0xbf: {  	_ =	swait.ge [sflag:s29], $0x1  }
0xc0: {  	[sflag:s29] =	ssyncadd.s32 $0xFFFFFFFF  }
0xc1: {  	_ =	strace $0x90000048  }
0xc2: {  	_ =	sfence  }
0xc3: {  	s30 =	sld [smem:$0x0];
	_ =	sdelay $0x2  }
0xc4: {  	s31 =	sshll.u32 s1, $0xD;
	s1 =	sshrl.u32 s1, $0x2  }
0xc5: {  	s3 =	sand.u32 $0x4000, s31;
	s1 =	sadd.s32 s1, s30  }
0xc6: {  	s0 =	sor.u32 s3, s0;
	s1 =	sshll.u32 s1, $0x11  }
0xc7: {  	s0 =	sor.u32 s1, s0  }
0xc8: {  	s0 =	sadd.s32 $0x8F2B, s0  }
0xc9: {  	[sflag:s0] =	ssyncadd.remote.s32 $0x1  }
0xca: {  	_ =	sfence.sel $0xFFFF  }
0xcb: {  	[dreg:$0x0] =	wrdreg $0xFFFFFFFF;
	(pc) =	sbr.abs _section_cstart, $3  }
0xcc: {  	[dreg:$0x1] =	wrdreg $0xFFFFFFFF  }
0xcd: {  	_ =	task.clear_ibuf [dreg:s11], $0x2FFFF;
	_ =	strace $0x9FFFFFFF  }
0xce: {  	(tm) =	ssettm $0x7FFFFFFF  }
0xcf: {  	_ =	shalt  }
tec
execute0_lowered:
.L_overlay_start_1:
0x0: {  	(tag) =	ssettag $0x1  }
0x1: {  	s0 =	rddreg [dreg:$0x1]  }
0x2: {  	s2 =	rddreg [dreg:$0x2]  }
0x3: {  	s4 =	rddreg [dreg:$0x3];
	s3 =	srdreg.scid  }
0x4: {  	s12 =	stileid.u32;
	s28 =	rddreg [dreg:$0x6]  }
0x5: {  	s30 =	rddreg [dreg:$0x7];
	s13 =	smul.u32 $0x4E20, s12  }
0x6: {  	s1 =	simm.s32 $0x0;
	s31 =	rddreg [dreg:$0x8];
	s5 =	sand.u32 $0x1, s3  }
0x7: {  	[smem:$0x7FF] =	sst s1;
	s6 =	sadd.s32 $0xA400, s0;
	s10 =	sshrl.u32 s13, $0x3  }
0x8: {  	s8 =	sadd.s32 $0x600, s0;
	s7 =	ssub.s32 $0x2, s5;
	s14 =	sadd.s32 s6, s10  }
0x9: {  	s9 =	sshrl.u32 s7, $0x1;
	s15 =	sadd.s32 s8, s10;
	[dreg:$0xb] =	wrdreg s14  }
0xa: {  	s3 =	ssub.s32 s7, s9;
	s16 =	sadd.s32 s2, s10;
	[dreg:$0xc] =	wrdreg s15  }
0xb: {  	s17 =	sadd.s32 s4, s10;
	s18 =	sadd.s32 $0x1F4, s10;
	[dreg:$0xd] =	wrdreg s16  }
0xc: {  	[dreg:$0xe] =	wrdreg s17;
	s19 =	sadd.s32 s6, s18;
	s20 =	sadd.s32 s8, s18  }
0xd: {  	s21 =	sadd.s32 s2, s18;
	s7 =	sadd.s32 s4, s18;
	s18 =	rddreg [dreg:$0x0]  }
0xe: {  	[dreg:$0xf] =	wrdreg s19  }
0xf: {  	[dreg:$0x10] =	wrdreg s20  }
0x10: {  	s22 =	sadd.s32 $0x3E8, s10;
	[dreg:$0x11] =	wrdreg s21  }
0x11: {  	s23 =	sadd.s32 s6, s22;
	[dreg:$0x12] =	wrdreg s7  }
0x12: {  	s29 =	simm.s32 $0x16100;
	s24 =	sadd.s32 s8, s22;
	[dreg:$0x13] =	wrdreg s23  }
0x13: {  	s25 =	sadd.s32 $0x5DC, s10;
	s11 =	sadd.s32 s2, s22;
	[dreg:$0x14] =	wrdreg s24  }
0x14: {  	s5 =	smul.u32 $0x9C40, s5;
	s26 =	sadd.s32 s6, s25;
	[dreg:$0x15] =	wrdreg s11  }
0x15: {  	s13 =	sadd.s32 s2, s25;
	s14 =	sadd.s32 $0x7D0, s10;
	[dreg:$0x17] =	wrdreg s26  }
0x16: {  	s9 =	sadd.s32 s4, s25;
	s7 =	sadd.s32 s4, s22;
	[dreg:$0x19] =	wrdreg s13  }
0x17: {  	[dreg:$0x1a] =	wrdreg s9;
	s6 =	sadd.s32 s6, s14;
	s15 =	sadd.s32 s8, s14  }
0x18: {  	s2 =	sadd.s32 s2, s14;
	s16 =	sadd.s32 s4, s14;
	s14 =	rddreg [dreg:$0x5]  }
0x19: {  	s17 =	sadd.s32 $0x2710, s5;
	s11 =	sadd.s32 s8, s25;
	[dreg:$0x16] =	wrdreg s7  }
0x1a: {  	p0 =	seq.s32 s12, $0xF;
	s19 =	sshrl.u32 s17, $0x3;
	[dreg:$0x18] =	wrdreg s11  }
0x1b: {  	s20 =	sadd.s32 $0x4E20, s5;
	s22 =	sadd.s32 $0x7530, s5;
	[dreg:$0x1b] =	wrdreg s6  }
0x1c: {  	s23 =	smul.u32 $0x280, s12;
	s26 =	sshrl.u32 s5, $0x3;
	[dreg:$0x1c] =	wrdreg s15  }
0x1d: {  	s9 =	simm.s32 $0xFA0;
	s12 =	simm.s32 $0x8680;
	[dreg:$0x1d] =	wrdreg s2  }
0x1e: {  	[dreg:$0x1e] =	wrdreg s16;
	s21 =	sshrl.u32 s20, $0x3;
	s6 =	sadd.s32 s18, s19  }
0x1f: {  	s25 =	sshrl.u32 s22, $0x3;
	s4 =	sadd.s32 s18, s26;
	s11 =	rddreg [dreg:$0x4]  }
0x20: {  	s15 =	sadd.s32 $0x14200, s0;
	[dreg:$0x1f] =	wrdreg s6;
	s24 =	sadd.s32 s18, s21  }
0x21: {  	s6 =	sadd.s32 s18, s25;
	s5 =	sadd.s32 s23, s5;
	[smem:$0x7EE] =	sst s4  }
0x22: {  	s2 =	sadd.s32 s23, s17;
	s16 =	sadd.s32 s23, s20;
	s17 =	sadd.s32 s23, s22  }
0x23: {  	s18 =	sadd.s32 s15, s26;
	[smem:$0x7EC] =	sst s24;
	s2 =	sshrl.u32 s2, $0x3  }
0x24: {  	[smem:$0x7ED] =	sst s6;
	s8 =	sshrl.u32 s5, $0x3;
	s2 =	sadd.s32 s15, s2  }
0x25: {  	s4 =	sadd.s32 s15, s8;
	[smem:$0x7F0] =	sst s2;
	s2 =	sshrl.u32 s16, $0x3  }
0x26: {  	s10 =	sshrl.u32 s23, $0x3;
	[smem:$0x7EF] =	sst s4;
	s2 =	sadd.s32 s15, s2  }
0x27: {  	s20 =	sadd.s32 $0x4B0, s11;
	s4 =	sshrl.u32 s17, $0x3;
	[smem:$0x7F1] =	sst s2  }
0x28: {  	s21 =	sadd.s32 $0x4B0, s14;
	s4 =	sadd.s32 s15, s4;
	s2 =	rddreg [dreg:$0x9]  }
0x29: {  	s26 =	smax.u32 s3, $0x1;
	s13 =	sadd.s32 s0, s10;
	[smem:$0x7F2] =	sst s4  }
0x2a: {  	s19 =	sadd.s32 s11, s10;
	_ =	strace $0x80000047;
	[smem:$0x7F3] =	sst s13  }
0x2b: {  	s3 =	simm.s32 $0x1;
	s10 =	sadd.s32 s14, s10;
	[smem:$0x7F4] =	sst s19  }
0x2c: {  	s5 =	sadd.s32 s23, s30;
	s0 =	sadd.s32 $0x4B0, s0;
	[smem:$0x7F5] =	sst s10  }
0x2d: {  	s6 =	sadd.s32 s23, s31;
	s22 =	sadd.s32 $0x4B0, s18;
	[smem:$0x7F6] =	sst s0  }
0x2e: {  	s24 =	sadd.s32 $0xE74, s18;
	s25 =	sadd.s32 $0x1356, s18;
	[smem:$0x7F7] =	sst s20  }
0x2f: {  	s11 =	simm.s32 $0x18900;
	s14 =	simm.s32 $0x2;
	[smem:$0x7F8] =	sst s21  }
0x30: {  	s8 =	simm.s32 $0x4680;
	s16 =	simm.s32 $0x3;
	[smem:$0x7F9] =	sst s22  }
0x31: {  	s17 =	simm.s32 $0x4;
	s15 =	simm.s32 $0x5680;
	[smem:$0x7FB] =	sst s24  }
0x32: {  	s4 =	sadd.s32 s23, s28;
	s7 =	sadd.s32 s23, s2;
	[smem:$0x7FC] =	sst s25  }
0x33: {  	s23 =	sadd.s32 $0x992, s18;
	[smem:$0x7FD] =	sst s26;
	s20 =	simm.s32 $0x3680  }
0x34: {  	s24 =	simm.s32 $0x6;
	s25 =	simm.s32 $0x11100;
	s26 =	simm.s32 $0x13900  }
0x35: {  	s0 =	simm.s32 $0xE680;
	s13 =	simm.s32 $0x9680;
	s18 =	simm.s32 $0x5  }
0x36: {  	v0 =	vimm.f32 $0.0e+00;
	s19 =	simm.s32 $0x0;
	[smem:$0x7FA] =	sst s23;
	s23 =	simm.s32 $0xE900  }
.LBB2_1:
0x37: {  	s10 =	rddreg [dreg:$0xb]  }
0x38: {  	[tilespmem:s11], [sflag:$0x1] =	stream.linear.gather [hbm4b:s10+s1], $0xFA0, $0x38;
	[tilespmem:$0x1CB80] =	vst v63  }
0x39: {  	s21 =	rddreg [dreg:$0xc]  }
0x3a: {  	[tilespmem:s20], [sflag:$0x1] =	stream.linear.gather [hbm4b:s21+s1], $0xFA0, $0x38;
	[tilespmem:$0x1CB80] =	vst v63  }
0x3b: {  	s22 =	rddreg [dreg:$0xd];
	s21 =	simm.s32 $0x1AB80  }
0x3c: {  	[tilespmem:s21], [sflag:$0x1] =	stream.linear.gather [hbm4b:s22+s1], $0xFA0, $0x38;
	[tilespmem:$0x1CB80] =	vst v63  }
0x3d: {  	s21 =	rddreg [dreg:$0xe];
	s22 =	simm.s32 $0x1400  }
0x3e: {  	[tilespmem:s22], [sflag:$0x1] =	stream.linear.gather [hbm4b:s21+s1], $0xFA0, $0x38;
	[tilespmem:$0x1CB80] =	vst v63  }
0x3f: {  	s21 =	sld [smem:$0x7EE];
	_ =	sdelay $0x2  }
0x40: {  	[tilespmem:s23], [sflag:$0x6] =	stream.linear.gather [hbm4b:s21+s1], $0x2710, $0x38;
	[tilespmem:$0x1CB80] =	vst v63  }
0x41: {  	_ =	swait.ge [sflag:s24], $0x2710  }
0x42: {  	[sflag:s24] =	ssyncset.done $0x0  }
0x43: {  	s22 =	rddreg [dreg:$0x1f];
	[sflag:s24] =	ssyncadd.s32 $0xFFFFD8F0  }
0x44: {  	[tilespmem:s25], [sflag:$0x6] =	stream.linear.gather [hbm4b:s22+s1], $0x2710, $0x38;
	[tilespmem:$0x1CB80] =	vst v63  }
0x45: {  	_ =	swait.ge [sflag:s24], $0x2710  }
0x46: {  	s21 =	sld [smem:$0x7EC]  }
0x47: {  	[sflag:s24] =	ssyncset.done $0x0  }
0x48: {  	[sflag:s24] =	ssyncadd.s32 $0xFFFFD8F0  }
0x49: {  	[tilespmem:s26], [sflag:$0x6] =	stream.linear.gather [hbm4b:s21+s1], $0x2710, $0x38;
	[tilespmem:$0x1CB80] =	vst v63  }
0x4a: {  	_ =	swait.ge [sflag:s24], $0x2710  }
0x4b: {  	s22 =	sld [smem:$0x7ED]  }
0x4c: {  	[sflag:s24] =	ssyncset.done $0x0  }
0x4d: {  	[sflag:s24] =	ssyncadd.s32 $0xFFFFD8F0  }
0x4e: {  	[tilespmem:s29], [sflag:$0x6] =	stream.linear.gather [hbm4b:s22+s1], $0x2710, $0x38;
	[tilespmem:$0x1CB80] =	vst v63  }
0x4f: {  	_ =	swait.ge [sflag:s24], $0x2710  }
0x50: {  	[sflag:s24] =	ssyncset.done $0x0  }
0x51: {  	[sflag:s24] =	ssyncadd.s32 $0xFFFFD8F0  }
0x52: {  	[tilespmem:$0xE680] =	vst v0  }
0x53: {  	[tilespmem:$0xE690] =	vst v0  }
0x54: {  	[tilespmem:$0xE6A0] =	vst v0  }
0x55: {  	[tilespmem:$0xE6B0] =	vst v0  }
0x56: {  	[tilespmem:$0xE6C0] =	vst v0  }
0x57: {  	[tilespmem:$0xE6D0] =	vst v0  }
0x58: {  	[tilespmem:$0xE6E0] =	vst v0  }
0x59: {  	[tilespmem:$0xE6F0] =	vst v0  }
0x5a: {  	[tilespmem:$0xE700] =	vst v0  }
0x5b: {  	[tilespmem:$0xE710] =	vst v0  }
0x5c: {  	[tilespmem:$0xE720] =	vst v0  }
0x5d: {  	[tilespmem:$0xE730] =	vst v0  }
0x5e: {  	[tilespmem:$0xE740] =	vst v0  }
0x5f: {  	[tilespmem:$0xE750] =	vst v0  }
0x60: {  	[tilespmem:$0xE760] =	vst v0  }
0x61: {  	[tilespmem:$0xE770] =	vst v0  }
0x62: {  	[tilespmem:$0xE780] =	vst v0  }
0x63: {  	[tilespmem:$0xE790] =	vst v0  }
0x64: {  	[tilespmem:$0xE7A0] =	vst v0  }
0x65: {  	[tilespmem:$0xE7B0] =	vst v0  }
0x66: {  	[tilespmem:$0xE7C0] =	vst v0  }
0x67: {  	[tilespmem:$0xE7D0] =	vst v0  }
0x68: {  	[tilespmem:$0xE7E0] =	vst v0  }
0x69: {  	[tilespmem:$0xE7F0] =	vst v0  }
0x6a: {  	[tilespmem:$0xE800] =	vst v0  }
0x6b: {  	[tilespmem:$0xE810] =	vst v0  }
0x6c: {  	[tilespmem:$0xE820] =	vst v0  }
0x6d: {  	[tilespmem:$0xE830] =	vst v0  }
0x6e: {  	[tilespmem:$0xE840] =	vst v0  }
0x6f: {  	[tilespmem:$0xE850] =	vst v0  }
0x70: {  	[tilespmem:$0xE860] =	vst v0  }
0x71: {  	[tilespmem:$0xE870] =	vst v0  }
0x72: {  	[tilespmem:$0xE880] =	vst v0  }
0x73: {  	[tilespmem:$0xE890] =	vst v0  }
0x74: {  	[tilespmem:$0xE8A0] =	vst v0  }
0x75: {  	[tilespmem:$0xE8B0] =	vst v0  }
0x76: {  	[tilespmem:$0xE8C0] =	vst v0  }
0x77: {  	[tilespmem:$0xE8D0] =	vst v0  }
0x78: {  	[tilespmem:$0xE8E0] =	vst v0  }
0x79: {  	[tilespmem:$0xE8F0] =	vst v0  }
0x7a: {  	[spmem:s4] =	stream.linear.scatter [tilespmem:s0], [sflag:$0x6], $0x280, $0x38;
	[tilespmem:$0x1CB80] =	vst v63  }
0x7b: {  	_ =	swait.ge [sflag:s24], $0x280  }
0x7c: {  	[sflag:s24] =	ssyncset.done $0x0  }
0x7d: {  	[sflag:s24] =	ssyncadd.s32 $0xFFFFFD80  }
0x7e: {  	[spmem:s5] =	stream.linear.scatter [tilespmem:s0], [sflag:$0x6], $0x280, $0x38;
	[tilespmem:$0x1CB80] =	vst v63  }
0x7f: {  	_ =	swait.ge [sflag:s24], $0x280  }
0x80: {  	[sflag:s24] =	ssyncset.done $0x0  }
0x81: {  	[sflag:s24] =	ssyncadd.s32 $0xFFFFFD80  }
0x82: {  	[spmem:s6] =	stream.linear.scatter [tilespmem:s0], [sflag:$0x6], $0x280, $0x38;
	[tilespmem:$0x1CB80] =	vst v63  }
0x83: {  	_ =	swait.ge [sflag:s24], $0x280  }
0x84: {  	[sflag:s24] =	ssyncset.done $0x0  }
0x85: {  	[sflag:s24] =	ssyncadd.s32 $0xFFFFFD80  }
0x86: {  	[spmem:s7] =	stream.linear.scatter [tilespmem:s0], [sflag:$0x6], $0x280, $0x38;
	[tilespmem:$0x1CB80] =	vst v63  }
0x87: {  	_ =	swait.ge [sflag:s24], $0x280  }
0x88: {  	[sflag:s24] =	ssyncset.done $0x0  }
0x89: {  	[sflag:s24] =	ssyncadd.s32 $0xFFFFFD80  }
0x8a: {  	[bflag:$0x0] =	sbarrier.arrive $0xFFFF  }
0x8b: {  	_ =	swait.ge [sflag:s3], $0xFA0  }
0x8c: {  	[sflag:s3] =	ssyncset.done $0x0  }
0x8d: {  	[sflag:s3] =	ssyncadd.s32 $0xFFFFF060  }
0x8e: {  	_ =	swait.ge [sflag:s3], $0xFA0  }
0x8f: {  	[sflag:s3] =	ssyncset.done $0x0  }
0x90: {  	[sflag:s3] =	ssyncadd.s32 $0xFFFFF060  }
0x91: {  	_ =	swait.ge [sflag:s3], $0xFA0  }
0x92: {  	[sflag:s3] =	ssyncset.done $0x0  }
0x93: {  	[sflag:s3] =	ssyncadd.s32 $0xFFFFF060  }
0x94: {  	_ =	swait.ge [sflag:s3], $0xFA0  }
0x95: {  	[sflag:s3] =	ssyncset.done $0x0  }
0x96: {  	s22 =	simm.s32 $0x19900;
	s21 =	rddreg [dreg:$0xf];
	[sflag:s3] =	ssyncadd.s32 $0xFFFFF060  }
0x97: {  	[tilespmem:s22], [sflag:$0x2] =	stream.linear.gather [hbm4b:s21+s1], $0xFA0, $0x38;
	[tilespmem:$0x1CB80] =	vst v63  }
0x98: {  	s22 =	rddreg [dreg:$0x10]  }
0x99: {  	[tilespmem:s8], [sflag:$0x2] =	stream.linear.gather [hbm4b:s22+s1], $0xFA0, $0x38;
	[tilespmem:$0x1CB80] =	vst v63  }
0x9a: {  	s21 =	rddreg [dreg:$0x11];
	s22 =	simm.s32 $0x1BB80  }
0x9b: {  	[tilespmem:s22], [sflag:$0x2] =	stream.linear.gather [hbm4b:s21+s1], $0xFA0, $0x38;
	[tilespmem:$0x1CB80] =	vst v63  }
0x9c: {  	s21 =	rddreg [dreg:$0x12];
	s22 =	simm.s32 $0x2400  }
0x9d: {  	[tilespmem:s22], [sflag:$0x2] =	stream.linear.gather [hbm4b:s21+s1], $0xFA0, $0x38;
	[tilespmem:$0x1CB80] =	vst v63  }
0x9e: {  	s21 =	simm.s32 $0x0  }
0x9f: {  	v1 =	vld [tilespmem:s21+$0x18900];
	_ =	sdelay $0x4  }
0xa0: {  	v2 =	vld [tilespmem:s21+$0x1AB80]  }
0xa1: {  	v3 =	vld [tilespmem:s21+$0x1400];
	_ =	sdelay $0x1  }
0xa2: {  	v4 =	vld.idx.msk [tilespmem:v1+s23+$0x0], $0xffff;
	_ =	sdelay $0x2  }
0xa3: {  	v2 =	vmul.f32 v3, v2;
	_ =	sdelay $0x1  }
0xa4: {  	v3 =	vmul.f32 v2, v4;
	_ =	sdelay $0x1  }
0xa5: {  	[tilespmem:s21+$0x6680] =	vst v3  }
0xa6: {  	v3 =	vld.idx.msk [tilespmem:v1+s25+$0x0], $0xffff;
	_ =	sdelay $0x4  }
0xa7: {  	v3 =	vmul.f32 v3, v2;
	_ =	sdelay $0x1  }
0xa8: {  	[tilespmem:s21+$0x7680] =	vst v3  }
0xa9: {  	v3 =	vld.idx.msk [tilespmem:v1+s26+$0x0], $0xffff;
	_ =	sdelay $0x4  }
0xaa: {  	v3 =	vmul.f32 v3, v2;
	_ =	sdelay $0x1  }
0xab: {  	[tilespmem:s21+$0x8680] =	vst v3  }
0xac: {  	v1 =	vld.idx.msk [tilespmem:v1+s29+$0x0], $0xffff  }
0xad: {  	v3 =	vld [tilespmem:s21+$0x18910];
	_ =	sdelay $0x3  }
0xae: {  	v1 =	vmul.f32 v1, v2  }
0xaf: {  	v2 =	vld [tilespmem:s21+$0x1AB90]  }
0xb0: {  	[tilespmem:s21+$0x9680] =	vst v1;
	v1 =	vld [tilespmem:s21+$0x1410];
	_ =	sdelay $0x1  }
0xb1: {  	v60 =	vld.idx.msk [tilespmem:v3+s23+$0x0], $0xffff;
	_ =	sdelay $0x2  }
0xb2: {  	v1 =	vmul.f32 v1, v2;
	_ =	sdelay $0x1  }
0xb3: {  	v2 =	vmul.f32 v1, v60;
	_ =	sdelay $0x1  }
0xb4: {  	[tilespmem:s21+$0x6690] =	vst v2  }
0xb5: {  	v2 =	vld.idx.msk [tilespmem:v3+s25+$0x0], $0xffff;
	_ =	sdelay $0x4  }
0xb6: {  	v2 =	vmul.f32 v2, v1;
	_ =	sdelay $0x1  }
0xb7: {  	[tilespmem:s21+$0x7690] =	vst v2  }
0xb8: {  	v2 =	vld.idx.msk [tilespmem:v3+s26+$0x0], $0xffff;
	_ =	sdelay $0x4  }
0xb9: {  	v2 =	vmul.f32 v2, v1;
	_ =	sdelay $0x1  }
0xba: {  	[tilespmem:s21+$0x8690] =	vst v2  }
0xbb: {  	v2 =	vld.idx.msk [tilespmem:v3+s29+$0x0], $0xffff  }
0xbc: {  	v3 =	vld [tilespmem:s21+$0x18920];
	_ =	sdelay $0x3  }
0xbd: {  	v1 =	vmul.f32 v2, v1  }
0xbe: {  	v2 =	vld [tilespmem:s21+$0x1ABA0]  }
0xbf: {  	[tilespmem:s21+$0x9690] =	vst v1;
	v1 =	vld [tilespmem:s21+$0x1420];
	_ =	sdelay $0x1  }
0xc0: {  	v61 =	vld.idx.msk [tilespmem:v3+s23+$0x0], $0xffff;
	_ =	sdelay $0x2  }
0xc1: {  	v1 =	vmul.f32 v1, v2;
	_ =	sdelay $0x1  }
0xc2: {  	v2 =	vmul.f32 v1, v61;
	_ =	sdelay $0x1  }
0xc3: {  	[tilespmem:s21+$0x66A0] =	vst v2  }
0xc4: {  	v2 =	vld.idx.msk [tilespmem:v3+s25+$0x0], $0xffff;
	_ =	sdelay $0x4  }
0xc5: {  	v2 =	vmul.f32 v2, v1;
	_ =	sdelay $0x1  }
0xc6: {  	[tilespmem:s21+$0x76A0] =	vst v2  }
0xc7: {  	v2 =	vld.idx.msk [tilespmem:v3+s26+$0x0], $0xffff;
	_ =	sdelay $0x4  }
0xc8: {  	v2 =	vmul.f32 v2, v1;
	_ =	sdelay $0x1  }
0xc9: {  	[tilespmem:s21+$0x86A0] =	vst v2  }
0xca: {  	v2 =	vld.idx.msk [tilespmem:v3+s29+$0x0], $0xffff  }
0xcb: {  	v3 =	vld [tilespmem:s21+$0x18930];
	_ =	sdelay $0x3  }
0xcc: {  	v1 =	vmul.f32 v2, v1  }
0xcd: {  	v2 =	vld [tilespmem:s21+$0x1ABB0]  }
0xce: {  	[tilespmem:s21+$0x96A0] =	vst v1;
	v1 =	vld [tilespmem:s21+$0x1430];
	_ =	sdelay $0x1  }
0xcf: {  	v62 =	vld.idx.msk [tilespmem:v3+s23+$0x0], $0xffff;
	_ =	sdelay $0x2  }
0xd0: {  	v1 =	vmul.f32 v1, v2;
	_ =	sdelay $0x1  }
0xd1: {  	v2 =	vmul.f32 v1, v62;
	_ =	sdelay $0x1  }
0xd2: {  	[tilespmem:s21+$0x66B0] =	vst v2  }
0xd3: {  	v2 =	vld.idx.msk [tilespmem:v3+s25+$0x0], $0xffff;
	_ =	sdelay $0x4  }
0xd4: {  	v2 =	vmul.f32 v2, v1;
	_ =	sdelay $0x1  }
0xd5: {  	[tilespmem:s21+$0x76B0] =	vst v2  }
0xd6: {  	v2 =	vld.idx.msk [tilespmem:v3+s26+$0x0], $0xffff;
	_ =	sdelay $0x4  }
0xd7: {  	v2 =	vmul.f32 v2, v1;
	_ =	sdelay $0x1  }
0xd8: {  	[tilespmem:s21+$0x86B0] =	vst v2  }
0xd9: {  	v2 =	vld.idx.msk [tilespmem:v3+s29+$0x0], $0xffff  }
0xda: {  	v3 =	vld [tilespmem:s21+$0x18940];
	_ =	sdelay $0x3  }
0xdb: {  	v1 =	vmul.f32 v2, v1  }
0xdc: {  	v2 =	vld [tilespmem:s21+$0x1ABC0]  }
0xdd: {  	[tilespmem:s21+$0x96B0] =	vst v1;
	v1 =	vld [tilespmem:s21+$0x1440];
	_ =	sdelay $0x1  }
0xde: {  	v63 =	vld.idx.msk [tilespmem:v3+s23+$0x0], $0xffff;
	_ =	sdelay $0x2  }
0xdf: {  	v1 =	vmul.f32 v1, v2;
	_ =	sdelay $0x1  }
0xe0: {  	v2 =	vmul.f32 v1, v63;
	_ =	sdelay $0x1  }
0xe1: {  	[tilespmem:s21+$0x66C0] =	vst v2  }
0xe2: {  	v2 =	vld.idx.msk [tilespmem:v3+s25+$0x0], $0xffff;
	_ =	sdelay $0x4  }
0xe3: {  	v2 =	vmul.f32 v2, v1;
	_ =	sdelay $0x1  }
0xe4: {  	[tilespmem:s21+$0x76C0] =	vst v2  }
0xe5: {  	v2 =	vld.idx.msk [tilespmem:v3+s26+$0x0], $0xffff;
	_ =	sdelay $0x4  }
0xe6: {  	v2 =	vmul.f32 v2, v1;
	_ =	sdelay $0x1  }
0xe7: {  	[tilespmem:s21+$0x86C0] =	vst v2  }
0xe8: {  	s10 =	simm.s32 $0x50;
	s22 =	simm.s32 $0x280;
	v2 =	vld.idx.msk [tilespmem:v3+s29+$0x0], $0xffff  }
.LBB2_2:
0xe9: {  	p1 =	sne.s32 s22, $0x3D40;
	v3 =	vld [tilespmem:s10+$0x18900];
	_ =	sdelay $0x4  }
0xea: {  	v1 =	vmul.f32 v2, v1  }
0xeb: {  	v2 =	vld [tilespmem:s10+$0x1AB80]  }
0xec: {  	v4 =	vld [tilespmem:s10+$0x1400];
	[tilespmem:s21+$0x96C0] =	vst v1;
	s21 =	smov.u32 s10  }
0xed: {  	v1 =	vld.idx.msk [tilespmem:v3+s23+$0x0], $0xffff;
	_ =	sdelay $0x3  }
0xee: {  	v2 =	vmul.f32 v4, v2;
	_ =	sdelay $0x1  }
0xef: {  	v1 =	vmul.f32 v2, v1;
	_ =	sdelay $0x1  }
0xf0: {  	[tilespmem:s21+$0x6680] =	vst v1  }
0xf1: {  	v1 =	vld.idx.msk [tilespmem:v3+s25+$0x0], $0xffff;
	_ =	sdelay $0x5  }
0xf2: {  	v1 =	vmul.f32 v1, v2;
	_ =	sdelay $0x1  }
0xf3: {  	[tilespmem:s21+$0x7680] =	vst v1  }
0xf4: {  	v1 =	vld.idx.msk [tilespmem:v3+s26+$0x0], $0xffff;
	_ =	sdelay $0x5  }
0xf5: {  	v1 =	vmul.f32 v1, v2;
	_ =	sdelay $0x1  }
0xf6: {  	[tilespmem:s21+$0x8680] =	vst v1  }
0xf7: {  	v1 =	vld.idx.msk [tilespmem:v3+s29+$0x0], $0xffff  }
0xf8: {  	v3 =	vld [tilespmem:s21+$0x18910];
	_ =	sdelay $0x4  }
0xf9: {  	v1 =	vmul.f32 v1, v2  }
0xfa: {  	v2 =	vld [tilespmem:s21+$0x1AB90]  }
0xfb: {  	[tilespmem:s21+$0x9680] =	vst v1;
	v1 =	vld [tilespmem:s21+$0x1410]  }
0xfc: {  	v4 =	vld.idx.msk [tilespmem:v3+s23+$0x0], $0xffff;
	_ =	sdelay $0x3  }
0xfd: {  	v1 =	vmul.f32 v1, v2;
	_ =	sdelay $0x1  }
0xfe: {  	v2 =	vmul.f32 v1, v4;
	_ =	sdelay $0x1  }
0xff: {  	[tilespmem:s21+$0x6690] =	vst v2  }
0x100: {  	v2 =	vld.idx.msk [tilespmem:v3+s25+$0x0], $0xffff;
	_ =	sdelay $0x5  }
0x101: {  	v2 =	vmul.f32 v2, v1;
	_ =	sdelay $0x1  }
0x102: {  	[tilespmem:s21+$0x7690] =	vst v2  }
0x103: {  	v2 =	vld.idx.msk [tilespmem:v3+s26+$0x0], $0xffff;
	_ =	sdelay $0x5  }
0x104: {  	v2 =	vmul.f32 v2, v1;
	_ =	sdelay $0x1  }
0x105: {  	[tilespmem:s21+$0x8690] =	vst v2  }
0x106: {  	v2 =	vld.idx.msk [tilespmem:v3+s29+$0x0], $0xffff  }
0x107: {  	v3 =	vld [tilespmem:s21+$0x18920];
	_ =	sdelay $0x4  }
0x108: {  	v1 =	vmul.f32 v2, v1  }
0x109: {  	v2 =	vld [tilespmem:s21+$0x1ABA0]  }
0x10a: {  	[tilespmem:s21+$0x9690] =	vst v1;
	v1 =	vld [tilespmem:s21+$0x1420]  }
0x10b: {  	v4 =	vld.idx.msk [tilespmem:v3+s23+$0x0], $0xffff;
	_ =	sdelay $0x3  }
0x10c: {  	v1 =	vmul.f32 v1, v2;
	_ =	sdelay $0x1  }
0x10d: {  	v2 =	vmul.f32 v1, v4;
	_ =	sdelay $0x1  }
0x10e: {  	[tilespmem:s21+$0x66A0] =	vst v2  }
0x10f: {  	v2 =	vld.idx.msk [tilespmem:v3+s25+$0x0], $0xffff;
	_ =	sdelay $0x5  }
0x110: {  	v2 =	vmul.f32 v2, v1;
	_ =	sdelay $0x1  }
0x111: {  	[tilespmem:s21+$0x76A0] =	vst v2  }
0x112: {  	v2 =	vld.idx.msk [tilespmem:v3+s26+$0x0], $0xffff;
	_ =	sdelay $0x5  }
0x113: {  	v2 =	vmul.f32 v2, v1;
	_ =	sdelay $0x1  }
0x114: {  	[tilespmem:s21+$0x86A0] =	vst v2  }
0x115: {  	v2 =	vld.idx.msk [tilespmem:v3+s29+$0x0], $0xffff  }
0x116: {  	v3 =	vld [tilespmem:s21+$0x18930];
	_ =	sdelay $0x4  }
0x117: {  	v1 =	vmul.f32 v2, v1  }
0x118: {  	v2 =	vld [tilespmem:s21+$0x1ABB0]  }
0x119: {  	[tilespmem:s21+$0x96A0] =	vst v1;
	v1 =	vld [tilespmem:s21+$0x1430]  }
0x11a: {  	v4 =	vld.idx.msk [tilespmem:v3+s23+$0x0], $0xffff;
	_ =	sdelay $0x3  }
0x11b: {  	v1 =	vmul.f32 v1, v2;
	_ =	sdelay $0x1  }
0x11c: {  	v2 =	vmul.f32 v1, v4;
	_ =	sdelay $0x1  }
0x11d: {  	[tilespmem:s21+$0x66B0] =	vst v2  }
0x11e: {  	v2 =	vld.idx.msk [tilespmem:v3+s25+$0x0], $0xffff;
	_ =	sdelay $0x5  }
0x11f: {  	v2 =	vmul.f32 v2, v1;
	_ =	sdelay $0x1  }
0x120: {  	[tilespmem:s21+$0x76B0] =	vst v2  }
0x121: {  	v2 =	vld.idx.msk [tilespmem:v3+s26+$0x0], $0xffff;
	_ =	sdelay $0x5  }
0x122: {  	v2 =	vmul.f32 v2, v1;
	_ =	sdelay $0x1  }
0x123: {  	[tilespmem:s21+$0x86B0] =	vst v2  }
0x124: {  	v2 =	vld.idx.msk [tilespmem:v3+s29+$0x0], $0xffff  }
0x125: {  	v3 =	vld [tilespmem:s21+$0x18940];
	_ =	sdelay $0x4  }
0x126: {  	v1 =	vmul.f32 v2, v1  }
0x127: {  	v2 =	vld [tilespmem:s21+$0x1ABC0]  }
0x128: {  	[tilespmem:s21+$0x96B0] =	vst v1;
	v1 =	vld [tilespmem:s21+$0x1440]  }
0x129: {  	v4 =	vld.idx.msk [tilespmem:v3+s23+$0x0], $0xffff;
	_ =	sdelay $0x3  }
0x12a: {  	v1 =	vmul.f32 v1, v2;
	_ =	sdelay $0x1  }
0x12b: {  	v2 =	vmul.f32 v1, v4;
	_ =	sdelay $0x1  }
0x12c: {  	[tilespmem:s21+$0x66C0] =	vst v2  }
0x12d: {  	v2 =	vld.idx.msk [tilespmem:v3+s25+$0x0], $0xffff;
	_ =	sdelay $0x5  }
0x12e: {  	v2 =	vmul.f32 v2, v1;
	_ =	sdelay $0x1  }
0x12f: {  	[tilespmem:s21+$0x76C0] =	vst v2  }
0x130: {  	v2 =	vld.idx.msk [tilespmem:v3+s26+$0x0], $0xffff;
	_ =	sdelay $0x4  }
.Ltmp0:
0x131: {  	(pc) =	sbr.rel @p1 .LBB2_2-.Ltmp0, $3  }
0x132: {  	v2 =	vmul.f32 v2, v1;
	_ =	sdelay $0x1  }
0x133: {  	[tilespmem:s21+$0x86C0] =	vst v2  }
0x134: {  	s10 =	sshra.s32 s22, $0x2;
	s22 =	sadd.s32 $0x140, s22;
	v2 =	vld.idx.msk [tilespmem:v3+s29+$0x0], $0xffff  }
0x135: {  	v3 =	vld [tilespmem:s10+$0x18900];
	_ =	sdelay $0x4  }
0x136: {  	v4 =	vld [tilespmem:s10+$0x1400];
	v1 =	vmul.f32 v2, v1  }
0x137: {  	v2 =	vld [tilespmem:s10+$0x1AB80]  }
0x138: {  	[tilespmem:s21+$0x96C0] =	vst v1  }
0x139: {  	v1 =	vld.idx.msk [tilespmem:v3+s23+$0x0], $0xffff;
	_ =	sdelay $0x2  }
0x13a: {  	v2 =	vmul.f32 v4, v2;
	_ =	sdelay $0x1  }
0x13b: {  	v1 =	vmul.f32 v2, v1;
	_ =	sdelay $0x1  }
0x13c: {  	[tilespmem:s10+$0x6680] =	vst v1  }
0x13d: {  	v1 =	vld.idx.msk [tilespmem:v3+s25+$0x0], $0xffff;
	_ =	sdelay $0x4  }
0x13e: {  	v1 =	vmul.f32 v1, v2;
	_ =	sdelay $0x1  }
0x13f: {  	[tilespmem:s10+$0x7680] =	vst v1  }
0x140: {  	v1 =	vld.idx.msk [tilespmem:v3+s26+$0x0], $0xffff;
	_ =	sdelay $0x4  }
0x141: {  	v1 =	vmul.f32 v1, v2;
	_ =	sdelay $0x1  }
0x142: {  	[tilespmem:s10+$0x8680] =	vst v1  }
0x143: {  	v1 =	vld.idx.msk [tilespmem:v3+s29+$0x0], $0xffff  }
0x144: {  	v3 =	vld [tilespmem:s10+$0x18910];
	_ =	sdelay $0x3  }
0x145: {  	v1 =	vmul.f32 v1, v2  }
0x146: {  	v2 =	vld [tilespmem:s10+$0x1AB90]  }
0x147: {  	[tilespmem:s10+$0x9680] =	vst v1;
	v1 =	vld [tilespmem:s10+$0x1410];
	_ =	sdelay $0x1  }
0x148: {  	v55 =	vld.idx.msk [tilespmem:v3+s23+$0x0], $0xffff;
	_ =	sdelay $0x2  }
0x149: {  	v1 =	vmul.f32 v1, v2;
	_ =	sdelay $0x1  }
0x14a: {  	v2 =	vmul.f32 v1, v55;
	_ =	sdelay $0x1  }
0x14b: {  	[tilespmem:s10+$0x6690] =	vst v2  }
0x14c: {  	v2 =	vld.idx.msk [tilespmem:v3+s25+$0x0], $0xffff;
	_ =	sdelay $0x4  }
0x14d: {  	v2 =	vmul.f32 v2, v1;
	_ =	sdelay $0x1  }
0x14e: {  	[tilespmem:s10+$0x7690] =	vst v2  }
0x14f: {  	v2 =	vld.idx.msk [tilespmem:v3+s26+$0x0], $0xffff;
	_ =	sdelay $0x4  }
0x150: {  	v2 =	vmul.f32 v2, v1;
	_ =	sdelay $0x1  }
0x151: {  	[tilespmem:s10+$0x8690] =	vst v2  }
0x152: {  	v2 =	vld.idx.msk [tilespmem:v3+s29+$0x0], $0xffff  }
0x153: {  	v3 =	vld [tilespmem:s10+$0x18920];
	_ =	sdelay $0x3  }
0x154: {  	v1 =	vmul.f32 v2, v1  }
0x155: {  	v2 =	vld [tilespmem:s10+$0x1ABA0]  }
0x156: {  	[tilespmem:s10+$0x9690] =	vst v1;
	v1 =	vld [tilespmem:s10+$0x1420];
	_ =	sdelay $0x1  }
0x157: {  	v56 =	vld.idx.msk [tilespmem:v3+s23+$0x0], $0xffff;
	_ =	sdelay $0x2  }
0x158: {  	v1 =	vmul.f32 v1, v2;
	_ =	sdelay $0x1  }
0x159: {  	v2 =	vmul.f32 v1, v56;
	_ =	sdelay $0x1  }
0x15a: {  	[tilespmem:s10+$0x66A0] =	vst v2  }
0x15b: {  	v2 =	vld.idx.msk [tilespmem:v3+s25+$0x0], $0xffff;
	_ =	sdelay $0x4  }
0x15c: {  	v2 =	vmul.f32 v2, v1;
	_ =	sdelay $0x1  }
0x15d: {  	[tilespmem:s10+$0x76A0] =	vst v2  }
0x15e: {  	v2 =	vld.idx.msk [tilespmem:v3+s26+$0x0], $0xffff;
	_ =	sdelay $0x4  }
0x15f: {  	v2 =	vmul.f32 v2, v1;
	_ =	sdelay $0x1  }
0x160: {  	[tilespmem:s10+$0x86A0] =	vst v2  }
0x161: {  	v2 =	vld.idx.msk [tilespmem:v3+s29+$0x0], $0xffff  }
0x162: {  	v3 =	vld [tilespmem:s10+$0x18930];
	_ =	sdelay $0x3  }
0x163: {  	v1 =	vmul.f32 v2, v1  }
0x164: {  	v2 =	vld [tilespmem:s10+$0x1ABB0]  }
0x165: {  	[tilespmem:s10+$0x96A0] =	vst v1;
	v1 =	vld [tilespmem:s10+$0x1430];
	_ =	sdelay $0x1  }
0x166: {  	v57 =	vld.idx.msk [tilespmem:v3+s23+$0x0], $0xffff;
	_ =	sdelay $0x2  }
0x167: {  	v1 =	vmul.f32 v1, v2;
	_ =	sdelay $0x1  }
0x168: {  	v2 =	vmul.f32 v1, v57;
	_ =	sdelay $0x1  }
0x169: {  	[tilespmem:s10+$0x66B0] =	vst v2  }
0x16a: {  	v2 =	vld.idx.msk [tilespmem:v3+s25+$0x0], $0xffff;
	_ =	sdelay $0x4  }
0x16b: {  	v2 =	vmul.f32 v2, v1;
	_ =	sdelay $0x1  }
0x16c: {  	[tilespmem:s10+$0x76B0] =	vst v2  }
0x16d: {  	v2 =	vld.idx.msk [tilespmem:v3+s26+$0x0], $0xffff;
	_ =	sdelay $0x4  }
0x16e: {  	v2 =	vmul.f32 v2, v1;
	_ =	sdelay $0x1  }
0x16f: {  	[tilespmem:s10+$0x86B0] =	vst v2  }
0x170: {  	v2 =	vld.idx.msk [tilespmem:v3+s29+$0x0], $0xffff  }
0x171: {  	v3 =	vld [tilespmem:s10+$0x18940];
	_ =	sdelay $0x3  }
0x172: {  	v1 =	vmul.f32 v2, v1  }
0x173: {  	v2 =	vld [tilespmem:s10+$0x1ABC0]  }
0x174: {  	[tilespmem:s10+$0x96B0] =	vst v1;
	v1 =	vld [tilespmem:s10+$0x1440];
	_ =	sdelay $0x1  }
0x175: {  	v58 =	vld.idx.msk [tilespmem:v3+s23+$0x0], $0xffff;
	_ =	sdelay $0x2  }
0x176: {  	v1 =	vmul.f32 v1, v2;
	_ =	sdelay $0x1  }
0x177: {  	v2 =	vmul.f32 v1, v58;
	_ =	sdelay $0x1  }
0x178: {  	[tilespmem:s10+$0x66C0] =	vst v2  }
0x179: {  	v2 =	vld.idx.msk [tilespmem:v3+s25+$0x0], $0xffff;
	_ =	sdelay $0x4  }
0x17a: {  	v2 =	vmul.f32 v2, v1;
	_ =	sdelay $0x1  }
0x17b: {  	[tilespmem:s10+$0x76C0] =	vst v2  }
0x17c: {  	v2 =	vld.idx.msk [tilespmem:v3+s26+$0x0], $0xffff;
	_ =	sdelay $0x4  }
0x17d: {  	v2 =	vmul.f32 v2, v1;
	_ =	sdelay $0x1  }
0x17e: {  	[tilespmem:s10+$0x86C0] =	vst v2  }
0x17f: {  	v2 =	vld.idx.msk [tilespmem:v3+s29+$0x0], $0xffff;
	_ =	sdelay $0x4  }
0x180: {  	v1 =	vmul.f32 v2, v1;
	_ =	sdelay $0x1  }
0x181: {  	s22 =	simm.s32 $0x6680;
	[tilespmem:s10+$0x96C0] =	vst v1  }
0x182: {  	[spmem:s28] =	stream.indirect.scatter.add.f32 [tilespmem:s22], [sflag:$0x3], $0x1, s20, s9, $0xb8;
	[tilespmem:$0x1CB80] =	vst v63  }
0x183: {  	s21 =	simm.s32 $0x7680  }
0x184: {  	[spmem:s30] =	stream.indirect.scatter.add.f32 [tilespmem:s21], [sflag:$0x3], $0x1, s20, s9, $0xb8;
	[tilespmem:$0x1CB80] =	vst v63  }
0x185: {  	_ = 	snop  }
0x186: {  	[spmem:s31] =	stream.indirect.scatter.add.f32 [tilespmem:s12], [sflag:$0x3], $0x1, s20, s9, $0xb8;
	[tilespmem:$0x1CB80] =	vst v63  }
0x187: {  	_ = 	snop  }
0x188: {  	[spmem:s2] =	stream.indirect.scatter.add.f32 [tilespmem:s13], [sflag:$0x3], $0x1, s20, s9, $0xb8;
	[tilespmem:$0x1CB80] =	vst v63  }
0x189: {  	_ =	swait.ge [sflag:s14], $0xFA0  }
0x18a: {  	[sflag:s14] =	ssyncset.done $0x0  }
0x18b: {  	[sflag:s14] =	ssyncadd.s32 $0xFFFFF060  }
0x18c: {  	_ =	swait.ge [sflag:s14], $0xFA0  }
0x18d: {  	[sflag:s14] =	ssyncset.done $0x0  }
0x18e: {  	[sflag:s14] =	ssyncadd.s32 $0xFFFFF060  }
0x18f: {  	_ =	swait.ge [sflag:s14], $0xFA0  }
0x190: {  	[sflag:s14] =	ssyncset.done $0x0  }
0x191: {  	[sflag:s14] =	ssyncadd.s32 $0xFFFFF060  }
0x192: {  	_ =	swait.ge [sflag:s14], $0xFA0  }
0x193: {  	[sflag:s14] =	ssyncset.done $0x0  }
0x194: {  	s10 =	simm.s32 $0x0;
	s22 =	rddreg [dreg:$0x13];
	[sflag:s14] =	ssyncadd.s32 $0xFFFFF060  }
0x195: {  	[tilespmem:s11], [sflag:$0x1] =	stream.linear.gather [hbm4b:s22+s10], $0xFA0, $0x38;
	[tilespmem:$0x1CB80] =	vst v63  }
0x196: {  	s22 =	rddreg [dreg:$0x14]  }
0x197: {  	[tilespmem:s15], [sflag:$0x1] =	stream.linear.gather [hbm4b:s22+s10], $0xFA0, $0x38;
	[tilespmem:$0x1CB80] =	vst v63  }
0x198: {  	s21 =	rddreg [dreg:$0x15];
	s22 =	simm.s32 $0x1AB80  }
0x199: {  	[tilespmem:s22], [sflag:$0x1] =	stream.linear.gather [hbm4b:s21+s10], $0xFA0, $0x38;
	[tilespmem:$0x1CB80] =	vst v63  }
0x19a: {  	s21 =	rddreg [dreg:$0x16];
	s22 =	simm.s32 $0x1400  }
0x19b: {  	[tilespmem:s22], [sflag:$0x1] =	stream.linear.gather [hbm4b:s21+s10], $0xFA0, $0x38;
	[tilespmem:$0x1CB80] =	vst v63  }
0x19c: {  	s21 =	simm.s32 $0x0  }
0x19d: {  	v1 =	vld [tilespmem:s21+$0x19900];
	_ =	sdelay $0x4  }
0x19e: {  	v2 =	vld [tilespmem:s21+$0x1BB80]  }
0x19f: {  	v3 =	vld [tilespmem:s21+$0x2400];
	_ =	sdelay $0x1  }
0x1a0: {  	v59 =	vld.idx.msk [tilespmem:v1+s23+$0x0], $0xffff;
	_ =	sdelay $0x2  }
0x1a1: {  	v2 =	vmul.f32 v3, v2;
	_ =	sdelay $0x1  }
0x1a2: {  	v3 =	vmul.f32 v2, v59;
	_ =	sdelay $0x1  }
0x1a3: {  	[tilespmem:s21+$0xA680] =	vst v3  }
0x1a4: {  	v3 =	vld.idx.msk [tilespmem:v1+s25+$0x0], $0xffff;
	_ =	sdelay $0x4  }
0x1a5: {  	v3 =	vmul.f32 v3, v2;
	_ =	sdelay $0x1  }
0x1a6: {  	[tilespmem:s21+$0xB680] =	vst v3  }
0x1a7: {  	v3 =	vld.idx.msk [tilespmem:v1+s26+$0x0], $0xffff;
	_ =	sdelay $0x4  }
0x1a8: {  	v3 =	vmul.f32 v3, v2;
	_ =	sdelay $0x1  }
0x1a9: {  	[tilespmem:s21+$0xC680] =	vst v3  }
0x1aa: {  	v1 =	vld.idx.msk [tilespmem:v1+s29+$0x0], $0xffff  }
0x1ab: {  	v3 =	vld [tilespmem:s21+$0x19910];
	_ =	sdelay $0x3  }
0x1ac: {  	v1 =	vmul.f32 v1, v2  }
0x1ad: {  	v2 =	vld [tilespmem:s21+$0x1BB90]  }
0x1ae: {  	[tilespmem:s21+$0xD680] =	vst v1;
	v1 =	vld [tilespmem:s21+$0x2410];
	_ =	sdelay $0x1  }
0x1af: {  	v60 =	vld.idx.msk [tilespmem:v3+s23+$0x0], $0xffff;
	_ =	sdelay $0x2  }
0x1b0: {  	v1 =	vmul.f32 v1, v2;
	_ =	sdelay $0x1  }
0x1b1: {  	v2 =	vmul.f32 v1, v60;
	_ =	sdelay $0x1  }
0x1b2: {  	[tilespmem:s21+$0xA690] =	vst v2  }
0x1b3: {  	v2 =	vld.idx.msk [tilespmem:v3+s25+$0x0], $0xffff;
	_ =	sdelay $0x4  }
0x1b4: {  	v2 =	vmul.f32 v2, v1;
	_ =	sdelay $0x1  }
0x1b5: {  	[tilespmem:s21+$0xB690] =	vst v2  }
0x1b6: {  	v2 =	vld.idx.msk [tilespmem:v3+s26+$0x0], $0xffff;
	_ =	sdelay $0x4  }
0x1b7: {  	v2 =	vmul.f32 v2, v1;
	_ =	sdelay $0x1  }
0x1b8: {  	[tilespmem:s21+$0xC690] =	vst v2  }
0x1b9: {  	v2 =	vld.idx.msk [tilespmem:v3+s29+$0x0], $0xffff  }
0x1ba: {  	v3 =	vld [tilespmem:s21+$0x19920];
	_ =	sdelay $0x3  }
0x1bb: {  	v1 =	vmul.f32 v2, v1  }
0x1bc: {  	v2 =	vld [tilespmem:s21+$0x1BBA0]  }
0x1bd: {  	[tilespmem:s21+$0xD690] =	vst v1;
	v1 =	vld [tilespmem:s21+$0x2420];
	_ =	sdelay $0x1  }
0x1be: {  	v61 =	vld.idx.msk [tilespmem:v3+s23+$0x0], $0xffff;
	_ =	sdelay $0x2  }
0x1bf: {  	v1 =	vmul.f32 v1, v2;
	_ =	sdelay $0x1  }
0x1c0: {  	v2 =	vmul.f32 v1, v61;
	_ =	sdelay $0x1  }
0x1c1: {  	[tilespmem:s21+$0xA6A0] =	vst v2  }
0x1c2: {  	v2 =	vld.idx.msk [tilespmem:v3+s25+$0x0], $0xffff;
	_ =	sdelay $0x4  }
0x1c3: {  	v2 =	vmul.f32 v2, v1;
	_ =	sdelay $0x1  }
0x1c4: {  	[tilespmem:s21+$0xB6A0] =	vst v2  }
0x1c5: {  	v2 =	vld.idx.msk [tilespmem:v3+s26+$0x0], $0xffff;
	_ =	sdelay $0x4  }
0x1c6: {  	v2 =	vmul.f32 v2, v1;
	_ =	sdelay $0x1  }
0x1c7: {  	[tilespmem:s21+$0xC6A0] =	vst v2  }
0x1c8: {  	v2 =	vld.idx.msk [tilespmem:v3+s29+$0x0], $0xffff  }
0x1c9: {  	v3 =	vld [tilespmem:s21+$0x19930];
	_ =	sdelay $0x3  }
0x1ca: {  	v1 =	vmul.f32 v2, v1  }
0x1cb: {  	v2 =	vld [tilespmem:s21+$0x1BBB0]  }
0x1cc: {  	[tilespmem:s21+$0xD6A0] =	vst v1;
	v1 =	vld [tilespmem:s21+$0x2430];
	_ =	sdelay $0x1  }
0x1cd: {  	v62 =	vld.idx.msk [tilespmem:v3+s23+$0x0], $0xffff;
	_ =	sdelay $0x2  }
0x1ce: {  	v1 =	vmul.f32 v1, v2;
	_ =	sdelay $0x1  }
0x1cf: {  	v2 =	vmul.f32 v1, v62;
	_ =	sdelay $0x1  }
0x1d0: {  	[tilespmem:s21+$0xA6B0] =	vst v2  }
0x1d1: {  	v2 =	vld.idx.msk [tilespmem:v3+s25+$0x0], $0xffff;
	_ =	sdelay $0x4  }
0x1d2: {  	v2 =	vmul.f32 v2, v1;
	_ =	sdelay $0x1  }
0x1d3: {  	[tilespmem:s21+$0xB6B0] =	vst v2  }
0x1d4: {  	v2 =	vld.idx.msk [tilespmem:v3+s26+$0x0], $0xffff;
	_ =	sdelay $0x4  }
0x1d5: {  	v2 =	vmul.f32 v2, v1;
	_ =	sdelay $0x1  }
0x1d6: {  	[tilespmem:s21+$0xC6B0] =	vst v2  }
0x1d7: {  	v2 =	vld.idx.msk [tilespmem:v3+s29+$0x0], $0xffff  }
0x1d8: {  	v3 =	vld [tilespmem:s21+$0x19940];
	_ =	sdelay $0x3  }
0x1d9: {  	v1 =	vmul.f32 v2, v1  }
0x1da: {  	v2 =	vld [tilespmem:s21+$0x1BBC0]  }
0x1db: {  	[tilespmem:s21+$0xD6B0] =	vst v1;
	v1 =	vld [tilespmem:s21+$0x2440];
	_ =	sdelay $0x1  }
0x1dc: {  	v63 =	vld.idx.msk [tilespmem:v3+s23+$0x0], $0xffff;
	_ =	sdelay $0x2  }
0x1dd: {  	v1 =	vmul.f32 v1, v2;
	_ =	sdelay $0x1  }
0x1de: {  	v2 =	vmul.f32 v1, v63;
	_ =	sdelay $0x1  }
0x1df: {  	[tilespmem:s21+$0xA6C0] =	vst v2  }
0x1e0: {  	v2 =	vld.idx.msk [tilespmem:v3+s25+$0x0], $0xffff;
	_ =	sdelay $0x4  }
0x1e1: {  	v2 =	vmul.f32 v2, v1;
	_ =	sdelay $0x1  }
0x1e2: {  	[tilespmem:s21+$0xB6C0] =	vst v2  }
0x1e3: {  	v2 =	vld.idx.msk [tilespmem:v3+s26+$0x0], $0xffff;
	_ =	sdelay $0x4  }
0x1e4: {  	v2 =	vmul.f32 v2, v1;
	_ =	sdelay $0x1  }
0x1e5: {  	[tilespmem:s21+$0xC6C0] =	vst v2  }
0x1e6: {  	s10 =	simm.s32 $0x50;
	s22 =	simm.s32 $0x280;
	v2 =	vld.idx.msk [tilespmem:v3+s29+$0x0], $0xffff  }
.LBB2_4:
0x1e7: {  	p1 =	sne.s32 s22, $0x3D40;
	v3 =	vld [tilespmem:s10+$0x19900];
	_ =	sdelay $0x4  }
0x1e8: {  	v1 =	vmul.f32 v2, v1  }
0x1e9: {  	v2 =	vld [tilespmem:s10+$0x1BB80]  }
0x1ea: {  	v4 =	vld [tilespmem:s10+$0x2400];
	[tilespmem:s21+$0xD6C0] =	vst v1;
	s21 =	smov.u32 s10  }
0x1eb: {  	v1 =	vld.idx.msk [tilespmem:v3+s23+$0x0], $0xffff;
	_ =	sdelay $0x3  }
0x1ec: {  	v2 =	vmul.f32 v4, v2;
	_ =	sdelay $0x1  }
0x1ed: {  	v1 =	vmul.f32 v2, v1;
	_ =	sdelay $0x1  }
0x1ee: {  	[tilespmem:s21+$0xA680] =	vst v1  }
0x1ef: {  	v1 =	vld.idx.msk [tilespmem:v3+s25+$0x0], $0xffff;
	_ =	sdelay $0x5  }
0x1f0: {  	v1 =	vmul.f32 v1, v2;
	_ =	sdelay $0x1  }
0x1f1: {  	[tilespmem:s21+$0xB680] =	vst v1  }
0x1f2: {  	v1 =	vld.idx.msk [tilespmem:v3+s26+$0x0], $0xffff;
	_ =	sdelay $0x5  }
0x1f3: {  	v1 =	vmul.f32 v1, v2;
	_ =	sdelay $0x1  }
0x1f4: {  	[tilespmem:s21+$0xC680] =	vst v1  }
0x1f5: {  	v1 =	vld.idx.msk [tilespmem:v3+s29+$0x0], $0xffff  }
0x1f6: {  	v3 =	vld [tilespmem:s21+$0x19910];
	_ =	sdelay $0x4  }
0x1f7: {  	v1 =	vmul.f32 v1, v2  }
0x1f8: {  	v2 =	vld [tilespmem:s21+$0x1BB90]  }
0x1f9: {  	[tilespmem:s21+$0xD680] =	vst v1;
	v1 =	vld [tilespmem:s21+$0x2410]  }
0x1fa: {  	v4 =	vld.idx.msk [tilespmem:v3+s23+$0x0], $0xffff;
	_ =	sdelay $0x3  }
0x1fb: {  	v1 =	vmul.f32 v1, v2;
	_ =	sdelay $0x1  }
0x1fc: {  	v2 =	vmul.f32 v1, v4;
	_ =	sdelay $0x1  }
0x1fd: {  	[tilespmem:s21+$0xA690] =	vst v2  }
0x1fe: {  	v2 =	vld.idx.msk [tilespmem:v3+s25+$0x0], $0xffff;
	_ =	sdelay $0x5  }
0x1ff: {  	v2 =	vmul.f32 v2, v1;
	_ =	sdelay $0x1  }
0x200: {  	[tilespmem:s21+$0xB690] =	vst v2  }
0x201: {  	v2 =	vld.idx.msk [tilespmem:v3+s26+$0x0], $0xffff;
	_ =	sdelay $0x5  }
0x202: {  	v2 =	vmul.f32 v2, v1;
	_ =	sdelay $0x1  }
0x203: {  	[tilespmem:s21+$0xC690] =	vst v2  }
0x204: {  	v2 =	vld.idx.msk [tilespmem:v3+s29+$0x0], $0xffff  }
0x205: {  	v3 =	vld [tilespmem:s21+$0x19920];
	_ =	sdelay $0x4  }
0x206: {  	v1 =	vmul.f32 v2, v1  }
0x207: {  	v2 =	vld [tilespmem:s21+$0x1BBA0]  }
0x208: {  	[tilespmem:s21+$0xD690] =	vst v1;
	v1 =	vld [tilespmem:s21+$0x2420]  }
0x209: {  	v4 =	vld.idx.msk [tilespmem:v3+s23+$0x0], $0xffff;
	_ =	sdelay $0x3  }
0x20a: {  	v1 =	vmul.f32 v1, v2;
	_ =	sdelay $0x1  }
0x20b: {  	v2 =	vmul.f32 v1, v4;
	_ =	sdelay $0x1  }
0x20c: {  	[tilespmem:s21+$0xA6A0] =	vst v2  }
0x20d: {  	v2 =	vld.idx.msk [tilespmem:v3+s25+$0x0], $0xffff;
	_ =	sdelay $0x5  }
0x20e: {  	v2 =	vmul.f32 v2, v1;
	_ =	sdelay $0x1  }
0x20f: {  	[tilespmem:s21+$0xB6A0] =	vst v2  }
0x210: {  	v2 =	vld.idx.msk [tilespmem:v3+s26+$0x0], $0xffff;
	_ =	sdelay $0x5  }
0x211: {  	v2 =	vmul.f32 v2, v1;
	_ =	sdelay $0x1  }
0x212: {  	[tilespmem:s21+$0xC6A0] =	vst v2  }
0x213: {  	v2 =	vld.idx.msk [tilespmem:v3+s29+$0x0], $0xffff  }
0x214: {  	v3 =	vld [tilespmem:s21+$0x19930];
	_ =	sdelay $0x4  }
0x215: {  	v1 =	vmul.f32 v2, v1  }
0x216: {  	v2 =	vld [tilespmem:s21+$0x1BBB0]  }
0x217: {  	[tilespmem:s21+$0xD6A0] =	vst v1;
	v1 =	vld [tilespmem:s21+$0x2430]  }
0x218: {  	v4 =	vld.idx.msk [tilespmem:v3+s23+$0x0], $0xffff;
	_ =	sdelay $0x3  }
0x219: {  	v1 =	vmul.f32 v1, v2;
	_ =	sdelay $0x1  }
0x21a: {  	v2 =	vmul.f32 v1, v4;
	_ =	sdelay $0x1  }
0x21b: {  	[tilespmem:s21+$0xA6B0] =	vst v2  }
0x21c: {  	v2 =	vld.idx.msk [tilespmem:v3+s25+$0x0], $0xffff;
	_ =	sdelay $0x5  }
0x21d: {  	v2 =	vmul.f32 v2, v1;
	_ =	sdelay $0x1  }
0x21e: {  	[tilespmem:s21+$0xB6B0] =	vst v2  }
0x21f: {  	v2 =	vld.idx.msk [tilespmem:v3+s26+$0x0], $0xffff;
	_ =	sdelay $0x5  }
0x220: {  	v2 =	vmul.f32 v2, v1;
	_ =	sdelay $0x1  }
0x221: {  	[tilespmem:s21+$0xC6B0] =	vst v2  }
0x222: {  	v2 =	vld.idx.msk [tilespmem:v3+s29+$0x0], $0xffff  }
0x223: {  	v3 =	vld [tilespmem:s21+$0x19940];
	_ =	sdelay $0x4  }
0x224: {  	v1 =	vmul.f32 v2, v1  }
0x225: {  	v2 =	vld [tilespmem:s21+$0x1BBC0]  }
0x226: {  	[tilespmem:s21+$0xD6B0] =	vst v1;
	v1 =	vld [tilespmem:s21+$0x2440]  }
0x227: {  	v4 =	vld.idx.msk [tilespmem:v3+s23+$0x0], $0xffff;
	_ =	sdelay $0x3  }
0x228: {  	v1 =	vmul.f32 v1, v2;
	_ =	sdelay $0x1  }
0x229: {  	v2 =	vmul.f32 v1, v4;
	_ =	sdelay $0x1  }
0x22a: {  	[tilespmem:s21+$0xA6C0] =	vst v2  }
0x22b: {  	v2 =	vld.idx.msk [tilespmem:v3+s25+$0x0], $0xffff;
	_ =	sdelay $0x5  }
0x22c: {  	v2 =	vmul.f32 v2, v1;
	_ =	sdelay $0x1  }
0x22d: {  	[tilespmem:s21+$0xB6C0] =	vst v2  }
0x22e: {  	v2 =	vld.idx.msk [tilespmem:v3+s26+$0x0], $0xffff;
	_ =	sdelay $0x4  }
.Ltmp1:
0x22f: {  	(pc) =	sbr.rel @p1 .LBB2_4-.Ltmp1, $3  }
0x230: {  	v2 =	vmul.f32 v2, v1;
	_ =	sdelay $0x1  }
0x231: {  	[tilespmem:s21+$0xC6C0] =	vst v2  }
0x232: {  	s10 =	sshra.s32 s22, $0x2;
	s22 =	sadd.s32 $0x140, s22;
	v2 =	vld.idx.msk [tilespmem:v3+s29+$0x0], $0xffff  }
0x233: {  	v3 =	vld [tilespmem:s10+$0x19900];
	_ =	sdelay $0x4  }
0x234: {  	v4 =	vld [tilespmem:s10+$0x2400];
	v1 =	vmul.f32 v2, v1  }
0x235: {  	v2 =	vld [tilespmem:s10+$0x1BB80]  }
0x236: {  	[tilespmem:s21+$0xD6C0] =	vst v1  }
0x237: {  	v1 =	vld.idx.msk [tilespmem:v3+s23+$0x0], $0xffff;
	_ =	sdelay $0x2  }
0x238: {  	v2 =	vmul.f32 v4, v2;
	_ =	sdelay $0x1  }
0x239: {  	v1 =	vmul.f32 v2, v1;
	_ =	sdelay $0x1  }
0x23a: {  	[tilespmem:s10+$0xA680] =	vst v1  }
0x23b: {  	v1 =	vld.idx.msk [tilespmem:v3+s25+$0x0], $0xffff;
	_ =	sdelay $0x4  }
0x23c: {  	v1 =	vmul.f32 v1, v2;
	_ =	sdelay $0x1  }
0x23d: {  	[tilespmem:s10+$0xB680] =	vst v1  }
0x23e: {  	v1 =	vld.idx.msk [tilespmem:v3+s26+$0x0], $0xffff;
	_ =	sdelay $0x4  }
0x23f: {  	v1 =	vmul.f32 v1, v2;
	_ =	sdelay $0x1  }
0x240: {  	[tilespmem:s10+$0xC680] =	vst v1  }
0x241: {  	v1 =	vld.idx.msk [tilespmem:v3+s29+$0x0], $0xffff  }
0x242: {  	v3 =	vld [tilespmem:s10+$0x19910];
	_ =	sdelay $0x3  }
0x243: {  	v1 =	vmul.f32 v1, v2  }
0x244: {  	v2 =	vld [tilespmem:s10+$0x1BB90]  }
0x245: {  	[tilespmem:s10+$0xD680] =	vst v1;
	v1 =	vld [tilespmem:s10+$0x2410];
	_ =	sdelay $0x1  }
0x246: {  	v55 =	vld.idx.msk [tilespmem:v3+s23+$0x0], $0xffff;
	_ =	sdelay $0x2  }
0x247: {  	v1 =	vmul.f32 v1, v2;
	_ =	sdelay $0x1  }
0x248: {  	v2 =	vmul.f32 v1, v55;
	_ =	sdelay $0x1  }
0x249: {  	[tilespmem:s10+$0xA690] =	vst v2  }
0x24a: {  	v2 =	vld.idx.msk [tilespmem:v3+s25+$0x0], $0xffff;
	_ =	sdelay $0x4  }
0x24b: {  	v2 =	vmul.f32 v2, v1;
	_ =	sdelay $0x1  }
0x24c: {  	[tilespmem:s10+$0xB690] =	vst v2  }
0x24d: {  	v2 =	vld.idx.msk [tilespmem:v3+s26+$0x0], $0xffff;
	_ =	sdelay $0x4  }
0x24e: {  	v2 =	vmul.f32 v2, v1;
	_ =	sdelay $0x1  }
0x24f: {  	[tilespmem:s10+$0xC690] =	vst v2  }
0x250: {  	v2 =	vld.idx.msk [tilespmem:v3+s29+$0x0], $0xffff  }
0x251: {  	v3 =	vld [tilespmem:s10+$0x19920];
	_ =	sdelay $0x3  }
0x252: {  	v1 =	vmul.f32 v2, v1  }
0x253: {  	v2 =	vld [tilespmem:s10+$0x1BBA0]  }
0x254: {  	[tilespmem:s10+$0xD690] =	vst v1;
	v1 =	vld [tilespmem:s10+$0x2420];
	_ =	sdelay $0x1  }
0x255: {  	v56 =	vld.idx.msk [tilespmem:v3+s23+$0x0], $0xffff;
	_ =	sdelay $0x2  }
0x256: {  	v1 =	vmul.f32 v1, v2;
	_ =	sdelay $0x1  }
0x257: {  	v2 =	vmul.f32 v1, v56;
	_ =	sdelay $0x1  }
0x258: {  	[tilespmem:s10+$0xA6A0] =	vst v2  }
0x259: {  	v2 =	vld.idx.msk [tilespmem:v3+s25+$0x0], $0xffff;
	_ =	sdelay $0x4  }
0x25a: {  	v2 =	vmul.f32 v2, v1;
	_ =	sdelay $0x1  }
0x25b: {  	[tilespmem:s10+$0xB6A0] =	vst v2  }
0x25c: {  	v2 =	vld.idx.msk [tilespmem:v3+s26+$0x0], $0xffff;
	_ =	sdelay $0x4  }
0x25d: {  	v2 =	vmul.f32 v2, v1;
	_ =	sdelay $0x1  }
0x25e: {  	[tilespmem:s10+$0xC6A0] =	vst v2  }
0x25f: {  	v2 =	vld.idx.msk [tilespmem:v3+s29+$0x0], $0xffff  }
0x260: {  	v3 =	vld [tilespmem:s10+$0x19930];
	_ =	sdelay $0x3  }
0x261: {  	v1 =	vmul.f32 v2, v1  }
0x262: {  	v2 =	vld [tilespmem:s10+$0x1BBB0]  }
0x263: {  	[tilespmem:s10+$0xD6A0] =	vst v1;
	v1 =	vld [tilespmem:s10+$0x2430];
	_ =	sdelay $0x1  }
0x264: {  	v57 =	vld.idx.msk [tilespmem:v3+s23+$0x0], $0xffff;
	_ =	sdelay $0x2  }
0x265: {  	v1 =	vmul.f32 v1, v2;
	_ =	sdelay $0x1  }
0x266: {  	v2 =	vmul.f32 v1, v57;
	_ =	sdelay $0x1  }
0x267: {  	[tilespmem:s10+$0xA6B0] =	vst v2  }
0x268: {  	v2 =	vld.idx.msk [tilespmem:v3+s25+$0x0], $0xffff;
	_ =	sdelay $0x4  }
0x269: {  	v2 =	vmul.f32 v2, v1;
	_ =	sdelay $0x1  }
0x26a: {  	[tilespmem:s10+$0xB6B0] =	vst v2  }
0x26b: {  	v2 =	vld.idx.msk [tilespmem:v3+s26+$0x0], $0xffff;
	_ =	sdelay $0x4  }
0x26c: {  	v2 =	vmul.f32 v2, v1;
	_ =	sdelay $0x1  }
0x26d: {  	[tilespmem:s10+$0xC6B0] =	vst v2  }
0x26e: {  	v2 =	vld.idx.msk [tilespmem:v3+s29+$0x0], $0xffff  }
0x26f: {  	v3 =	vld [tilespmem:s10+$0x19940];
	_ =	sdelay $0x3  }
0x270: {  	v1 =	vmul.f32 v2, v1  }
0x271: {  	v2 =	vld [tilespmem:s10+$0x1BBC0]  }
0x272: {  	[tilespmem:s10+$0xD6B0] =	vst v1;
	v1 =	vld [tilespmem:s10+$0x2440];
	_ =	sdelay $0x1  }
0x273: {  	v58 =	vld.idx.msk [tilespmem:v3+s23+$0x0], $0xffff;
	_ =	sdelay $0x2  }
0x274: {  	v1 =	vmul.f32 v1, v2;
	_ =	sdelay $0x1  }
0x275: {  	v2 =	vmul.f32 v1, v58;
	_ =	sdelay $0x1  }
0x276: {  	[tilespmem:s10+$0xA6C0] =	vst v2  }
0x277: {  	v2 =	vld.idx.msk [tilespmem:v3+s25+$0x0], $0xffff;
	_ =	sdelay $0x4  }
0x278: {  	v2 =	vmul.f32 v2, v1;
	_ =	sdelay $0x1  }
0x279: {  	[tilespmem:s10+$0xB6C0] =	vst v2  }
0x27a: {  	v2 =	vld.idx.msk [tilespmem:v3+s26+$0x0], $0xffff;
	_ =	sdelay $0x4  }
0x27b: {  	v2 =	vmul.f32 v2, v1;
	_ =	sdelay $0x1  }
0x27c: {  	[tilespmem:s10+$0xC6C0] =	vst v2  }
0x27d: {  	v2 =	vld.idx.msk [tilespmem:v3+s29+$0x0], $0xffff;
	_ =	sdelay $0x4  }
0x27e: {  	v1 =	vmul.f32 v2, v1;
	_ =	sdelay $0x1  }
0x27f: {  	s22 =	simm.s32 $0xA680;
	[tilespmem:s10+$0xD6C0] =	vst v1  }
0x280: {  	[spmem:s28] =	stream.indirect.scatter.add.f32 [tilespmem:s22], [sflag:$0x4], $0x1, s8, s9, $0xb8;
	[tilespmem:$0x1CB80] =	vst v63  }
0x281: {  	s21 =	simm.s32 $0xB680  }
0x282: {  	[spmem:s30] =	stream.indirect.scatter.add.f32 [tilespmem:s21], [sflag:$0x4], $0x1, s8, s9, $0xb8;
	[tilespmem:$0x1CB80] =	vst v63  }
0x283: {  	s22 =	simm.s32 $0xC680  }
0x284: {  	[spmem:s31] =	stream.indirect.scatter.add.f32 [tilespmem:s22], [sflag:$0x4], $0x1, s8, s9, $0xb8;
	[tilespmem:$0x1CB80] =	vst v63  }
0x285: {  	s21 =	simm.s32 $0xD680  }
0x286: {  	[spmem:s2] =	stream.indirect.scatter.add.f32 [tilespmem:s21], [sflag:$0x4], $0x1, s8, s9, $0xb8;
	[tilespmem:$0x1CB80] =	vst v63  }
0x287: {  	_ =	swait.ge [sflag:s3], $0xFA0  }
0x288: {  	[sflag:s3] =	ssyncset.done $0x0  }
0x289: {  	[sflag:s3] =	ssyncadd.s32 $0xFFFFF060  }
0x28a: {  	_ =	swait.ge [sflag:s3], $0xFA0  }
0x28b: {  	[sflag:s3] =	ssyncset.done $0x0  }
0x28c: {  	[sflag:s3] =	ssyncadd.s32 $0xFFFFF060  }
0x28d: {  	_ =	swait.ge [sflag:s3], $0xFA0  }
0x28e: {  	[sflag:s3] =	ssyncset.done $0x0  }
0x28f: {  	[sflag:s3] =	ssyncadd.s32 $0xFFFFF060  }
0x290: {  	_ =	swait.ge [sflag:s3], $0xFA0  }
0x291: {  	s10 =	simm.s32 $0x0;
	[sflag:s3] =	ssyncset.done $0x0  }
0x292: {  	s22 =	simm.s32 $0x19900;
	s21 =	rddreg [dreg:$0x17];
	[sflag:s3] =	ssyncadd.s32 $0xFFFFF060  }
0x293: {  	[tilespmem:s22], [sflag:$0x2] =	stream.linear.gather [hbm4b:s21+s10], $0xFA0, $0x38;
	[tilespmem:$0x1CB80] =	vst v63  }
0x294: {  	s22 =	rddreg [dreg:$0x18]  }
0x295: {  	[tilespmem:s20], [sflag:$0x2] =	stream.linear.gather [hbm4b:s22+s10], $0xFA0, $0x38;
	[tilespmem:$0x1CB80] =	vst v63  }
0x296: {  	s21 =	rddreg [dreg:$0x19];
	s22 =	simm.s32 $0x1BB80  }
0x297: {  	[tilespmem:s22], [sflag:$0x2] =	stream.linear.gather [hbm4b:s21+s10], $0xFA0, $0x38;
	[tilespmem:$0x1CB80] =	vst v63  }
0x298: {  	s21 =	rddreg [dreg:$0x1a];
	s22 =	simm.s32 $0x2400  }
0x299: {  	[tilespmem:s22], [sflag:$0x2] =	stream.linear.gather [hbm4b:s21+s10], $0xFA0, $0x38;
	[tilespmem:$0x1CB80] =	vst v63  }
0x29a: {  	_ =	swait.ge [sflag:s16], $0xFA0  }
0x29b: {  	[sflag:s16] =	ssyncset.done $0x0  }
0x29c: {  	[sflag:s16] =	ssyncadd.s32 $0xFFFFF060  }
0x29d: {  	_ =	swait.ge [sflag:s16], $0xFA0  }
0x29e: {  	[sflag:s16] =	ssyncset.done $0x0  }
0x29f: {  	[sflag:s16] =	ssyncadd.s32 $0xFFFFF060  }
0x2a0: {  	_ =	swait.ge [sflag:s16], $0xFA0  }
0x2a1: {  	[sflag:s16] =	ssyncset.done $0x0  }
0x2a2: {  	[sflag:s16] =	ssyncadd.s32 $0xFFFFF060  }
0x2a3: {  	_ =	swait.ge [sflag:s16], $0xFA0  }
0x2a4: {  	[sflag:s16] =	ssyncset.done $0x0  }
0x2a5: {  	s21 =	simm.s32 $0x0;
	[sflag:s16] =	ssyncadd.s32 $0xFFFFF060  }
0x2a6: {  	v1 =	vld [tilespmem:s21+$0x18900];
	_ =	sdelay $0x4  }
0x2a7: {  	v2 =	vld [tilespmem:s21+$0x1AB80]  }
0x2a8: {  	v3 =	vld [tilespmem:s21+$0x1400];
	_ =	sdelay $0x1  }
0x2a9: {  	v59 =	vld.idx.msk [tilespmem:v1+s23+$0x0], $0xffff;
	_ =	sdelay $0x2  }
0x2aa: {  	v2 =	vmul.f32 v3, v2;
	_ =	sdelay $0x1  }
0x2ab: {  	v3 =	vmul.f32 v2, v59;
	_ =	sdelay $0x1  }
0x2ac: {  	[tilespmem:s21+$0x6680] =	vst v3  }
0x2ad: {  	v3 =	vld.idx.msk [tilespmem:v1+s25+$0x0], $0xffff;
	_ =	sdelay $0x4  }
0x2ae: {  	v3 =	vmul.f32 v3, v2;
	_ =	sdelay $0x1  }
0x2af: {  	[tilespmem:s21+$0x7680] =	vst v3  }
0x2b0: {  	v3 =	vld.idx.msk [tilespmem:v1+s26+$0x0], $0xffff;
	_ =	sdelay $0x4  }
0x2b1: {  	v3 =	vmul.f32 v3, v2;
	_ =	sdelay $0x1  }
0x2b2: {  	[tilespmem:s21+$0x8680] =	vst v3  }
0x2b3: {  	v1 =	vld.idx.msk [tilespmem:v1+s29+$0x0], $0xffff  }
0x2b4: {  	v3 =	vld [tilespmem:s21+$0x18910];
	_ =	sdelay $0x3  }
0x2b5: {  	v1 =	vmul.f32 v1, v2  }
0x2b6: {  	v2 =	vld [tilespmem:s21+$0x1AB90]  }
0x2b7: {  	[tilespmem:s21+$0x9680] =	vst v1;
	v1 =	vld [tilespmem:s21+$0x1410];
	_ =	sdelay $0x1  }
0x2b8: {  	v60 =	vld.idx.msk [tilespmem:v3+s23+$0x0], $0xffff;
	_ =	sdelay $0x2  }
0x2b9: {  	v1 =	vmul.f32 v1, v2;
	_ =	sdelay $0x1  }
0x2ba: {  	v2 =	vmul.f32 v1, v60;
	_ =	sdelay $0x1  }
0x2bb: {  	[tilespmem:s21+$0x6690] =	vst v2  }
0x2bc: {  	v2 =	vld.idx.msk [tilespmem:v3+s25+$0x0], $0xffff;
	_ =	sdelay $0x4  }
0x2bd: {  	v2 =	vmul.f32 v2, v1;
	_ =	sdelay $0x1  }
0x2be: {  	[tilespmem:s21+$0x7690] =	vst v2  }
0x2bf: {  	v2 =	vld.idx.msk [tilespmem:v3+s26+$0x0], $0xffff;
	_ =	sdelay $0x4  }
0x2c0: {  	v2 =	vmul.f32 v2, v1;
	_ =	sdelay $0x1  }
0x2c1: {  	[tilespmem:s21+$0x8690] =	vst v2  }
0x2c2: {  	v2 =	vld.idx.msk [tilespmem:v3+s29+$0x0], $0xffff  }
0x2c3: {  	v3 =	vld [tilespmem:s21+$0x18920];
	_ =	sdelay $0x3  }
0x2c4: {  	v1 =	vmul.f32 v2, v1  }
0x2c5: {  	v2 =	vld [tilespmem:s21+$0x1ABA0]  }
0x2c6: {  	[tilespmem:s21+$0x9690] =	vst v1;
	v1 =	vld [tilespmem:s21+$0x1420];
	_ =	sdelay $0x1  }
0x2c7: {  	v61 =	vld.idx.msk [tilespmem:v3+s23+$0x0], $0xffff;
	_ =	sdelay $0x2  }
0x2c8: {  	v1 =	vmul.f32 v1, v2;
	_ =	sdelay $0x1  }
0x2c9: {  	v2 =	vmul.f32 v1, v61;
	_ =	sdelay $0x1  }
0x2ca: {  	[tilespmem:s21+$0x66A0] =	vst v2  }
0x2cb: {  	v2 =	vld.idx.msk [tilespmem:v3+s25+$0x0], $0xffff;
	_ =	sdelay $0x4  }
0x2cc: {  	v2 =	vmul.f32 v2, v1;
	_ =	sdelay $0x1  }
0x2cd: {  	[tilespmem:s21+$0x76A0] =	vst v2  }
0x2ce: {  	v2 =	vld.idx.msk [tilespmem:v3+s26+$0x0], $0xffff;
	_ =	sdelay $0x4  }
0x2cf: {  	v2 =	vmul.f32 v2, v1;
	_ =	sdelay $0x1  }
0x2d0: {  	[tilespmem:s21+$0x86A0] =	vst v2  }
0x2d1: {  	v2 =	vld.idx.msk [tilespmem:v3+s29+$0x0], $0xffff  }
0x2d2: {  	v3 =	vld [tilespmem:s21+$0x18930];
	_ =	sdelay $0x3  }
0x2d3: {  	v1 =	vmul.f32 v2, v1  }
0x2d4: {  	v2 =	vld [tilespmem:s21+$0x1ABB0]  }
0x2d5: {  	[tilespmem:s21+$0x96A0] =	vst v1;
	v1 =	vld [tilespmem:s21+$0x1430];
	_ =	sdelay $0x1  }
0x2d6: {  	v62 =	vld.idx.msk [tilespmem:v3+s23+$0x0], $0xffff;
	_ =	sdelay $0x2  }
0x2d7: {  	v1 =	vmul.f32 v1, v2;
	_ =	sdelay $0x1  }
0x2d8: {  	v2 =	vmul.f32 v1, v62;
	_ =	sdelay $0x1  }
0x2d9: {  	[tilespmem:s21+$0x66B0] =	vst v2  }
0x2da: {  	v2 =	vld.idx.msk [tilespmem:v3+s25+$0x0], $0xffff;
	_ =	sdelay $0x4  }
0x2db: {  	v2 =	vmul.f32 v2, v1;
	_ =	sdelay $0x1  }
0x2dc: {  	[tilespmem:s21+$0x76B0] =	vst v2  }
0x2dd: {  	v2 =	vld.idx.msk [tilespmem:v3+s26+$0x0], $0xffff;
	_ =	sdelay $0x4  }
0x2de: {  	v2 =	vmul.f32 v2, v1;
	_ =	sdelay $0x1  }
0x2df: {  	[tilespmem:s21+$0x86B0] =	vst v2  }
0x2e0: {  	v2 =	vld.idx.msk [tilespmem:v3+s29+$0x0], $0xffff  }
0x2e1: {  	v3 =	vld [tilespmem:s21+$0x18940];
	_ =	sdelay $0x3  }
0x2e2: {  	v1 =	vmul.f32 v2, v1  }
0x2e3: {  	v2 =	vld [tilespmem:s21+$0x1ABC0]  }
0x2e4: {  	[tilespmem:s21+$0x96B0] =	vst v1;
	v1 =	vld [tilespmem:s21+$0x1440];
	_ =	sdelay $0x1  }
0x2e5: {  	v63 =	vld.idx.msk [tilespmem:v3+s23+$0x0], $0xffff;
	_ =	sdelay $0x2  }
0x2e6: {  	v1 =	vmul.f32 v1, v2;
	_ =	sdelay $0x1  }
0x2e7: {  	v2 =	vmul.f32 v1, v63;
	_ =	sdelay $0x1  }
0x2e8: {  	[tilespmem:s21+$0x66C0] =	vst v2  }
0x2e9: {  	v2 =	vld.idx.msk [tilespmem:v3+s25+$0x0], $0xffff;
	_ =	sdelay $0x4  }
0x2ea: {  	v2 =	vmul.f32 v2, v1;
	_ =	sdelay $0x1  }
0x2eb: {  	[tilespmem:s21+$0x76C0] =	vst v2  }
0x2ec: {  	v2 =	vld.idx.msk [tilespmem:v3+s26+$0x0], $0xffff;
	_ =	sdelay $0x4  }
0x2ed: {  	v2 =	vmul.f32 v2, v1;
	_ =	sdelay $0x1  }
0x2ee: {  	[tilespmem:s21+$0x86C0] =	vst v2  }
0x2ef: {  	s10 =	simm.s32 $0x50;
	s22 =	simm.s32 $0x280;
	v2 =	vld.idx.msk [tilespmem:v3+s29+$0x0], $0xffff  }
.LBB2_6:
0x2f0: {  	p1 =	sne.s32 s22, $0x3D40;
	v3 =	vld [tilespmem:s10+$0x18900];
	_ =	sdelay $0x4  }
0x2f1: {  	v1 =	vmul.f32 v2, v1  }
0x2f2: {  	v2 =	vld [tilespmem:s10+$0x1AB80]  }
0x2f3: {  	v4 =	vld [tilespmem:s10+$0x1400];
	[tilespmem:s21+$0x96C0] =	vst v1;
	s21 =	smov.u32 s10  }
0x2f4: {  	v1 =	vld.idx.msk [tilespmem:v3+s23+$0x0], $0xffff;
	_ =	sdelay $0x3  }
0x2f5: {  	v2 =	vmul.f32 v4, v2;
	_ =	sdelay $0x1  }
0x2f6: {  	v1 =	vmul.f32 v2, v1;
	_ =	sdelay $0x1  }
0x2f7: {  	[tilespmem:s21+$0x6680] =	vst v1  }
0x2f8: {  	v1 =	vld.idx.msk [tilespmem:v3+s25+$0x0], $0xffff;
	_ =	sdelay $0x5  }
0x2f9: {  	v1 =	vmul.f32 v1, v2;
	_ =	sdelay $0x1  }
0x2fa: {  	[tilespmem:s21+$0x7680] =	vst v1  }
0x2fb: {  	v1 =	vld.idx.msk [tilespmem:v3+s26+$0x0], $0xffff;
	_ =	sdelay $0x5  }
0x2fc: {  	v1 =	vmul.f32 v1, v2;
	_ =	sdelay $0x1  }
0x2fd: {  	[tilespmem:s21+$0x8680] =	vst v1  }
0x2fe: {  	v1 =	vld.idx.msk [tilespmem:v3+s29+$0x0], $0xffff  }
0x2ff: {  	v3 =	vld [tilespmem:s21+$0x18910];
	_ =	sdelay $0x4  }
0x300: {  	v1 =	vmul.f32 v1, v2  }
0x301: {  	v2 =	vld [tilespmem:s21+$0x1AB90]  }
0x302: {  	[tilespmem:s21+$0x9680] =	vst v1;
	v1 =	vld [tilespmem:s21+$0x1410]  }
0x303: {  	v4 =	vld.idx.msk [tilespmem:v3+s23+$0x0], $0xffff;
	_ =	sdelay $0x3  }
0x304: {  	v1 =	vmul.f32 v1, v2;
	_ =	sdelay $0x1  }
0x305: {  	v2 =	vmul.f32 v1, v4;
	_ =	sdelay $0x1  }
0x306: {  	[tilespmem:s21+$0x6690] =	vst v2  }
0x307: {  	v2 =	vld.idx.msk [tilespmem:v3+s25+$0x0], $0xffff;
	_ =	sdelay $0x5  }
0x308: {  	v2 =	vmul.f32 v2, v1;
	_ =	sdelay $0x1  }
0x309: {  	[tilespmem:s21+$0x7690] =	vst v2  }
0x30a: {  	v2 =	vld.idx.msk [tilespmem:v3+s26+$0x0], $0xffff;
	_ =	sdelay $0x5  }
0x30b: {  	v2 =	vmul.f32 v2, v1;
	_ =	sdelay $0x1  }
0x30c: {  	[tilespmem:s21+$0x8690] =	vst v2  }
0x30d: {  	v2 =	vld.idx.msk [tilespmem:v3+s29+$0x0], $0xffff  }
0x30e: {  	v3 =	vld [tilespmem:s21+$0x18920];
	_ =	sdelay $0x4  }
0x30f: {  	v1 =	vmul.f32 v2, v1  }
0x310: {  	v2 =	vld [tilespmem:s21+$0x1ABA0]  }
0x311: {  	[tilespmem:s21+$0x9690] =	vst v1;
	v1 =	vld [tilespmem:s21+$0x1420]  }
0x312: {  	v4 =	vld.idx.msk [tilespmem:v3+s23+$0x0], $0xffff;
	_ =	sdelay $0x3  }
0x313: {  	v1 =	vmul.f32 v1, v2;
	_ =	sdelay $0x1  }
0x314: {  	v2 =	vmul.f32 v1, v4;
	_ =	sdelay $0x1  }
0x315: {  	[tilespmem:s21+$0x66A0] =	vst v2  }
0x316: {  	v2 =	vld.idx.msk [tilespmem:v3+s25+$0x0], $0xffff;
	_ =	sdelay $0x5  }
0x317: {  	v2 =	vmul.f32 v2, v1;
	_ =	sdelay $0x1  }
0x318: {  	[tilespmem:s21+$0x76A0] =	vst v2  }
0x319: {  	v2 =	vld.idx.msk [tilespmem:v3+s26+$0x0], $0xffff;
	_ =	sdelay $0x5  }
0x31a: {  	v2 =	vmul.f32 v2, v1;
	_ =	sdelay $0x1  }
0x31b: {  	[tilespmem:s21+$0x86A0] =	vst v2  }
0x31c: {  	v2 =	vld.idx.msk [tilespmem:v3+s29+$0x0], $0xffff  }
0x31d: {  	v3 =	vld [tilespmem:s21+$0x18930];
	_ =	sdelay $0x4  }
0x31e: {  	v1 =	vmul.f32 v2, v1  }
0x31f: {  	v2 =	vld [tilespmem:s21+$0x1ABB0]  }
0x320: {  	[tilespmem:s21+$0x96A0] =	vst v1;
	v1 =	vld [tilespmem:s21+$0x1430]  }
0x321: {  	v4 =	vld.idx.msk [tilespmem:v3+s23+$0x0], $0xffff;
	_ =	sdelay $0x3  }
0x322: {  	v1 =	vmul.f32 v1, v2;
	_ =	sdelay $0x1  }
0x323: {  	v2 =	vmul.f32 v1, v4;
	_ =	sdelay $0x1  }
0x324: {  	[tilespmem:s21+$0x66B0] =	vst v2  }
0x325: {  	v2 =	vld.idx.msk [tilespmem:v3+s25+$0x0], $0xffff;
	_ =	sdelay $0x5  }
0x326: {  	v2 =	vmul.f32 v2, v1;
	_ =	sdelay $0x1  }
0x327: {  	[tilespmem:s21+$0x76B0] =	vst v2  }
0x328: {  	v2 =	vld.idx.msk [tilespmem:v3+s26+$0x0], $0xffff;
	_ =	sdelay $0x5  }
0x329: {  	v2 =	vmul.f32 v2, v1;
	_ =	sdelay $0x1  }
0x32a: {  	[tilespmem:s21+$0x86B0] =	vst v2  }
0x32b: {  	v2 =	vld.idx.msk [tilespmem:v3+s29+$0x0], $0xffff  }
0x32c: {  	v3 =	vld [tilespmem:s21+$0x18940];
	_ =	sdelay $0x4  }
0x32d: {  	v1 =	vmul.f32 v2, v1  }
0x32e: {  	v2 =	vld [tilespmem:s21+$0x1ABC0]  }
0x32f: {  	[tilespmem:s21+$0x96B0] =	vst v1;
	v1 =	vld [tilespmem:s21+$0x1440]  }
0x330: {  	v4 =	vld.idx.msk [tilespmem:v3+s23+$0x0], $0xffff;
	_ =	sdelay $0x3  }
0x331: {  	v1 =	vmul.f32 v1, v2;
	_ =	sdelay $0x1  }
0x332: {  	v2 =	vmul.f32 v1, v4;
	_ =	sdelay $0x1  }
0x333: {  	[tilespmem:s21+$0x66C0] =	vst v2  }
0x334: {  	v2 =	vld.idx.msk [tilespmem:v3+s25+$0x0], $0xffff;
	_ =	sdelay $0x5  }
0x335: {  	v2 =	vmul.f32 v2, v1;
	_ =	sdelay $0x1  }
0x336: {  	[tilespmem:s21+$0x76C0] =	vst v2  }
0x337: {  	v2 =	vld.idx.msk [tilespmem:v3+s26+$0x0], $0xffff;
	_ =	sdelay $0x4  }
.Ltmp2:
0x338: {  	(pc) =	sbr.rel @p1 .LBB2_6-.Ltmp2, $3  }
0x339: {  	v2 =	vmul.f32 v2, v1;
	_ =	sdelay $0x1  }
0x33a: {  	[tilespmem:s21+$0x86C0] =	vst v2  }
0x33b: {  	s10 =	sshra.s32 s22, $0x2;
	s22 =	sadd.s32 $0x140, s22;
	v2 =	vld.idx.msk [tilespmem:v3+s29+$0x0], $0xffff  }
0x33c: {  	v3 =	vld [tilespmem:s10+$0x18900];
	_ =	sdelay $0x4  }
0x33d: {  	v4 =	vld [tilespmem:s10+$0x1400];
	v1 =	vmul.f32 v2, v1  }
0x33e: {  	v2 =	vld [tilespmem:s10+$0x1AB80]  }
0x33f: {  	[tilespmem:s21+$0x96C0] =	vst v1  }
0x340: {  	v1 =	vld.idx.msk [tilespmem:v3+s23+$0x0], $0xffff;
	_ =	sdelay $0x2  }
0x341: {  	v2 =	vmul.f32 v4, v2;
	_ =	sdelay $0x1  }
0x342: {  	v1 =	vmul.f32 v2, v1;
	_ =	sdelay $0x1  }
0x343: {  	[tilespmem:s10+$0x6680] =	vst v1  }
0x344: {  	v1 =	vld.idx.msk [tilespmem:v3+s25+$0x0], $0xffff;
	_ =	sdelay $0x4  }
0x345: {  	v1 =	vmul.f32 v1, v2;
	_ =	sdelay $0x1  }
0x346: {  	[tilespmem:s10+$0x7680] =	vst v1  }
0x347: {  	v1 =	vld.idx.msk [tilespmem:v3+s26+$0x0], $0xffff;
	_ =	sdelay $0x4  }
0x348: {  	v1 =	vmul.f32 v1, v2;
	_ =	sdelay $0x1  }
0x349: {  	[tilespmem:s10+$0x8680] =	vst v1  }
0x34a: {  	v1 =	vld.idx.msk [tilespmem:v3+s29+$0x0], $0xffff  }
0x34b: {  	v3 =	vld [tilespmem:s10+$0x18910];
	_ =	sdelay $0x3  }
0x34c: {  	v1 =	vmul.f32 v1, v2  }
0x34d: {  	v2 =	vld [tilespmem:s10+$0x1AB90]  }
0x34e: {  	[tilespmem:s10+$0x9680] =	vst v1;
	v1 =	vld [tilespmem:s10+$0x1410];
	_ =	sdelay $0x1  }
0x34f: {  	v55 =	vld.idx.msk [tilespmem:v3+s23+$0x0], $0xffff;
	_ =	sdelay $0x2  }
0x350: {  	v1 =	vmul.f32 v1, v2;
	_ =	sdelay $0x1  }
0x351: {  	v2 =	vmul.f32 v1, v55;
	_ =	sdelay $0x1  }
0x352: {  	[tilespmem:s10+$0x6690] =	vst v2  }
0x353: {  	v2 =	vld.idx.msk [tilespmem:v3+s25+$0x0], $0xffff;
	_ =	sdelay $0x4  }
0x354: {  	v2 =	vmul.f32 v2, v1;
	_ =	sdelay $0x1  }
0x355: {  	[tilespmem:s10+$0x7690] =	vst v2  }
0x356: {  	v2 =	vld.idx.msk [tilespmem:v3+s26+$0x0], $0xffff;
	_ =	sdelay $0x4  }
0x357: {  	v2 =	vmul.f32 v2, v1;
	_ =	sdelay $0x1  }
0x358: {  	[tilespmem:s10+$0x8690] =	vst v2  }
0x359: {  	v2 =	vld.idx.msk [tilespmem:v3+s29+$0x0], $0xffff  }
0x35a: {  	v3 =	vld [tilespmem:s10+$0x18920];
	_ =	sdelay $0x3  }
0x35b: {  	v1 =	vmul.f32 v2, v1  }
0x35c: {  	v2 =	vld [tilespmem:s10+$0x1ABA0]  }
0x35d: {  	[tilespmem:s10+$0x9690] =	vst v1;
	v1 =	vld [tilespmem:s10+$0x1420];
	_ =	sdelay $0x1  }
0x35e: {  	v56 =	vld.idx.msk [tilespmem:v3+s23+$0x0], $0xffff;
	_ =	sdelay $0x2  }
0x35f: {  	v1 =	vmul.f32 v1, v2;
	_ =	sdelay $0x1  }
0x360: {  	v2 =	vmul.f32 v1, v56;
	_ =	sdelay $0x1  }
0x361: {  	[tilespmem:s10+$0x66A0] =	vst v2  }
0x362: {  	v2 =	vld.idx.msk [tilespmem:v3+s25+$0x0], $0xffff;
	_ =	sdelay $0x4  }
0x363: {  	v2 =	vmul.f32 v2, v1;
	_ =	sdelay $0x1  }
0x364: {  	[tilespmem:s10+$0x76A0] =	vst v2  }
0x365: {  	v2 =	vld.idx.msk [tilespmem:v3+s26+$0x0], $0xffff;
	_ =	sdelay $0x4  }
0x366: {  	v2 =	vmul.f32 v2, v1;
	_ =	sdelay $0x1  }
0x367: {  	[tilespmem:s10+$0x86A0] =	vst v2  }
0x368: {  	v2 =	vld.idx.msk [tilespmem:v3+s29+$0x0], $0xffff  }
0x369: {  	v3 =	vld [tilespmem:s10+$0x18930];
	_ =	sdelay $0x3  }
0x36a: {  	v1 =	vmul.f32 v2, v1  }
0x36b: {  	v2 =	vld [tilespmem:s10+$0x1ABB0]  }
0x36c: {  	[tilespmem:s10+$0x96A0] =	vst v1;
	v1 =	vld [tilespmem:s10+$0x1430];
	_ =	sdelay $0x1  }
0x36d: {  	v57 =	vld.idx.msk [tilespmem:v3+s23+$0x0], $0xffff;
	_ =	sdelay $0x2  }
0x36e: {  	v1 =	vmul.f32 v1, v2;
	_ =	sdelay $0x1  }
0x36f: {  	v2 =	vmul.f32 v1, v57;
	_ =	sdelay $0x1  }
0x370: {  	[tilespmem:s10+$0x66B0] =	vst v2  }
0x371: {  	v2 =	vld.idx.msk [tilespmem:v3+s25+$0x0], $0xffff;
	_ =	sdelay $0x4  }
0x372: {  	v2 =	vmul.f32 v2, v1;
	_ =	sdelay $0x1  }
0x373: {  	[tilespmem:s10+$0x76B0] =	vst v2  }
0x374: {  	v2 =	vld.idx.msk [tilespmem:v3+s26+$0x0], $0xffff;
	_ =	sdelay $0x4  }
0x375: {  	v2 =	vmul.f32 v2, v1;
	_ =	sdelay $0x1  }
0x376: {  	[tilespmem:s10+$0x86B0] =	vst v2  }
0x377: {  	v2 =	vld.idx.msk [tilespmem:v3+s29+$0x0], $0xffff  }
0x378: {  	v3 =	vld [tilespmem:s10+$0x18940];
	_ =	sdelay $0x3  }
0x379: {  	v1 =	vmul.f32 v2, v1  }
0x37a: {  	v2 =	vld [tilespmem:s10+$0x1ABC0]  }
0x37b: {  	[tilespmem:s10+$0x96B0] =	vst v1;
	v1 =	vld [tilespmem:s10+$0x1440];
	_ =	sdelay $0x1  }
0x37c: {  	v58 =	vld.idx.msk [tilespmem:v3+s23+$0x0], $0xffff;
	_ =	sdelay $0x2  }
0x37d: {  	v1 =	vmul.f32 v1, v2;
	_ =	sdelay $0x1  }
0x37e: {  	v2 =	vmul.f32 v1, v58;
	_ =	sdelay $0x1  }
0x37f: {  	[tilespmem:s10+$0x66C0] =	vst v2  }
0x380: {  	v2 =	vld.idx.msk [tilespmem:v3+s25+$0x0], $0xffff;
	_ =	sdelay $0x4  }
0x381: {  	v2 =	vmul.f32 v2, v1;
	_ =	sdelay $0x1  }
0x382: {  	[tilespmem:s10+$0x76C0] =	vst v2  }
0x383: {  	v2 =	vld.idx.msk [tilespmem:v3+s26+$0x0], $0xffff;
	_ =	sdelay $0x4  }
0x384: {  	v2 =	vmul.f32 v2, v1;
	_ =	sdelay $0x1  }
0x385: {  	[tilespmem:s10+$0x86C0] =	vst v2  }
0x386: {  	v2 =	vld.idx.msk [tilespmem:v3+s29+$0x0], $0xffff;
	_ =	sdelay $0x4  }
0x387: {  	v1 =	vmul.f32 v2, v1;
	_ =	sdelay $0x1  }
0x388: {  	s22 =	simm.s32 $0x6680;
	[tilespmem:s10+$0x96C0] =	vst v1  }
0x389: {  	[spmem:s28] =	stream.indirect.scatter.add.f32 [tilespmem:s22], [sflag:$0x5], $0x1, s15, s9, $0xb8;
	[tilespmem:$0x1CB80] =	vst v63  }
0x38a: {  	s21 =	simm.s32 $0x7680  }
0x38b: {  	[spmem:s30] =	stream.indirect.scatter.add.f32 [tilespmem:s21], [sflag:$0x5], $0x1, s15, s9, $0xb8;
	[tilespmem:$0x1CB80] =	vst v63  }
0x38c: {  	_ = 	snop  }
0x38d: {  	[spmem:s31] =	stream.indirect.scatter.add.f32 [tilespmem:s12], [sflag:$0x5], $0x1, s15, s9, $0xb8;
	[tilespmem:$0x1CB80] =	vst v63  }
0x38e: {  	_ = 	snop  }
0x38f: {  	[spmem:s2] =	stream.indirect.scatter.add.f32 [tilespmem:s13], [sflag:$0x5], $0x1, s15, s9, $0xb8;
	[tilespmem:$0x1CB80] =	vst v63  }
0x390: {  	_ =	swait.ge [sflag:s14], $0xFA0  }
0x391: {  	[sflag:s14] =	ssyncset.done $0x0  }
0x392: {  	[sflag:s14] =	ssyncadd.s32 $0xFFFFF060  }
0x393: {  	_ =	swait.ge [sflag:s14], $0xFA0  }
0x394: {  	[sflag:s14] =	ssyncset.done $0x0  }
0x395: {  	[sflag:s14] =	ssyncadd.s32 $0xFFFFF060  }
0x396: {  	_ =	swait.ge [sflag:s14], $0xFA0  }
0x397: {  	[sflag:s14] =	ssyncset.done $0x0  }
0x398: {  	[sflag:s14] =	ssyncadd.s32 $0xFFFFF060  }
0x399: {  	_ =	swait.ge [sflag:s14], $0xFA0  }
0x39a: {  	[sflag:s14] =	ssyncset.done $0x0  }
0x39b: {  	s10 =	simm.s32 $0x0;
	s22 =	rddreg [dreg:$0x1b];
	[sflag:s14] =	ssyncadd.s32 $0xFFFFF060  }
0x39c: {  	[tilespmem:s11], [sflag:$0x1] =	stream.linear.gather [hbm4b:s22+s10], $0xFA0, $0x38;
	[tilespmem:$0x1CB80] =	vst v63  }
0x39d: {  	s22 =	rddreg [dreg:$0x1c]  }
0x39e: {  	[tilespmem:s8], [sflag:$0x1] =	stream.linear.gather [hbm4b:s22+s10], $0xFA0, $0x38;
	[tilespmem:$0x1CB80] =	vst v63  }
0x39f: {  	s11 =	rddreg [dreg:$0x1d];
	s22 =	simm.s32 $0x1AB80  }
0x3a0: {  	[tilespmem:s22], [sflag:$0x1] =	stream.linear.gather [hbm4b:s11+s10], $0xFA0, $0x38;
	[tilespmem:$0x1CB80] =	vst v63  }
0x3a1: {  	s11 =	rddreg [dreg:$0x1e];
	s22 =	simm.s32 $0x1400  }
0x3a2: {  	[tilespmem:s22], [sflag:$0x1] =	stream.linear.gather [hbm4b:s11+s10], $0xFA0, $0x38;
	[tilespmem:$0x1CB80] =	vst v63  }
0x3a3: {  	_ =	swait.ge [sflag:s17], $0xFA0  }
0x3a4: {  	[sflag:s17] =	ssyncset.done $0x0  }
0x3a5: {  	[sflag:s17] =	ssyncadd.s32 $0xFFFFF060  }
0x3a6: {  	_ =	swait.ge [sflag:s17], $0xFA0  }
0x3a7: {  	[sflag:s17] =	ssyncset.done $0x0  }
0x3a8: {  	[sflag:s17] =	ssyncadd.s32 $0xFFFFF060  }
0x3a9: {  	_ =	swait.ge [sflag:s17], $0xFA0  }
0x3aa: {  	[sflag:s17] =	ssyncset.done $0x0  }
0x3ab: {  	[sflag:s17] =	ssyncadd.s32 $0xFFFFF060  }
0x3ac: {  	_ =	swait.ge [sflag:s17], $0xFA0  }
0x3ad: {  	[sflag:s17] =	ssyncset.done $0x0  }
0x3ae: {  	s21 =	simm.s32 $0x0;
	[sflag:s17] =	ssyncadd.s32 $0xFFFFF060  }
0x3af: {  	v1 =	vld [tilespmem:s21+$0x19900];
	_ =	sdelay $0x4  }
0x3b0: {  	v2 =	vld [tilespmem:s21+$0x1BB80]  }
0x3b1: {  	v3 =	vld [tilespmem:s21+$0x2400];
	_ =	sdelay $0x1  }
0x3b2: {  	v59 =	vld.idx.msk [tilespmem:v1+s23+$0x0], $0xffff;
	_ =	sdelay $0x2  }
0x3b3: {  	v2 =	vmul.f32 v3, v2;
	_ =	sdelay $0x1  }
0x3b4: {  	v3 =	vmul.f32 v2, v59;
	_ =	sdelay $0x1  }
0x3b5: {  	[tilespmem:s21+$0xA680] =	vst v3  }
0x3b6: {  	v3 =	vld.idx.msk [tilespmem:v1+s25+$0x0], $0xffff;
	_ =	sdelay $0x4  }
0x3b7: {  	v3 =	vmul.f32 v3, v2;
	_ =	sdelay $0x1  }
0x3b8: {  	[tilespmem:s21+$0xB680] =	vst v3  }
0x3b9: {  	v3 =	vld.idx.msk [tilespmem:v1+s26+$0x0], $0xffff;
	_ =	sdelay $0x4  }
0x3ba: {  	v3 =	vmul.f32 v3, v2;
	_ =	sdelay $0x1  }
0x3bb: {  	[tilespmem:s21+$0xC680] =	vst v3  }
0x3bc: {  	v1 =	vld.idx.msk [tilespmem:v1+s29+$0x0], $0xffff  }
0x3bd: {  	v3 =	vld [tilespmem:s21+$0x19910];
	_ =	sdelay $0x3  }
0x3be: {  	v1 =	vmul.f32 v1, v2  }
0x3bf: {  	v2 =	vld [tilespmem:s21+$0x1BB90]  }
0x3c0: {  	[tilespmem:s21+$0xD680] =	vst v1;
	v1 =	vld [tilespmem:s21+$0x2410];
	_ =	sdelay $0x1  }
0x3c1: {  	v60 =	vld.idx.msk [tilespmem:v3+s23+$0x0], $0xffff;
	_ =	sdelay $0x2  }
0x3c2: {  	v1 =	vmul.f32 v1, v2;
	_ =	sdelay $0x1  }
0x3c3: {  	v2 =	vmul.f32 v1, v60;
	_ =	sdelay $0x1  }
0x3c4: {  	[tilespmem:s21+$0xA690] =	vst v2  }
0x3c5: {  	v2 =	vld.idx.msk [tilespmem:v3+s25+$0x0], $0xffff;
	_ =	sdelay $0x4  }
0x3c6: {  	v2 =	vmul.f32 v2, v1;
	_ =	sdelay $0x1  }
0x3c7: {  	[tilespmem:s21+$0xB690] =	vst v2  }
0x3c8: {  	v2 =	vld.idx.msk [tilespmem:v3+s26+$0x0], $0xffff;
	_ =	sdelay $0x4  }
0x3c9: {  	v2 =	vmul.f32 v2, v1;
	_ =	sdelay $0x1  }
0x3ca: {  	[tilespmem:s21+$0xC690] =	vst v2  }
0x3cb: {  	v2 =	vld.idx.msk [tilespmem:v3+s29+$0x0], $0xffff  }
0x3cc: {  	v3 =	vld [tilespmem:s21+$0x19920];
	_ =	sdelay $0x3  }
0x3cd: {  	v1 =	vmul.f32 v2, v1  }
0x3ce: {  	v2 =	vld [tilespmem:s21+$0x1BBA0]  }
0x3cf: {  	[tilespmem:s21+$0xD690] =	vst v1;
	v1 =	vld [tilespmem:s21+$0x2420];
	_ =	sdelay $0x1  }
0x3d0: {  	v61 =	vld.idx.msk [tilespmem:v3+s23+$0x0], $0xffff;
	_ =	sdelay $0x2  }
0x3d1: {  	v1 =	vmul.f32 v1, v2;
	_ =	sdelay $0x1  }
0x3d2: {  	v2 =	vmul.f32 v1, v61;
	_ =	sdelay $0x1  }
0x3d3: {  	[tilespmem:s21+$0xA6A0] =	vst v2  }
0x3d4: {  	v2 =	vld.idx.msk [tilespmem:v3+s25+$0x0], $0xffff;
	_ =	sdelay $0x4  }
0x3d5: {  	v2 =	vmul.f32 v2, v1;
	_ =	sdelay $0x1  }
0x3d6: {  	[tilespmem:s21+$0xB6A0] =	vst v2  }
0x3d7: {  	v2 =	vld.idx.msk [tilespmem:v3+s26+$0x0], $0xffff;
	_ =	sdelay $0x4  }
0x3d8: {  	v2 =	vmul.f32 v2, v1;
	_ =	sdelay $0x1  }
0x3d9: {  	[tilespmem:s21+$0xC6A0] =	vst v2  }
0x3da: {  	v2 =	vld.idx.msk [tilespmem:v3+s29+$0x0], $0xffff  }
0x3db: {  	v3 =	vld [tilespmem:s21+$0x19930];
	_ =	sdelay $0x3  }
0x3dc: {  	v1 =	vmul.f32 v2, v1  }
0x3dd: {  	v2 =	vld [tilespmem:s21+$0x1BBB0]  }
0x3de: {  	[tilespmem:s21+$0xD6A0] =	vst v1;
	v1 =	vld [tilespmem:s21+$0x2430];
	_ =	sdelay $0x1  }
0x3df: {  	v62 =	vld.idx.msk [tilespmem:v3+s23+$0x0], $0xffff;
	_ =	sdelay $0x2  }
0x3e0: {  	v1 =	vmul.f32 v1, v2;
	_ =	sdelay $0x1  }
0x3e1: {  	v2 =	vmul.f32 v1, v62;
	_ =	sdelay $0x1  }
0x3e2: {  	[tilespmem:s21+$0xA6B0] =	vst v2  }
0x3e3: {  	v2 =	vld.idx.msk [tilespmem:v3+s25+$0x0], $0xffff;
	_ =	sdelay $0x4  }
0x3e4: {  	v2 =	vmul.f32 v2, v1;
	_ =	sdelay $0x1  }
0x3e5: {  	[tilespmem:s21+$0xB6B0] =	vst v2  }
0x3e6: {  	v2 =	vld.idx.msk [tilespmem:v3+s26+$0x0], $0xffff;
	_ =	sdelay $0x4  }
0x3e7: {  	v2 =	vmul.f32 v2, v1;
	_ =	sdelay $0x1  }
0x3e8: {  	[tilespmem:s21+$0xC6B0] =	vst v2  }
0x3e9: {  	v2 =	vld.idx.msk [tilespmem:v3+s29+$0x0], $0xffff  }
0x3ea: {  	v3 =	vld [tilespmem:s21+$0x19940];
	_ =	sdelay $0x3  }
0x3eb: {  	v1 =	vmul.f32 v2, v1  }
0x3ec: {  	v2 =	vld [tilespmem:s21+$0x1BBC0]  }
0x3ed: {  	[tilespmem:s21+$0xD6B0] =	vst v1;
	v1 =	vld [tilespmem:s21+$0x2440];
	_ =	sdelay $0x1  }
0x3ee: {  	v63 =	vld.idx.msk [tilespmem:v3+s23+$0x0], $0xffff;
	_ =	sdelay $0x2  }
0x3ef: {  	v1 =	vmul.f32 v1, v2;
	_ =	sdelay $0x1  }
0x3f0: {  	v2 =	vmul.f32 v1, v63;
	_ =	sdelay $0x1  }
0x3f1: {  	[tilespmem:s21+$0xA6C0] =	vst v2  }
0x3f2: {  	v2 =	vld.idx.msk [tilespmem:v3+s25+$0x0], $0xffff;
	_ =	sdelay $0x4  }
0x3f3: {  	v2 =	vmul.f32 v2, v1;
	_ =	sdelay $0x1  }
0x3f4: {  	[tilespmem:s21+$0xB6C0] =	vst v2  }
0x3f5: {  	v2 =	vld.idx.msk [tilespmem:v3+s26+$0x0], $0xffff;
	_ =	sdelay $0x4  }
0x3f6: {  	v2 =	vmul.f32 v2, v1;
	_ =	sdelay $0x1  }
0x3f7: {  	[tilespmem:s21+$0xC6C0] =	vst v2  }
0x3f8: {  	s10 =	simm.s32 $0x50;
	s22 =	simm.s32 $0x280;
	v2 =	vld.idx.msk [tilespmem:v3+s29+$0x0], $0xffff  }
.LBB2_8:
0x3f9: {  	p1 =	sne.s32 s22, $0x3D40;
	v3 =	vld [tilespmem:s10+$0x19900];
	_ =	sdelay $0x4  }
0x3fa: {  	v1 =	vmul.f32 v2, v1  }
0x3fb: {  	v2 =	vld [tilespmem:s10+$0x1BB80]  }
0x3fc: {  	v4 =	vld [tilespmem:s10+$0x2400];
	[tilespmem:s21+$0xD6C0] =	vst v1;
	s21 =	smov.u32 s10  }
0x3fd: {  	v1 =	vld.idx.msk [tilespmem:v3+s23+$0x0], $0xffff;
	_ =	sdelay $0x3  }
0x3fe: {  	v2 =	vmul.f32 v4, v2;
	_ =	sdelay $0x1  }
0x3ff: {  	v1 =	vmul.f32 v2, v1;
	_ =	sdelay $0x1  }
0x400: {  	[tilespmem:s21+$0xA680] =	vst v1  }
0x401: {  	v1 =	vld.idx.msk [tilespmem:v3+s25+$0x0], $0xffff;
	_ =	sdelay $0x5  }
0x402: {  	v1 =	vmul.f32 v1, v2;
	_ =	sdelay $0x1  }
0x403: {  	[tilespmem:s21+$0xB680] =	vst v1  }
0x404: {  	v1 =	vld.idx.msk [tilespmem:v3+s26+$0x0], $0xffff;
	_ =	sdelay $0x5  }
0x405: {  	v1 =	vmul.f32 v1, v2;
	_ =	sdelay $0x1  }
0x406: {  	[tilespmem:s21+$0xC680] =	vst v1  }
0x407: {  	v1 =	vld.idx.msk [tilespmem:v3+s29+$0x0], $0xffff  }
0x408: {  	v3 =	vld [tilespmem:s21+$0x19910];
	_ =	sdelay $0x4  }
0x409: {  	v1 =	vmul.f32 v1, v2  }
0x40a: {  	v2 =	vld [tilespmem:s21+$0x1BB90]  }
0x40b: {  	[tilespmem:s21+$0xD680] =	vst v1;
	v1 =	vld [tilespmem:s21+$0x2410]  }
0x40c: {  	v4 =	vld.idx.msk [tilespmem:v3+s23+$0x0], $0xffff;
	_ =	sdelay $0x3  }
0x40d: {  	v1 =	vmul.f32 v1, v2;
	_ =	sdelay $0x1  }
0x40e: {  	v2 =	vmul.f32 v1, v4;
	_ =	sdelay $0x1  }
0x40f: {  	[tilespmem:s21+$0xA690] =	vst v2  }
0x410: {  	v2 =	vld.idx.msk [tilespmem:v3+s25+$0x0], $0xffff;
	_ =	sdelay $0x5  }
0x411: {  	v2 =	vmul.f32 v2, v1;
	_ =	sdelay $0x1  }
0x412: {  	[tilespmem:s21+$0xB690] =	vst v2  }
0x413: {  	v2 =	vld.idx.msk [tilespmem:v3+s26+$0x0], $0xffff;
	_ =	sdelay $0x5  }
0x414: {  	v2 =	vmul.f32 v2, v1;
	_ =	sdelay $0x1  }
0x415: {  	[tilespmem:s21+$0xC690] =	vst v2  }
0x416: {  	v2 =	vld.idx.msk [tilespmem:v3+s29+$0x0], $0xffff  }
0x417: {  	v3 =	vld [tilespmem:s21+$0x19920];
	_ =	sdelay $0x4  }
0x418: {  	v1 =	vmul.f32 v2, v1  }
0x419: {  	v2 =	vld [tilespmem:s21+$0x1BBA0]  }
0x41a: {  	[tilespmem:s21+$0xD690] =	vst v1;
	v1 =	vld [tilespmem:s21+$0x2420]  }
0x41b: {  	v4 =	vld.idx.msk [tilespmem:v3+s23+$0x0], $0xffff;
	_ =	sdelay $0x3  }
0x41c: {  	v1 =	vmul.f32 v1, v2;
	_ =	sdelay $0x1  }
0x41d: {  	v2 =	vmul.f32 v1, v4;
	_ =	sdelay $0x1  }
0x41e: {  	[tilespmem:s21+$0xA6A0] =	vst v2  }
0x41f: {  	v2 =	vld.idx.msk [tilespmem:v3+s25+$0x0], $0xffff;
	_ =	sdelay $0x5  }
0x420: {  	v2 =	vmul.f32 v2, v1;
	_ =	sdelay $0x1  }
0x421: {  	[tilespmem:s21+$0xB6A0] =	vst v2  }
0x422: {  	v2 =	vld.idx.msk [tilespmem:v3+s26+$0x0], $0xffff;
	_ =	sdelay $0x5  }
0x423: {  	v2 =	vmul.f32 v2, v1;
	_ =	sdelay $0x1  }
0x424: {  	[tilespmem:s21+$0xC6A0] =	vst v2  }
0x425: {  	v2 =	vld.idx.msk [tilespmem:v3+s29+$0x0], $0xffff  }
0x426: {  	v3 =	vld [tilespmem:s21+$0x19930];
	_ =	sdelay $0x4  }
0x427: {  	v1 =	vmul.f32 v2, v1  }
0x428: {  	v2 =	vld [tilespmem:s21+$0x1BBB0]  }
0x429: {  	[tilespmem:s21+$0xD6A0] =	vst v1;
	v1 =	vld [tilespmem:s21+$0x2430]  }
0x42a: {  	v4 =	vld.idx.msk [tilespmem:v3+s23+$0x0], $0xffff;
	_ =	sdelay $0x3  }
0x42b: {  	v1 =	vmul.f32 v1, v2;
	_ =	sdelay $0x1  }
0x42c: {  	v2 =	vmul.f32 v1, v4;
	_ =	sdelay $0x1  }
0x42d: {  	[tilespmem:s21+$0xA6B0] =	vst v2  }
0x42e: {  	v2 =	vld.idx.msk [tilespmem:v3+s25+$0x0], $0xffff;
	_ =	sdelay $0x5  }
0x42f: {  	v2 =	vmul.f32 v2, v1;
	_ =	sdelay $0x1  }
0x430: {  	[tilespmem:s21+$0xB6B0] =	vst v2  }
0x431: {  	v2 =	vld.idx.msk [tilespmem:v3+s26+$0x0], $0xffff;
	_ =	sdelay $0x5  }
0x432: {  	v2 =	vmul.f32 v2, v1;
	_ =	sdelay $0x1  }
0x433: {  	[tilespmem:s21+$0xC6B0] =	vst v2  }
0x434: {  	v2 =	vld.idx.msk [tilespmem:v3+s29+$0x0], $0xffff  }
0x435: {  	v3 =	vld [tilespmem:s21+$0x19940];
	_ =	sdelay $0x4  }
0x436: {  	v1 =	vmul.f32 v2, v1  }
0x437: {  	v2 =	vld [tilespmem:s21+$0x1BBC0]  }
0x438: {  	[tilespmem:s21+$0xD6B0] =	vst v1;
	v1 =	vld [tilespmem:s21+$0x2440]  }
0x439: {  	v4 =	vld.idx.msk [tilespmem:v3+s23+$0x0], $0xffff;
	_ =	sdelay $0x3  }
0x43a: {  	v1 =	vmul.f32 v1, v2;
	_ =	sdelay $0x1  }
0x43b: {  	v2 =	vmul.f32 v1, v4;
	_ =	sdelay $0x1  }
0x43c: {  	[tilespmem:s21+$0xA6C0] =	vst v2  }
0x43d: {  	v2 =	vld.idx.msk [tilespmem:v3+s25+$0x0], $0xffff;
	_ =	sdelay $0x5  }
0x43e: {  	v2 =	vmul.f32 v2, v1;
	_ =	sdelay $0x1  }
0x43f: {  	[tilespmem:s21+$0xB6C0] =	vst v2  }
0x440: {  	v2 =	vld.idx.msk [tilespmem:v3+s26+$0x0], $0xffff;
	_ =	sdelay $0x4  }
.Ltmp3:
0x441: {  	(pc) =	sbr.rel @p1 .LBB2_8-.Ltmp3, $3  }
0x442: {  	v2 =	vmul.f32 v2, v1;
	_ =	sdelay $0x1  }
0x443: {  	[tilespmem:s21+$0xC6C0] =	vst v2  }
0x444: {  	s10 =	sshra.s32 s22, $0x2;
	s22 =	sadd.s32 $0x140, s22;
	v2 =	vld.idx.msk [tilespmem:v3+s29+$0x0], $0xffff  }
0x445: {  	v3 =	vld [tilespmem:s10+$0x19900];
	_ =	sdelay $0x4  }
0x446: {  	v4 =	vld [tilespmem:s10+$0x2400];
	v1 =	vmul.f32 v2, v1  }
0x447: {  	v2 =	vld [tilespmem:s10+$0x1BB80]  }
0x448: {  	[tilespmem:s21+$0xD6C0] =	vst v1  }
0x449: {  	v1 =	vld.idx.msk [tilespmem:v3+s23+$0x0], $0xffff;
	_ =	sdelay $0x2  }
0x44a: {  	v2 =	vmul.f32 v4, v2;
	_ =	sdelay $0x1  }
0x44b: {  	v1 =	vmul.f32 v2, v1;
	_ =	sdelay $0x1  }
0x44c: {  	[tilespmem:s10+$0xA680] =	vst v1  }
0x44d: {  	v1 =	vld.idx.msk [tilespmem:v3+s25+$0x0], $0xffff;
	_ =	sdelay $0x4  }
0x44e: {  	v1 =	vmul.f32 v1, v2;
	_ =	sdelay $0x1  }
0x44f: {  	[tilespmem:s10+$0xB680] =	vst v1  }
0x450: {  	v1 =	vld.idx.msk [tilespmem:v3+s26+$0x0], $0xffff;
	_ =	sdelay $0x4  }
0x451: {  	v1 =	vmul.f32 v1, v2;
	_ =	sdelay $0x1  }
0x452: {  	[tilespmem:s10+$0xC680] =	vst v1  }
0x453: {  	v1 =	vld.idx.msk [tilespmem:v3+s29+$0x0], $0xffff  }
0x454: {  	v3 =	vld [tilespmem:s10+$0x19910];
	_ =	sdelay $0x3  }
0x455: {  	v1 =	vmul.f32 v1, v2  }
0x456: {  	v2 =	vld [tilespmem:s10+$0x1BB90]  }
0x457: {  	[tilespmem:s10+$0xD680] =	vst v1;
	v1 =	vld [tilespmem:s10+$0x2410];
	_ =	sdelay $0x1  }
0x458: {  	v55 =	vld.idx.msk [tilespmem:v3+s23+$0x0], $0xffff;
	_ =	sdelay $0x2  }
0x459: {  	v1 =	vmul.f32 v1, v2;
	_ =	sdelay $0x1  }
0x45a: {  	v2 =	vmul.f32 v1, v55;
	_ =	sdelay $0x1  }
0x45b: {  	[tilespmem:s10+$0xA690] =	vst v2  }
0x45c: {  	v2 =	vld.idx.msk [tilespmem:v3+s25+$0x0], $0xffff;
	_ =	sdelay $0x4  }
0x45d: {  	v2 =	vmul.f32 v2, v1;
	_ =	sdelay $0x1  }
0x45e: {  	[tilespmem:s10+$0xB690] =	vst v2  }
0x45f: {  	v2 =	vld.idx.msk [tilespmem:v3+s26+$0x0], $0xffff;
	_ =	sdelay $0x4  }
0x460: {  	v2 =	vmul.f32 v2, v1;
	_ =	sdelay $0x1  }
0x461: {  	[tilespmem:s10+$0xC690] =	vst v2  }
0x462: {  	v2 =	vld.idx.msk [tilespmem:v3+s29+$0x0], $0xffff  }
0x463: {  	v3 =	vld [tilespmem:s10+$0x19920];
	_ =	sdelay $0x3  }
0x464: {  	v1 =	vmul.f32 v2, v1  }
0x465: {  	v2 =	vld [tilespmem:s10+$0x1BBA0]  }
0x466: {  	[tilespmem:s10+$0xD690] =	vst v1;
	v1 =	vld [tilespmem:s10+$0x2420];
	_ =	sdelay $0x1  }
0x467: {  	v56 =	vld.idx.msk [tilespmem:v3+s23+$0x0], $0xffff;
	_ =	sdelay $0x2  }
0x468: {  	v1 =	vmul.f32 v1, v2;
	_ =	sdelay $0x1  }
0x469: {  	v2 =	vmul.f32 v1, v56;
	_ =	sdelay $0x1  }
0x46a: {  	[tilespmem:s10+$0xA6A0] =	vst v2  }
0x46b: {  	v2 =	vld.idx.msk [tilespmem:v3+s25+$0x0], $0xffff;
	_ =	sdelay $0x4  }
0x46c: {  	v2 =	vmul.f32 v2, v1;
	_ =	sdelay $0x1  }
0x46d: {  	[tilespmem:s10+$0xB6A0] =	vst v2  }
0x46e: {  	v2 =	vld.idx.msk [tilespmem:v3+s26+$0x0], $0xffff;
	_ =	sdelay $0x4  }
0x46f: {  	v2 =	vmul.f32 v2, v1;
	_ =	sdelay $0x1  }
0x470: {  	[tilespmem:s10+$0xC6A0] =	vst v2  }
0x471: {  	v2 =	vld.idx.msk [tilespmem:v3+s29+$0x0], $0xffff  }
0x472: {  	v3 =	vld [tilespmem:s10+$0x19930];
	_ =	sdelay $0x3  }
0x473: {  	v1 =	vmul.f32 v2, v1  }
0x474: {  	v2 =	vld [tilespmem:s10+$0x1BBB0]  }
0x475: {  	[tilespmem:s10+$0xD6A0] =	vst v1;
	v1 =	vld [tilespmem:s10+$0x2430];
	_ =	sdelay $0x1  }
0x476: {  	v57 =	vld.idx.msk [tilespmem:v3+s23+$0x0], $0xffff;
	_ =	sdelay $0x2  }
0x477: {  	v1 =	vmul.f32 v1, v2;
	_ =	sdelay $0x1  }
0x478: {  	v2 =	vmul.f32 v1, v57;
	_ =	sdelay $0x1  }
0x479: {  	[tilespmem:s10+$0xA6B0] =	vst v2  }
0x47a: {  	v2 =	vld.idx.msk [tilespmem:v3+s25+$0x0], $0xffff;
	_ =	sdelay $0x4  }
0x47b: {  	v2 =	vmul.f32 v2, v1;
	_ =	sdelay $0x1  }
0x47c: {  	[tilespmem:s10+$0xB6B0] =	vst v2  }
0x47d: {  	v2 =	vld.idx.msk [tilespmem:v3+s26+$0x0], $0xffff;
	_ =	sdelay $0x4  }
0x47e: {  	v2 =	vmul.f32 v2, v1;
	_ =	sdelay $0x1  }
0x47f: {  	[tilespmem:s10+$0xC6B0] =	vst v2  }
0x480: {  	v2 =	vld.idx.msk [tilespmem:v3+s29+$0x0], $0xffff  }
0x481: {  	v3 =	vld [tilespmem:s10+$0x19940];
	_ =	sdelay $0x3  }
0x482: {  	v1 =	vmul.f32 v2, v1  }
0x483: {  	v2 =	vld [tilespmem:s10+$0x1BBC0]  }
0x484: {  	[tilespmem:s10+$0xD6B0] =	vst v1;
	v1 =	vld [tilespmem:s10+$0x2440];
	_ =	sdelay $0x1  }
0x485: {  	v58 =	vld.idx.msk [tilespmem:v3+s23+$0x0], $0xffff;
	_ =	sdelay $0x2  }
0x486: {  	v1 =	vmul.f32 v1, v2;
	_ =	sdelay $0x1  }
0x487: {  	v2 =	vmul.f32 v1, v58;
	_ =	sdelay $0x1  }
0x488: {  	[tilespmem:s10+$0xA6C0] =	vst v2  }
0x489: {  	v2 =	vld.idx.msk [tilespmem:v3+s25+$0x0], $0xffff;
	_ =	sdelay $0x4  }
0x48a: {  	v2 =	vmul.f32 v2, v1;
	_ =	sdelay $0x1  }
0x48b: {  	[tilespmem:s10+$0xB6C0] =	vst v2  }
0x48c: {  	v2 =	vld.idx.msk [tilespmem:v3+s26+$0x0], $0xffff;
	_ =	sdelay $0x4  }
0x48d: {  	v2 =	vmul.f32 v2, v1;
	_ =	sdelay $0x1  }
0x48e: {  	[tilespmem:s10+$0xC6C0] =	vst v2  }
0x48f: {  	v2 =	vld.idx.msk [tilespmem:v3+s29+$0x0], $0xffff;
	_ =	sdelay $0x4  }
0x490: {  	v1 =	vmul.f32 v2, v1;
	_ =	sdelay $0x1  }
0x491: {  	s22 =	simm.s32 $0xA680;
	[tilespmem:s10+$0xD6C0] =	vst v1  }
0x492: {  	[spmem:s28] =	stream.indirect.scatter.add.f32 [tilespmem:s22], [sflag:$0x3], $0x1, s20, s9, $0xb8;
	[tilespmem:$0x1CB80] =	vst v63  }
0x493: {  	s11 =	simm.s32 $0xB680  }
0x494: {  	[spmem:s30] =	stream.indirect.scatter.add.f32 [tilespmem:s11], [sflag:$0x3], $0x1, s20, s9, $0xb8;
	[tilespmem:$0x1CB80] =	vst v63  }
0x495: {  	s21 =	simm.s32 $0xC680  }
0x496: {  	[spmem:s31] =	stream.indirect.scatter.add.f32 [tilespmem:s21], [sflag:$0x3], $0x1, s20, s9, $0xb8;
	[tilespmem:$0x1CB80] =	vst v63  }
0x497: {  	s22 =	simm.s32 $0xD680  }
0x498: {  	[spmem:s2] =	stream.indirect.scatter.add.f32 [tilespmem:s22], [sflag:$0x3], $0x1, s20, s9, $0xb8;
	[tilespmem:$0x1CB80] =	vst v63  }
0x499: {  	_ =	swait.ge [sflag:s3], $0xFA0  }
0x49a: {  	[sflag:s3] =	ssyncset.done $0x0  }
0x49b: {  	[sflag:s3] =	ssyncadd.s32 $0xFFFFF060  }
0x49c: {  	_ =	swait.ge [sflag:s3], $0xFA0  }
0x49d: {  	[sflag:s3] =	ssyncset.done $0x0  }
0x49e: {  	[sflag:s3] =	ssyncadd.s32 $0xFFFFF060  }
0x49f: {  	_ =	swait.ge [sflag:s3], $0xFA0  }
0x4a0: {  	[sflag:s3] =	ssyncset.done $0x0  }
0x4a1: {  	[sflag:s3] =	ssyncadd.s32 $0xFFFFF060  }
0x4a2: {  	_ =	swait.ge [sflag:s3], $0xFA0  }
0x4a3: {  	[sflag:s3] =	ssyncset.done $0x0  }
0x4a4: {  	[sflag:s3] =	ssyncadd.s32 $0xFFFFF060  }
0x4a5: {  	_ =	swait.ge [sflag:s18], $0xFA0  }
0x4a6: {  	[sflag:s18] =	ssyncset.done $0x0  }
0x4a7: {  	[sflag:s18] =	ssyncadd.s32 $0xFFFFF060  }
0x4a8: {  	_ =	swait.ge [sflag:s18], $0xFA0  }
0x4a9: {  	[sflag:s18] =	ssyncset.done $0x0  }
0x4aa: {  	[sflag:s18] =	ssyncadd.s32 $0xFFFFF060  }
0x4ab: {  	_ =	swait.ge [sflag:s18], $0xFA0  }
0x4ac: {  	[sflag:s18] =	ssyncset.done $0x0  }
0x4ad: {  	[sflag:s18] =	ssyncadd.s32 $0xFFFFF060  }
0x4ae: {  	_ =	swait.ge [sflag:s18], $0xFA0  }
0x4af: {  	[sflag:s18] =	ssyncset.done $0x0  }
0x4b0: {  	s21 =	simm.s32 $0x0;
	[sflag:s18] =	ssyncadd.s32 $0xFFFFF060  }
0x4b1: {  	v1 =	vld [tilespmem:s21+$0x18900];
	_ =	sdelay $0x4  }
0x4b2: {  	v2 =	vld [tilespmem:s21+$0x1AB80]  }
0x4b3: {  	v3 =	vld [tilespmem:s21+$0x1400];
	_ =	sdelay $0x1  }
0x4b4: {  	v59 =	vld.idx.msk [tilespmem:v1+s23+$0x0], $0xffff;
	_ =	sdelay $0x2  }
0x4b5: {  	v2 =	vmul.f32 v3, v2;
	_ =	sdelay $0x1  }
0x4b6: {  	v3 =	vmul.f32 v2, v59;
	_ =	sdelay $0x1  }
0x4b7: {  	[tilespmem:s21+$0x6680] =	vst v3  }
0x4b8: {  	v3 =	vld.idx.msk [tilespmem:v1+s25+$0x0], $0xffff;
	_ =	sdelay $0x4  }
0x4b9: {  	v3 =	vmul.f32 v3, v2;
	_ =	sdelay $0x1  }
0x4ba: {  	[tilespmem:s21+$0x7680] =	vst v3  }
0x4bb: {  	v3 =	vld.idx.msk [tilespmem:v1+s26+$0x0], $0xffff;
	_ =	sdelay $0x4  }
0x4bc: {  	v3 =	vmul.f32 v3, v2;
	_ =	sdelay $0x1  }
0x4bd: {  	[tilespmem:s21+$0x8680] =	vst v3  }
0x4be: {  	v1 =	vld.idx.msk [tilespmem:v1+s29+$0x0], $0xffff  }
0x4bf: {  	v3 =	vld [tilespmem:s21+$0x18910];
	_ =	sdelay $0x3  }
0x4c0: {  	v1 =	vmul.f32 v1, v2  }
0x4c1: {  	v2 =	vld [tilespmem:s21+$0x1AB90]  }
0x4c2: {  	[tilespmem:s21+$0x9680] =	vst v1;
	v1 =	vld [tilespmem:s21+$0x1410];
	_ =	sdelay $0x1  }
0x4c3: {  	v60 =	vld.idx.msk [tilespmem:v3+s23+$0x0], $0xffff;
	_ =	sdelay $0x2  }
0x4c4: {  	v1 =	vmul.f32 v1, v2;
	_ =	sdelay $0x1  }
0x4c5: {  	v2 =	vmul.f32 v1, v60;
	_ =	sdelay $0x1  }
0x4c6: {  	[tilespmem:s21+$0x6690] =	vst v2  }
0x4c7: {  	v2 =	vld.idx.msk [tilespmem:v3+s25+$0x0], $0xffff;
	_ =	sdelay $0x4  }
0x4c8: {  	v2 =	vmul.f32 v2, v1;
	_ =	sdelay $0x1  }
0x4c9: {  	[tilespmem:s21+$0x7690] =	vst v2  }
0x4ca: {  	v2 =	vld.idx.msk [tilespmem:v3+s26+$0x0], $0xffff;
	_ =	sdelay $0x4  }
0x4cb: {  	v2 =	vmul.f32 v2, v1;
	_ =	sdelay $0x1  }
0x4cc: {  	[tilespmem:s21+$0x8690] =	vst v2  }
0x4cd: {  	v2 =	vld.idx.msk [tilespmem:v3+s29+$0x0], $0xffff  }
0x4ce: {  	v3 =	vld [tilespmem:s21+$0x18920];
	_ =	sdelay $0x3  }
0x4cf: {  	v1 =	vmul.f32 v2, v1  }
0x4d0: {  	v2 =	vld [tilespmem:s21+$0x1ABA0]  }
0x4d1: {  	[tilespmem:s21+$0x9690] =	vst v1;
	v1 =	vld [tilespmem:s21+$0x1420];
	_ =	sdelay $0x1  }
0x4d2: {  	v61 =	vld.idx.msk [tilespmem:v3+s23+$0x0], $0xffff;
	_ =	sdelay $0x2  }
0x4d3: {  	v1 =	vmul.f32 v1, v2;
	_ =	sdelay $0x1  }
0x4d4: {  	v2 =	vmul.f32 v1, v61;
	_ =	sdelay $0x1  }
0x4d5: {  	[tilespmem:s21+$0x66A0] =	vst v2  }
0x4d6: {  	v2 =	vld.idx.msk [tilespmem:v3+s25+$0x0], $0xffff;
	_ =	sdelay $0x4  }
0x4d7: {  	v2 =	vmul.f32 v2, v1;
	_ =	sdelay $0x1  }
0x4d8: {  	[tilespmem:s21+$0x76A0] =	vst v2  }
0x4d9: {  	v2 =	vld.idx.msk [tilespmem:v3+s26+$0x0], $0xffff;
	_ =	sdelay $0x4  }
0x4da: {  	v2 =	vmul.f32 v2, v1;
	_ =	sdelay $0x1  }
0x4db: {  	[tilespmem:s21+$0x86A0] =	vst v2  }
0x4dc: {  	v2 =	vld.idx.msk [tilespmem:v3+s29+$0x0], $0xffff  }
0x4dd: {  	v3 =	vld [tilespmem:s21+$0x18930];
	_ =	sdelay $0x3  }
0x4de: {  	v1 =	vmul.f32 v2, v1  }
0x4df: {  	v2 =	vld [tilespmem:s21+$0x1ABB0]  }
0x4e0: {  	[tilespmem:s21+$0x96A0] =	vst v1;
	v1 =	vld [tilespmem:s21+$0x1430];
	_ =	sdelay $0x1  }
0x4e1: {  	v62 =	vld.idx.msk [tilespmem:v3+s23+$0x0], $0xffff;
	_ =	sdelay $0x2  }
0x4e2: {  	v1 =	vmul.f32 v1, v2;
	_ =	sdelay $0x1  }
0x4e3: {  	v2 =	vmul.f32 v1, v62;
	_ =	sdelay $0x1  }
0x4e4: {  	[tilespmem:s21+$0x66B0] =	vst v2  }
0x4e5: {  	v2 =	vld.idx.msk [tilespmem:v3+s25+$0x0], $0xffff;
	_ =	sdelay $0x4  }
0x4e6: {  	v2 =	vmul.f32 v2, v1;
	_ =	sdelay $0x1  }
0x4e7: {  	[tilespmem:s21+$0x76B0] =	vst v2  }
0x4e8: {  	v2 =	vld.idx.msk [tilespmem:v3+s26+$0x0], $0xffff;
	_ =	sdelay $0x4  }
0x4e9: {  	v2 =	vmul.f32 v2, v1;
	_ =	sdelay $0x1  }
0x4ea: {  	[tilespmem:s21+$0x86B0] =	vst v2  }
0x4eb: {  	v2 =	vld.idx.msk [tilespmem:v3+s29+$0x0], $0xffff  }
0x4ec: {  	v3 =	vld [tilespmem:s21+$0x18940];
	_ =	sdelay $0x3  }
0x4ed: {  	v1 =	vmul.f32 v2, v1  }
0x4ee: {  	v2 =	vld [tilespmem:s21+$0x1ABC0]  }
0x4ef: {  	[tilespmem:s21+$0x96B0] =	vst v1;
	v1 =	vld [tilespmem:s21+$0x1440];
	_ =	sdelay $0x1  }
0x4f0: {  	v63 =	vld.idx.msk [tilespmem:v3+s23+$0x0], $0xffff;
	_ =	sdelay $0x2  }
0x4f1: {  	v1 =	vmul.f32 v1, v2;
	_ =	sdelay $0x1  }
0x4f2: {  	v2 =	vmul.f32 v1, v63;
	_ =	sdelay $0x1  }
0x4f3: {  	[tilespmem:s21+$0x66C0] =	vst v2  }
0x4f4: {  	v2 =	vld.idx.msk [tilespmem:v3+s25+$0x0], $0xffff;
	_ =	sdelay $0x4  }
0x4f5: {  	v2 =	vmul.f32 v2, v1;
	_ =	sdelay $0x1  }
0x4f6: {  	[tilespmem:s21+$0x76C0] =	vst v2  }
0x4f7: {  	v2 =	vld.idx.msk [tilespmem:v3+s26+$0x0], $0xffff;
	_ =	sdelay $0x4  }
0x4f8: {  	v2 =	vmul.f32 v2, v1;
	_ =	sdelay $0x1  }
0x4f9: {  	[tilespmem:s21+$0x86C0] =	vst v2  }
0x4fa: {  	s10 =	simm.s32 $0x50;
	s22 =	simm.s32 $0x280;
	v2 =	vld.idx.msk [tilespmem:v3+s29+$0x0], $0xffff  }
.LBB2_10:
0x4fb: {  	p1 =	sne.s32 s22, $0x3D40;
	v3 =	vld [tilespmem:s10+$0x18900];
	_ =	sdelay $0x4  }
0x4fc: {  	v1 =	vmul.f32 v2, v1  }
0x4fd: {  	v2 =	vld [tilespmem:s10+$0x1AB80]  }
0x4fe: {  	v4 =	vld [tilespmem:s10+$0x1400];
	[tilespmem:s21+$0x96C0] =	vst v1;
	s21 =	smov.u32 s10  }
0x4ff: {  	v1 =	vld.idx.msk [tilespmem:v3+s23+$0x0], $0xffff;
	_ =	sdelay $0x3  }
0x500: {  	v2 =	vmul.f32 v4, v2;
	_ =	sdelay $0x1  }
0x501: {  	v1 =	vmul.f32 v2, v1;
	_ =	sdelay $0x1  }
0x502: {  	[tilespmem:s21+$0x6680] =	vst v1  }
0x503: {  	v1 =	vld.idx.msk [tilespmem:v3+s25+$0x0], $0xffff;
	_ =	sdelay $0x5  }
0x504: {  	v1 =	vmul.f32 v1, v2;
	_ =	sdelay $0x1  }
0x505: {  	[tilespmem:s21+$0x7680] =	vst v1  }
0x506: {  	v1 =	vld.idx.msk [tilespmem:v3+s26+$0x0], $0xffff;
	_ =	sdelay $0x5  }
0x507: {  	v1 =	vmul.f32 v1, v2;
	_ =	sdelay $0x1  }
0x508: {  	[tilespmem:s21+$0x8680] =	vst v1  }
0x509: {  	v1 =	vld.idx.msk [tilespmem:v3+s29+$0x0], $0xffff  }
0x50a: {  	v3 =	vld [tilespmem:s21+$0x18910];
	_ =	sdelay $0x4  }
0x50b: {  	v1 =	vmul.f32 v1, v2  }
0x50c: {  	v2 =	vld [tilespmem:s21+$0x1AB90]  }
0x50d: {  	[tilespmem:s21+$0x9680] =	vst v1;
	v1 =	vld [tilespmem:s21+$0x1410]  }
0x50e: {  	v4 =	vld.idx.msk [tilespmem:v3+s23+$0x0], $0xffff;
	_ =	sdelay $0x3  }
0x50f: {  	v1 =	vmul.f32 v1, v2;
	_ =	sdelay $0x1  }
0x510: {  	v2 =	vmul.f32 v1, v4;
	_ =	sdelay $0x1  }
0x511: {  	[tilespmem:s21+$0x6690] =	vst v2  }
0x512: {  	v2 =	vld.idx.msk [tilespmem:v3+s25+$0x0], $0xffff;
	_ =	sdelay $0x5  }
0x513: {  	v2 =	vmul.f32 v2, v1;
	_ =	sdelay $0x1  }
0x514: {  	[tilespmem:s21+$0x7690] =	vst v2  }
0x515: {  	v2 =	vld.idx.msk [tilespmem:v3+s26+$0x0], $0xffff;
	_ =	sdelay $0x5  }
0x516: {  	v2 =	vmul.f32 v2, v1;
	_ =	sdelay $0x1  }
0x517: {  	[tilespmem:s21+$0x8690] =	vst v2  }
0x518: {  	v2 =	vld.idx.msk [tilespmem:v3+s29+$0x0], $0xffff  }
0x519: {  	v3 =	vld [tilespmem:s21+$0x18920];
	_ =	sdelay $0x4  }
0x51a: {  	v1 =	vmul.f32 v2, v1  }
0x51b: {  	v2 =	vld [tilespmem:s21+$0x1ABA0]  }
0x51c: {  	[tilespmem:s21+$0x9690] =	vst v1;
	v1 =	vld [tilespmem:s21+$0x1420]  }
0x51d: {  	v4 =	vld.idx.msk [tilespmem:v3+s23+$0x0], $0xffff;
	_ =	sdelay $0x3  }
0x51e: {  	v1 =	vmul.f32 v1, v2;
	_ =	sdelay $0x1  }
0x51f: {  	v2 =	vmul.f32 v1, v4;
	_ =	sdelay $0x1  }
0x520: {  	[tilespmem:s21+$0x66A0] =	vst v2  }
0x521: {  	v2 =	vld.idx.msk [tilespmem:v3+s25+$0x0], $0xffff;
	_ =	sdelay $0x5  }
0x522: {  	v2 =	vmul.f32 v2, v1;
	_ =	sdelay $0x1  }
0x523: {  	[tilespmem:s21+$0x76A0] =	vst v2  }
0x524: {  	v2 =	vld.idx.msk [tilespmem:v3+s26+$0x0], $0xffff;
	_ =	sdelay $0x5  }
0x525: {  	v2 =	vmul.f32 v2, v1;
	_ =	sdelay $0x1  }
0x526: {  	[tilespmem:s21+$0x86A0] =	vst v2  }
0x527: {  	v2 =	vld.idx.msk [tilespmem:v3+s29+$0x0], $0xffff  }
0x528: {  	v3 =	vld [tilespmem:s21+$0x18930];
	_ =	sdelay $0x4  }
0x529: {  	v1 =	vmul.f32 v2, v1  }
0x52a: {  	v2 =	vld [tilespmem:s21+$0x1ABB0]  }
0x52b: {  	[tilespmem:s21+$0x96A0] =	vst v1;
	v1 =	vld [tilespmem:s21+$0x1430]  }
0x52c: {  	v4 =	vld.idx.msk [tilespmem:v3+s23+$0x0], $0xffff;
	_ =	sdelay $0x3  }
0x52d: {  	v1 =	vmul.f32 v1, v2;
	_ =	sdelay $0x1  }
0x52e: {  	v2 =	vmul.f32 v1, v4;
	_ =	sdelay $0x1  }
0x52f: {  	[tilespmem:s21+$0x66B0] =	vst v2  }
0x530: {  	v2 =	vld.idx.msk [tilespmem:v3+s25+$0x0], $0xffff;
	_ =	sdelay $0x5  }
0x531: {  	v2 =	vmul.f32 v2, v1;
	_ =	sdelay $0x1  }
0x532: {  	[tilespmem:s21+$0x76B0] =	vst v2  }
0x533: {  	v2 =	vld.idx.msk [tilespmem:v3+s26+$0x0], $0xffff;
	_ =	sdelay $0x5  }
0x534: {  	v2 =	vmul.f32 v2, v1;
	_ =	sdelay $0x1  }
0x535: {  	[tilespmem:s21+$0x86B0] =	vst v2  }
0x536: {  	v2 =	vld.idx.msk [tilespmem:v3+s29+$0x0], $0xffff  }
0x537: {  	v3 =	vld [tilespmem:s21+$0x18940];
	_ =	sdelay $0x4  }
0x538: {  	v1 =	vmul.f32 v2, v1  }
0x539: {  	v2 =	vld [tilespmem:s21+$0x1ABC0]  }
0x53a: {  	[tilespmem:s21+$0x96B0] =	vst v1;
	v1 =	vld [tilespmem:s21+$0x1440]  }
0x53b: {  	v4 =	vld.idx.msk [tilespmem:v3+s23+$0x0], $0xffff;
	_ =	sdelay $0x3  }
0x53c: {  	v1 =	vmul.f32 v1, v2;
	_ =	sdelay $0x1  }
0x53d: {  	v2 =	vmul.f32 v1, v4;
	_ =	sdelay $0x1  }
0x53e: {  	[tilespmem:s21+$0x66C0] =	vst v2  }
0x53f: {  	v2 =	vld.idx.msk [tilespmem:v3+s25+$0x0], $0xffff;
	_ =	sdelay $0x5  }
0x540: {  	v2 =	vmul.f32 v2, v1;
	_ =	sdelay $0x1  }
0x541: {  	[tilespmem:s21+$0x76C0] =	vst v2  }
0x542: {  	v2 =	vld.idx.msk [tilespmem:v3+s26+$0x0], $0xffff;
	_ =	sdelay $0x4  }
.Ltmp4:
0x543: {  	(pc) =	sbr.rel @p1 .LBB2_10-.Ltmp4, $3  }
0x544: {  	v2 =	vmul.f32 v2, v1;
	_ =	sdelay $0x1  }
0x545: {  	[tilespmem:s21+$0x86C0] =	vst v2  }
0x546: {  	s10 =	sshra.s32 s22, $0x2;
	s22 =	sadd.s32 $0x140, s22;
	v2 =	vld.idx.msk [tilespmem:v3+s29+$0x0], $0xffff  }
0x547: {  	v3 =	vld [tilespmem:s10+$0x18900];
	_ =	sdelay $0x4  }
0x548: {  	v4 =	vld [tilespmem:s10+$0x1400];
	v1 =	vmul.f32 v2, v1  }
0x549: {  	v2 =	vld [tilespmem:s10+$0x1AB80]  }
0x54a: {  	[tilespmem:s21+$0x96C0] =	vst v1  }
0x54b: {  	v1 =	vld.idx.msk [tilespmem:v3+s23+$0x0], $0xffff;
	_ =	sdelay $0x2  }
0x54c: {  	v2 =	vmul.f32 v4, v2;
	_ =	sdelay $0x1  }
0x54d: {  	v1 =	vmul.f32 v2, v1;
	_ =	sdelay $0x1  }
0x54e: {  	[tilespmem:s10+$0x6680] =	vst v1  }
0x54f: {  	v1 =	vld.idx.msk [tilespmem:v3+s25+$0x0], $0xffff;
	_ =	sdelay $0x4  }
0x550: {  	v1 =	vmul.f32 v1, v2;
	_ =	sdelay $0x1  }
0x551: {  	[tilespmem:s10+$0x7680] =	vst v1  }
0x552: {  	v1 =	vld.idx.msk [tilespmem:v3+s26+$0x0], $0xffff;
	_ =	sdelay $0x4  }
0x553: {  	v1 =	vmul.f32 v1, v2;
	_ =	sdelay $0x1  }
0x554: {  	[tilespmem:s10+$0x8680] =	vst v1  }
0x555: {  	v1 =	vld.idx.msk [tilespmem:v3+s29+$0x0], $0xffff  }
0x556: {  	v3 =	vld [tilespmem:s10+$0x18910];
	_ =	sdelay $0x3  }
0x557: {  	v1 =	vmul.f32 v1, v2  }
0x558: {  	v2 =	vld [tilespmem:s10+$0x1AB90]  }
0x559: {  	[tilespmem:s10+$0x9680] =	vst v1;
	v1 =	vld [tilespmem:s10+$0x1410];
	_ =	sdelay $0x1  }
0x55a: {  	v4 =	vld.idx.msk [tilespmem:v3+s23+$0x0], $0xffff;
	_ =	sdelay $0x2  }
0x55b: {  	v1 =	vmul.f32 v1, v2;
	_ =	sdelay $0x1  }
0x55c: {  	v2 =	vmul.f32 v1, v4;
	_ =	sdelay $0x1  }
0x55d: {  	[tilespmem:s10+$0x6690] =	vst v2  }
0x55e: {  	v2 =	vld.idx.msk [tilespmem:v3+s25+$0x0], $0xffff;
	_ =	sdelay $0x4  }
0x55f: {  	v2 =	vmul.f32 v2, v1;
	_ =	sdelay $0x1  }
0x560: {  	[tilespmem:s10+$0x7690] =	vst v2  }
0x561: {  	v2 =	vld.idx.msk [tilespmem:v3+s26+$0x0], $0xffff;
	_ =	sdelay $0x4  }
0x562: {  	v2 =	vmul.f32 v2, v1;
	_ =	sdelay $0x1  }
0x563: {  	[tilespmem:s10+$0x8690] =	vst v2  }
0x564: {  	v2 =	vld.idx.msk [tilespmem:v3+s29+$0x0], $0xffff  }
0x565: {  	v3 =	vld [tilespmem:s10+$0x18920];
	_ =	sdelay $0x3  }
0x566: {  	v1 =	vmul.f32 v2, v1  }
0x567: {  	v2 =	vld [tilespmem:s10+$0x1ABA0]  }
0x568: {  	[tilespmem:s10+$0x9690] =	vst v1;
	v1 =	vld [tilespmem:s10+$0x1420];
	_ =	sdelay $0x1  }
0x569: {  	v4 =	vld.idx.msk [tilespmem:v3+s23+$0x0], $0xffff;
	_ =	sdelay $0x2  }
0x56a: {  	v1 =	vmul.f32 v1, v2;
	_ =	sdelay $0x1  }
0x56b: {  	v2 =	vmul.f32 v1, v4;
	_ =	sdelay $0x1  }
0x56c: {  	[tilespmem:s10+$0x66A0] =	vst v2  }
0x56d: {  	v2 =	vld.idx.msk [tilespmem:v3+s25+$0x0], $0xffff;
	_ =	sdelay $0x4  }
0x56e: {  	v2 =	vmul.f32 v2, v1;
	_ =	sdelay $0x1  }
0x56f: {  	[tilespmem:s10+$0x76A0] =	vst v2  }
0x570: {  	v2 =	vld.idx.msk [tilespmem:v3+s26+$0x0], $0xffff;
	_ =	sdelay $0x4  }
0x571: {  	v2 =	vmul.f32 v2, v1;
	_ =	sdelay $0x1  }
0x572: {  	[tilespmem:s10+$0x86A0] =	vst v2  }
0x573: {  	v2 =	vld.idx.msk [tilespmem:v3+s29+$0x0], $0xffff  }
0x574: {  	v3 =	vld [tilespmem:s10+$0x18930];
	_ =	sdelay $0x3  }
0x575: {  	v1 =	vmul.f32 v2, v1  }
0x576: {  	v2 =	vld [tilespmem:s10+$0x1ABB0]  }
0x577: {  	[tilespmem:s10+$0x96A0] =	vst v1;
	v1 =	vld [tilespmem:s10+$0x1430];
	_ =	sdelay $0x1  }
0x578: {  	v4 =	vld.idx.msk [tilespmem:v3+s23+$0x0], $0xffff;
	_ =	sdelay $0x2  }
0x579: {  	v1 =	vmul.f32 v1, v2;
	_ =	sdelay $0x1  }
0x57a: {  	v2 =	vmul.f32 v1, v4;
	_ =	sdelay $0x1  }
0x57b: {  	[tilespmem:s10+$0x66B0] =	vst v2  }
0x57c: {  	v2 =	vld.idx.msk [tilespmem:v3+s25+$0x0], $0xffff;
	_ =	sdelay $0x4  }
0x57d: {  	v2 =	vmul.f32 v2, v1;
	_ =	sdelay $0x1  }
0x57e: {  	[tilespmem:s10+$0x76B0] =	vst v2  }
0x57f: {  	v2 =	vld.idx.msk [tilespmem:v3+s26+$0x0], $0xffff;
	_ =	sdelay $0x4  }
0x580: {  	v2 =	vmul.f32 v2, v1;
	_ =	sdelay $0x1  }
0x581: {  	[tilespmem:s10+$0x86B0] =	vst v2  }
0x582: {  	v2 =	vld.idx.msk [tilespmem:v3+s29+$0x0], $0xffff  }
0x583: {  	v3 =	vld [tilespmem:s10+$0x18940];
	_ =	sdelay $0x3  }
0x584: {  	v1 =	vmul.f32 v2, v1  }
0x585: {  	v2 =	vld [tilespmem:s10+$0x1ABC0]  }
0x586: {  	[tilespmem:s10+$0x96B0] =	vst v1;
	v1 =	vld [tilespmem:s10+$0x1440];
	_ =	sdelay $0x1  }
0x587: {  	v4 =	vld.idx.msk [tilespmem:v3+s23+$0x0], $0xffff;
	_ =	sdelay $0x2  }
0x588: {  	v1 =	vmul.f32 v1, v2;
	_ =	sdelay $0x1  }
0x589: {  	v2 =	vmul.f32 v1, v4;
	_ =	sdelay $0x1  }
0x58a: {  	[tilespmem:s10+$0x66C0] =	vst v2  }
0x58b: {  	v2 =	vld.idx.msk [tilespmem:v3+s25+$0x0], $0xffff;
	_ =	sdelay $0x4  }
0x58c: {  	v2 =	vmul.f32 v2, v1;
	_ =	sdelay $0x1  }
0x58d: {  	[tilespmem:s10+$0x76C0] =	vst v2  }
0x58e: {  	v2 =	vld.idx.msk [tilespmem:v3+s26+$0x0], $0xffff;
	_ =	sdelay $0x4  }
0x58f: {  	v2 =	vmul.f32 v2, v1;
	_ =	sdelay $0x1  }
0x590: {  	[tilespmem:s10+$0x86C0] =	vst v2  }
0x591: {  	v2 =	vld.idx.msk [tilespmem:v3+s29+$0x0], $0xffff;
	_ =	sdelay $0x4  }
0x592: {  	v1 =	vmul.f32 v2, v1;
	_ =	sdelay $0x1  }
0x593: {  	s21 =	simm.s32 $0x6680;
	[tilespmem:s10+$0x96C0] =	vst v1  }
0x594: {  	[spmem:s28] =	stream.indirect.scatter.add.f32 [tilespmem:s21], [sflag:$0x4], $0x1, s8, s9, $0xb8;
	[tilespmem:$0x1CB80] =	vst v63  }
0x595: {  	s22 =	simm.s32 $0x7680  }
0x596: {  	[spmem:s30] =	stream.indirect.scatter.add.f32 [tilespmem:s22], [sflag:$0x4], $0x1, s8, s9, $0xb8;
	[tilespmem:$0x1CB80] =	vst v63  }
0x597: {  	_ = 	snop  }
0x598: {  	[spmem:s31] =	stream.indirect.scatter.add.f32 [tilespmem:s12], [sflag:$0x4], $0x1, s8, s9, $0xb8;
	[tilespmem:$0x1CB80] =	vst v63  }
0x599: {  	_ = 	snop  }
0x59a: {  	[spmem:s2] =	stream.indirect.scatter.add.f32 [tilespmem:s13], [sflag:$0x4], $0x1, s8, s9, $0xb8;
	[tilespmem:$0x1CB80] =	vst v63  }
0x59b: {  	_ =	swait.ge [sflag:s16], $0xFA0  }
0x59c: {  	[sflag:s16] =	ssyncset.done $0x0  }
0x59d: {  	[sflag:s16] =	ssyncadd.s32 $0xFFFFF060  }
0x59e: {  	_ =	swait.ge [sflag:s16], $0xFA0  }
0x59f: {  	[sflag:s16] =	ssyncset.done $0x0  }
0x5a0: {  	[sflag:s16] =	ssyncadd.s32 $0xFFFFF060  }
0x5a1: {  	_ =	swait.ge [sflag:s16], $0xFA0  }
0x5a2: {  	[sflag:s16] =	ssyncset.done $0x0  }
0x5a3: {  	[sflag:s16] =	ssyncadd.s32 $0xFFFFF060  }
0x5a4: {  	_ =	swait.ge [sflag:s16], $0xFA0  }
0x5a5: {  	[sflag:s16] =	ssyncset.done $0x0  }
0x5a6: {  	[sflag:s16] =	ssyncadd.s32 $0xFFFFF060  }
0x5a7: {  	_ =	swait.ge [sflag:s17], $0xFA0  }
0x5a8: {  	[sflag:s17] =	ssyncset.done $0x0  }
0x5a9: {  	[sflag:s17] =	ssyncadd.s32 $0xFFFFF060  }
0x5aa: {  	_ =	swait.ge [sflag:s17], $0xFA0  }
0x5ab: {  	[sflag:s17] =	ssyncset.done $0x0  }
0x5ac: {  	[sflag:s17] =	ssyncadd.s32 $0xFFFFF060  }
0x5ad: {  	_ =	swait.ge [sflag:s17], $0xFA0  }
0x5ae: {  	[sflag:s17] =	ssyncset.done $0x0  }
0x5af: {  	[sflag:s17] =	ssyncadd.s32 $0xFFFFF060  }
0x5b0: {  	_ =	swait.ge [sflag:s17], $0xFA0  }
0x5b1: {  	[sflag:s17] =	ssyncset.done $0x0  }
0x5b2: {  	[sflag:s17] =	ssyncadd.s32 $0xFFFFF060  }
0x5b3: {  	[bflag:$0x0] =	sbarrier.arrive $0xFFFF  }
0x5b4: {  	[tilespmem:s1], [sflag:$0x6] =	stream.linear.gather [spmem:s4], $0x280, $0x38;
	[tilespmem:$0x1CB80] =	vst v63  }
0x5b5: {  	_ =	swait.ge [sflag:s24], $0x280  }
0x5b6: {  	[sflag:s24] =	ssyncset.done $0x0  }
0x5b7: {  	s11 =	simm.s32 $0x280;
	[sflag:s24] =	ssyncadd.s32 $0xFFFFFD80  }
0x5b8: {  	[tilespmem:s11], [sflag:$0x6] =	stream.linear.gather [spmem:s5], $0x280, $0x38;
	[tilespmem:$0x1CB80] =	vst v63  }
0x5b9: {  	_ =	swait.ge [sflag:s24], $0x280  }
0x5ba: {  	[sflag:s24] =	ssyncset.done $0x0  }
0x5bb: {  	s21 =	simm.s32 $0x500;
	[sflag:s24] =	ssyncadd.s32 $0xFFFFFD80  }
0x5bc: {  	[tilespmem:s21], [sflag:$0x6] =	stream.linear.gather [spmem:s6], $0x280, $0x38;
	[tilespmem:$0x1CB80] =	vst v63  }
0x5bd: {  	_ =	swait.ge [sflag:s24], $0x280  }
0x5be: {  	[sflag:s24] =	ssyncset.done $0x0  }
0x5bf: {  	s22 =	simm.s32 $0x780;
	[sflag:s24] =	ssyncadd.s32 $0xFFFFFD80  }
0x5c0: {  	[tilespmem:s22], [sflag:$0x6] =	stream.linear.gather [spmem:s7], $0x280, $0x38;
	[tilespmem:$0x1CB80] =	vst v63  }
0x5c1: {  	_ =	swait.ge [sflag:s24], $0x280  }
0x5c2: {  	s11 =	sld [smem:$0x7F6]  }
0x5c3: {  	[sflag:s24] =	ssyncset.done $0x0  }
0x5c4: {  	s10 =	simm.s32 @p0 $0x0;
	s21 =	simm.s32 @p0 $0xE680;
	[sflag:s24] =	ssyncadd.s32 $0xFFFFFD80  }
0x5c5: {  	[tilespmem:s21], [sflag:$0x6] =	stream.linear.gather @p0 [hbm4b:s11+s10], $0x190, $0x38;
	[tilespmem:$0x1CB80] =	vst v63  }
0x5c6: {  	s21 =	simm.s32 @p0 $0x6  }
0x5c7: {  	_ =	swait.ge @p0 [sflag:s21], $0x190  }
0x5c8: {  	s11 =	sld [smem:$0x7F7]  }
0x5c9: {  	[sflag:s21] =	ssyncset.done @p0 $0x0  }
0x5ca: {  	s22 =	simm.s32 @p0 $0x1A900;
	[sflag:s21] =	ssyncadd.s32 @p0 $0xFFFFFE70  }
0x5cb: {  	[tilespmem:s22], [sflag:$0x6] =	stream.linear.gather @p0 [hbm4b:s11+s10], $0x190, $0x38;
	[tilespmem:$0x1CB80] =	vst v63  }
0x5cc: {  	_ =	swait.ge @p0 [sflag:s21], $0x190  }
0x5cd: {  	s11 =	sld [smem:$0x7F8]  }
0x5ce: {  	[sflag:s21] =	ssyncset.done @p0 $0x0  }
0x5cf: {  	s22 =	simm.s32 @p0 $0x3400;
	[sflag:s21] =	ssyncadd.s32 @p0 $0xFFFFFE70  }
0x5d0: {  	[tilespmem:s22], [sflag:$0x6] =	stream.linear.gather @p0 [hbm4b:s11+s10], $0x190, $0x38;
	[tilespmem:$0x1CB80] =	vst v63  }
0x5d1: {  	_ =	swait.ge @p0 [sflag:s21], $0x190  }
0x5d2: {  	s11 =	sld [smem:$0x7F3]  }
0x5d3: {  	[sflag:s21] =	ssyncset.done @p0 $0x0  }
0x5d4: {  	s10 =	simm.s32 @!p0 $0x0;
	[sflag:s21] =	ssyncadd.s32 @p0 $0xFFFFFE70;
	s21 =	simm.s32 @!p0 $0xE680  }
0x5d5: {  	[tilespmem:s21], [sflag:$0x6] =	stream.linear.gather @!p0 [hbm4b:s11+s10], $0x280, $0x38;
	[tilespmem:$0x1CB80] =	vst v63  }
0x5d6: {  	s21 =	simm.s32 @!p0 $0x6  }
0x5d7: {  	_ =	swait.ge @!p0 [sflag:s21], $0x280  }
0x5d8: {  	s11 =	sld [smem:$0x7F4]  }
0x5d9: {  	[sflag:s21] =	ssyncset.done @!p0 $0x0  }
0x5da: {  	s22 =	simm.s32 @!p0 $0x1A900;
	[sflag:s21] =	ssyncadd.s32 @!p0 $0xFFFFFD80  }
0x5db: {  	[tilespmem:s22], [sflag:$0x6] =	stream.linear.gather @!p0 [hbm4b:s11+s10], $0x280, $0x38;
	[tilespmem:$0x1CB80] =	vst v63  }
0x5dc: {  	_ =	swait.ge @!p0 [sflag:s21], $0x280  }
0x5dd: {  	s11 =	sld [smem:$0x7F5]  }
0x5de: {  	[sflag:s21] =	ssyncset.done @!p0 $0x0  }
0x5df: {  	s22 =	simm.s32 @!p0 $0x3400;
	[sflag:s21] =	ssyncadd.s32 @!p0 $0xFFFFFD80  }
0x5e0: {  	[tilespmem:s22], [sflag:$0x6] =	stream.linear.gather @!p0 [hbm4b:s11+s10], $0x280, $0x38;
	[tilespmem:$0x1CB80] =	vst v63  }
0x5e1: {  	_ =	swait.ge @!p0 [sflag:s21], $0x280  }
0x5e2: {  	[sflag:s21] =	ssyncset.done @!p0 $0x0  }
0x5e3: {  	s10 =	simm.s32 $0x0;
	[sflag:s21] =	ssyncadd.s32 @!p0 $0xFFFFFD80  }
0x5e4: {  	v1 =	vld [tilespmem:s10+$0x1A900]  }
0x5e5: {  	v2 =	vld [tilespmem:s10+$0xE680]  }
0x5e6: {  	v3 =	vld [tilespmem:s10+$0x0]  }
0x5e7: {  	v5 =	vld [tilespmem:s10+$0x3400]  }
0x5e8: {  	v4 =	vld [tilespmem:s10+$0x280]  }
0x5e9: {  	v6 =	vld [tilespmem:s10+$0x500]  }
0x5ea: {  	v8 =	vld [tilespmem:s10+$0x780];
	v7 =	vmul.f32 v2, v1;
	_ =	sdelay $0x1  }
0x5eb: {  	v1 =	vmul.f32 v3, v7  }
0x5ec: {  	v4 =	vmul.f32 v4, v7  }
0x5ed: {  	s21 =	simm.s32 $0x10;
	v6 =	vmul.f32 v6, v7;
	v1 =	vadd.f32 v1, v5  }
0x5ee: {  	v2 =	vld [tilespmem:s21+$0x1A900];
	v7 =	vmul.f32 v8, v7;
	v4 =	vadd.f32 v4, v5  }
0x5ef: {  	v3 =	vld [tilespmem:s21+$0xE680];
	v6 =	vadd.f32 v6, v5;
	v9 =	vmax.f32 v1, $0.0e+00  }
0x5f0: {  	v5 =	vadd.f32 v7, v5;
	v1 =	vld [tilespmem:s21+$0x3400];
	v8 =	vmax.f32 v4, $0.0e+00;
	[tilespmem:s10+$0x0] =	vst v9  }
0x5f1: {  	s22 =	simm.s32 $0x80;
	v6 =	vmax.f32 v6, $0.0e+00;
	v4 =	vld [tilespmem:s21+$0x0];
	[tilespmem:s10+$0x280] =	vst v8  }
.LBB2_12:
0x5f2: {  	p1 =	sne.s32 s22, $0x9C0;
	v7 =	vld [tilespmem:s21+$0x280];
	[tilespmem:s10+$0x500] =	vst v6;
	v5 =	vmax.f32 v5, $0.0e+00  }
0x5f3: {  	v6 =	vld [tilespmem:s21+$0x500];
	[tilespmem:s10+$0x780] =	vst v5;
	s10 =	smov.u32 s21  }
0x5f4: {  	v3 =	vmul.f32 v3, v2;
	v5 =	vld [tilespmem:s10+$0x780];
	_ =	sdelay $0x1  }
0x5f5: {  	v2 =	vmul.f32 v4, v3  }
0x5f6: {  	v4 =	vmul.f32 v7, v3  }
.Ltmp5:
0x5f7: {  	s21 =	sshra.s32 s22, $0x2;
	v7 =	vadd.f32 v2, v1;
	v6 =	vmul.f32 v6, v3;
	(pc) =	sbr.rel @p1 .LBB2_12-.Ltmp5, $4  }
0x5f8: {  	v2 =	vld [tilespmem:s21+$0x1A900];
	v4 =	vadd.f32 v4, v1;
	v5 =	vmul.f32 v5, v3  }
0x5f9: {  	v3 =	vld [tilespmem:s21+$0xE680];
	v7 =	vmax.f32 v7, $0.0e+00;
	v6 =	vadd.f32 v6, v1  }
0x5fa: {  	[tilespmem:s10+$0x0] =	vst v7;
	v7 =	vmax.f32 v4, $0.0e+00;
	v5 =	vadd.f32 v5, v1;
	v1 =	vld [tilespmem:s21+$0x3400]  }
0x5fb: {  	s22 =	sadd.s32 $0x40, s22;
	v4 =	vld [tilespmem:s21+$0x0];
	[tilespmem:s10+$0x280] =	vst v7;
	v6 =	vmax.f32 v6, $0.0e+00  }
0x5fc: {  	v7 =	vld [tilespmem:s21+$0x280];
	[tilespmem:s10+$0x500] =	vst v6;
	v5 =	vmax.f32 v5, $0.0e+00  }
0x5fd: {  	v6 =	vld [tilespmem:s21+$0x500];
	[tilespmem:s10+$0x780] =	vst v5  }
0x5fe: {  	v2 =	vmul.f32 v3, v2;
	v3 =	vld [tilespmem:s21+$0x780];
	_ =	sdelay $0x1  }
0x5ff: {  	v4 =	vmul.f32 v4, v2  }
0x600: {  	v62 =	vmul.f32 v7, v2  }
0x601: {  	v4 =	vadd.f32 v4, v1;
	v6 =	vmul.f32 v6, v2  }
0x602: {  	v5 =	vadd.f32 v62, v1;
	v2 =	vmul.f32 v3, v2  }
0x603: {  	v3 =	vmax.f32 v4, $0.0e+00;
	v63 =	vadd.f32 v6, v1  }
0x604: {  	[tilespmem:s21+$0x0] =	vst v3;
	v3 =	vmax.f32 v5, $0.0e+00;
	v1 =	vadd.f32 v2, v1  }
0x605: {  	s11 =	sld [smem:$0x7F9];
	[tilespmem:s21+$0x280] =	vst v3;
	v2 =	vmax.f32 v63, $0.0e+00  }
0x606: {  	[tilespmem:s21+$0x500] =	vst v2;
	v1 =	vmax.f32 v1, $0.0e+00  }
0x607: {  	s10 =	simm.s32 @p0 $0x0;
	[tilespmem:s21+$0x780] =	vst v1;
	s21 =	simm.s32 @p0 $0x6  }
0x608: {  	[hbm4b:s11+s10] =	stream.linear.scatter @p0 [tilespmem:s10], [sflag:$0x6], $0x190, $0x38;
	[tilespmem:$0x1CB80] =	vst v63  }
0x609: {  	_ =	swait.ge @p0 [sflag:s21], $0x190  }
0x60a: {  	s11 =	sld [smem:$0x7FA]  }
0x60b: {  	[sflag:s21] =	ssyncset.done @p0 $0x0  }
0x60c: {  	s22 =	simm.s32 @p0 $0x280;
	[sflag:s21] =	ssyncadd.s32 @p0 $0xFFFFFE70  }
0x60d: {  	[hbm4b:s11+s10] =	stream.linear.scatter @p0 [tilespmem:s22], [sflag:$0x6], $0x190, $0x38;
	[tilespmem:$0x1CB80] =	vst v63  }
0x60e: {  	_ =	swait.ge @p0 [sflag:s21], $0x190  }
0x60f: {  	s11 =	sld [smem:$0x7FB]  }
0x610: {  	[sflag:s21] =	ssyncset.done @p0 $0x0  }
0x611: {  	s22 =	simm.s32 @p0 $0x500;
	[sflag:s21] =	ssyncadd.s32 @p0 $0xFFFFFE70  }
0x612: {  	[hbm4b:s11+s10] =	stream.linear.scatter @p0 [tilespmem:s22], [sflag:$0x6], $0x190, $0x38;
	[tilespmem:$0x1CB80] =	vst v63  }
0x613: {  	_ =	swait.ge @p0 [sflag:s21], $0x190  }
0x614: {  	s11 =	sld [smem:$0x7FC]  }
0x615: {  	[sflag:s21] =	ssyncset.done @p0 $0x0  }
0x616: {  	s22 =	simm.s32 @p0 $0x780;
	[sflag:s21] =	ssyncadd.s32 @p0 $0xFFFFFE70  }
0x617: {  	[hbm4b:s11+s10] =	stream.linear.scatter @p0 [tilespmem:s22], [sflag:$0x6], $0x190, $0x38;
	[tilespmem:$0x1CB80] =	vst v63  }
0x618: {  	_ =	swait.ge @p0 [sflag:s21], $0x190  }
0x619: {  	[sflag:s21] =	ssyncset.done @p0 $0x0  }
0x61a: {  	[sflag:s21] =	ssyncadd.s32 @p0 $0xFFFFFE70;
	s21 =	sld [smem:$0x7EF];
	_ =	sdelay $0x1  }
0x61b: {  	s10 =	simm.s32 @!p0 $0x0  }
0x61c: {  	[hbm4b:s21+s10] =	stream.linear.scatter @!p0 [tilespmem:s10], [sflag:$0x6], $0x280, $0x38;
	[tilespmem:$0x1CB80] =	vst v63  }
0x61d: {  	s21 =	simm.s32 @!p0 $0x6  }
0x61e: {  	_ =	swait.ge @!p0 [sflag:s21], $0x280  }
0x61f: {  	s11 =	sld [smem:$0x7F0]  }
0x620: {  	[sflag:s21] =	ssyncset.done @!p0 $0x0  }
0x621: {  	s22 =	simm.s32 @!p0 $0x280;
	[sflag:s21] =	ssyncadd.s32 @!p0 $0xFFFFFD80  }
0x622: {  	[hbm4b:s11+s10] =	stream.linear.scatter @!p0 [tilespmem:s22], [sflag:$0x6], $0x280, $0x38;
	[tilespmem:$0x1CB80] =	vst v63  }
0x623: {  	_ =	swait.ge @!p0 [sflag:s21], $0x280  }
0x624: {  	s11 =	sld [smem:$0x7F1]  }
0x625: {  	[sflag:s21] =	ssyncset.done @!p0 $0x0  }
0x626: {  	s22 =	simm.s32 @!p0 $0x500;
	[sflag:s21] =	ssyncadd.s32 @!p0 $0xFFFFFD80  }
0x627: {  	[hbm4b:s11+s10] =	stream.linear.scatter @!p0 [tilespmem:s22], [sflag:$0x6], $0x280, $0x38;
	[tilespmem:$0x1CB80] =	vst v63  }
0x628: {  	_ =	swait.ge @!p0 [sflag:s21], $0x280  }
0x629: {  	s11 =	sld [smem:$0x7F2]  }
0x62a: {  	[sflag:s21] =	ssyncset.done @!p0 $0x0  }
0x62b: {  	s22 =	simm.s32 @!p0 $0x780;
	[sflag:s21] =	ssyncadd.s32 @!p0 $0xFFFFFD80  }
0x62c: {  	[hbm4b:s11+s10] =	stream.linear.scatter @!p0 [tilespmem:s22], [sflag:$0x6], $0x280, $0x38;
	[tilespmem:$0x1CB80] =	vst v63  }
0x62d: {  	_ =	swait.ge @!p0 [sflag:s21], $0x280  }
0x62e: {  	s22 =	sld [smem:$0x7FD];
	_ =	sdelay $0x1  }
0x62f: {  	s19 =	sadd.s32 $0x1, s19  }
0x630: {  	p1 =	sne.s32 s19, s22  }
.Ltmp6:
0x631: {  	_ = 	snop;
	(pc) =	sbr.rel @p1 .LBB2_1-.Ltmp6, $3  }
0x632: {  	_ =	sdelay $0x1  }
0x633: {  	[sflag:s21] =	ssyncset.done @!p0 $0x0  }
0x634: {  	s11 =	simm.s32 $0x18900;
	[sflag:s21] =	ssyncadd.s32 @!p0 $0xFFFFFD80  }
0x635: {  	_ =	sfence.sel $0x180000  }
0x636: {  	[bflag:$0x0] =	sbarrier.arrive $0xFFFF  }
0x637: {  	_ =	strace $0x90000047  }
0x638: {  	s0 =	stileid.u32;
	[bflag:$0x2] =	sbarrier.arrive $0xFFFF  }
0x639: {  	p0 =	sne.s32 s0, $0x0;
	s0 =	rddreg [dreg:$0xa]  }
0x63a: {  	s0 =	sadd.s32 @!p0 $0x100000, s0  }
0x63b: {  	[sflag:s0] =	ssyncadd.tile.s32 @!p0 $0x1;
	_ =	shalt  }
.Lfunc_end2:
_tile_overlayer_lowered:
.L_overlay_start_2:
0x63c: {  	(tag) =	ssettag $0x2  }
0x63d: {  	s0 =	rddreg [dreg:$0x0];
	s2 =	stileid.u32  }
0x63e: {  	s1 =	rddreg [dreg:$0x1];
	p0 =	sne.s32 s2, $0x0  }
0x63f: {  	s3 =	rddreg [dreg:$0x2];
	[bflag:$0x3] =	sbarrier.arrive $0xFFFF;
	s2 =	simm.s32 @!p0 $0x1C06  }
0x640: {  	[timem:s3], [sflag:s2] =	dma.local @!p0 [hbm:s0], s1  }
0x641: {  	s0 =	simm.s32 @!p0 $0x6  }
0x642: {  	_ =	swait.ge @!p0 [sflag:s0], s1  }
0x643: {  	s1 =	ssub.s32 @!p0 $0x0, s1;
	[sflag:s0] =	ssyncset.done @!p0 $0x0  }
0x644: {  	[sflag:s0] =	ssyncadd.s32 @!p0 s1  }
0x645: {  	[bflag:$0x3] =	sbarrier.arrive $0xFFFF  }
0x646: {  	_ =	shalt  }

</sc_bundles>
